<compile_context>
chip_gen: v7x
topology: tpu7x:2x2x1
jax: 0.10.2.dev20260603
libtpu: 0.0.44.dev20260713+nightly
codegen_flags: <defaults>
</compile_context>

<pallas_src>
import functools

import jax
import jax.numpy as jnp
from jax import lax
from jax.experimental import pallas as pl
from jax.experimental.pallas import tpu as pltpu
from jax.experimental.pallas import tpu_sc as plsc

N_ATOMS = 100000
EMB = 128
VOCAB = 100
CHUNK = 128
NC = 2
NS = 16
NW = NC * NS
L = 16

_N_CHUNKS = -(-N_ATOMS // CHUNK)
_LAST_BASE = N_ATOMS - CHUNK
_SLOTS = -(-_N_CHUNKS // NW)
_FULL_W = _N_CHUNKS - (_SLOTS - 1) * NW
_DEPTH = 5


@functools.partial(
    pl.kernel,
    mesh=plsc.VectorSubcoreMesh(core_axis_name="c", subcore_axis_name="s"),
    out_type=jax.ShapeDtypeStruct((N_ATOMS, EMB), jnp.float32),
    scratch_types=[
        pltpu.VMEM((_SLOTS, CHUNK), jnp.int32),
        [pltpu.VMEM((CHUNK, EMB), jnp.float32)] * _DEPTH,
        pltpu.VMEM_SHARED((VOCAB, EMB), jnp.float32),
        pltpu.SemaphoreType.DMA,
        [pltpu.SemaphoreType.DMA] * _DEPTH,
        [pltpu.SemaphoreType.DMA] * _DEPTH,
    ],
)
def _emb_kernel(z_hbm, w_hbm, out_hbm, idx_v, rows, w_sh, isem, gsem, ssem):
    wid = lax.axis_index("s") * NC + lax.axis_index("c")

    @pl.when(lax.axis_index("s") == 0)
    def _():
        pltpu.sync_copy(w_hbm, w_sh)

    plsc.subcore_barrier()

    def base_of(k):
        c = jnp.minimum(wid + k * NW, _N_CHUNKS - 1)
        return pl.multiple_of(jnp.minimum(c * CHUNK, _LAST_BASE), 8)

    def when_owned(k, fn):
        if k == _SLOTS - 1:
            pl.when(wid < _FULL_W)(fn)
        else:
            fn()

    def prefetch(k):
        pltpu.async_copy(z_hbm.at[pl.ds(base_of(k), CHUNK)], idx_v.at[k],
                         isem)

    for k in range(_SLOTS):
        when_owned(k, functools.partial(prefetch, k))

    def gather(k):
        b = k % _DEPTH
        pltpu.make_async_copy(z_hbm.at[pl.ds(base_of(k), CHUNK)],
                              idx_v.at[k], isem).wait()
        for j in range(CHUNK // L):
            sl = pl.ds(j * L, L)
            idx_v[k, sl] = idx_v[k, sl] - 1
        pltpu.async_copy(w_sh.at[idx_v.at[k]], rows[b], gsem[b])

    def scatter(k):
        b = k % _DEPTH
        pltpu.make_async_copy(w_sh.at[idx_v.at[k]], rows[b],
                              gsem[b]).wait()
        pltpu.async_copy(rows[b], out_hbm.at[pl.ds(base_of(k), CHUNK)],
                         ssem[b])

    def wait_scatter(k):
        b = k % _DEPTH
        pltpu.make_async_copy(rows[b], out_hbm.at[pl.ds(base_of(k), CHUNK)],
                              ssem[b]).wait()

    for k in range(_SLOTS):
        if k >= _DEPTH:
            wait_scatter(k - _DEPTH)
        when_owned(k, functools.partial(gather, k))
        if k >= 1:
            when_owned(k - 1, functools.partial(scatter, k - 1))
    when_owned(_SLOTS - 1, functools.partial(scatter, _SLOTS - 1))
    for k in range(_SLOTS - _DEPTH, _SLOTS):
        when_owned(k, functools.partial(wait_scatter, k))


def kernel(Z, W):
    return _emb_kernel(Z, W)

# --- scband reference (transcript-rebuilt; emitter-appended) ---
"""Pipeline reference for scband-atom-embedding-62766652064082 (READ-ONLY COPY).

The authoritative reference and input builder live on the scoring server;
editing this copy changes nothing except your own understanding.
"""

import jax, jax.numpy as jnp
import numpy as np

N_ATOMS = 100000
EMB_SIZE = 128
NUM_ELEMENTS = 100

def setup_inputs(seed: int = 0) -> dict:
    key = jax.random.key(seed)
    kz, kw = jax.random.split(key)
    # Atomic numbers Z are 1-indexed (hydrogen = 1); module computes embeddings(Z - 1).
    # randint with low=1 keeps (Z - 1) in [0, NUM_ELEMENTS - 1].
    Z = jax.random.randint(kz, (N_ATOMS,), 1, NUM_ELEMENTS, dtype=jnp.int32)
    # Embedding table initialized uniform(-sqrt(3), sqrt(3)) as in the torch module.
    W = jax.random.uniform(kw, (NUM_ELEMENTS, EMB_SIZE), minval=-np.sqrt(3.0), maxval=np.sqrt(3.0), dtype=jnp.float32)
    return {"Z": Z, "W": W}

def reference(Z, W):
    # h = embeddings(Z - 1)
    h = jnp.take(W, Z - 1, axis=0)
    return h

if __name__ == "__main__":
    import jax
    _d = setup_inputs()
    print(jax.jit(kernel)(*tuple(_d.values())))

</pallas_src>

<mosaic_0001>
#map = affine_map<(d0, d1) -> (0)>
#map1 = affine_map<(d0, d1) -> (0, 0)>
module attributes {stable_mosaic.version = 14 : i64} {
  func.func @_emb_kernel(%arg0: i32, %arg1: i32, %arg2: memref<100000xi32, #tpu.memory_space<hbm>>, %arg3: memref<100x128xf32, #tpu.memory_space<hbm>>, %arg4: memref<100000x128xf32, #tpu.memory_space<hbm>>, %arg5: memref<25x128xi32, #tpu.memory_space<vmem>>, %arg6: memref<128x128xf32, #tpu.memory_space<vmem>>, %arg7: memref<128x128xf32, #tpu.memory_space<vmem>>, %arg8: memref<128x128xf32, #tpu.memory_space<vmem>>, %arg9: memref<128x128xf32, #tpu.memory_space<vmem>>, %arg10: memref<128x128xf32, #tpu.memory_space<vmem>>, %arg11: memref<100x128xf32, #tpu.memory_space<vmem_shared>>, %arg12: memref<!tpu.dma_semaphore, #tpu.memory_space<semaphore_mem>>, %arg13: memref<!tpu.dma_semaphore, #tpu.memory_space<semaphore_mem>>, %arg14: memref<!tpu.dma_semaphore, #tpu.memory_space<semaphore_mem>>, %arg15: memref<!tpu.dma_semaphore, #tpu.memory_space<semaphore_mem>>, %arg16: memref<!tpu.dma_semaphore, #tpu.memory_space<semaphore_mem>>, %arg17: memref<!tpu.dma_semaphore, #tpu.memory_space<semaphore_mem>>, %arg18: memref<!tpu.dma_semaphore, #tpu.memory_space<semaphore_mem>>, %arg19: memref<!tpu.dma_semaphore, #tpu.memory_space<semaphore_mem>>, %arg20: memref<!tpu.dma_semaphore, #tpu.memory_space<semaphore_mem>>, %arg21: memref<!tpu.dma_semaphore, #tpu.memory_space<semaphore_mem>>, %arg22: memref<!tpu.dma_semaphore, #tpu.memory_space<semaphore_mem>>) attributes {dimension_semantics = [#tpu.dimension_semantics<core_parallel>, #tpu.dimension_semantics<subcore_parallel>], iteration_bounds = array<i64: 2, 16>, scalar_prefetch = 0 : i64, scratch_operands = 18 : i64, tpu.core_type = #tpu.core_type<sc_vector_subcore>, window_params = [{transform_indices = #map}, {transform_indices = #map1}, {transform_indices = #map1}]} {
    %mul3A = arith.constant 2 : i32
    %mul3A_0 = arith.muli %arg1, %mul3A : i32
    %add3A = arith.addi %mul3A_0, %arg0 : i32
    %eq3A = arith.constant 0 : i32
    %eq3A_1 = arith.cmpi eq, %arg1, %eq3A : i32
    %convert_element_type3A = arith.extui %eq3A_1 : i1 to i32
    %cond3A = arith.constant 0 : i32
    %cond3A_2 = arith.cmpi ne, %convert_element_type3A, %cond3A : i32
    scf.if %cond3A_2 {
      "tpu.region"() ({
        %run_scoped3A = tpu.sem_alloc : memref<!tpu.dma_semaphore, #tpu.memory_space<semaphore_mem>>
        tpu.enqueue_dma source(%arg3 : memref<100x128xf32, #tpu.memory_space<hbm>>) target(%arg11 : memref<100x128xf32, #tpu.memory_space<vmem_shared>>) target_semaphore(%run_scoped3A : memref<!tpu.dma_semaphore, #tpu.memory_space<semaphore_mem>>)
        tpu.wait_dma2 semaphore(%run_scoped3A : memref<!tpu.dma_semaphore, #tpu.memory_space<semaphore_mem>>) src(%arg3 : memref<100x128xf32, #tpu.memory_space<hbm>>) dst(%arg11 : memref<100x128xf32, #tpu.memory_space<vmem_shared>>)
        tpu.yield
      }) : () -> ()
    } else {
    }
    %barrier3A = arith.constant 0 : index
    tpu.barrier barrier_id(%barrier3A)
    %add3A_3 = arith.constant 0 : i32
    %add3A_4 = arith.addi %add3A, %add3A_3 : i32
    %min3A = arith.constant 781 : i32
    %min3A_5 = arith.minsi %add3A_4, %min3A : i32
    %mul3A_6 = arith.constant 128 : i32
    %mul3A_7 = arith.muli %min3A_5, %mul3A_6 : i32
    %min3A_8 = arith.constant 99872 : i32
    %min3A_9 = arith.minsi %mul3A_7, %min3A_8 : i32
    %multiple_of3A = tpu.assume_multiple %min3A_9, 8 : i32
    %dma_start3A = arith.constant 0 : i32
    %dma_start3A_10 = arith.constant 0 : i32
    %dma_start3A_11 = tpu.memref_slice %arg5[%dma_start3A, %dma_start3A_10] : memref<25x128xi32, #tpu.memory_space<vmem>> -> memref<1x128xi32, #tpu.memory_space<vmem>>
    %dma_start3A_12 = tpu.memref_squeeze %dma_start3A_11 : memref<1x128xi32, #tpu.memory_space<vmem>> -> memref<128xi32, #tpu.memory_space<vmem>>
    %dma_start3A_13 = tpu.memref_slice %arg2[%multiple_of3A] : memref<100000xi32, #tpu.memory_space<hbm>> -> memref<128xi32, #tpu.memory_space<hbm>>
    %dma_start3A_14 = arith.constant 0 : i32
    %dma_start3A_15 = tpu.memref_slice %arg5[%dma_start3A, %dma_start3A_14] : memref<25x128xi32, #tpu.memory_space<vmem>> -> memref<1x128xi32, #tpu.memory_space<vmem>>
    %dma_start3A_16 = tpu.memref_squeeze %dma_start3A_15 : memref<1x128xi32, #tpu.memory_space<vmem>> -> memref<128xi32, #tpu.memory_space<vmem>>
    %dma_start3A_17 = tpu.memref_slice %arg2[%multiple_of3A] : memref<100000xi32, #tpu.memory_space<hbm>> -> memref<128xi32, #tpu.memory_space<hbm>>
    tpu.enqueue_dma source(%dma_start3A_17 : memref<128xi32, #tpu.memory_space<hbm>>) target(%dma_start3A_16 : memref<128xi32, #tpu.memory_space<vmem>>) target_semaphore(%arg12 : memref<!tpu.dma_semaphore, #tpu.memory_space<semaphore_mem>>)
    %add3A_18 = arith.constant 32 : i32
    %add3A_19 = arith.addi %add3A, %add3A_18 : i32
    %min3A_20 = arith.constant 781 : i32
    %min3A_21 = arith.minsi %add3A_19, %min3A_20 : i32
    %mul3A_22 = arith.constant 128 : i32
    %mul3A_23 = arith.muli %min3A_21, %mul3A_22 : i32
    %min3A_24 = arith.constant 99872 : i32
    %min3A_25 = arith.minsi %mul3A_23, %min3A_24 : i32
    %multiple_of3A_26 = tpu.assume_multiple %min3A_25, 8 : i32
    %dma_start3A_27 = arith.constant 1 : i32
    %dma_start3A_28 = arith.constant 0 : i32
    %dma_start3A_29 = tpu.memref_slice %arg5[%dma_start3A_27, %dma_start3A_28] : memref<25x128xi32, #tpu.memory_space<vmem>> -> memref<1x128xi32, #tpu.memory_space<vmem>>
    %dma_start3A_30 = tpu.memref_squeeze %dma_start3A_29 : memref<1x128xi32, #tpu.memory_space<vmem>> -> memref<128xi32, #tpu.memory_space<vmem>>
    %dma_start3A_31 = tpu.memref_slice %arg2[%multiple_of3A_26] : memref<100000xi32, #tpu.memory_space<hbm>> -> memref<128xi32, #tpu.memory_space<hbm>>
    %dma_start3A_32 = arith.constant 0 : i32
    %dma_start3A_33 = tpu.memref_slice %arg5[%dma_start3A_27, %dma_start3A_32] : memref<25x128xi32, #tpu.memory_space<vmem>> -> memref<1x128xi32, #tpu.memory_space<vmem>>
    %dma_start3A_34 = tpu.memref_squeeze %dma_start3A_33 : memref<1x128xi32, #tpu.memory_space<vmem>> -> memref<128xi32, #tpu.memory_space<vmem>>
    %dma_start3A_35 = tpu.memref_slice %arg2[%multiple_of3A_26] : memref<100000xi32, #tpu.memory_space<hbm>> -> memref<128xi32, #tpu.memory_space<hbm>>
    tpu.enqueue_dma source(%dma_start3A_35 : memref<128xi32, #tpu.memory_space<hbm>>) target(%dma_start3A_34 : memref<128xi32, #tpu.memory_space<vmem>>) target_semaphore(%arg12 : memref<!tpu.dma_semaphore, #tpu.memory_space<semaphore_mem>>)
    %add3A_36 = arith.constant 64 : i32
    %add3A_37 = arith.addi %add3A, %add3A_36 : i32
    %min3A_38 = arith.constant 781 : i32
    %min3A_39 = arith.minsi %add3A_37, %min3A_38 : i32
    %mul3A_40 = arith.constant 128 : i32
    %mul3A_41 = arith.muli %min3A_39, %mul3A_40 : i32
    %min3A_42 = arith.constant 99872 : i32
    %min3A_43 = arith.minsi %mul3A_41, %min3A_42 : i32
    %multiple_of3A_44 = tpu.assume_multiple %min3A_43, 8 : i32
    %dma_start3A_45 = arith.constant 2 : i32
    %dma_start3A_46 = arith.constant 0 : i32
    %dma_start3A_47 = tpu.memref_slice %arg5[%dma_start3A_45, %dma_start3A_46] : memref<25x128xi32, #tpu.memory_space<vmem>> -> memref<1x128xi32, #tpu.memory_space<vmem>>
    %dma_start3A_48 = tpu.memref_squeeze %dma_start3A_47 : memref<1x128xi32, #tpu.memory_space<vmem>> -> memref<128xi32, #tpu.memory_space<vmem>>
    %dma_start3A_49 = tpu.memref_slice %arg2[%multiple_of3A_44] : memref<100000xi32, #tpu.memory_space<hbm>> -> memref<128xi32, #tpu.memory_space<hbm>>
    %dma_start3A_50 = arith.constant 0 : i32
    %dma_start3A_51 = tpu.memref_slice %arg5[%dma_start3A_45, %dma_start3A_50] : memref<25x128xi32, #tpu.memory_space<vmem>> -> memref<1x128xi32, #tpu.memory_space<vmem>>
    %dma_start3A_52 = tpu.memref_squeeze %dma_start3A_51 : memref<1x128xi32, #tpu.memory_space<vmem>> -> memref<128xi32, #tpu.memory_space<vmem>>
    %dma_start3A_53 = tpu.memref_slice %arg2[%multiple_of3A_44] : memref<100000xi32, #tpu.memory_space<hbm>> -> memref<128xi32, #tpu.memory_space<hbm>>
    tpu.enqueue_dma source(%dma_start3A_53 : memref<128xi32, #tpu.memory_space<hbm>>) target(%dma_start3A_52 : memref<128xi32, #tpu.memory_space<vmem>>) target_semaphore(%arg12 : memref<!tpu.dma_semaphore, #tpu.memory_space<semaphore_mem>>)
    %add3A_54 = arith.constant 96 : i32
    %add3A_55 = arith.addi %add3A, %add3A_54 : i32
    %min3A_56 = arith.constant 781 : i32
    %min3A_57 = arith.minsi %add3A_55, %min3A_56 : i32
    %mul3A_58 = arith.constant 128 : i32
    %mul3A_59 = arith.muli %min3A_57, %mul3A_58 : i32
    %min3A_60 = arith.constant 99872 : i32
    %min3A_61 = arith.minsi %mul3A_59, %min3A_60 : i32
    %multiple_of3A_62 = tpu.assume_multiple %min3A_61, 8 : i32
    %dma_start3A_63 = arith.constant 3 : i32
    %dma_start3A_64 = arith.constant 0 : i32
    %dma_start3A_65 = tpu.memref_slice %arg5[%dma_start3A_63, %dma_start3A_64] : memref<25x128xi32, #tpu.memory_space<vmem>> -> memref<1x128xi32, #tpu.memory_space<vmem>>
    %dma_start3A_66 = tpu.memref_squeeze %dma_start3A_65 : memref<1x128xi32, #tpu.memory_space<vmem>> -> memref<128xi32, #tpu.memory_space<vmem>>
    %dma_start3A_67 = tpu.memref_slice %arg2[%multiple_of3A_62] : memref<100000xi32, #tpu.memory_space<hbm>> -> memref<128xi32, #tpu.memory_space<hbm>>
    %dma_start3A_68 = arith.constant 0 : i32
    %dma_start3A_69 = tpu.memref_slice %arg5[%dma_start3A_63, %dma_start3A_68] : memref<25x128xi32, #tpu.memory_space<vmem>> -> memref<1x128xi32, #tpu.memory_space<vmem>>
    %dma_start3A_70 = tpu.memref_squeeze %dma_start3A_69 : memref<1x128xi32, #tpu.memory_space<vmem>> -> memref<128xi32, #tpu.memory_space<vmem>>
    %dma_start3A_71 = tpu.memref_slice %arg2[%multiple_of3A_62] : memref<100000xi32, #tpu.memory_space<hbm>> -> memref<128xi32, #tpu.memory_space<hbm>>
    tpu.enqueue_dma source(%dma_start3A_71 : memref<128xi32, #tpu.memory_space<hbm>>) target(%dma_start3A_70 : memref<128xi32, #tpu.memory_space<vmem>>) target_semaphore(%arg12 : memref<!tpu.dma_semaphore, #tpu.memory_space<semaphore_mem>>)
    %add3A_72 = arith.constant 128 : i32
    %add3A_73 = arith.addi %add3A, %add3A_72 : i32
    %min3A_74 = arith.constant 781 : i32
    %min3A_75 = arith.minsi %add3A_73, %min3A_74 : i32
    %mul3A_76 = arith.constant 128 : i32
    %mul3A_77 = arith.muli %min3A_75, %mul3A_76 : i32
    %min3A_78 = arith.constant 99872 : i32
    %min3A_79 = arith.minsi %mul3A_77, %min3A_78 : i32
    %multiple_of3A_80 = tpu.assume_multiple %min3A_79, 8 : i32
    %dma_start3A_81 = arith.constant 4 : i32
    %dma_start3A_82 = arith.constant 0 : i32
    %dma_start3A_83 = tpu.memref_slice %arg5[%dma_start3A_81, %dma_start3A_82] : memref<25x128xi32, #tpu.memory_space<vmem>> -> memref<1x128xi32, #tpu.memory_space<vmem>>
    %dma_start3A_84 = tpu.memref_squeeze %dma_start3A_83 : memref<1x128xi32, #tpu.memory_space<vmem>> -> memref<128xi32, #tpu.memory_space<vmem>>
    %dma_start3A_85 = tpu.memref_slice %arg2[%multiple_of3A_80] : memref<100000xi32, #tpu.memory_space<hbm>> -> memref<128xi32, #tpu.memory_space<hbm>>
    %dma_start3A_86 = arith.constant 0 : i32
    %dma_start3A_87 = tpu.memref_slice %arg5[%dma_start3A_81, %dma_start3A_86] : memref<25x128xi32, #tpu.memory_space<vmem>> -> memref<1x128xi32, #tpu.memory_space<vmem>>
    %dma_start3A_88 = tpu.memref_squeeze %dma_start3A_87 : memref<1x128xi32, #tpu.memory_space<vmem>> -> memref<128xi32, #tpu.memory_space<vmem>>
    %dma_start3A_89 = tpu.memref_slice %arg2[%multiple_of3A_80] : memref<100000xi32, #tpu.memory_space<hbm>> -> memref<128xi32, #tpu.memory_space<hbm>>
    tpu.enqueue_dma source(%dma_start3A_89 : memref<128xi32, #tpu.memory_space<hbm>>) target(%dma_start3A_88 : memref<128xi32, #tpu.memory_space<vmem>>) target_semaphore(%arg12 : memref<!tpu.dma_semaphore, #tpu.memory_space<semaphore_mem>>)
    %add3A_90 = arith.constant 160 : i32
    %add3A_91 = arith.addi %add3A, %add3A_90 : i32
    %min3A_92 = arith.constant 781 : i32
    %min3A_93 = arith.minsi %add3A_91, %min3A_92 : i32
    %mul3A_94 = arith.constant 128 : i32
    %mul3A_95 = arith.muli %min3A_93, %mul3A_94 : i32
    %min3A_96 = arith.constant 99872 : i32
    %min3A_97 = arith.minsi %mul3A_95, %min3A_96 : i32
    %multiple_of3A_98 = tpu.assume_multiple %min3A_97, 8 : i32
    %dma_start3A_99 = arith.constant 5 : i32
    %dma_start3A_100 = arith.constant 0 : i32
    %dma_start3A_101 = tpu.memref_slice %arg5[%dma_start3A_99, %dma_start3A_100] : memref<25x128xi32, #tpu.memory_space<vmem>> -> memref<1x128xi32, #tpu.memory_space<vmem>>
    %dma_start3A_102 = tpu.memref_squeeze %dma_start3A_101 : memref<1x128xi32, #tpu.memory_space<vmem>> -> memref<128xi32, #tpu.memory_space<vmem>>
    %dma_start3A_103 = tpu.memref_slice %arg2[%multiple_of3A_98] : memref<100000xi32, #tpu.memory_space<hbm>> -> memref<128xi32, #tpu.memory_space<hbm>>
    %dma_start3A_104 = arith.constant 0 : i32
    %dma_start3A_105 = tpu.memref_slice %arg5[%dma_start3A_99, %dma_start3A_104] : memref<25x128xi32, #tpu.memory_space<vmem>> -> memref<1x128xi32, #tpu.memory_space<vmem>>
    %dma_start3A_106 = tpu.memref_squeeze %dma_start3A_105 : memref<1x128xi32, #tpu.memory_space<vmem>> -> memref<128xi32, #tpu.memory_space<vmem>>
    %dma_start3A_107 = tpu.memref_slice %arg2[%multiple_of3A_98] : memref<100000xi32, #tpu.memory_space<hbm>> -> memref<128xi32, #tpu.memory_space<hbm>>
    tpu.enqueue_dma source(%dma_start3A_107 : memref<128xi32, #tpu.memory_space<hbm>>) target(%dma_start3A_106 : memref<128xi32, #tpu.memory_space<vmem>>) target_semaphore(%arg12 : memref<!tpu.dma_semaphore, #tpu.memory_space<semaphore_mem>>)
    %add3A_108 = arith.constant 192 : i32
    %add3A_109 = arith.addi %add3A, %add3A_108 : i32
    %min3A_110 = arith.constant 781 : i32
    %min3A_111 = arith.minsi %add3A_109, %min3A_110 : i32
    %mul3A_112 = arith.constant 128 : i32
    %mul3A_113 = arith.muli %min3A_111, %mul3A_112 : i32
    %min3A_114 = arith.constant 99872 : i32
    %min3A_115 = arith.minsi %mul3A_113, %min3A_114 : i32
    %multiple_of3A_116 = tpu.assume_multiple %min3A_115, 8 : i32
    %dma_start3A_117 = arith.constant 6 : i32
    %dma_start3A_118 = arith.constant 0 : i32
    %dma_start3A_119 = tpu.memref_slice %arg5[%dma_start3A_117, %dma_start3A_118] : memref<25x128xi32, #tpu.memory_space<vmem>> -> memref<1x128xi32, #tpu.memory_space<vmem>>
    %dma_start3A_120 = tpu.memref_squeeze %dma_start3A_119 : memref<1x128xi32, #tpu.memory_space<vmem>> -> memref<128xi32, #tpu.memory_space<vmem>>
    %dma_start3A_121 = tpu.memref_slice %arg2[%multiple_of3A_116] : memref<100000xi32, #tpu.memory_space<hbm>> -> memref<128xi32, #tpu.memory_space<hbm>>
    %dma_start3A_122 = arith.constant 0 : i32
    %dma_start3A_123 = tpu.memref_slice %arg5[%dma_start3A_117, %dma_start3A_122] : memref<25x128xi32, #tpu.memory_space<vmem>> -> memref<1x128xi32, #tpu.memory_space<vmem>>
    %dma_start3A_124 = tpu.memref_squeeze %dma_start3A_123 : memref<1x128xi32, #tpu.memory_space<vmem>> -> memref<128xi32, #tpu.memory_space<vmem>>
    %dma_start3A_125 = tpu.memref_slice %arg2[%multiple_of3A_116] : memref<100000xi32, #tpu.memory_space<hbm>> -> memref<128xi32, #tpu.memory_space<hbm>>
    tpu.enqueue_dma source(%dma_start3A_125 : memref<128xi32, #tpu.memory_space<hbm>>) target(%dma_start3A_124 : memref<128xi32, #tpu.memory_space<vmem>>) target_semaphore(%arg12 : memref<!tpu.dma_semaphore, #tpu.memory_space<semaphore_mem>>)
    %add3A_126 = arith.constant 224 : i32
    %add3A_127 = arith.addi %add3A, %add3A_126 : i32
    %min3A_128 = arith.constant 781 : i32
    %min3A_129 = arith.minsi %add3A_127, %min3A_128 : i32
    %mul3A_130 = arith.constant 128 : i32
    %mul3A_131 = arith.muli %min3A_129, %mul3A_130 : i32
    %min3A_132 = arith.constant 99872 : i32
    %min3A_133 = arith.minsi %mul3A_131, %min3A_132 : i32
    %multiple_of3A_134 = tpu.assume_multiple %min3A_133, 8 : i32
    %dma_start3A_135 = arith.constant 7 : i32
    %dma_start3A_136 = arith.constant 0 : i32
    %dma_start3A_137 = tpu.memref_slice %arg5[%dma_start3A_135, %dma_start3A_136] : memref<25x128xi32, #tpu.memory_space<vmem>> -> memref<1x128xi32, #tpu.memory_space<vmem>>
    %dma_start3A_138 = tpu.memref_squeeze %dma_start3A_137 : memref<1x128xi32, #tpu.memory_space<vmem>> -> memref<128xi32, #tpu.memory_space<vmem>>
    %dma_start3A_139 = tpu.memref_slice %arg2[%multiple_of3A_134] : memref<100000xi32, #tpu.memory_space<hbm>> -> memref<128xi32, #tpu.memory_space<hbm>>
    %dma_start3A_140 = arith.constant 0 : i32
    %dma_start3A_141 = tpu.memref_slice %arg5[%dma_start3A_135, %dma_start3A_140] : memref<25x128xi32, #tpu.memory_space<vmem>> -> memref<1x128xi32, #tpu.memory_space<vmem>>
    %dma_start3A_142 = tpu.memref_squeeze %dma_start3A_141 : memref<1x128xi32, #tpu.memory_space<vmem>> -> memref<128xi32, #tpu.memory_space<vmem>>
    %dma_start3A_143 = tpu.memref_slice %arg2[%multiple_of3A_134] : memref<100000xi32, #tpu.memory_space<hbm>> -> memref<128xi32, #tpu.memory_space<hbm>>
    tpu.enqueue_dma source(%dma_start3A_143 : memref<128xi32, #tpu.memory_space<hbm>>) target(%dma_start3A_142 : memref<128xi32, #tpu.memory_space<vmem>>) target_semaphore(%arg12 : memref<!tpu.dma_semaphore, #tpu.memory_space<semaphore_mem>>)
    %add3A_144 = arith.constant 256 : i32
    %add3A_145 = arith.addi %add3A, %add3A_144 : i32
    %min3A_146 = arith.constant 781 : i32
    %min3A_147 = arith.minsi %add3A_145, %min3A_146 : i32
    %mul3A_148 = arith.constant 128 : i32
    %mul3A_149 = arith.muli %min3A_147, %mul3A_148 : i32
    %min3A_150 = arith.constant 99872 : i32
    %min3A_151 = arith.minsi %mul3A_149, %min3A_150 : i32
    %multiple_of3A_152 = tpu.assume_multiple %min3A_151, 8 : i32
    %dma_start3A_153 = arith.constant 8 : i32
    %dma_start3A_154 = arith.constant 0 : i32
    %dma_start3A_155 = tpu.memref_slice %arg5[%dma_start3A_153, %dma_start3A_154] : memref<25x128xi32, #tpu.memory_space<vmem>> -> memref<1x128xi32, #tpu.memory_space<vmem>>
    %dma_start3A_156 = tpu.memref_squeeze %dma_start3A_155 : memref<1x128xi32, #tpu.memory_space<vmem>> -> memref<128xi32, #tpu.memory_space<vmem>>
    %dma_start3A_157 = tpu.memref_slice %arg2[%multiple_of3A_152] : memref<100000xi32, #tpu.memory_space<hbm>> -> memref<128xi32, #tpu.memory_space<hbm>>
    %dma_start3A_158 = arith.constant 0 : i32
    %dma_start3A_159 = tpu.memref_slice %arg5[%dma_start3A_153, %dma_start3A_158] : memref<25x128xi32, #tpu.memory_space<vmem>> -> memref<1x128xi32, #tpu.memory_space<vmem>>
    %dma_start3A_160 = tpu.memref_squeeze %dma_start3A_159 : memref<1x128xi32, #tpu.memory_space<vmem>> -> memref<128xi32, #tpu.memory_space<vmem>>
    %dma_start3A_161 = tpu.memref_slice %arg2[%multiple_of3A_152] : memref<100000xi32, #tpu.memory_space<hbm>> -> memref<128xi32, #tpu.memory_space<hbm>>
    tpu.enqueue_dma source(%dma_start3A_161 : memref<128xi32, #tpu.memory_space<hbm>>) target(%dma_start3A_160 : memref<128xi32, #tpu.memory_space<vmem>>) target_semaphore(%arg12 : memref<!tpu.dma_semaphore, #tpu.memory_space<semaphore_mem>>)
    %add3A_162 = arith.constant 288 : i32
    %add3A_163 = arith.addi %add3A, %add3A_162 : i32
    %min3A_164 = arith.constant 781 : i32
    %min3A_165 = arith.minsi %add3A_163, %min3A_164 : i32
    %mul3A_166 = arith.constant 128 : i32
    %mul3A_167 = arith.muli %min3A_165, %mul3A_166 : i32
    %min3A_168 = arith.constant 99872 : i32
    %min3A_169 = arith.minsi %mul3A_167, %min3A_168 : i32
    %multiple_of3A_170 = tpu.assume_multiple %min3A_169, 8 : i32
    %dma_start3A_171 = arith.constant 9 : i32
    %dma_start3A_172 = arith.constant 0 : i32
    %dma_start3A_173 = tpu.memref_slice %arg5[%dma_start3A_171, %dma_start3A_172] : memref<25x128xi32, #tpu.memory_space<vmem>> -> memref<1x128xi32, #tpu.memory_space<vmem>>
    %dma_start3A_174 = tpu.memref_squeeze %dma_start3A_173 : memref<1x128xi32, #tpu.memory_space<vmem>> -> memref<128xi32, #tpu.memory_space<vmem>>
    %dma_start3A_175 = tpu.memref_slice %arg2[%multiple_of3A_170] : memref<100000xi32, #tpu.memory_space<hbm>> -> memref<128xi32, #tpu.memory_space<hbm>>
    %dma_start3A_176 = arith.constant 0 : i32
    %dma_start3A_177 = tpu.memref_slice %arg5[%dma_start3A_171, %dma_start3A_176] : memref<25x128xi32, #tpu.memory_space<vmem>> -> memref<1x128xi32, #tpu.memory_space<vmem>>
    %dma_start3A_178 = tpu.memref_squeeze %dma_start3A_177 : memref<1x128xi32, #tpu.memory_space<vmem>> -> memref<128xi32, #tpu.memory_space<vmem>>
    %dma_start3A_179 = tpu.memref_slice %arg2[%multiple_of3A_170] : memref<100000xi32, #tpu.memory_space<hbm>> -> memref<128xi32, #tpu.memory_space<hbm>>
    tpu.enqueue_dma source(%dma_start3A_179 : memref<128xi32, #tpu.memory_space<hbm>>) target(%dma_start3A_178 : memref<128xi32, #tpu.memory_space<vmem>>) target_semaphore(%arg12 : memref<!tpu.dma_semaphore, #tpu.memory_space<semaphore_mem>>)
    %add3A_180 = arith.constant 320 : i32
    %add3A_181 = arith.addi %add3A, %add3A_180 : i32
    %min3A_182 = arith.constant 781 : i32
    %min3A_183 = arith.minsi %add3A_181, %min3A_182 : i32
    %mul3A_184 = arith.constant 128 : i32
    %mul3A_185 = arith.muli %min3A_183, %mul3A_184 : i32
    %min3A_186 = arith.constant 99872 : i32
    %min3A_187 = arith.minsi %mul3A_185, %min3A_186 : i32
    %multiple_of3A_188 = tpu.assume_multiple %min3A_187, 8 : i32
    %dma_start3A_189 = arith.constant 10 : i32
    %dma_start3A_190 = arith.constant 0 : i32
    %dma_start3A_191 = tpu.memref_slice %arg5[%dma_start3A_189, %dma_start3A_190] : memref<25x128xi32, #tpu.memory_space<vmem>> -> memref<1x128xi32, #tpu.memory_space<vmem>>
    %dma_start3A_192 = tpu.memref_squeeze %dma_start3A_191 : memref<1x128xi32, #tpu.memory_space<vmem>> -> memref<128xi32, #tpu.memory_space<vmem>>
    %dma_start3A_193 = tpu.memref_slice %arg2[%multiple_of3A_188] : memref<100000xi32, #tpu.memory_space<hbm>> -> memref<128xi32, #tpu.memory_space<hbm>>
    %dma_start3A_194 = arith.constant 0 : i32
    %dma_start3A_195 = tpu.memref_slice %arg5[%dma_start3A_189, %dma_start3A_194] : memref<25x128xi32, #tpu.memory_space<vmem>> -> memref<1x128xi32, #tpu.memory_space<vmem>>
    %dma_start3A_196 = tpu.memref_squeeze %dma_start3A_195 : memref<1x128xi32, #tpu.memory_space<vmem>> -> memref<128xi32, #tpu.memory_space<vmem>>
    %dma_start3A_197 = tpu.memref_slice %arg2[%multiple_of3A_188] : memref<100000xi32, #tpu.memory_space<hbm>> -> memref<128xi32, #tpu.memory_space<hbm>>
    tpu.enqueue_dma source(%dma_start3A_197 : memref<128xi32, #tpu.memory_space<hbm>>) target(%dma_start3A_196 : memref<128xi32, #tpu.memory_space<vmem>>) target_semaphore(%arg12 : memref<!tpu.dma_semaphore, #tpu.memory_space<semaphore_mem>>)
    %add3A_198 = arith.constant 352 : i32
    %add3A_199 = arith.addi %add3A, %add3A_198 : i32
    %min3A_200 = arith.constant 781 : i32
    %min3A_201 = arith.minsi %add3A_199, %min3A_200 : i32
    %mul3A_202 = arith.constant 128 : i32
    %mul3A_203 = arith.muli %min3A_201, %mul3A_202 : i32
    %min3A_204 = arith.constant 99872 : i32
    %min3A_205 = arith.minsi %mul3A_203, %min3A_204 : i32
    %multiple_of3A_206 = tpu.assume_multiple %min3A_205, 8 : i32
    %dma_start3A_207 = arith.constant 11 : i32
    %dma_start3A_208 = arith.constant 0 : i32
    %dma_start3A_209 = tpu.memref_slice %arg5[%dma_start3A_207, %dma_start3A_208] : memref<25x128xi32, #tpu.memory_space<vmem>> -> memref<1x128xi32, #tpu.memory_space<vmem>>
    %dma_start3A_210 = tpu.memref_squeeze %dma_start3A_209 : memref<1x128xi32, #tpu.memory_space<vmem>> -> memref<128xi32, #tpu.memory_space<vmem>>
    %dma_start3A_211 = tpu.memref_slice %arg2[%multiple_of3A_206] : memref<100000xi32, #tpu.memory_space<hbm>> -> memref<128xi32, #tpu.memory_space<hbm>>
    %dma_start3A_212 = arith.constant 0 : i32
    %dma_start3A_213 = tpu.memref_slice %arg5[%dma_start3A_207, %dma_start3A_212] : memref<25x128xi32, #tpu.memory_space<vmem>> -> memref<1x128xi32, #tpu.memory_space<vmem>>
    %dma_start3A_214 = tpu.memref_squeeze %dma_start3A_213 : memref<1x128xi32, #tpu.memory_space<vmem>> -> memref<128xi32, #tpu.memory_space<vmem>>
    %dma_start3A_215 = tpu.memref_slice %arg2[%multiple_of3A_206] : memref<100000xi32, #tpu.memory_space<hbm>> -> memref<128xi32, #tpu.memory_space<hbm>>
    tpu.enqueue_dma source(%dma_start3A_215 : memref<128xi32, #tpu.memory_space<hbm>>) target(%dma_start3A_214 : memref<128xi32, #tpu.memory_space<vmem>>) target_semaphore(%arg12 : memref<!tpu.dma_semaphore, #tpu.memory_space<semaphore_mem>>)
    %add3A_216 = arith.constant 384 : i32
    %add3A_217 = arith.addi %add3A, %add3A_216 : i32
    %min3A_218 = arith.constant 781 : i32
    %min3A_219 = arith.minsi %add3A_217, %min3A_218 : i32
    %mul3A_220 = arith.constant 128 : i32
    %mul3A_221 = arith.muli %min3A_219, %mul3A_220 : i32
    %min3A_222 = arith.constant 99872 : i32
    %min3A_223 = arith.minsi %mul3A_221, %min3A_222 : i32
    %multiple_of3A_224 = tpu.assume_multiple %min3A_223, 8 : i32
    %dma_start3A_225 = arith.constant 12 : i32
    %dma_start3A_226 = arith.constant 0 : i32
    %dma_start3A_227 = tpu.memref_slice %arg5[%dma_start3A_225, %dma_start3A_226] : memref<25x128xi32, #tpu.memory_space<vmem>> -> memref<1x128xi32, #tpu.memory_space<vmem>>
    %dma_start3A_228 = tpu.memref_squeeze %dma_start3A_227 : memref<1x128xi32, #tpu.memory_space<vmem>> -> memref<128xi32, #tpu.memory_space<vmem>>
    %dma_start3A_229 = tpu.memref_slice %arg2[%multiple_of3A_224] : memref<100000xi32, #tpu.memory_space<hbm>> -> memref<128xi32, #tpu.memory_space<hbm>>
    %dma_start3A_230 = arith.constant 0 : i32
    %dma_start3A_231 = tpu.memref_slice %arg5[%dma_start3A_225, %dma_start3A_230] : memref<25x128xi32, #tpu.memory_space<vmem>> -> memref<1x128xi32, #tpu.memory_space<vmem>>
    %dma_start3A_232 = tpu.memref_squeeze %dma_start3A_231 : memref<1x128xi32, #tpu.memory_space<vmem>> -> memref<128xi32, #tpu.memory_space<vmem>>
    %dma_start3A_233 = tpu.memref_slice %arg2[%multiple_of3A_224] : memref<100000xi32, #tpu.memory_space<hbm>> -> memref<128xi32, #tpu.memory_space<hbm>>
    tpu.enqueue_dma source(%dma_start3A_233 : memref<128xi32, #tpu.memory_space<hbm>>) target(%dma_start3A_232 : memref<128xi32, #tpu.memory_space<vmem>>) target_semaphore(%arg12 : memref<!tpu.dma_semaphore, #tpu.memory_space<semaphore_mem>>)
    %add3A_234 = arith.constant 416 : i32
    %add3A_235 = arith.addi %add3A, %add3A_234 : i32
    %min3A_236 = arith.constant 781 : i32
    %min3A_237 = arith.minsi %add3A_235, %min3A_236 : i32
    %mul3A_238 = arith.constant 128 : i32
    %mul3A_239 = arith.muli %min3A_237, %mul3A_238 : i32
    %min3A_240 = arith.constant 99872 : i32
    %min3A_241 = arith.minsi %mul3A_239, %min3A_240 : i32
    %multiple_of3A_242 = tpu.assume_multiple %min3A_241, 8 : i32
    %dma_start3A_243 = arith.constant 13 : i32
    %dma_start3A_244 = arith.constant 0 : i32
    %dma_start3A_245 = tpu.memref_slice %arg5[%dma_start3A_243, %dma_start3A_244] : memref<25x128xi32, #tpu.memory_space<vmem>> -> memref<1x128xi32, #tpu.memory_space<vmem>>
    %dma_start3A_246 = tpu.memref_squeeze %dma_start3A_245 : memref<1x128xi32, #tpu.memory_space<vmem>> -> memref<128xi32, #tpu.memory_space<vmem>>
    %dma_start3A_247 = tpu.memref_slice %arg2[%multiple_of3A_242] : memref<100000xi32, #tpu.memory_space<hbm>> -> memref<128xi32, #tpu.memory_space<hbm>>
    %dma_start3A_248 = arith.constant 0 : i32
    %dma_start3A_249 = tpu.memref_slice %arg5[%dma_start3A_243, %dma_start3A_248] : memref<25x128xi32, #tpu.memory_space<vmem>> -> memref<1x128xi32, #tpu.memory_space<vmem>>
    %dma_start3A_250 = tpu.memref_squeeze %dma_start3A_249 : memref<1x128xi32, #tpu.memory_space<vmem>> -> memref<128xi32, #tpu.memory_space<vmem>>
    %dma_start3A_251 = tpu.memref_slice %arg2[%multiple_of3A_242] : memref<100000xi32, #tpu.memory_space<hbm>> -> memref<128xi32, #tpu.memory_space<hbm>>
    tpu.enqueue_dma source(%dma_start3A_251 : memref<128xi32, #tpu.memory_space<hbm>>) target(%dma_start3A_250 : memref<128xi32, #tpu.memory_space<vmem>>) target_semaphore(%arg12 : memref<!tpu.dma_semaphore, #tpu.memory_space<semaphore_mem>>)
    %add3A_252 = arith.constant 448 : i32
    %add3A_253 = arith.addi %add3A, %add3A_252 : i32
    %min3A_254 = arith.constant 781 : i32
    %min3A_255 = arith.minsi %add3A_253, %min3A_254 : i32
    %mul3A_256 = arith.constant 128 : i32
    %mul3A_257 = arith.muli %min3A_255, %mul3A_256 : i32
    %min3A_258 = arith.constant 99872 : i32
    %min3A_259 = arith.minsi %mul3A_257, %min3A_258 : i32
    %multiple_of3A_260 = tpu.assume_multiple %min3A_259, 8 : i32
    %dma_start3A_261 = arith.constant 14 : i32
    %dma_start3A_262 = arith.constant 0 : i32
    %dma_start3A_263 = tpu.memref_slice %arg5[%dma_start3A_261, %dma_start3A_262] : memref<25x128xi32, #tpu.memory_space<vmem>> -> memref<1x128xi32, #tpu.memory_space<vmem>>
    %dma_start3A_264 = tpu.memref_squeeze %dma_start3A_263 : memref<1x128xi32, #tpu.memory_space<vmem>> -> memref<128xi32, #tpu.memory_space<vmem>>
    %dma_start3A_265 = tpu.memref_slice %arg2[%multiple_of3A_260] : memref<100000xi32, #tpu.memory_space<hbm>> -> memref<128xi32, #tpu.memory_space<hbm>>
    %dma_start3A_266 = arith.constant 0 : i32
    %dma_start3A_267 = tpu.memref_slice %arg5[%dma_start3A_261, %dma_start3A_266] : memref<25x128xi32, #tpu.memory_space<vmem>> -> memref<1x128xi32, #tpu.memory_space<vmem>>
    %dma_start3A_268 = tpu.memref_squeeze %dma_start3A_267 : memref<1x128xi32, #tpu.memory_space<vmem>> -> memref<128xi32, #tpu.memory_space<vmem>>
    %dma_start3A_269 = tpu.memref_slice %arg2[%multiple_of3A_260] : memref<100000xi32, #tpu.memory_space<hbm>> -> memref<128xi32, #tpu.memory_space<hbm>>
    tpu.enqueue_dma source(%dma_start3A_269 : memref<128xi32, #tpu.memory_space<hbm>>) target(%dma_start3A_268 : memref<128xi32, #tpu.memory_space<vmem>>) target_semaphore(%arg12 : memref<!tpu.dma_semaphore, #tpu.memory_space<semaphore_mem>>)
    %add3A_270 = arith.constant 480 : i32
    %add3A_271 = arith.addi %add3A, %add3A_270 : i32
    %min3A_272 = arith.constant 781 : i32
    %min3A_273 = arith.minsi %add3A_271, %min3A_272 : i32
    %mul3A_274 = arith.constant 128 : i32
    %mul3A_275 = arith.muli %min3A_273, %mul3A_274 : i32
    %min3A_276 = arith.constant 99872 : i32
    %min3A_277 = arith.minsi %mul3A_275, %min3A_276 : i32
    %multiple_of3A_278 = tpu.assume_multiple %min3A_277, 8 : i32
    %dma_start3A_279 = arith.constant 15 : i32
    %dma_start3A_280 = arith.constant 0 : i32
    %dma_start3A_281 = tpu.memref_slice %arg5[%dma_start3A_279, %dma_start3A_280] : memref<25x128xi32, #tpu.memory_space<vmem>> -> memref<1x128xi32, #tpu.memory_space<vmem>>
    %dma_start3A_282 = tpu.memref_squeeze %dma_start3A_281 : memref<1x128xi32, #tpu.memory_space<vmem>> -> memref<128xi32, #tpu.memory_space<vmem>>
    %dma_start3A_283 = tpu.memref_slice %arg2[%multiple_of3A_278] : memref<100000xi32, #tpu.memory_space<hbm>> -> memref<128xi32, #tpu.memory_space<hbm>>
    %dma_start3A_284 = arith.constant 0 : i32
    %dma_start3A_285 = tpu.memref_slice %arg5[%dma_start3A_279, %dma_start3A_284] : memref<25x128xi32, #tpu.memory_space<vmem>> -> memref<1x128xi32, #tpu.memory_space<vmem>>
    %dma_start3A_286 = tpu.memref_squeeze %dma_start3A_285 : memref<1x128xi32, #tpu.memory_space<vmem>> -> memref<128xi32, #tpu.memory_space<vmem>>
    %dma_start3A_287 = tpu.memref_slice %arg2[%multiple_of3A_278] : memref<100000xi32, #tpu.memory_space<hbm>> -> memref<128xi32, #tpu.memory_space<hbm>>
    tpu.enqueue_dma source(%dma_start3A_287 : memref<128xi32, #tpu.memory_space<hbm>>) target(%dma_start3A_286 : memref<128xi32, #tpu.memory_space<vmem>>) target_semaphore(%arg12 : memref<!tpu.dma_semaphore, #tpu.memory_space<semaphore_mem>>)
    %add3A_288 = arith.constant 512 : i32
    %add3A_289 = arith.addi %add3A, %add3A_288 : i32
    %min3A_290 = arith.constant 781 : i32
    %min3A_291 = arith.minsi %add3A_289, %min3A_290 : i32
    %mul3A_292 = arith.constant 128 : i32
    %mul3A_293 = arith.muli %min3A_291, %mul3A_292 : i32
    %min3A_294 = arith.constant 99872 : i32
    %min3A_295 = arith.minsi %mul3A_293, %min3A_294 : i32
    %multiple_of3A_296 = tpu.assume_multiple %min3A_295, 8 : i32
    %dma_start3A_297 = arith.constant 16 : i32
    %dma_start3A_298 = arith.constant 0 : i32
    %dma_start3A_299 = tpu.memref_slice %arg5[%dma_start3A_297, %dma_start3A_298] : memref<25x128xi32, #tpu.memory_space<vmem>> -> memref<1x128xi32, #tpu.memory_space<vmem>>
    %dma_start3A_300 = tpu.memref_squeeze %dma_start3A_299 : memref<1x128xi32, #tpu.memory_space<vmem>> -> memref<128xi32, #tpu.memory_space<vmem>>
    %dma_start3A_301 = tpu.memref_slice %arg2[%multiple_of3A_296] : memref<100000xi32, #tpu.memory_space<hbm>> -> memref<128xi32, #tpu.memory_space<hbm>>
    %dma_start3A_302 = arith.constant 0 : i32
    %dma_start3A_303 = tpu.memref_slice %arg5[%dma_start3A_297, %dma_start3A_302] : memref<25x128xi32, #tpu.memory_space<vmem>> -> memref<1x128xi32, #tpu.memory_space<vmem>>
    %dma_start3A_304 = tpu.memref_squeeze %dma_start3A_303 : memref<1x128xi32, #tpu.memory_space<vmem>> -> memref<128xi32, #tpu.memory_space<vmem>>
    %dma_start3A_305 = tpu.memref_slice %arg2[%multiple_of3A_296] : memref<100000xi32, #tpu.memory_space<hbm>> -> memref<128xi32, #tpu.memory_space<hbm>>
    tpu.enqueue_dma source(%dma_start3A_305 : memref<128xi32, #tpu.memory_space<hbm>>) target(%dma_start3A_304 : memref<128xi32, #tpu.memory_space<vmem>>) target_semaphore(%arg12 : memref<!tpu.dma_semaphore, #tpu.memory_space<semaphore_mem>>)
    %add3A_306 = arith.constant 544 : i32
    %add3A_307 = arith.addi %add3A, %add3A_306 : i32
    %min3A_308 = arith.constant 781 : i32
    %min3A_309 = arith.minsi %add3A_307, %min3A_308 : i32
    %mul3A_310 = arith.constant 128 : i32
    %mul3A_311 = arith.muli %min3A_309, %mul3A_310 : i32
    %min3A_312 = arith.constant 99872 : i32
    %min3A_313 = arith.minsi %mul3A_311, %min3A_312 : i32
    %multiple_of3A_314 = tpu.assume_multiple %min3A_313, 8 : i32
    %dma_start3A_315 = arith.constant 17 : i32
    %dma_start3A_316 = arith.constant 0 : i32
    %dma_start3A_317 = tpu.memref_slice %arg5[%dma_start3A_315, %dma_start3A_316] : memref<25x128xi32, #tpu.memory_space<vmem>> -> memref<1x128xi32, #tpu.memory_space<vmem>>
    %dma_start3A_318 = tpu.memref_squeeze %dma_start3A_317 : memref<1x128xi32, #tpu.memory_space<vmem>> -> memref<128xi32, #tpu.memory_space<vmem>>
    %dma_start3A_319 = tpu.memref_slice %arg2[%multiple_of3A_314] : memref<100000xi32, #tpu.memory_space<hbm>> -> memref<128xi32, #tpu.memory_space<hbm>>
    %dma_start3A_320 = arith.constant 0 : i32
    %dma_start3A_321 = tpu.memref_slice %arg5[%dma_start3A_315, %dma_start3A_320] : memref<25x128xi32, #tpu.memory_space<vmem>> -> memref<1x128xi32, #tpu.memory_space<vmem>>
    %dma_start3A_322 = tpu.memref_squeeze %dma_start3A_321 : memref<1x128xi32, #tpu.memory_space<vmem>> -> memref<128xi32, #tpu.memory_space<vmem>>
    %dma_start3A_323 = tpu.memref_slice %arg2[%multiple_of3A_314] : memref<100000xi32, #tpu.memory_space<hbm>> -> memref<128xi32, #tpu.memory_space<hbm>>
    tpu.enqueue_dma source(%dma_start3A_323 : memref<128xi32, #tpu.memory_space<hbm>>) target(%dma_start3A_322 : memref<128xi32, #tpu.memory_space<vmem>>) target_semaphore(%arg12 : memref<!tpu.dma_semaphore, #tpu.memory_space<semaphore_mem>>)
    %add3A_324 = arith.constant 576 : i32
    %add3A_325 = arith.addi %add3A, %add3A_324 : i32
    %min3A_326 = arith.constant 781 : i32
    %min3A_327 = arith.minsi %add3A_325, %min3A_326 : i32
    %mul3A_328 = arith.constant 128 : i32
    %mul3A_329 = arith.muli %min3A_327, %mul3A_328 : i32
    %min3A_330 = arith.constant 99872 : i32
    %min3A_331 = arith.minsi %mul3A_329, %min3A_330 : i32
    %multiple_of3A_332 = tpu.assume_multiple %min3A_331, 8 : i32
    %dma_start3A_333 = arith.constant 18 : i32
    %dma_start3A_334 = arith.constant 0 : i32
    %dma_start3A_335 = tpu.memref_slice %arg5[%dma_start3A_333, %dma_start3A_334] : memref<25x128xi32, #tpu.memory_space<vmem>> -> memref<1x128xi32, #tpu.memory_space<vmem>>
    %dma_start3A_336 = tpu.memref_squeeze %dma_start3A_335 : memref<1x128xi32, #tpu.memory_space<vmem>> -> memref<128xi32, #tpu.memory_space<vmem>>
    %dma_start3A_337 = tpu.memref_slice %arg2[%multiple_of3A_332] : memref<100000xi32, #tpu.memory_space<hbm>> -> memref<128xi32, #tpu.memory_space<hbm>>
    %dma_start3A_338 = arith.constant 0 : i32
    %dma_start3A_339 = tpu.memref_slice %arg5[%dma_start3A_333, %dma_start3A_338] : memref<25x128xi32, #tpu.memory_space<vmem>> -> memref<1x128xi32, #tpu.memory_space<vmem>>
    %dma_start3A_340 = tpu.memref_squeeze %dma_start3A_339 : memref<1x128xi32, #tpu.memory_space<vmem>> -> memref<128xi32, #tpu.memory_space<vmem>>
    %dma_start3A_341 = tpu.memref_slice %arg2[%multiple_of3A_332] : memref<100000xi32, #tpu.memory_space<hbm>> -> memref<128xi32, #tpu.memory_space<hbm>>
    tpu.enqueue_dma source(%dma_start3A_341 : memref<128xi32, #tpu.memory_space<hbm>>) target(%dma_start3A_340 : memref<128xi32, #tpu.memory_space<vmem>>) target_semaphore(%arg12 : memref<!tpu.dma_semaphore, #tpu.memory_space<semaphore_mem>>)
    %add3A_342 = arith.constant 608 : i32
    %add3A_343 = arith.addi %add3A, %add3A_342 : i32
    %min3A_344 = arith.constant 781 : i32
    %min3A_345 = arith.minsi %add3A_343, %min3A_344 : i32
    %mul3A_346 = arith.constant 128 : i32
    %mul3A_347 = arith.muli %min3A_345, %mul3A_346 : i32
    %min3A_348 = arith.constant 99872 : i32
    %min3A_349 = arith.minsi %mul3A_347, %min3A_348 : i32
    %multiple_of3A_350 = tpu.assume_multiple %min3A_349, 8 : i32
    %dma_start3A_351 = arith.constant 19 : i32
    %dma_start3A_352 = arith.constant 0 : i32
    %dma_start3A_353 = tpu.memref_slice %arg5[%dma_start3A_351, %dma_start3A_352] : memref<25x128xi32, #tpu.memory_space<vmem>> -> memref<1x128xi32, #tpu.memory_space<vmem>>
    %dma_start3A_354 = tpu.memref_squeeze %dma_start3A_353 : memref<1x128xi32, #tpu.memory_space<vmem>> -> memref<128xi32, #tpu.memory_space<vmem>>
    %dma_start3A_355 = tpu.memref_slice %arg2[%multiple_of3A_350] : memref<100000xi32, #tpu.memory_space<hbm>> -> memref<128xi32, #tpu.memory_space<hbm>>
    %dma_start3A_356 = arith.constant 0 : i32
    %dma_start3A_357 = tpu.memref_slice %arg5[%dma_start3A_351, %dma_start3A_356] : memref<25x128xi32, #tpu.memory_space<vmem>> -> memref<1x128xi32, #tpu.memory_space<vmem>>
    %dma_start3A_358 = tpu.memref_squeeze %dma_start3A_357 : memref<1x128xi32, #tpu.memory_space<vmem>> -> memref<128xi32, #tpu.memory_space<vmem>>
    %dma_start3A_359 = tpu.memref_slice %arg2[%multiple_of3A_350] : memref<100000xi32, #tpu.memory_space<hbm>> -> memref<128xi32, #tpu.memory_space<hbm>>
    tpu.enqueue_dma source(%dma_start3A_359 : memref<128xi32, #tpu.memory_space<hbm>>) target(%dma_start3A_358 : memref<128xi32, #tpu.memory_space<vmem>>) target_semaphore(%arg12 : memref<!tpu.dma_semaphore, #tpu.memory_space<semaphore_mem>>)
    %add3A_360 = arith.constant 640 : i32
    %add3A_361 = arith.addi %add3A, %add3A_360 : i32
    %min3A_362 = arith.constant 781 : i32
    %min3A_363 = arith.minsi %add3A_361, %min3A_362 : i32
    %mul3A_364 = arith.constant 128 : i32
    %mul3A_365 = arith.muli %min3A_363, %mul3A_364 : i32
    %min3A_366 = arith.constant 99872 : i32
    %min3A_367 = arith.minsi %mul3A_365, %min3A_366 : i32
    %multiple_of3A_368 = tpu.assume_multiple %min3A_367, 8 : i32
    %dma_start3A_369 = arith.constant 20 : i32
    %dma_start3A_370 = arith.constant 0 : i32
    %dma_start3A_371 = tpu.memref_slice %arg5[%dma_start3A_369, %dma_start3A_370] : memref<25x128xi32, #tpu.memory_space<vmem>> -> memref<1x128xi32, #tpu.memory_space<vmem>>
    %dma_start3A_372 = tpu.memref_squeeze %dma_start3A_371 : memref<1x128xi32, #tpu.memory_space<vmem>> -> memref<128xi32, #tpu.memory_space<vmem>>
    %dma_start3A_373 = tpu.memref_slice %arg2[%multiple_of3A_368] : memref<100000xi32, #tpu.memory_space<hbm>> -> memref<128xi32, #tpu.memory_space<hbm>>
    %dma_start3A_374 = arith.constant 0 : i32
    %dma_start3A_375 = tpu.memref_slice %arg5[%dma_start3A_369, %dma_start3A_374] : memref<25x128xi32, #tpu.memory_space<vmem>> -> memref<1x128xi32, #tpu.memory_space<vmem>>
    %dma_start3A_376 = tpu.memref_squeeze %dma_start3A_375 : memref<1x128xi32, #tpu.memory_space<vmem>> -> memref<128xi32, #tpu.memory_space<vmem>>
    %dma_start3A_377 = tpu.memref_slice %arg2[%multiple_of3A_368] : memref<100000xi32, #tpu.memory_space<hbm>> -> memref<128xi32, #tpu.memory_space<hbm>>
    tpu.enqueue_dma source(%dma_start3A_377 : memref<128xi32, #tpu.memory_space<hbm>>) target(%dma_start3A_376 : memref<128xi32, #tpu.memory_space<vmem>>) target_semaphore(%arg12 : memref<!tpu.dma_semaphore, #tpu.memory_space<semaphore_mem>>)
    %add3A_378 = arith.constant 672 : i32
    %add3A_379 = arith.addi %add3A, %add3A_378 : i32
    %min3A_380 = arith.constant 781 : i32
    %min3A_381 = arith.minsi %add3A_379, %min3A_380 : i32
    %mul3A_382 = arith.constant 128 : i32
    %mul3A_383 = arith.muli %min3A_381, %mul3A_382 : i32
    %min3A_384 = arith.constant 99872 : i32
    %min3A_385 = arith.minsi %mul3A_383, %min3A_384 : i32
    %multiple_of3A_386 = tpu.assume_multiple %min3A_385, 8 : i32
    %dma_start3A_387 = arith.constant 21 : i32
    %dma_start3A_388 = arith.constant 0 : i32
    %dma_start3A_389 = tpu.memref_slice %arg5[%dma_start3A_387, %dma_start3A_388] : memref<25x128xi32, #tpu.memory_space<vmem>> -> memref<1x128xi32, #tpu.memory_space<vmem>>
    %dma_start3A_390 = tpu.memref_squeeze %dma_start3A_389 : memref<1x128xi32, #tpu.memory_space<vmem>> -> memref<128xi32, #tpu.memory_space<vmem>>
    %dma_start3A_391 = tpu.memref_slice %arg2[%multiple_of3A_386] : memref<100000xi32, #tpu.memory_space<hbm>> -> memref<128xi32, #tpu.memory_space<hbm>>
    %dma_start3A_392 = arith.constant 0 : i32
    %dma_start3A_393 = tpu.memref_slice %arg5[%dma_start3A_387, %dma_start3A_392] : memref<25x128xi32, #tpu.memory_space<vmem>> -> memref<1x128xi32, #tpu.memory_space<vmem>>
    %dma_start3A_394 = tpu.memref_squeeze %dma_start3A_393 : memref<1x128xi32, #tpu.memory_space<vmem>> -> memref<128xi32, #tpu.memory_space<vmem>>
    %dma_start3A_395 = tpu.memref_slice %arg2[%multiple_of3A_386] : memref<100000xi32, #tpu.memory_space<hbm>> -> memref<128xi32, #tpu.memory_space<hbm>>
    tpu.enqueue_dma source(%dma_start3A_395 : memref<128xi32, #tpu.memory_space<hbm>>) target(%dma_start3A_394 : memref<128xi32, #tpu.memory_space<vmem>>) target_semaphore(%arg12 : memref<!tpu.dma_semaphore, #tpu.memory_space<semaphore_mem>>)
    %add3A_396 = arith.constant 704 : i32
    %add3A_397 = arith.addi %add3A, %add3A_396 : i32
    %min3A_398 = arith.constant 781 : i32
    %min3A_399 = arith.minsi %add3A_397, %min3A_398 : i32
    %mul3A_400 = arith.constant 128 : i32
    %mul3A_401 = arith.muli %min3A_399, %mul3A_400 : i32
    %min3A_402 = arith.constant 99872 : i32
    %min3A_403 = arith.minsi %mul3A_401, %min3A_402 : i32
    %multiple_of3A_404 = tpu.assume_multiple %min3A_403, 8 : i32
    %dma_start3A_405 = arith.constant 22 : i32
    %dma_start3A_406 = arith.constant 0 : i32
    %dma_start3A_407 = tpu.memref_slice %arg5[%dma_start3A_405, %dma_start3A_406] : memref<25x128xi32, #tpu.memory_space<vmem>> -> memref<1x128xi32, #tpu.memory_space<vmem>>
    %dma_start3A_408 = tpu.memref_squeeze %dma_start3A_407 : memref<1x128xi32, #tpu.memory_space<vmem>> -> memref<128xi32, #tpu.memory_space<vmem>>
    %dma_start3A_409 = tpu.memref_slice %arg2[%multiple_of3A_404] : memref<100000xi32, #tpu.memory_space<hbm>> -> memref<128xi32, #tpu.memory_space<hbm>>
    %dma_start3A_410 = arith.constant 0 : i32
    %dma_start3A_411 = tpu.memref_slice %arg5[%dma_start3A_405, %dma_start3A_410] : memref<25x128xi32, #tpu.memory_space<vmem>> -> memref<1x128xi32, #tpu.memory_space<vmem>>
    %dma_start3A_412 = tpu.memref_squeeze %dma_start3A_411 : memref<1x128xi32, #tpu.memory_space<vmem>> -> memref<128xi32, #tpu.memory_space<vmem>>
    %dma_start3A_413 = tpu.memref_slice %arg2[%multiple_of3A_404] : memref<100000xi32, #tpu.memory_space<hbm>> -> memref<128xi32, #tpu.memory_space<hbm>>
    tpu.enqueue_dma source(%dma_start3A_413 : memref<128xi32, #tpu.memory_space<hbm>>) target(%dma_start3A_412 : memref<128xi32, #tpu.memory_space<vmem>>) target_semaphore(%arg12 : memref<!tpu.dma_semaphore, #tpu.memory_space<semaphore_mem>>)
    %add3A_414 = arith.constant 736 : i32
    %add3A_415 = arith.addi %add3A, %add3A_414 : i32
    %min3A_416 = arith.constant 781 : i32
    %min3A_417 = arith.minsi %add3A_415, %min3A_416 : i32
    %mul3A_418 = arith.constant 128 : i32
    %mul3A_419 = arith.muli %min3A_417, %mul3A_418 : i32
    %min3A_420 = arith.constant 99872 : i32
    %min3A_421 = arith.minsi %mul3A_419, %min3A_420 : i32
    %multiple_of3A_422 = tpu.assume_multiple %min3A_421, 8 : i32
    %dma_start3A_423 = arith.constant 23 : i32
    %dma_start3A_424 = arith.constant 0 : i32
    %dma_start3A_425 = tpu.memref_slice %arg5[%dma_start3A_423, %dma_start3A_424] : memref<25x128xi32, #tpu.memory_space<vmem>> -> memref<1x128xi32, #tpu.memory_space<vmem>>
    %dma_start3A_426 = tpu.memref_squeeze %dma_start3A_425 : memref<1x128xi32, #tpu.memory_space<vmem>> -> memref<128xi32, #tpu.memory_space<vmem>>
    %dma_start3A_427 = tpu.memref_slice %arg2[%multiple_of3A_422] : memref<100000xi32, #tpu.memory_space<hbm>> -> memref<128xi32, #tpu.memory_space<hbm>>
    %dma_start3A_428 = arith.constant 0 : i32
    %dma_start3A_429 = tpu.memref_slice %arg5[%dma_start3A_423, %dma_start3A_428] : memref<25x128xi32, #tpu.memory_space<vmem>> -> memref<1x128xi32, #tpu.memory_space<vmem>>
    %dma_start3A_430 = tpu.memref_squeeze %dma_start3A_429 : memref<1x128xi32, #tpu.memory_space<vmem>> -> memref<128xi32, #tpu.memory_space<vmem>>
    %dma_start3A_431 = tpu.memref_slice %arg2[%multiple_of3A_422] : memref<100000xi32, #tpu.memory_space<hbm>> -> memref<128xi32, #tpu.memory_space<hbm>>
    tpu.enqueue_dma source(%dma_start3A_431 : memref<128xi32, #tpu.memory_space<hbm>>) target(%dma_start3A_430 : memref<128xi32, #tpu.memory_space<vmem>>) target_semaphore(%arg12 : memref<!tpu.dma_semaphore, #tpu.memory_space<semaphore_mem>>)
    %lt3A = arith.constant 14 : i32
    %lt3A_432 = arith.cmpi slt, %add3A, %lt3A : i32
    %convert_element_type3A_433 = arith.extui %lt3A_432 : i1 to i32
    %cond3A_434 = arith.constant 0 : i32
    %cond3A_435 = arith.cmpi ne, %convert_element_type3A_433, %cond3A_434 : i32
    scf.if %cond3A_435 {
      %add3A_4527 = arith.constant 768 : i32
      %add3A_4528 = arith.addi %add3A, %add3A_4527 : i32
      %min3A_4529 = arith.constant 781 : i32
      %min3A_4530 = arith.minsi %add3A_4528, %min3A_4529 : i32
      %mul3A_4531 = arith.constant 128 : i32
      %mul3A_4532 = arith.muli %min3A_4530, %mul3A_4531 : i32
      %min3A_4533 = arith.constant 99872 : i32
      %min3A_4534 = arith.minsi %mul3A_4532, %min3A_4533 : i32
      %multiple_of3A_4535 = tpu.assume_multiple %min3A_4534, 8 : i32
      %dma_start3A_4536 = arith.constant 24 : i32
      %dma_start3A_4537 = arith.constant 0 : i32
      %dma_start3A_4538 = tpu.memref_slice %arg5[%dma_start3A_4536, %dma_start3A_4537] : memref<25x128xi32, #tpu.memory_space<vmem>> -> memref<1x128xi32, #tpu.memory_space<vmem>>
      %dma_start3A_4539 = tpu.memref_squeeze %dma_start3A_4538 : memref<1x128xi32, #tpu.memory_space<vmem>> -> memref<128xi32, #tpu.memory_space<vmem>>
      %dma_start3A_4540 = tpu.memref_slice %arg2[%multiple_of3A_4535] : memref<100000xi32, #tpu.memory_space<hbm>> -> memref<128xi32, #tpu.memory_space<hbm>>
      %dma_start3A_4541 = arith.constant 0 : i32
      %dma_start3A_4542 = tpu.memref_slice %arg5[%dma_start3A_4536, %dma_start3A_4541] : memref<25x128xi32, #tpu.memory_space<vmem>> -> memref<1x128xi32, #tpu.memory_space<vmem>>
      %dma_start3A_4543 = tpu.memref_squeeze %dma_start3A_4542 : memref<1x128xi32, #tpu.memory_space<vmem>> -> memref<128xi32, #tpu.memory_space<vmem>>
      %dma_start3A_4544 = tpu.memref_slice %arg2[%multiple_of3A_4535] : memref<100000xi32, #tpu.memory_space<hbm>> -> memref<128xi32, #tpu.memory_space<hbm>>
      tpu.enqueue_dma source(%dma_start3A_4544 : memref<128xi32, #tpu.memory_space<hbm>>) target(%dma_start3A_4543 : memref<128xi32, #tpu.memory_space<vmem>>) target_semaphore(%arg12 : memref<!tpu.dma_semaphore, #tpu.memory_space<semaphore_mem>>)
    } else {
    }
    %add3A_436 = arith.constant 0 : i32
    %add3A_437 = arith.addi %add3A, %add3A_436 : i32
    %min3A_438 = arith.constant 781 : i32
    %min3A_439 = arith.minsi %add3A_437, %min3A_438 : i32
    %mul3A_440 = arith.constant 128 : i32
    %mul3A_441 = arith.muli %min3A_439, %mul3A_440 : i32
    %min3A_442 = arith.constant 99872 : i32
    %min3A_443 = arith.minsi %mul3A_441, %min3A_442 : i32
    %multiple_of3A_444 = tpu.assume_multiple %min3A_443, 8 : i32
    %dma_wait3A = arith.constant 0 : i32
    %dma_wait3A_445 = arith.constant 0 : i32
    %dma_wait3A_446 = tpu.memref_slice %arg5[%dma_wait3A, %dma_wait3A_445] : memref<25x128xi32, #tpu.memory_space<vmem>> -> memref<1x128xi32, #tpu.memory_space<vmem>>
    %dma_wait3A_447 = tpu.memref_squeeze %dma_wait3A_446 : memref<1x128xi32, #tpu.memory_space<vmem>> -> memref<128xi32, #tpu.memory_space<vmem>>
    %dma_wait3A_448 = tpu.memref_slice %arg2[%multiple_of3A_444] : memref<100000xi32, #tpu.memory_space<hbm>> -> memref<128xi32, #tpu.memory_space<hbm>>
    %dma_wait3A_449 = arith.constant 0 : i32
    %dma_wait3A_450 = tpu.memref_slice %arg5[%dma_wait3A, %dma_wait3A_449] : memref<25x128xi32, #tpu.memory_space<vmem>> -> memref<1x128xi32, #tpu.memory_space<vmem>>
    %dma_wait3A_451 = tpu.memref_squeeze %dma_wait3A_450 : memref<1x128xi32, #tpu.memory_space<vmem>> -> memref<128xi32, #tpu.memory_space<vmem>>
    %dma_wait3A_452 = tpu.memref_slice %arg2[%multiple_of3A_444] : memref<100000xi32, #tpu.memory_space<hbm>> -> memref<128xi32, #tpu.memory_space<hbm>>
    tpu.wait_dma2 semaphore(%arg12 : memref<!tpu.dma_semaphore, #tpu.memory_space<semaphore_mem>>) src(%dma_wait3A_452 : memref<128xi32, #tpu.memory_space<hbm>>) dst(%dma_wait3A_451 : memref<128xi32, #tpu.memory_space<vmem>>)
    %get3A = arith.constant 0 : i32
    %get3A_453 = arith.index_cast %get3A : i32 to index
    %get3A_454 = arith.constant 0 : index
    %get3A_455 = tpu.vector_load %arg5[%get3A_453, %get3A_454] {strides = array<i32>} : memref<25x128xi32, #tpu.memory_space<vmem>>, vector<1x16xi32>,
    %get3A_456 = vector.shape_cast %get3A_455 : vector<1x16xi32> to vector<16xi32>
    %sub3A = arith.constant 1 : i32
    %sub3A_457 = vector.broadcast %sub3A : i32 to vector<16xi32>
    %sub3A_458 = arith.subi %get3A_456, %sub3A_457 : vector<16xi32>
    %swap3A = arith.constant 0 : i32
    %swap3A_459 = arith.index_cast %swap3A : i32 to index
    %swap3A_460 = arith.constant 0 : index
    %swap3A_461 = tpu.vector_load %arg5[%swap3A_459, %swap3A_460] {strides = array<i32>} : memref<25x128xi32, #tpu.memory_space<vmem>>, vector<1x16xi32>,
    %swap3A_462 = vector.shape_cast %swap3A_461 : vector<1x16xi32> to vector<16xi32>
    %swap3A_463 = vector.shape_cast %sub3A_458 : vector<16xi32> to vector<1x16xi32>
    tpu.vector_store %arg5[%swap3A_459, %swap3A_460], %swap3A_463 {strides = array<i32>} : memref<25x128xi32, #tpu.memory_space<vmem>>, vector<1x16xi32>,
    %get3A_464 = arith.constant 0 : i32
    %get3A_465 = arith.index_cast %get3A_464 : i32 to index
    %get3A_466 = arith.constant 16 : index
    %get3A_467 = tpu.vector_load %arg5[%get3A_465, %get3A_466] {strides = array<i32>} : memref<25x128xi32, #tpu.memory_space<vmem>>, vector<1x16xi32>,
    %get3A_468 = vector.shape_cast %get3A_467 : vector<1x16xi32> to vector<16xi32>
    %sub3A_469 = arith.constant 1 : i32
    %sub3A_470 = vector.broadcast %sub3A_469 : i32 to vector<16xi32>
    %sub3A_471 = arith.subi %get3A_468, %sub3A_470 : vector<16xi32>
    %swap3A_472 = arith.constant 0 : i32
    %swap3A_473 = arith.index_cast %swap3A_472 : i32 to index
    %swap3A_474 = arith.constant 16 : index
    %swap3A_475 = tpu.vector_load %arg5[%swap3A_473, %swap3A_474] {strides = array<i32>} : memref<25x128xi32, #tpu.memory_space<vmem>>, vector<1x16xi32>,
    %swap3A_476 = vector.shape_cast %swap3A_475 : vector<1x16xi32> to vector<16xi32>
    %swap3A_477 = vector.shape_cast %sub3A_471 : vector<16xi32> to vector<1x16xi32>
    tpu.vector_store %arg5[%swap3A_473, %swap3A_474], %swap3A_477 {strides = array<i32>} : memref<25x128xi32, #tpu.memory_space<vmem>>, vector<1x16xi32>,
    %get3A_478 = arith.constant 0 : i32
    %get3A_479 = arith.index_cast %get3A_478 : i32 to index
    %get3A_480 = arith.constant 32 : index
    %get3A_481 = tpu.vector_load %arg5[%get3A_479, %get3A_480] {strides = array<i32>} : memref<25x128xi32, #tpu.memory_space<vmem>>, vector<1x16xi32>,
    %get3A_482 = vector.shape_cast %get3A_481 : vector<1x16xi32> to vector<16xi32>
    %sub3A_483 = arith.constant 1 : i32
    %sub3A_484 = vector.broadcast %sub3A_483 : i32 to vector<16xi32>
    %sub3A_485 = arith.subi %get3A_482, %sub3A_484 : vector<16xi32>
    %swap3A_486 = arith.constant 0 : i32
    %swap3A_487 = arith.index_cast %swap3A_486 : i32 to index
    %swap3A_488 = arith.constant 32 : index
    %swap3A_489 = tpu.vector_load %arg5[%swap3A_487, %swap3A_488] {strides = array<i32>} : memref<25x128xi32, #tpu.memory_space<vmem>>, vector<1x16xi32>,
    %swap3A_490 = vector.shape_cast %swap3A_489 : vector<1x16xi32> to vector<16xi32>
    %swap3A_491 = vector.shape_cast %sub3A_485 : vector<16xi32> to vector<1x16xi32>
    tpu.vector_store %arg5[%swap3A_487, %swap3A_488], %swap3A_491 {strides = array<i32>} : memref<25x128xi32, #tpu.memory_space<vmem>>, vector<1x16xi32>,
    %get3A_492 = arith.constant 0 : i32
    %get3A_493 = arith.index_cast %get3A_492 : i32 to index
    %get3A_494 = arith.constant 48 : index
    %get3A_495 = tpu.vector_load %arg5[%get3A_493, %get3A_494] {strides = array<i32>} : memref<25x128xi32, #tpu.memory_space<vmem>>, vector<1x16xi32>,
    %get3A_496 = vector.shape_cast %get3A_495 : vector<1x16xi32> to vector<16xi32>
    %sub3A_497 = arith.constant 1 : i32
    %sub3A_498 = vector.broadcast %sub3A_497 : i32 to vector<16xi32>
    %sub3A_499 = arith.subi %get3A_496, %sub3A_498 : vector<16xi32>
    %swap3A_500 = arith.constant 0 : i32
    %swap3A_501 = arith.index_cast %swap3A_500 : i32 to index
    %swap3A_502 = arith.constant 48 : index
    %swap3A_503 = tpu.vector_load %arg5[%swap3A_501, %swap3A_502] {strides = array<i32>} : memref<25x128xi32, #tpu.memory_space<vmem>>, vector<1x16xi32>,
    %swap3A_504 = vector.shape_cast %swap3A_503 : vector<1x16xi32> to vector<16xi32>
    %swap3A_505 = vector.shape_cast %sub3A_499 : vector<16xi32> to vector<1x16xi32>
    tpu.vector_store %arg5[%swap3A_501, %swap3A_502], %swap3A_505 {strides = array<i32>} : memref<25x128xi32, #tpu.memory_space<vmem>>, vector<1x16xi32>,
    %get3A_506 = arith.constant 0 : i32
    %get3A_507 = arith.index_cast %get3A_506 : i32 to index
    %get3A_508 = arith.constant 64 : index
    %get3A_509 = tpu.vector_load %arg5[%get3A_507, %get3A_508] {strides = array<i32>} : memref<25x128xi32, #tpu.memory_space<vmem>>, vector<1x16xi32>,
    %get3A_510 = vector.shape_cast %get3A_509 : vector<1x16xi32> to vector<16xi32>
    %sub3A_511 = arith.constant 1 : i32
    %sub3A_512 = vector.broadcast %sub3A_511 : i32 to vector<16xi32>
    %sub3A_513 = arith.subi %get3A_510, %sub3A_512 : vector<16xi32>
    %swap3A_514 = arith.constant 0 : i32
    %swap3A_515 = arith.index_cast %swap3A_514 : i32 to index
    %swap3A_516 = arith.constant 64 : index
    %swap3A_517 = tpu.vector_load %arg5[%swap3A_515, %swap3A_516] {strides = array<i32>} : memref<25x128xi32, #tpu.memory_space<vmem>>, vector<1x16xi32>,
    %swap3A_518 = vector.shape_cast %swap3A_517 : vector<1x16xi32> to vector<16xi32>
    %swap3A_519 = vector.shape_cast %sub3A_513 : vector<16xi32> to vector<1x16xi32>
    tpu.vector_store %arg5[%swap3A_515, %swap3A_516], %swap3A_519 {strides = array<i32>} : memref<25x128xi32, #tpu.memory_space<vmem>>, vector<1x16xi32>,
    %get3A_520 = arith.constant 0 : i32
    %get3A_521 = arith.index_cast %get3A_520 : i32 to index
    %get3A_522 = arith.constant 80 : index
    %get3A_523 = tpu.vector_load %arg5[%get3A_521, %get3A_522] {strides = array<i32>} : memref<25x128xi32, #tpu.memory_space<vmem>>, vector<1x16xi32>,
    %get3A_524 = vector.shape_cast %get3A_523 : vector<1x16xi32> to vector<16xi32>
    %sub3A_525 = arith.constant 1 : i32
    %sub3A_526 = vector.broadcast %sub3A_525 : i32 to vector<16xi32>
    %sub3A_527 = arith.subi %get3A_524, %sub3A_526 : vector<16xi32>
    %swap3A_528 = arith.constant 0 : i32
    %swap3A_529 = arith.index_cast %swap3A_528 : i32 to index
    %swap3A_530 = arith.constant 80 : index
    %swap3A_531 = tpu.vector_load %arg5[%swap3A_529, %swap3A_530] {strides = array<i32>} : memref<25x128xi32, #tpu.memory_space<vmem>>, vector<1x16xi32>,
    %swap3A_532 = vector.shape_cast %swap3A_531 : vector<1x16xi32> to vector<16xi32>
    %swap3A_533 = vector.shape_cast %sub3A_527 : vector<16xi32> to vector<1x16xi32>
    tpu.vector_store %arg5[%swap3A_529, %swap3A_530], %swap3A_533 {strides = array<i32>} : memref<25x128xi32, #tpu.memory_space<vmem>>, vector<1x16xi32>,
    %get3A_534 = arith.constant 0 : i32
    %get3A_535 = arith.index_cast %get3A_534 : i32 to index
    %get3A_536 = arith.constant 96 : index
    %get3A_537 = tpu.vector_load %arg5[%get3A_535, %get3A_536] {strides = array<i32>} : memref<25x128xi32, #tpu.memory_space<vmem>>, vector<1x16xi32>,
    %get3A_538 = vector.shape_cast %get3A_537 : vector<1x16xi32> to vector<16xi32>
    %sub3A_539 = arith.constant 1 : i32
    %sub3A_540 = vector.broadcast %sub3A_539 : i32 to vector<16xi32>
    %sub3A_541 = arith.subi %get3A_538, %sub3A_540 : vector<16xi32>
    %swap3A_542 = arith.constant 0 : i32
    %swap3A_543 = arith.index_cast %swap3A_542 : i32 to index
    %swap3A_544 = arith.constant 96 : index
    %swap3A_545 = tpu.vector_load %arg5[%swap3A_543, %swap3A_544] {strides = array<i32>} : memref<25x128xi32, #tpu.memory_space<vmem>>, vector<1x16xi32>,
    %swap3A_546 = vector.shape_cast %swap3A_545 : vector<1x16xi32> to vector<16xi32>
    %swap3A_547 = vector.shape_cast %sub3A_541 : vector<16xi32> to vector<1x16xi32>
    tpu.vector_store %arg5[%swap3A_543, %swap3A_544], %swap3A_547 {strides = array<i32>} : memref<25x128xi32, #tpu.memory_space<vmem>>, vector<1x16xi32>,
    %get3A_548 = arith.constant 0 : i32
    %get3A_549 = arith.index_cast %get3A_548 : i32 to index
    %get3A_550 = arith.constant 112 : index
    %get3A_551 = tpu.vector_load %arg5[%get3A_549, %get3A_550] {strides = array<i32>} : memref<25x128xi32, #tpu.memory_space<vmem>>, vector<1x16xi32>,
    %get3A_552 = vector.shape_cast %get3A_551 : vector<1x16xi32> to vector<16xi32>
    %sub3A_553 = arith.constant 1 : i32
    %sub3A_554 = vector.broadcast %sub3A_553 : i32 to vector<16xi32>
    %sub3A_555 = arith.subi %get3A_552, %sub3A_554 : vector<16xi32>
    %swap3A_556 = arith.constant 0 : i32
    %swap3A_557 = arith.index_cast %swap3A_556 : i32 to index
    %swap3A_558 = arith.constant 112 : index
    %swap3A_559 = tpu.vector_load %arg5[%swap3A_557, %swap3A_558] {strides = array<i32>} : memref<25x128xi32, #tpu.memory_space<vmem>>, vector<1x16xi32>,
    %swap3A_560 = vector.shape_cast %swap3A_559 : vector<1x16xi32> to vector<16xi32>
    %swap3A_561 = vector.shape_cast %sub3A_555 : vector<16xi32> to vector<1x16xi32>
    tpu.vector_store %arg5[%swap3A_557, %swap3A_558], %swap3A_561 {strides = array<i32>} : memref<25x128xi32, #tpu.memory_space<vmem>>, vector<1x16xi32>,
    %dma_start3A_562 = arith.constant 0 : i32
    %dma_start3A_563 = arith.constant 0 : i32
    %dma_start3A_564 = tpu.memref_slice %arg5[%dma_start3A_562, %dma_start3A_563] : memref<25x128xi32, #tpu.memory_space<vmem>> -> memref<1x128xi32, #tpu.memory_space<vmem>>
    %dma_start3A_565 = tpu.memref_squeeze %dma_start3A_564 : memref<1x128xi32, #tpu.memory_space<vmem>> -> memref<128xi32, #tpu.memory_space<vmem>>
    %dma_start3A_566 = arith.constant 0 : i32
    %dma_start3A_567 = arith.constant 0 : i32
    %dma_start3A_568 = tpu.memref_slice %arg11[%dma_start3A_566, %dma_start3A_567] : memref<100x128xf32, #tpu.memory_space<vmem_shared>> -> memref<100x128xf32, #tpu.memory_space<vmem_shared>>
    tpu.enqueue_indirect_dma source(%dma_start3A_568 : memref<100x128xf32, #tpu.memory_space<vmem_shared>>) target(%arg6 : memref<128x128xf32, #tpu.memory_space<vmem>>) offsets(%dma_start3A_565 : memref<128xi32, #tpu.memory_space<vmem>>) semaphore(%arg13 : memref<!tpu.dma_semaphore, #tpu.memory_space<semaphore_mem>>)
    %add3A_569 = arith.constant 32 : i32
    %add3A_570 = arith.addi %add3A, %add3A_569 : i32
    %min3A_571 = arith.constant 781 : i32
    %min3A_572 = arith.minsi %add3A_570, %min3A_571 : i32
    %mul3A_573 = arith.constant 128 : i32
    %mul3A_574 = arith.muli %min3A_572, %mul3A_573 : i32
    %min3A_575 = arith.constant 99872 : i32
    %min3A_576 = arith.minsi %mul3A_574, %min3A_575 : i32
    %multiple_of3A_577 = tpu.assume_multiple %min3A_576, 8 : i32
    %dma_wait3A_578 = arith.constant 1 : i32
    %dma_wait3A_579 = arith.constant 0 : i32
    %dma_wait3A_580 = tpu.memref_slice %arg5[%dma_wait3A_578, %dma_wait3A_579] : memref<25x128xi32, #tpu.memory_space<vmem>> -> memref<1x128xi32, #tpu.memory_space<vmem>>
    %dma_wait3A_581 = tpu.memref_squeeze %dma_wait3A_580 : memref<1x128xi32, #tpu.memory_space<vmem>> -> memref<128xi32, #tpu.memory_space<vmem>>
    %dma_wait3A_582 = tpu.memref_slice %arg2[%multiple_of3A_577] : memref<100000xi32, #tpu.memory_space<hbm>> -> memref<128xi32, #tpu.memory_space<hbm>>
    %dma_wait3A_583 = arith.constant 0 : i32
    %dma_wait3A_584 = tpu.memref_slice %arg5[%dma_wait3A_578, %dma_wait3A_583] : memref<25x128xi32, #tpu.memory_space<vmem>> -> memref<1x128xi32, #tpu.memory_space<vmem>>
    %dma_wait3A_585 = tpu.memref_squeeze %dma_wait3A_584 : memref<1x128xi32, #tpu.memory_space<vmem>> -> memref<128xi32, #tpu.memory_space<vmem>>
    %dma_wait3A_586 = tpu.memref_slice %arg2[%multiple_of3A_577] : memref<100000xi32, #tpu.memory_space<hbm>> -> memref<128xi32, #tpu.memory_space<hbm>>
    tpu.wait_dma2 semaphore(%arg12 : memref<!tpu.dma_semaphore, #tpu.memory_space<semaphore_mem>>) src(%dma_wait3A_586 : memref<128xi32, #tpu.memory_space<hbm>>) dst(%dma_wait3A_585 : memref<128xi32, #tpu.memory_space<vmem>>)
    %get3A_587 = arith.constant 1 : i32
    %get3A_588 = arith.index_cast %get3A_587 : i32 to index
    %get3A_589 = arith.constant 0 : index
    %get3A_590 = tpu.vector_load %arg5[%get3A_588, %get3A_589] {strides = array<i32>} : memref<25x128xi32, #tpu.memory_space<vmem>>, vector<1x16xi32>,
    %get3A_591 = vector.shape_cast %get3A_590 : vector<1x16xi32> to vector<16xi32>
    %sub3A_592 = arith.constant 1 : i32
    %sub3A_593 = vector.broadcast %sub3A_592 : i32 to vector<16xi32>
    %sub3A_594 = arith.subi %get3A_591, %sub3A_593 : vector<16xi32>
    %swap3A_595 = arith.constant 1 : i32
    %swap3A_596 = arith.index_cast %swap3A_595 : i32 to index
    %swap3A_597 = arith.constant 0 : index
    %swap3A_598 = tpu.vector_load %arg5[%swap3A_596, %swap3A_597] {strides = array<i32>} : memref<25x128xi32, #tpu.memory_space<vmem>>, vector<1x16xi32>,
    %swap3A_599 = vector.shape_cast %swap3A_598 : vector<1x16xi32> to vector<16xi32>
    %swap3A_600 = vector.shape_cast %sub3A_594 : vector<16xi32> to vector<1x16xi32>
    tpu.vector_store %arg5[%swap3A_596, %swap3A_597], %swap3A_600 {strides = array<i32>} : memref<25x128xi32, #tpu.memory_space<vmem>>, vector<1x16xi32>,
    %get3A_601 = arith.constant 1 : i32
    %get3A_602 = arith.index_cast %get3A_601 : i32 to index
    %get3A_603 = arith.constant 16 : index
    %get3A_604 = tpu.vector_load %arg5[%get3A_602, %get3A_603] {strides = array<i32>} : memref<25x128xi32, #tpu.memory_space<vmem>>, vector<1x16xi32>,
    %get3A_605 = vector.shape_cast %get3A_604 : vector<1x16xi32> to vector<16xi32>
    %sub3A_606 = arith.constant 1 : i32
    %sub3A_607 = vector.broadcast %sub3A_606 : i32 to vector<16xi32>
    %sub3A_608 = arith.subi %get3A_605, %sub3A_607 : vector<16xi32>
    %swap3A_609 = arith.constant 1 : i32
    %swap3A_610 = arith.index_cast %swap3A_609 : i32 to index
    %swap3A_611 = arith.constant 16 : index
    %swap3A_612 = tpu.vector_load %arg5[%swap3A_610, %swap3A_611] {strides = array<i32>} : memref<25x128xi32, #tpu.memory_space<vmem>>, vector<1x16xi32>,
    %swap3A_613 = vector.shape_cast %swap3A_612 : vector<1x16xi32> to vector<16xi32>
    %swap3A_614 = vector.shape_cast %sub3A_608 : vector<16xi32> to vector<1x16xi32>
    tpu.vector_store %arg5[%swap3A_610, %swap3A_611], %swap3A_614 {strides = array<i32>} : memref<25x128xi32, #tpu.memory_space<vmem>>, vector<1x16xi32>,
    %get3A_615 = arith.constant 1 : i32
    %get3A_616 = arith.index_cast %get3A_615 : i32 to index
    %get3A_617 = arith.constant 32 : index
    %get3A_618 = tpu.vector_load %arg5[%get3A_616, %get3A_617] {strides = array<i32>} : memref<25x128xi32, #tpu.memory_space<vmem>>, vector<1x16xi32>,
    %get3A_619 = vector.shape_cast %get3A_618 : vector<1x16xi32> to vector<16xi32>
    %sub3A_620 = arith.constant 1 : i32
    %sub3A_621 = vector.broadcast %sub3A_620 : i32 to vector<16xi32>
    %sub3A_622 = arith.subi %get3A_619, %sub3A_621 : vector<16xi32>
    %swap3A_623 = arith.constant 1 : i32
    %swap3A_624 = arith.index_cast %swap3A_623 : i32 to index
    %swap3A_625 = arith.constant 32 : index
    %swap3A_626 = tpu.vector_load %arg5[%swap3A_624, %swap3A_625] {strides = array<i32>} : memref<25x128xi32, #tpu.memory_space<vmem>>, vector<1x16xi32>,
    %swap3A_627 = vector.shape_cast %swap3A_626 : vector<1x16xi32> to vector<16xi32>
    %swap3A_628 = vector.shape_cast %sub3A_622 : vector<16xi32> to vector<1x16xi32>
    tpu.vector_store %arg5[%swap3A_624, %swap3A_625], %swap3A_628 {strides = array<i32>} : memref<25x128xi32, #tpu.memory_space<vmem>>, vector<1x16xi32>,
    %get3A_629 = arith.constant 1 : i32
    %get3A_630 = arith.index_cast %get3A_629 : i32 to index
    %get3A_631 = arith.constant 48 : index
    %get3A_632 = tpu.vector_load %arg5[%get3A_630, %get3A_631] {strides = array<i32>} : memref<25x128xi32, #tpu.memory_space<vmem>>, vector<1x16xi32>,
    %get3A_633 = vector.shape_cast %get3A_632 : vector<1x16xi32> to vector<16xi32>
    %sub3A_634 = arith.constant 1 : i32
    %sub3A_635 = vector.broadcast %sub3A_634 : i32 to vector<16xi32>
    %sub3A_636 = arith.subi %get3A_633, %sub3A_635 : vector<16xi32>
    %swap3A_637 = arith.constant 1 : i32
    %swap3A_638 = arith.index_cast %swap3A_637 : i32 to index
    %swap3A_639 = arith.constant 48 : index
    %swap3A_640 = tpu.vector_load %arg5[%swap3A_638, %swap3A_639] {strides = array<i32>} : memref<25x128xi32, #tpu.memory_space<vmem>>, vector<1x16xi32>,
    %swap3A_641 = vector.shape_cast %swap3A_640 : vector<1x16xi32> to vector<16xi32>
    %swap3A_642 = vector.shape_cast %sub3A_636 : vector<16xi32> to vector<1x16xi32>
    tpu.vector_store %arg5[%swap3A_638, %swap3A_639], %swap3A_642 {strides = array<i32>} : memref<25x128xi32, #tpu.memory_space<vmem>>, vector<1x16xi32>,
    %get3A_643 = arith.constant 1 : i32
    %get3A_644 = arith.index_cast %get3A_643 : i32 to index
    %get3A_645 = arith.constant 64 : index
    %get3A_646 = tpu.vector_load %arg5[%get3A_644, %get3A_645] {strides = array<i32>} : memref<25x128xi32, #tpu.memory_space<vmem>>, vector<1x16xi32>,
    %get3A_647 = vector.shape_cast %get3A_646 : vector<1x16xi32> to vector<16xi32>
    %sub3A_648 = arith.constant 1 : i32
    %sub3A_649 = vector.broadcast %sub3A_648 : i32 to vector<16xi32>
    %sub3A_650 = arith.subi %get3A_647, %sub3A_649 : vector<16xi32>
    %swap3A_651 = arith.constant 1 : i32
    %swap3A_652 = arith.index_cast %swap3A_651 : i32 to index
    %swap3A_653 = arith.constant 64 : index
    %swap3A_654 = tpu.vector_load %arg5[%swap3A_652, %swap3A_653] {strides = array<i32>} : memref<25x128xi32, #tpu.memory_space<vmem>>, vector<1x16xi32>,
    %swap3A_655 = vector.shape_cast %swap3A_654 : vector<1x16xi32> to vector<16xi32>
    %swap3A_656 = vector.shape_cast %sub3A_650 : vector<16xi32> to vector<1x16xi32>
    tpu.vector_store %arg5[%swap3A_652, %swap3A_653], %swap3A_656 {strides = array<i32>} : memref<25x128xi32, #tpu.memory_space<vmem>>, vector<1x16xi32>,
    %get3A_657 = arith.constant 1 : i32
    %get3A_658 = arith.index_cast %get3A_657 : i32 to index
    %get3A_659 = arith.constant 80 : index
    %get3A_660 = tpu.vector_load %arg5[%get3A_658, %get3A_659] {strides = array<i32>} : memref<25x128xi32, #tpu.memory_space<vmem>>, vector<1x16xi32>,
    %get3A_661 = vector.shape_cast %get3A_660 : vector<1x16xi32> to vector<16xi32>
    %sub3A_662 = arith.constant 1 : i32
    %sub3A_663 = vector.broadcast %sub3A_662 : i32 to vector<16xi32>
    %sub3A_664 = arith.subi %get3A_661, %sub3A_663 : vector<16xi32>
    %swap3A_665 = arith.constant 1 : i32
    %swap3A_666 = arith.index_cast %swap3A_665 : i32 to index
    %swap3A_667 = arith.constant 80 : index
    %swap3A_668 = tpu.vector_load %arg5[%swap3A_666, %swap3A_667] {strides = array<i32>} : memref<25x128xi32, #tpu.memory_space<vmem>>, vector<1x16xi32>,
    %swap3A_669 = vector.shape_cast %swap3A_668 : vector<1x16xi32> to vector<16xi32>
    %swap3A_670 = vector.shape_cast %sub3A_664 : vector<16xi32> to vector<1x16xi32>
    tpu.vector_store %arg5[%swap3A_666, %swap3A_667], %swap3A_670 {strides = array<i32>} : memref<25x128xi32, #tpu.memory_space<vmem>>, vector<1x16xi32>,
    %get3A_671 = arith.constant 1 : i32
    %get3A_672 = arith.index_cast %get3A_671 : i32 to index
    %get3A_673 = arith.constant 96 : index
    %get3A_674 = tpu.vector_load %arg5[%get3A_672, %get3A_673] {strides = array<i32>} : memref<25x128xi32, #tpu.memory_space<vmem>>, vector<1x16xi32>,
    %get3A_675 = vector.shape_cast %get3A_674 : vector<1x16xi32> to vector<16xi32>
    %sub3A_676 = arith.constant 1 : i32
    %sub3A_677 = vector.broadcast %sub3A_676 : i32 to vector<16xi32>
    %sub3A_678 = arith.subi %get3A_675, %sub3A_677 : vector<16xi32>
    %swap3A_679 = arith.constant 1 : i32
    %swap3A_680 = arith.index_cast %swap3A_679 : i32 to index
    %swap3A_681 = arith.constant 96 : index
    %swap3A_682 = tpu.vector_load %arg5[%swap3A_680, %swap3A_681] {strides = array<i32>} : memref<25x128xi32, #tpu.memory_space<vmem>>, vector<1x16xi32>,
    %swap3A_683 = vector.shape_cast %swap3A_682 : vector<1x16xi32> to vector<16xi32>
    %swap3A_684 = vector.shape_cast %sub3A_678 : vector<16xi32> to vector<1x16xi32>
    tpu.vector_store %arg5[%swap3A_680, %swap3A_681], %swap3A_684 {strides = array<i32>} : memref<25x128xi32, #tpu.memory_space<vmem>>, vector<1x16xi32>,
    %get3A_685 = arith.constant 1 : i32
    %get3A_686 = arith.index_cast %get3A_685 : i32 to index
    %get3A_687 = arith.constant 112 : index
    %get3A_688 = tpu.vector_load %arg5[%get3A_686, %get3A_687] {strides = array<i32>} : memref<25x128xi32, #tpu.memory_space<vmem>>, vector<1x16xi32>,
    %get3A_689 = vector.shape_cast %get3A_688 : vector<1x16xi32> to vector<16xi32>
    %sub3A_690 = arith.constant 1 : i32
    %sub3A_691 = vector.broadcast %sub3A_690 : i32 to vector<16xi32>
    %sub3A_692 = arith.subi %get3A_689, %sub3A_691 : vector<16xi32>
    %swap3A_693 = arith.constant 1 : i32
    %swap3A_694 = arith.index_cast %swap3A_693 : i32 to index
    %swap3A_695 = arith.constant 112 : index
    %swap3A_696 = tpu.vector_load %arg5[%swap3A_694, %swap3A_695] {strides = array<i32>} : memref<25x128xi32, #tpu.memory_space<vmem>>, vector<1x16xi32>,
    %swap3A_697 = vector.shape_cast %swap3A_696 : vector<1x16xi32> to vector<16xi32>
    %swap3A_698 = vector.shape_cast %sub3A_692 : vector<16xi32> to vector<1x16xi32>
    tpu.vector_store %arg5[%swap3A_694, %swap3A_695], %swap3A_698 {strides = array<i32>} : memref<25x128xi32, #tpu.memory_space<vmem>>, vector<1x16xi32>,
    %dma_start3A_699 = arith.constant 1 : i32
    %dma_start3A_700 = arith.constant 0 : i32
    %dma_start3A_701 = tpu.memref_slice %arg5[%dma_start3A_699, %dma_start3A_700] : memref<25x128xi32, #tpu.memory_space<vmem>> -> memref<1x128xi32, #tpu.memory_space<vmem>>
    %dma_start3A_702 = tpu.memref_squeeze %dma_start3A_701 : memref<1x128xi32, #tpu.memory_space<vmem>> -> memref<128xi32, #tpu.memory_space<vmem>>
    %dma_start3A_703 = arith.constant 0 : i32
    %dma_start3A_704 = arith.constant 0 : i32
    %dma_start3A_705 = tpu.memref_slice %arg11[%dma_start3A_703, %dma_start3A_704] : memref<100x128xf32, #tpu.memory_space<vmem_shared>> -> memref<100x128xf32, #tpu.memory_space<vmem_shared>>
    tpu.enqueue_indirect_dma source(%dma_start3A_705 : memref<100x128xf32, #tpu.memory_space<vmem_shared>>) target(%arg7 : memref<128x128xf32, #tpu.memory_space<vmem>>) offsets(%dma_start3A_702 : memref<128xi32, #tpu.memory_space<vmem>>) semaphore(%arg14 : memref<!tpu.dma_semaphore, #tpu.memory_space<semaphore_mem>>)
    %dma_wait3A_706 = arith.constant 0 : i32
    %dma_wait3A_707 = arith.constant 0 : i32
    %dma_wait3A_708 = tpu.memref_slice %arg5[%dma_wait3A_706, %dma_wait3A_707] : memref<25x128xi32, #tpu.memory_space<vmem>> -> memref<1x128xi32, #tpu.memory_space<vmem>>
    %dma_wait3A_709 = tpu.memref_squeeze %dma_wait3A_708 : memref<1x128xi32, #tpu.memory_space<vmem>> -> memref<128xi32, #tpu.memory_space<vmem>>
    %dma_wait3A_710 = arith.constant 0 : i32
    %dma_wait3A_711 = arith.constant 0 : i32
    %dma_wait3A_712 = tpu.memref_slice %arg11[%dma_wait3A_710, %dma_wait3A_711] : memref<100x128xf32, #tpu.memory_space<vmem_shared>> -> memref<100x128xf32, #tpu.memory_space<vmem_shared>>
    tpu.wait_indirect_dma semaphore(%arg13 : memref<!tpu.dma_semaphore, #tpu.memory_space<semaphore_mem>>) src(%dma_wait3A_712 : memref<100x128xf32, #tpu.memory_space<vmem_shared>>) dst(%arg6 : memref<128x128xf32, #tpu.memory_space<vmem>>)
    %add3A_713 = arith.constant 0 : i32
    %add3A_714 = arith.addi %add3A, %add3A_713 : i32
    %min3A_715 = arith.constant 781 : i32
    %min3A_716 = arith.minsi %add3A_714, %min3A_715 : i32
    %mul3A_717 = arith.constant 128 : i32
    %mul3A_718 = arith.muli %min3A_716, %mul3A_717 : i32
    %min3A_719 = arith.constant 99872 : i32
    %min3A_720 = arith.minsi %mul3A_718, %min3A_719 : i32
    %multiple_of3A_721 = tpu.assume_multiple %min3A_720, 8 : i32
    %dma_start3A_722 = arith.constant 0 : i32
    %dma_start3A_723 = tpu.memref_slice %arg4[%multiple_of3A_721, %dma_start3A_722] : memref<100000x128xf32, #tpu.memory_space<hbm>> -> memref<128x128xf32, #tpu.memory_space<hbm>>
    %dma_start3A_724 = arith.constant 0 : i32
    %dma_start3A_725 = tpu.memref_slice %arg4[%multiple_of3A_721, %dma_start3A_724] : memref<100000x128xf32, #tpu.memory_space<hbm>> -> memref<128x128xf32, #tpu.memory_space<hbm>>
    tpu.enqueue_dma source(%arg6 : memref<128x128xf32, #tpu.memory_space<vmem>>) target(%dma_start3A_725 : memref<128x128xf32, #tpu.memory_space<hbm>>) target_semaphore(%arg18 : memref<!tpu.dma_semaphore, #tpu.memory_space<semaphore_mem>>)
    %add3A_726 = arith.constant 64 : i32
    %add3A_727 = arith.addi %add3A, %add3A_726 : i32
    %min3A_728 = arith.constant 781 : i32
    %min3A_729 = arith.minsi %add3A_727, %min3A_728 : i32
    %mul3A_730 = arith.constant 128 : i32
    %mul3A_731 = arith.muli %min3A_729, %mul3A_730 : i32
    %min3A_732 = arith.constant 99872 : i32
    %min3A_733 = arith.minsi %mul3A_731, %min3A_732 : i32
    %multiple_of3A_734 = tpu.assume_multiple %min3A_733, 8 : i32
    %dma_wait3A_735 = arith.constant 2 : i32
    %dma_wait3A_736 = arith.constant 0 : i32
    %dma_wait3A_737 = tpu.memref_slice %arg5[%dma_wait3A_735, %dma_wait3A_736] : memref<25x128xi32, #tpu.memory_space<vmem>> -> memref<1x128xi32, #tpu.memory_space<vmem>>
    %dma_wait3A_738 = tpu.memref_squeeze %dma_wait3A_737 : memref<1x128xi32, #tpu.memory_space<vmem>> -> memref<128xi32, #tpu.memory_space<vmem>>
    %dma_wait3A_739 = tpu.memref_slice %arg2[%multiple_of3A_734] : memref<100000xi32, #tpu.memory_space<hbm>> -> memref<128xi32, #tpu.memory_space<hbm>>
    %dma_wait3A_740 = arith.constant 0 : i32
    %dma_wait3A_741 = tpu.memref_slice %arg5[%dma_wait3A_735, %dma_wait3A_740] : memref<25x128xi32, #tpu.memory_space<vmem>> -> memref<1x128xi32, #tpu.memory_space<vmem>>
    %dma_wait3A_742 = tpu.memref_squeeze %dma_wait3A_741 : memref<1x128xi32, #tpu.memory_space<vmem>> -> memref<128xi32, #tpu.memory_space<vmem>>
    %dma_wait3A_743 = tpu.memref_slice %arg2[%multiple_of3A_734] : memref<100000xi32, #tpu.memory_space<hbm>> -> memref<128xi32, #tpu.memory_space<hbm>>
    tpu.wait_dma2 semaphore(%arg12 : memref<!tpu.dma_semaphore, #tpu.memory_space<semaphore_mem>>) src(%dma_wait3A_743 : memref<128xi32, #tpu.memory_space<hbm>>) dst(%dma_wait3A_742 : memref<128xi32, #tpu.memory_space<vmem>>)
    %get3A_744 = arith.constant 2 : i32
    %get3A_745 = arith.index_cast %get3A_744 : i32 to index
    %get3A_746 = arith.constant 0 : index
    %get3A_747 = tpu.vector_load %arg5[%get3A_745, %get3A_746] {strides = array<i32>} : memref<25x128xi32, #tpu.memory_space<vmem>>, vector<1x16xi32>,
    %get3A_748 = vector.shape_cast %get3A_747 : vector<1x16xi32> to vector<16xi32>
    %sub3A_749 = arith.constant 1 : i32
    %sub3A_750 = vector.broadcast %sub3A_749 : i32 to vector<16xi32>
    %sub3A_751 = arith.subi %get3A_748, %sub3A_750 : vector<16xi32>
    %swap3A_752 = arith.constant 2 : i32
    %swap3A_753 = arith.index_cast %swap3A_752 : i32 to index
    %swap3A_754 = arith.constant 0 : index
    %swap3A_755 = tpu.vector_load %arg5[%swap3A_753, %swap3A_754] {strides = array<i32>} : memref<25x128xi32, #tpu.memory_space<vmem>>, vector<1x16xi32>,
    %swap3A_756 = vector.shape_cast %swap3A_755 : vector<1x16xi32> to vector<16xi32>
    %swap3A_757 = vector.shape_cast %sub3A_751 : vector<16xi32> to vector<1x16xi32>
    tpu.vector_store %arg5[%swap3A_753, %swap3A_754], %swap3A_757 {strides = array<i32>} : memref<25x128xi32, #tpu.memory_space<vmem>>, vector<1x16xi32>,
    %get3A_758 = arith.constant 2 : i32
    %get3A_759 = arith.index_cast %get3A_758 : i32 to index
    %get3A_760 = arith.constant 16 : index
    %get3A_761 = tpu.vector_load %arg5[%get3A_759, %get3A_760] {strides = array<i32>} : memref<25x128xi32, #tpu.memory_space<vmem>>, vector<1x16xi32>,
    %get3A_762 = vector.shape_cast %get3A_761 : vector<1x16xi32> to vector<16xi32>
    %sub3A_763 = arith.constant 1 : i32
    %sub3A_764 = vector.broadcast %sub3A_763 : i32 to vector<16xi32>
    %sub3A_765 = arith.subi %get3A_762, %sub3A_764 : vector<16xi32>
    %swap3A_766 = arith.constant 2 : i32
    %swap3A_767 = arith.index_cast %swap3A_766 : i32 to index
    %swap3A_768 = arith.constant 16 : index
    %swap3A_769 = tpu.vector_load %arg5[%swap3A_767, %swap3A_768] {strides = array<i32>} : memref<25x128xi32, #tpu.memory_space<vmem>>, vector<1x16xi32>,
    %swap3A_770 = vector.shape_cast %swap3A_769 : vector<1x16xi32> to vector<16xi32>
    %swap3A_771 = vector.shape_cast %sub3A_765 : vector<16xi32> to vector<1x16xi32>
    tpu.vector_store %arg5[%swap3A_767, %swap3A_768], %swap3A_771 {strides = array<i32>} : memref<25x128xi32, #tpu.memory_space<vmem>>, vector<1x16xi32>,
    %get3A_772 = arith.constant 2 : i32
    %get3A_773 = arith.index_cast %get3A_772 : i32 to index
    %get3A_774 = arith.constant 32 : index
    %get3A_775 = tpu.vector_load %arg5[%get3A_773, %get3A_774] {strides = array<i32>} : memref<25x128xi32, #tpu.memory_space<vmem>>, vector<1x16xi32>,
    %get3A_776 = vector.shape_cast %get3A_775 : vector<1x16xi32> to vector<16xi32>
    %sub3A_777 = arith.constant 1 : i32
    %sub3A_778 = vector.broadcast %sub3A_777 : i32 to vector<16xi32>
    %sub3A_779 = arith.subi %get3A_776, %sub3A_778 : vector<16xi32>
    %swap3A_780 = arith.constant 2 : i32
    %swap3A_781 = arith.index_cast %swap3A_780 : i32 to index
    %swap3A_782 = arith.constant 32 : index
    %swap3A_783 = tpu.vector_load %arg5[%swap3A_781, %swap3A_782] {strides = array<i32>} : memref<25x128xi32, #tpu.memory_space<vmem>>, vector<1x16xi32>,
    %swap3A_784 = vector.shape_cast %swap3A_783 : vector<1x16xi32> to vector<16xi32>
    %swap3A_785 = vector.shape_cast %sub3A_779 : vector<16xi32> to vector<1x16xi32>
    tpu.vector_store %arg5[%swap3A_781, %swap3A_782], %swap3A_785 {strides = array<i32>} : memref<25x128xi32, #tpu.memory_space<vmem>>, vector<1x16xi32>,
    %get3A_786 = arith.constant 2 : i32
    %get3A_787 = arith.index_cast %get3A_786 : i32 to index
    %get3A_788 = arith.constant 48 : index
    %get3A_789 = tpu.vector_load %arg5[%get3A_787, %get3A_788] {strides = array<i32>} : memref<25x128xi32, #tpu.memory_space<vmem>>, vector<1x16xi32>,
    %get3A_790 = vector.shape_cast %get3A_789 : vector<1x16xi32> to vector<16xi32>
    %sub3A_791 = arith.constant 1 : i32
    %sub3A_792 = vector.broadcast %sub3A_791 : i32 to vector<16xi32>
    %sub3A_793 = arith.subi %get3A_790, %sub3A_792 : vector<16xi32>
    %swap3A_794 = arith.constant 2 : i32
    %swap3A_795 = arith.index_cast %swap3A_794 : i32 to index
    %swap3A_796 = arith.constant 48 : index
    %swap3A_797 = tpu.vector_load %arg5[%swap3A_795, %swap3A_796] {strides = array<i32>} : memref<25x128xi32, #tpu.memory_space<vmem>>, vector<1x16xi32>,
    %swap3A_798 = vector.shape_cast %swap3A_797 : vector<1x16xi32> to vector<16xi32>
    %swap3A_799 = vector.shape_cast %sub3A_793 : vector<16xi32> to vector<1x16xi32>
    tpu.vector_store %arg5[%swap3A_795, %swap3A_796], %swap3A_799 {strides = array<i32>} : memref<25x128xi32, #tpu.memory_space<vmem>>, vector<1x16xi32>,
    %get3A_800 = arith.constant 2 : i32
    %get3A_801 = arith.index_cast %get3A_800 : i32 to index
    %get3A_802 = arith.constant 64 : index
    %get3A_803 = tpu.vector_load %arg5[%get3A_801, %get3A_802] {strides = array<i32>} : memref<25x128xi32, #tpu.memory_space<vmem>>, vector<1x16xi32>,
    %get3A_804 = vector.shape_cast %get3A_803 : vector<1x16xi32> to vector<16xi32>
    %sub3A_805 = arith.constant 1 : i32
    %sub3A_806 = vector.broadcast %sub3A_805 : i32 to vector<16xi32>
    %sub3A_807 = arith.subi %get3A_804, %sub3A_806 : vector<16xi32>
    %swap3A_808 = arith.constant 2 : i32
    %swap3A_809 = arith.index_cast %swap3A_808 : i32 to index
    %swap3A_810 = arith.constant 64 : index
    %swap3A_811 = tpu.vector_load %arg5[%swap3A_809, %swap3A_810] {strides = array<i32>} : memref<25x128xi32, #tpu.memory_space<vmem>>, vector<1x16xi32>,
    %swap3A_812 = vector.shape_cast %swap3A_811 : vector<1x16xi32> to vector<16xi32>
    %swap3A_813 = vector.shape_cast %sub3A_807 : vector<16xi32> to vector<1x16xi32>
    tpu.vector_store %arg5[%swap3A_809, %swap3A_810], %swap3A_813 {strides = array<i32>} : memref<25x128xi32, #tpu.memory_space<vmem>>, vector<1x16xi32>,
    %get3A_814 = arith.constant 2 : i32
    %get3A_815 = arith.index_cast %get3A_814 : i32 to index
    %get3A_816 = arith.constant 80 : index
    %get3A_817 = tpu.vector_load %arg5[%get3A_815, %get3A_816] {strides = array<i32>} : memref<25x128xi32, #tpu.memory_space<vmem>>, vector<1x16xi32>,
    %get3A_818 = vector.shape_cast %get3A_817 : vector<1x16xi32> to vector<16xi32>
    %sub3A_819 = arith.constant 1 : i32
    %sub3A_820 = vector.broadcast %sub3A_819 : i32 to vector<16xi32>
    %sub3A_821 = arith.subi %get3A_818, %sub3A_820 : vector<16xi32>
    %swap3A_822 = arith.constant 2 : i32
    %swap3A_823 = arith.index_cast %swap3A_822 : i32 to index
    %swap3A_824 = arith.constant 80 : index
    %swap3A_825 = tpu.vector_load %arg5[%swap3A_823, %swap3A_824] {strides = array<i32>} : memref<25x128xi32, #tpu.memory_space<vmem>>, vector<1x16xi32>,
    %swap3A_826 = vector.shape_cast %swap3A_825 : vector<1x16xi32> to vector<16xi32>
    %swap3A_827 = vector.shape_cast %sub3A_821 : vector<16xi32> to vector<1x16xi32>
    tpu.vector_store %arg5[%swap3A_823, %swap3A_824], %swap3A_827 {strides = array<i32>} : memref<25x128xi32, #tpu.memory_space<vmem>>, vector<1x16xi32>,
    %get3A_828 = arith.constant 2 : i32
    %get3A_829 = arith.index_cast %get3A_828 : i32 to index
    %get3A_830 = arith.constant 96 : index
    %get3A_831 = tpu.vector_load %arg5[%get3A_829, %get3A_830] {strides = array<i32>} : memref<25x128xi32, #tpu.memory_space<vmem>>, vector<1x16xi32>,
    %get3A_832 = vector.shape_cast %get3A_831 : vector<1x16xi32> to vector<16xi32>
    %sub3A_833 = arith.constant 1 : i32
    %sub3A_834 = vector.broadcast %sub3A_833 : i32 to vector<16xi32>
    %sub3A_835 = arith.subi %get3A_832, %sub3A_834 : vector<16xi32>
    %swap3A_836 = arith.constant 2 : i32
    %swap3A_837 = arith.index_cast %swap3A_836 : i32 to index
    %swap3A_838 = arith.constant 96 : index
    %swap3A_839 = tpu.vector_load %arg5[%swap3A_837, %swap3A_838] {strides = array<i32>} : memref<25x128xi32, #tpu.memory_space<vmem>>, vector<1x16xi32>,
    %swap3A_840 = vector.shape_cast %swap3A_839 : vector<1x16xi32> to vector<16xi32>
    %swap3A_841 = vector.shape_cast %sub3A_835 : vector<16xi32> to vector<1x16xi32>
    tpu.vector_store %arg5[%swap3A_837, %swap3A_838], %swap3A_841 {strides = array<i32>} : memref<25x128xi32, #tpu.memory_space<vmem>>, vector<1x16xi32>,
    %get3A_842 = arith.constant 2 : i32
    %get3A_843 = arith.index_cast %get3A_842 : i32 to index
    %get3A_844 = arith.constant 112 : index
    %get3A_845 = tpu.vector_load %arg5[%get3A_843, %get3A_844] {strides = array<i32>} : memref<25x128xi32, #tpu.memory_space<vmem>>, vector<1x16xi32>,
    %get3A_846 = vector.shape_cast %get3A_845 : vector<1x16xi32> to vector<16xi32>
    %sub3A_847 = arith.constant 1 : i32
    %sub3A_848 = vector.broadcast %sub3A_847 : i32 to vector<16xi32>
    %sub3A_849 = arith.subi %get3A_846, %sub3A_848 : vector<16xi32>
    %swap3A_850 = arith.constant 2 : i32
    %swap3A_851 = arith.index_cast %swap3A_850 : i32 to index
    %swap3A_852 = arith.constant 112 : index
    %swap3A_853 = tpu.vector_load %arg5[%swap3A_851, %swap3A_852] {strides = array<i32>} : memref<25x128xi32, #tpu.memory_space<vmem>>, vector<1x16xi32>,
    %swap3A_854 = vector.shape_cast %swap3A_853 : vector<1x16xi32> to vector<16xi32>
    %swap3A_855 = vector.shape_cast %sub3A_849 : vector<16xi32> to vector<1x16xi32>
    tpu.vector_store %arg5[%swap3A_851, %swap3A_852], %swap3A_855 {strides = array<i32>} : memref<25x128xi32, #tpu.memory_space<vmem>>, vector<1x16xi32>,
    %dma_start3A_856 = arith.constant 2 : i32
    %dma_start3A_857 = arith.constant 0 : i32
    %dma_start3A_858 = tpu.memref_slice %arg5[%dma_start3A_856, %dma_start3A_857] : memref<25x128xi32, #tpu.memory_space<vmem>> -> memref<1x128xi32, #tpu.memory_space<vmem>>
    %dma_start3A_859 = tpu.memref_squeeze %dma_start3A_858 : memref<1x128xi32, #tpu.memory_space<vmem>> -> memref<128xi32, #tpu.memory_space<vmem>>
    %dma_start3A_860 = arith.constant 0 : i32
    %dma_start3A_861 = arith.constant 0 : i32
    %dma_start3A_862 = tpu.memref_slice %arg11[%dma_start3A_860, %dma_start3A_861] : memref<100x128xf32, #tpu.memory_space<vmem_shared>> -> memref<100x128xf32, #tpu.memory_space<vmem_shared>>
    tpu.enqueue_indirect_dma source(%dma_start3A_862 : memref<100x128xf32, #tpu.memory_space<vmem_shared>>) target(%arg8 : memref<128x128xf32, #tpu.memory_space<vmem>>) offsets(%dma_start3A_859 : memref<128xi32, #tpu.memory_space<vmem>>) semaphore(%arg15 : memref<!tpu.dma_semaphore, #tpu.memory_space<semaphore_mem>>)
    %dma_wait3A_863 = arith.constant 1 : i32
    %dma_wait3A_864 = arith.constant 0 : i32
    %dma_wait3A_865 = tpu.memref_slice %arg5[%dma_wait3A_863, %dma_wait3A_864] : memref<25x128xi32, #tpu.memory_space<vmem>> -> memref<1x128xi32, #tpu.memory_space<vmem>>
    %dma_wait3A_866 = tpu.memref_squeeze %dma_wait3A_865 : memref<1x128xi32, #tpu.memory_space<vmem>> -> memref<128xi32, #tpu.memory_space<vmem>>
    %dma_wait3A_867 = arith.constant 0 : i32
    %dma_wait3A_868 = arith.constant 0 : i32
    %dma_wait3A_869 = tpu.memref_slice %arg11[%dma_wait3A_867, %dma_wait3A_868] : memref<100x128xf32, #tpu.memory_space<vmem_shared>> -> memref<100x128xf32, #tpu.memory_space<vmem_shared>>
    tpu.wait_indirect_dma semaphore(%arg14 : memref<!tpu.dma_semaphore, #tpu.memory_space<semaphore_mem>>) src(%dma_wait3A_869 : memref<100x128xf32, #tpu.memory_space<vmem_shared>>) dst(%arg7 : memref<128x128xf32, #tpu.memory_space<vmem>>)
    %add3A_870 = arith.constant 32 : i32
    %add3A_871 = arith.addi %add3A, %add3A_870 : i32
    %min3A_872 = arith.constant 781 : i32
    %min3A_873 = arith.minsi %add3A_871, %min3A_872 : i32
    %mul3A_874 = arith.constant 128 : i32
    %mul3A_875 = arith.muli %min3A_873, %mul3A_874 : i32
    %min3A_876 = arith.constant 99872 : i32
    %min3A_877 = arith.minsi %mul3A_875, %min3A_876 : i32
    %multiple_of3A_878 = tpu.assume_multiple %min3A_877, 8 : i32
    %dma_start3A_879 = arith.constant 0 : i32
    %dma_start3A_880 = tpu.memref_slice %arg4[%multiple_of3A_878, %dma_start3A_879] : memref<100000x128xf32, #tpu.memory_space<hbm>> -> memref<128x128xf32, #tpu.memory_space<hbm>>
    %dma_start3A_881 = arith.constant 0 : i32
    %dma_start3A_882 = tpu.memref_slice %arg4[%multiple_of3A_878, %dma_start3A_881] : memref<100000x128xf32, #tpu.memory_space<hbm>> -> memref<128x128xf32, #tpu.memory_space<hbm>>
    tpu.enqueue_dma source(%arg7 : memref<128x128xf32, #tpu.memory_space<vmem>>) target(%dma_start3A_882 : memref<128x128xf32, #tpu.memory_space<hbm>>) target_semaphore(%arg19 : memref<!tpu.dma_semaphore, #tpu.memory_space<semaphore_mem>>)
    %add3A_883 = arith.constant 96 : i32
    %add3A_884 = arith.addi %add3A, %add3A_883 : i32
    %min3A_885 = arith.constant 781 : i32
    %min3A_886 = arith.minsi %add3A_884, %min3A_885 : i32
    %mul3A_887 = arith.constant 128 : i32
    %mul3A_888 = arith.muli %min3A_886, %mul3A_887 : i32
    %min3A_889 = arith.constant 99872 : i32
    %min3A_890 = arith.minsi %mul3A_888, %min3A_889 : i32
    %multiple_of3A_891 = tpu.assume_multiple %min3A_890, 8 : i32
    %dma_wait3A_892 = arith.constant 3 : i32
    %dma_wait3A_893 = arith.constant 0 : i32
    %dma_wait3A_894 = tpu.memref_slice %arg5[%dma_wait3A_892, %dma_wait3A_893] : memref<25x128xi32, #tpu.memory_space<vmem>> -> memref<1x128xi32, #tpu.memory_space<vmem>>
    %dma_wait3A_895 = tpu.memref_squeeze %dma_wait3A_894 : memref<1x128xi32, #tpu.memory_space<vmem>> -> memref<128xi32, #tpu.memory_space<vmem>>
    %dma_wait3A_896 = tpu.memref_slice %arg2[%multiple_of3A_891] : memref<100000xi32, #tpu.memory_space<hbm>> -> memref<128xi32, #tpu.memory_space<hbm>>
    %dma_wait3A_897 = arith.constant 0 : i32
    %dma_wait3A_898 = tpu.memref_slice %arg5[%dma_wait3A_892, %dma_wait3A_897] : memref<25x128xi32, #tpu.memory_space<vmem>> -> memref<1x128xi32, #tpu.memory_space<vmem>>
    %dma_wait3A_899 = tpu.memref_squeeze %dma_wait3A_898 : memref<1x128xi32, #tpu.memory_space<vmem>> -> memref<128xi32, #tpu.memory_space<vmem>>
    %dma_wait3A_900 = tpu.memref_slice %arg2[%multiple_of3A_891] : memref<100000xi32, #tpu.memory_space<hbm>> -> memref<128xi32, #tpu.memory_space<hbm>>
    tpu.wait_dma2 semaphore(%arg12 : memref<!tpu.dma_semaphore, #tpu.memory_space<semaphore_mem>>) src(%dma_wait3A_900 : memref<128xi32, #tpu.memory_space<hbm>>) dst(%dma_wait3A_899 : memref<128xi32, #tpu.memory_space<vmem>>)
    %get3A_901 = arith.constant 3 : i32
    %get3A_902 = arith.index_cast %get3A_901 : i32 to index
    %get3A_903 = arith.constant 0 : index
    %get3A_904 = tpu.vector_load %arg5[%get3A_902, %get3A_903] {strides = array<i32>} : memref<25x128xi32, #tpu.memory_space<vmem>>, vector<1x16xi32>,
    %get3A_905 = vector.shape_cast %get3A_904 : vector<1x16xi32> to vector<16xi32>
    %sub3A_906 = arith.constant 1 : i32
    %sub3A_907 = vector.broadcast %sub3A_906 : i32 to vector<16xi32>
    %sub3A_908 = arith.subi %get3A_905, %sub3A_907 : vector<16xi32>
    %swap3A_909 = arith.constant 3 : i32
    %swap3A_910 = arith.index_cast %swap3A_909 : i32 to index
    %swap3A_911 = arith.constant 0 : index
    %swap3A_912 = tpu.vector_load %arg5[%swap3A_910, %swap3A_911] {strides = array<i32>} : memref<25x128xi32, #tpu.memory_space<vmem>>, vector<1x16xi32>,
    %swap3A_913 = vector.shape_cast %swap3A_912 : vector<1x16xi32> to vector<16xi32>
    %swap3A_914 = vector.shape_cast %sub3A_908 : vector<16xi32> to vector<1x16xi32>
    tpu.vector_store %arg5[%swap3A_910, %swap3A_911], %swap3A_914 {strides = array<i32>} : memref<25x128xi32, #tpu.memory_space<vmem>>, vector<1x16xi32>,
    %get3A_915 = arith.constant 3 : i32
    %get3A_916 = arith.index_cast %get3A_915 : i32 to index
    %get3A_917 = arith.constant 16 : index
    %get3A_918 = tpu.vector_load %arg5[%get3A_916, %get3A_917] {strides = array<i32>} : memref<25x128xi32, #tpu.memory_space<vmem>>, vector<1x16xi32>,
    %get3A_919 = vector.shape_cast %get3A_918 : vector<1x16xi32> to vector<16xi32>
    %sub3A_920 = arith.constant 1 : i32
    %sub3A_921 = vector.broadcast %sub3A_920 : i32 to vector<16xi32>
    %sub3A_922 = arith.subi %get3A_919, %sub3A_921 : vector<16xi32>
    %swap3A_923 = arith.constant 3 : i32
    %swap3A_924 = arith.index_cast %swap3A_923 : i32 to index
    %swap3A_925 = arith.constant 16 : index
    %swap3A_926 = tpu.vector_load %arg5[%swap3A_924, %swap3A_925] {strides = array<i32>} : memref<25x128xi32, #tpu.memory_space<vmem>>, vector<1x16xi32>,
    %swap3A_927 = vector.shape_cast %swap3A_926 : vector<1x16xi32> to vector<16xi32>
    %swap3A_928 = vector.shape_cast %sub3A_922 : vector<16xi32> to vector<1x16xi32>
    tpu.vector_store %arg5[%swap3A_924, %swap3A_925], %swap3A_928 {strides = array<i32>} : memref<25x128xi32, #tpu.memory_space<vmem>>, vector<1x16xi32>,
    %get3A_929 = arith.constant 3 : i32
    %get3A_930 = arith.index_cast %get3A_929 : i32 to index
    %get3A_931 = arith.constant 32 : index
    %get3A_932 = tpu.vector_load %arg5[%get3A_930, %get3A_931] {strides = array<i32>} : memref<25x128xi32, #tpu.memory_space<vmem>>, vector<1x16xi32>,
    %get3A_933 = vector.shape_cast %get3A_932 : vector<1x16xi32> to vector<16xi32>
    %sub3A_934 = arith.constant 1 : i32
    %sub3A_935 = vector.broadcast %sub3A_934 : i32 to vector<16xi32>
    %sub3A_936 = arith.subi %get3A_933, %sub3A_935 : vector<16xi32>
    %swap3A_937 = arith.constant 3 : i32
    %swap3A_938 = arith.index_cast %swap3A_937 : i32 to index
    %swap3A_939 = arith.constant 32 : index
    %swap3A_940 = tpu.vector_load %arg5[%swap3A_938, %swap3A_939] {strides = array<i32>} : memref<25x128xi32, #tpu.memory_space<vmem>>, vector<1x16xi32>,
    %swap3A_941 = vector.shape_cast %swap3A_940 : vector<1x16xi32> to vector<16xi32>
    %swap3A_942 = vector.shape_cast %sub3A_936 : vector<16xi32> to vector<1x16xi32>
    tpu.vector_store %arg5[%swap3A_938, %swap3A_939], %swap3A_942 {strides = array<i32>} : memref<25x128xi32, #tpu.memory_space<vmem>>, vector<1x16xi32>,
    %get3A_943 = arith.constant 3 : i32
    %get3A_944 = arith.index_cast %get3A_943 : i32 to index
    %get3A_945 = arith.constant 48 : index
    %get3A_946 = tpu.vector_load %arg5[%get3A_944, %get3A_945] {strides = array<i32>} : memref<25x128xi32, #tpu.memory_space<vmem>>, vector<1x16xi32>,
    %get3A_947 = vector.shape_cast %get3A_946 : vector<1x16xi32> to vector<16xi32>
    %sub3A_948 = arith.constant 1 : i32
    %sub3A_949 = vector.broadcast %sub3A_948 : i32 to vector<16xi32>
    %sub3A_950 = arith.subi %get3A_947, %sub3A_949 : vector<16xi32>
    %swap3A_951 = arith.constant 3 : i32
    %swap3A_952 = arith.index_cast %swap3A_951 : i32 to index
    %swap3A_953 = arith.constant 48 : index
    %swap3A_954 = tpu.vector_load %arg5[%swap3A_952, %swap3A_953] {strides = array<i32>} : memref<25x128xi32, #tpu.memory_space<vmem>>, vector<1x16xi32>,
    %swap3A_955 = vector.shape_cast %swap3A_954 : vector<1x16xi32> to vector<16xi32>
    %swap3A_956 = vector.shape_cast %sub3A_950 : vector<16xi32> to vector<1x16xi32>
    tpu.vector_store %arg5[%swap3A_952, %swap3A_953], %swap3A_956 {strides = array<i32>} : memref<25x128xi32, #tpu.memory_space<vmem>>, vector<1x16xi32>,
    %get3A_957 = arith.constant 3 : i32
    %get3A_958 = arith.index_cast %get3A_957 : i32 to index
    %get3A_959 = arith.constant 64 : index
    %get3A_960 = tpu.vector_load %arg5[%get3A_958, %get3A_959] {strides = array<i32>} : memref<25x128xi32, #tpu.memory_space<vmem>>, vector<1x16xi32>,
    %get3A_961 = vector.shape_cast %get3A_960 : vector<1x16xi32> to vector<16xi32>
    %sub3A_962 = arith.constant 1 : i32
    %sub3A_963 = vector.broadcast %sub3A_962 : i32 to vector<16xi32>
    %sub3A_964 = arith.subi %get3A_961, %sub3A_963 : vector<16xi32>
    %swap3A_965 = arith.constant 3 : i32
    %swap3A_966 = arith.index_cast %swap3A_965 : i32 to index
    %swap3A_967 = arith.constant 64 : index
    %swap3A_968 = tpu.vector_load %arg5[%swap3A_966, %swap3A_967] {strides = array<i32>} : memref<25x128xi32, #tpu.memory_space<vmem>>, vector<1x16xi32>,
    %swap3A_969 = vector.shape_cast %swap3A_968 : vector<1x16xi32> to vector<16xi32>
    %swap3A_970 = vector.shape_cast %sub3A_964 : vector<16xi32> to vector<1x16xi32>
    tpu.vector_store %arg5[%swap3A_966, %swap3A_967], %swap3A_970 {strides = array<i32>} : memref<25x128xi32, #tpu.memory_space<vmem>>, vector<1x16xi32>,
    %get3A_971 = arith.constant 3 : i32
    %get3A_972 = arith.index_cast %get3A_971 : i32 to index
    %get3A_973 = arith.constant 80 : index
    %get3A_974 = tpu.vector_load %arg5[%get3A_972, %get3A_973] {strides = array<i32>} : memref<25x128xi32, #tpu.memory_space<vmem>>, vector<1x16xi32>,
    %get3A_975 = vector.shape_cast %get3A_974 : vector<1x16xi32> to vector<16xi32>
    %sub3A_976 = arith.constant 1 : i32
    %sub3A_977 = vector.broadcast %sub3A_976 : i32 to vector<16xi32>
    %sub3A_978 = arith.subi %get3A_975, %sub3A_977 : vector<16xi32>
    %swap3A_979 = arith.constant 3 : i32
    %swap3A_980 = arith.index_cast %swap3A_979 : i32 to index
    %swap3A_981 = arith.constant 80 : index
    %swap3A_982 = tpu.vector_load %arg5[%swap3A_980, %swap3A_981] {strides = array<i32>} : memref<25x128xi32, #tpu.memory_space<vmem>>, vector<1x16xi32>,
    %swap3A_983 = vector.shape_cast %swap3A_982 : vector<1x16xi32> to vector<16xi32>
    %swap3A_984 = vector.shape_cast %sub3A_978 : vector<16xi32> to vector<1x16xi32>
    tpu.vector_store %arg5[%swap3A_980, %swap3A_981], %swap3A_984 {strides = array<i32>} : memref<25x128xi32, #tpu.memory_space<vmem>>, vector<1x16xi32>,
    %get3A_985 = arith.constant 3 : i32
    %get3A_986 = arith.index_cast %get3A_985 : i32 to index
    %get3A_987 = arith.constant 96 : index
    %get3A_988 = tpu.vector_load %arg5[%get3A_986, %get3A_987] {strides = array<i32>} : memref<25x128xi32, #tpu.memory_space<vmem>>, vector<1x16xi32>,
    %get3A_989 = vector.shape_cast %get3A_988 : vector<1x16xi32> to vector<16xi32>
    %sub3A_990 = arith.constant 1 : i32
    %sub3A_991 = vector.broadcast %sub3A_990 : i32 to vector<16xi32>
    %sub3A_992 = arith.subi %get3A_989, %sub3A_991 : vector<16xi32>
    %swap3A_993 = arith.constant 3 : i32
    %swap3A_994 = arith.index_cast %swap3A_993 : i32 to index
    %swap3A_995 = arith.constant 96 : index
    %swap3A_996 = tpu.vector_load %arg5[%swap3A_994, %swap3A_995] {strides = array<i32>} : memref<25x128xi32, #tpu.memory_space<vmem>>, vector<1x16xi32>,
    %swap3A_997 = vector.shape_cast %swap3A_996 : vector<1x16xi32> to vector<16xi32>
    %swap3A_998 = vector.shape_cast %sub3A_992 : vector<16xi32> to vector<1x16xi32>
    tpu.vector_store %arg5[%swap3A_994, %swap3A_995], %swap3A_998 {strides = array<i32>} : memref<25x128xi32, #tpu.memory_space<vmem>>, vector<1x16xi32>,
    %get3A_999 = arith.constant 3 : i32
    %get3A_1000 = arith.index_cast %get3A_999 : i32 to index
    %get3A_1001 = arith.constant 112 : index
    %get3A_1002 = tpu.vector_load %arg5[%get3A_1000, %get3A_1001] {strides = array<i32>} : memref<25x128xi32, #tpu.memory_space<vmem>>, vector<1x16xi32>,
    %get3A_1003 = vector.shape_cast %get3A_1002 : vector<1x16xi32> to vector<16xi32>
    %sub3A_1004 = arith.constant 1 : i32
    %sub3A_1005 = vector.broadcast %sub3A_1004 : i32 to vector<16xi32>
    %sub3A_1006 = arith.subi %get3A_1003, %sub3A_1005 : vector<16xi32>
    %swap3A_1007 = arith.constant 3 : i32
    %swap3A_1008 = arith.index_cast %swap3A_1007 : i32 to index
    %swap3A_1009 = arith.constant 112 : index
    %swap3A_1010 = tpu.vector_load %arg5[%swap3A_1008, %swap3A_1009] {strides = array<i32>} : memref<25x128xi32, #tpu.memory_space<vmem>>, vector<1x16xi32>,
    %swap3A_1011 = vector.shape_cast %swap3A_1010 : vector<1x16xi32> to vector<16xi32>
    %swap3A_1012 = vector.shape_cast %sub3A_1006 : vector<16xi32> to vector<1x16xi32>
    tpu.vector_store %arg5[%swap3A_1008, %swap3A_1009], %swap3A_1012 {strides = array<i32>} : memref<25x128xi32, #tpu.memory_space<vmem>>, vector<1x16xi32>,
    %dma_start3A_1013 = arith.constant 3 : i32
    %dma_start3A_1014 = arith.constant 0 : i32
    %dma_start3A_1015 = tpu.memref_slice %arg5[%dma_start3A_1013, %dma_start3A_1014] : memref<25x128xi32, #tpu.memory_space<vmem>> -> memref<1x128xi32, #tpu.memory_space<vmem>>
    %dma_start3A_1016 = tpu.memref_squeeze %dma_start3A_1015 : memref<1x128xi32, #tpu.memory_space<vmem>> -> memref<128xi32, #tpu.memory_space<vmem>>
    %dma_start3A_1017 = arith.constant 0 : i32
    %dma_start3A_1018 = arith.constant 0 : i32
    %dma_start3A_1019 = tpu.memref_slice %arg11[%dma_start3A_1017, %dma_start3A_1018] : memref<100x128xf32, #tpu.memory_space<vmem_shared>> -> memref<100x128xf32, #tpu.memory_space<vmem_shared>>
    tpu.enqueue_indirect_dma source(%dma_start3A_1019 : memref<100x128xf32, #tpu.memory_space<vmem_shared>>) target(%arg9 : memref<128x128xf32, #tpu.memory_space<vmem>>) offsets(%dma_start3A_1016 : memref<128xi32, #tpu.memory_space<vmem>>) semaphore(%arg16 : memref<!tpu.dma_semaphore, #tpu.memory_space<semaphore_mem>>)
    %dma_wait3A_1020 = arith.constant 2 : i32
    %dma_wait3A_1021 = arith.constant 0 : i32
    %dma_wait3A_1022 = tpu.memref_slice %arg5[%dma_wait3A_1020, %dma_wait3A_1021] : memref<25x128xi32, #tpu.memory_space<vmem>> -> memref<1x128xi32, #tpu.memory_space<vmem>>
    %dma_wait3A_1023 = tpu.memref_squeeze %dma_wait3A_1022 : memref<1x128xi32, #tpu.memory_space<vmem>> -> memref<128xi32, #tpu.memory_space<vmem>>
    %dma_wait3A_1024 = arith.constant 0 : i32
    %dma_wait3A_1025 = arith.constant 0 : i32
    %dma_wait3A_1026 = tpu.memref_slice %arg11[%dma_wait3A_1024, %dma_wait3A_1025] : memref<100x128xf32, #tpu.memory_space<vmem_shared>> -> memref<100x128xf32, #tpu.memory_space<vmem_shared>>
    tpu.wait_indirect_dma semaphore(%arg15 : memref<!tpu.dma_semaphore, #tpu.memory_space<semaphore_mem>>) src(%dma_wait3A_1026 : memref<100x128xf32, #tpu.memory_space<vmem_shared>>) dst(%arg8 : memref<128x128xf32, #tpu.memory_space<vmem>>)
    %add3A_1027 = arith.constant 64 : i32
    %add3A_1028 = arith.addi %add3A, %add3A_1027 : i32
    %min3A_1029 = arith.constant 781 : i32
    %min3A_1030 = arith.minsi %add3A_1028, %min3A_1029 : i32
    %mul3A_1031 = arith.constant 128 : i32
    %mul3A_1032 = arith.muli %min3A_1030, %mul3A_1031 : i32
    %min3A_1033 = arith.constant 99872 : i32
    %min3A_1034 = arith.minsi %mul3A_1032, %min3A_1033 : i32
    %multiple_of3A_1035 = tpu.assume_multiple %min3A_1034, 8 : i32
    %dma_start3A_1036 = arith.constant 0 : i32
    %dma_start3A_1037 = tpu.memref_slice %arg4[%multiple_of3A_1035, %dma_start3A_1036] : memref<100000x128xf32, #tpu.memory_space<hbm>> -> memref<128x128xf32, #tpu.memory_space<hbm>>
    %dma_start3A_1038 = arith.constant 0 : i32
    %dma_start3A_1039 = tpu.memref_slice %arg4[%multiple_of3A_1035, %dma_start3A_1038] : memref<100000x128xf32, #tpu.memory_space<hbm>> -> memref<128x128xf32, #tpu.memory_space<hbm>>
    tpu.enqueue_dma source(%arg8 : memref<128x128xf32, #tpu.memory_space<vmem>>) target(%dma_start3A_1039 : memref<128x128xf32, #tpu.memory_space<hbm>>) target_semaphore(%arg20 : memref<!tpu.dma_semaphore, #tpu.memory_space<semaphore_mem>>)
    %add3A_1040 = arith.constant 128 : i32
    %add3A_1041 = arith.addi %add3A, %add3A_1040 : i32
    %min3A_1042 = arith.constant 781 : i32
    %min3A_1043 = arith.minsi %add3A_1041, %min3A_1042 : i32
    %mul3A_1044 = arith.constant 128 : i32
    %mul3A_1045 = arith.muli %min3A_1043, %mul3A_1044 : i32
    %min3A_1046 = arith.constant 99872 : i32
    %min3A_1047 = arith.minsi %mul3A_1045, %min3A_1046 : i32
    %multiple_of3A_1048 = tpu.assume_multiple %min3A_1047, 8 : i32
    %dma_wait3A_1049 = arith.constant 4 : i32
    %dma_wait3A_1050 = arith.constant 0 : i32
    %dma_wait3A_1051 = tpu.memref_slice %arg5[%dma_wait3A_1049, %dma_wait3A_1050] : memref<25x128xi32, #tpu.memory_space<vmem>> -> memref<1x128xi32, #tpu.memory_space<vmem>>
    %dma_wait3A_1052 = tpu.memref_squeeze %dma_wait3A_1051 : memref<1x128xi32, #tpu.memory_space<vmem>> -> memref<128xi32, #tpu.memory_space<vmem>>
    %dma_wait3A_1053 = tpu.memref_slice %arg2[%multiple_of3A_1048] : memref<100000xi32, #tpu.memory_space<hbm>> -> memref<128xi32, #tpu.memory_space<hbm>>
    %dma_wait3A_1054 = arith.constant 0 : i32
    %dma_wait3A_1055 = tpu.memref_slice %arg5[%dma_wait3A_1049, %dma_wait3A_1054] : memref<25x128xi32, #tpu.memory_space<vmem>> -> memref<1x128xi32, #tpu.memory_space<vmem>>
    %dma_wait3A_1056 = tpu.memref_squeeze %dma_wait3A_1055 : memref<1x128xi32, #tpu.memory_space<vmem>> -> memref<128xi32, #tpu.memory_space<vmem>>
    %dma_wait3A_1057 = tpu.memref_slice %arg2[%multiple_of3A_1048] : memref<100000xi32, #tpu.memory_space<hbm>> -> memref<128xi32, #tpu.memory_space<hbm>>
    tpu.wait_dma2 semaphore(%arg12 : memref<!tpu.dma_semaphore, #tpu.memory_space<semaphore_mem>>) src(%dma_wait3A_1057 : memref<128xi32, #tpu.memory_space<hbm>>) dst(%dma_wait3A_1056 : memref<128xi32, #tpu.memory_space<vmem>>)
    %get3A_1058 = arith.constant 4 : i32
    %get3A_1059 = arith.index_cast %get3A_1058 : i32 to index
    %get3A_1060 = arith.constant 0 : index
    %get3A_1061 = tpu.vector_load %arg5[%get3A_1059, %get3A_1060] {strides = array<i32>} : memref<25x128xi32, #tpu.memory_space<vmem>>, vector<1x16xi32>,
    %get3A_1062 = vector.shape_cast %get3A_1061 : vector<1x16xi32> to vector<16xi32>
    %sub3A_1063 = arith.constant 1 : i32
    %sub3A_1064 = vector.broadcast %sub3A_1063 : i32 to vector<16xi32>
    %sub3A_1065 = arith.subi %get3A_1062, %sub3A_1064 : vector<16xi32>
    %swap3A_1066 = arith.constant 4 : i32
    %swap3A_1067 = arith.index_cast %swap3A_1066 : i32 to index
    %swap3A_1068 = arith.constant 0 : index
    %swap3A_1069 = tpu.vector_load %arg5[%swap3A_1067, %swap3A_1068] {strides = array<i32>} : memref<25x128xi32, #tpu.memory_space<vmem>>, vector<1x16xi32>,
    %swap3A_1070 = vector.shape_cast %swap3A_1069 : vector<1x16xi32> to vector<16xi32>
    %swap3A_1071 = vector.shape_cast %sub3A_1065 : vector<16xi32> to vector<1x16xi32>
    tpu.vector_store %arg5[%swap3A_1067, %swap3A_1068], %swap3A_1071 {strides = array<i32>} : memref<25x128xi32, #tpu.memory_space<vmem>>, vector<1x16xi32>,
    %get3A_1072 = arith.constant 4 : i32
    %get3A_1073 = arith.index_cast %get3A_1072 : i32 to index
    %get3A_1074 = arith.constant 16 : index
    %get3A_1075 = tpu.vector_load %arg5[%get3A_1073, %get3A_1074] {strides = array<i32>} : memref<25x128xi32, #tpu.memory_space<vmem>>, vector<1x16xi32>,
    %get3A_1076 = vector.shape_cast %get3A_1075 : vector<1x16xi32> to vector<16xi32>
    %sub3A_1077 = arith.constant 1 : i32
    %sub3A_1078 = vector.broadcast %sub3A_1077 : i32 to vector<16xi32>
    %sub3A_1079 = arith.subi %get3A_1076, %sub3A_1078 : vector<16xi32>
    %swap3A_1080 = arith.constant 4 : i32
    %swap3A_1081 = arith.index_cast %swap3A_1080 : i32 to index
    %swap3A_1082 = arith.constant 16 : index
    %swap3A_1083 = tpu.vector_load %arg5[%swap3A_1081, %swap3A_1082] {strides = array<i32>} : memref<25x128xi32, #tpu.memory_space<vmem>>, vector<1x16xi32>,
    %swap3A_1084 = vector.shape_cast %swap3A_1083 : vector<1x16xi32> to vector<16xi32>
    %swap3A_1085 = vector.shape_cast %sub3A_1079 : vector<16xi32> to vector<1x16xi32>
    tpu.vector_store %arg5[%swap3A_1081, %swap3A_1082], %swap3A_1085 {strides = array<i32>} : memref<25x128xi32, #tpu.memory_space<vmem>>, vector<1x16xi32>,
    %get3A_1086 = arith.constant 4 : i32
    %get3A_1087 = arith.index_cast %get3A_1086 : i32 to index
    %get3A_1088 = arith.constant 32 : index
    %get3A_1089 = tpu.vector_load %arg5[%get3A_1087, %get3A_1088] {strides = array<i32>} : memref<25x128xi32, #tpu.memory_space<vmem>>, vector<1x16xi32>,
    %get3A_1090 = vector.shape_cast %get3A_1089 : vector<1x16xi32> to vector<16xi32>
    %sub3A_1091 = arith.constant 1 : i32
    %sub3A_1092 = vector.broadcast %sub3A_1091 : i32 to vector<16xi32>
    %sub3A_1093 = arith.subi %get3A_1090, %sub3A_1092 : vector<16xi32>
    %swap3A_1094 = arith.constant 4 : i32
    %swap3A_1095 = arith.index_cast %swap3A_1094 : i32 to index
    %swap3A_1096 = arith.constant 32 : index
    %swap3A_1097 = tpu.vector_load %arg5[%swap3A_1095, %swap3A_1096] {strides = array<i32>} : memref<25x128xi32, #tpu.memory_space<vmem>>, vector<1x16xi32>,
    %swap3A_1098 = vector.shape_cast %swap3A_1097 : vector<1x16xi32> to vector<16xi32>
    %swap3A_1099 = vector.shape_cast %sub3A_1093 : vector<16xi32> to vector<1x16xi32>
    tpu.vector_store %arg5[%swap3A_1095, %swap3A_1096], %swap3A_1099 {strides = array<i32>} : memref<25x128xi32, #tpu.memory_space<vmem>>, vector<1x16xi32>,
    %get3A_1100 = arith.constant 4 : i32
    %get3A_1101 = arith.index_cast %get3A_1100 : i32 to index
    %get3A_1102 = arith.constant 48 : index
    %get3A_1103 = tpu.vector_load %arg5[%get3A_1101, %get3A_1102] {strides = array<i32>} : memref<25x128xi32, #tpu.memory_space<vmem>>, vector<1x16xi32>,
    %get3A_1104 = vector.shape_cast %get3A_1103 : vector<1x16xi32> to vector<16xi32>
    %sub3A_1105 = arith.constant 1 : i32
    %sub3A_1106 = vector.broadcast %sub3A_1105 : i32 to vector<16xi32>
    %sub3A_1107 = arith.subi %get3A_1104, %sub3A_1106 : vector<16xi32>
    %swap3A_1108 = arith.constant 4 : i32
    %swap3A_1109 = arith.index_cast %swap3A_1108 : i32 to index
    %swap3A_1110 = arith.constant 48 : index
    %swap3A_1111 = tpu.vector_load %arg5[%swap3A_1109, %swap3A_1110] {strides = array<i32>} : memref<25x128xi32, #tpu.memory_space<vmem>>, vector<1x16xi32>,
    %swap3A_1112 = vector.shape_cast %swap3A_1111 : vector<1x16xi32> to vector<16xi32>
    %swap3A_1113 = vector.shape_cast %sub3A_1107 : vector<16xi32> to vector<1x16xi32>
    tpu.vector_store %arg5[%swap3A_1109, %swap3A_1110], %swap3A_1113 {strides = array<i32>} : memref<25x128xi32, #tpu.memory_space<vmem>>, vector<1x16xi32>,
    %get3A_1114 = arith.constant 4 : i32
    %get3A_1115 = arith.index_cast %get3A_1114 : i32 to index
    %get3A_1116 = arith.constant 64 : index
    %get3A_1117 = tpu.vector_load %arg5[%get3A_1115, %get3A_1116] {strides = array<i32>} : memref<25x128xi32, #tpu.memory_space<vmem>>, vector<1x16xi32>,
    %get3A_1118 = vector.shape_cast %get3A_1117 : vector<1x16xi32> to vector<16xi32>
    %sub3A_1119 = arith.constant 1 : i32
    %sub3A_1120 = vector.broadcast %sub3A_1119 : i32 to vector<16xi32>
    %sub3A_1121 = arith.subi %get3A_1118, %sub3A_1120 : vector<16xi32>
    %swap3A_1122 = arith.constant 4 : i32
    %swap3A_1123 = arith.index_cast %swap3A_1122 : i32 to index
    %swap3A_1124 = arith.constant 64 : index
    %swap3A_1125 = tpu.vector_load %arg5[%swap3A_1123, %swap3A_1124] {strides = array<i32>} : memref<25x128xi32, #tpu.memory_space<vmem>>, vector<1x16xi32>,
    %swap3A_1126 = vector.shape_cast %swap3A_1125 : vector<1x16xi32> to vector<16xi32>
    %swap3A_1127 = vector.shape_cast %sub3A_1121 : vector<16xi32> to vector<1x16xi32>
    tpu.vector_store %arg5[%swap3A_1123, %swap3A_1124], %swap3A_1127 {strides = array<i32>} : memref<25x128xi32, #tpu.memory_space<vmem>>, vector<1x16xi32>,
    %get3A_1128 = arith.constant 4 : i32
    %get3A_1129 = arith.index_cast %get3A_1128 : i32 to index
    %get3A_1130 = arith.constant 80 : index
    %get3A_1131 = tpu.vector_load %arg5[%get3A_1129, %get3A_1130] {strides = array<i32>} : memref<25x128xi32, #tpu.memory_space<vmem>>, vector<1x16xi32>,
    %get3A_1132 = vector.shape_cast %get3A_1131 : vector<1x16xi32> to vector<16xi32>
    %sub3A_1133 = arith.constant 1 : i32
    %sub3A_1134 = vector.broadcast %sub3A_1133 : i32 to vector<16xi32>
    %sub3A_1135 = arith.subi %get3A_1132, %sub3A_1134 : vector<16xi32>
    %swap3A_1136 = arith.constant 4 : i32
    %swap3A_1137 = arith.index_cast %swap3A_1136 : i32 to index
    %swap3A_1138 = arith.constant 80 : index
    %swap3A_1139 = tpu.vector_load %arg5[%swap3A_1137, %swap3A_1138] {strides = array<i32>} : memref<25x128xi32, #tpu.memory_space<vmem>>, vector<1x16xi32>,
    %swap3A_1140 = vector.shape_cast %swap3A_1139 : vector<1x16xi32> to vector<16xi32>
    %swap3A_1141 = vector.shape_cast %sub3A_1135 : vector<16xi32> to vector<1x16xi32>
    tpu.vector_store %arg5[%swap3A_1137, %swap3A_1138], %swap3A_1141 {strides = array<i32>} : memref<25x128xi32, #tpu.memory_space<vmem>>, vector<1x16xi32>,
    %get3A_1142 = arith.constant 4 : i32
    %get3A_1143 = arith.index_cast %get3A_1142 : i32 to index
    %get3A_1144 = arith.constant 96 : index
    %get3A_1145 = tpu.vector_load %arg5[%get3A_1143, %get3A_1144] {strides = array<i32>} : memref<25x128xi32, #tpu.memory_space<vmem>>, vector<1x16xi32>,
    %get3A_1146 = vector.shape_cast %get3A_1145 : vector<1x16xi32> to vector<16xi32>
    %sub3A_1147 = arith.constant 1 : i32
    %sub3A_1148 = vector.broadcast %sub3A_1147 : i32 to vector<16xi32>
    %sub3A_1149 = arith.subi %get3A_1146, %sub3A_1148 : vector<16xi32>
    %swap3A_1150 = arith.constant 4 : i32
    %swap3A_1151 = arith.index_cast %swap3A_1150 : i32 to index
    %swap3A_1152 = arith.constant 96 : index
    %swap3A_1153 = tpu.vector_load %arg5[%swap3A_1151, %swap3A_1152] {strides = array<i32>} : memref<25x128xi32, #tpu.memory_space<vmem>>, vector<1x16xi32>,
    %swap3A_1154 = vector.shape_cast %swap3A_1153 : vector<1x16xi32> to vector<16xi32>
    %swap3A_1155 = vector.shape_cast %sub3A_1149 : vector<16xi32> to vector<1x16xi32>
    tpu.vector_store %arg5[%swap3A_1151, %swap3A_1152], %swap3A_1155 {strides = array<i32>} : memref<25x128xi32, #tpu.memory_space<vmem>>, vector<1x16xi32>,
    %get3A_1156 = arith.constant 4 : i32
    %get3A_1157 = arith.index_cast %get3A_1156 : i32 to index
    %get3A_1158 = arith.constant 112 : index
    %get3A_1159 = tpu.vector_load %arg5[%get3A_1157, %get3A_1158] {strides = array<i32>} : memref<25x128xi32, #tpu.memory_space<vmem>>, vector<1x16xi32>,
    %get3A_1160 = vector.shape_cast %get3A_1159 : vector<1x16xi32> to vector<16xi32>
    %sub3A_1161 = arith.constant 1 : i32
    %sub3A_1162 = vector.broadcast %sub3A_1161 : i32 to vector<16xi32>
    %sub3A_1163 = arith.subi %get3A_1160, %sub3A_1162 : vector<16xi32>
    %swap3A_1164 = arith.constant 4 : i32
    %swap3A_1165 = arith.index_cast %swap3A_1164 : i32 to index
    %swap3A_1166 = arith.constant 112 : index
    %swap3A_1167 = tpu.vector_load %arg5[%swap3A_1165, %swap3A_1166] {strides = array<i32>} : memref<25x128xi32, #tpu.memory_space<vmem>>, vector<1x16xi32>,
    %swap3A_1168 = vector.shape_cast %swap3A_1167 : vector<1x16xi32> to vector<16xi32>
    %swap3A_1169 = vector.shape_cast %sub3A_1163 : vector<16xi32> to vector<1x16xi32>
    tpu.vector_store %arg5[%swap3A_1165, %swap3A_1166], %swap3A_1169 {strides = array<i32>} : memref<25x128xi32, #tpu.memory_space<vmem>>, vector<1x16xi32>,
    %dma_start3A_1170 = arith.constant 4 : i32
    %dma_start3A_1171 = arith.constant 0 : i32
    %dma_start3A_1172 = tpu.memref_slice %arg5[%dma_start3A_1170, %dma_start3A_1171] : memref<25x128xi32, #tpu.memory_space<vmem>> -> memref<1x128xi32, #tpu.memory_space<vmem>>
    %dma_start3A_1173 = tpu.memref_squeeze %dma_start3A_1172 : memref<1x128xi32, #tpu.memory_space<vmem>> -> memref<128xi32, #tpu.memory_space<vmem>>
    %dma_start3A_1174 = arith.constant 0 : i32
    %dma_start3A_1175 = arith.constant 0 : i32
    %dma_start3A_1176 = tpu.memref_slice %arg11[%dma_start3A_1174, %dma_start3A_1175] : memref<100x128xf32, #tpu.memory_space<vmem_shared>> -> memref<100x128xf32, #tpu.memory_space<vmem_shared>>
    tpu.enqueue_indirect_dma source(%dma_start3A_1176 : memref<100x128xf32, #tpu.memory_space<vmem_shared>>) target(%arg10 : memref<128x128xf32, #tpu.memory_space<vmem>>) offsets(%dma_start3A_1173 : memref<128xi32, #tpu.memory_space<vmem>>) semaphore(%arg17 : memref<!tpu.dma_semaphore, #tpu.memory_space<semaphore_mem>>)
    %dma_wait3A_1177 = arith.constant 3 : i32
    %dma_wait3A_1178 = arith.constant 0 : i32
    %dma_wait3A_1179 = tpu.memref_slice %arg5[%dma_wait3A_1177, %dma_wait3A_1178] : memref<25x128xi32, #tpu.memory_space<vmem>> -> memref<1x128xi32, #tpu.memory_space<vmem>>
    %dma_wait3A_1180 = tpu.memref_squeeze %dma_wait3A_1179 : memref<1x128xi32, #tpu.memory_space<vmem>> -> memref<128xi32, #tpu.memory_space<vmem>>
    %dma_wait3A_1181 = arith.constant 0 : i32
    %dma_wait3A_1182 = arith.constant 0 : i32
    %dma_wait3A_1183 = tpu.memref_slice %arg11[%dma_wait3A_1181, %dma_wait3A_1182] : memref<100x128xf32, #tpu.memory_space<vmem_shared>> -> memref<100x128xf32, #tpu.memory_space<vmem_shared>>
    tpu.wait_indirect_dma semaphore(%arg16 : memref<!tpu.dma_semaphore, #tpu.memory_space<semaphore_mem>>) src(%dma_wait3A_1183 : memref<100x128xf32, #tpu.memory_space<vmem_shared>>) dst(%arg9 : memref<128x128xf32, #tpu.memory_space<vmem>>)
    %add3A_1184 = arith.constant 96 : i32
    %add3A_1185 = arith.addi %add3A, %add3A_1184 : i32
    %min3A_1186 = arith.constant 781 : i32
    %min3A_1187 = arith.minsi %add3A_1185, %min3A_1186 : i32
    %mul3A_1188 = arith.constant 128 : i32
    %mul3A_1189 = arith.muli %min3A_1187, %mul3A_1188 : i32
    %min3A_1190 = arith.constant 99872 : i32
    %min3A_1191 = arith.minsi %mul3A_1189, %min3A_1190 : i32
    %multiple_of3A_1192 = tpu.assume_multiple %min3A_1191, 8 : i32
    %dma_start3A_1193 = arith.constant 0 : i32
    %dma_start3A_1194 = tpu.memref_slice %arg4[%multiple_of3A_1192, %dma_start3A_1193] : memref<100000x128xf32, #tpu.memory_space<hbm>> -> memref<128x128xf32, #tpu.memory_space<hbm>>
    %dma_start3A_1195 = arith.constant 0 : i32
    %dma_start3A_1196 = tpu.memref_slice %arg4[%multiple_of3A_1192, %dma_start3A_1195] : memref<100000x128xf32, #tpu.memory_space<hbm>> -> memref<128x128xf32, #tpu.memory_space<hbm>>
    tpu.enqueue_dma source(%arg9 : memref<128x128xf32, #tpu.memory_space<vmem>>) target(%dma_start3A_1196 : memref<128x128xf32, #tpu.memory_space<hbm>>) target_semaphore(%arg21 : memref<!tpu.dma_semaphore, #tpu.memory_space<semaphore_mem>>)
    %add3A_1197 = arith.constant 0 : i32
    %add3A_1198 = arith.addi %add3A, %add3A_1197 : i32
    %min3A_1199 = arith.constant 781 : i32
    %min3A_1200 = arith.minsi %add3A_1198, %min3A_1199 : i32
    %mul3A_1201 = arith.constant 128 : i32
    %mul3A_1202 = arith.muli %min3A_1200, %mul3A_1201 : i32
    %min3A_1203 = arith.constant 99872 : i32
    %min3A_1204 = arith.minsi %mul3A_1202, %min3A_1203 : i32
    %multiple_of3A_1205 = tpu.assume_multiple %min3A_1204, 8 : i32
    %dma_wait3A_1206 = arith.constant 0 : i32
    %dma_wait3A_1207 = tpu.memref_slice %arg4[%multiple_of3A_1205, %dma_wait3A_1206] : memref<100000x128xf32, #tpu.memory_space<hbm>> -> memref<128x128xf32, #tpu.memory_space<hbm>>
    %dma_wait3A_1208 = arith.constant 0 : i32
    %dma_wait3A_1209 = tpu.memref_slice %arg4[%multiple_of3A_1205, %dma_wait3A_1208] : memref<100000x128xf32, #tpu.memory_space<hbm>> -> memref<128x128xf32, #tpu.memory_space<hbm>>
    tpu.wait_dma2 semaphore(%arg18 : memref<!tpu.dma_semaphore, #tpu.memory_space<semaphore_mem>>) src(%arg6 : memref<128x128xf32, #tpu.memory_space<vmem>>) dst(%dma_wait3A_1209 : memref<128x128xf32, #tpu.memory_space<hbm>>)
    %add3A_1210 = arith.constant 160 : i32
    %add3A_1211 = arith.addi %add3A, %add3A_1210 : i32
    %min3A_1212 = arith.constant 781 : i32
    %min3A_1213 = arith.minsi %add3A_1211, %min3A_1212 : i32
    %mul3A_1214 = arith.constant 128 : i32
    %mul3A_1215 = arith.muli %min3A_1213, %mul3A_1214 : i32
    %min3A_1216 = arith.constant 99872 : i32
    %min3A_1217 = arith.minsi %mul3A_1215, %min3A_1216 : i32
    %multiple_of3A_1218 = tpu.assume_multiple %min3A_1217, 8 : i32
    %dma_wait3A_1219 = arith.constant 5 : i32
    %dma_wait3A_1220 = arith.constant 0 : i32
    %dma_wait3A_1221 = tpu.memref_slice %arg5[%dma_wait3A_1219, %dma_wait3A_1220] : memref<25x128xi32, #tpu.memory_space<vmem>> -> memref<1x128xi32, #tpu.memory_space<vmem>>
    %dma_wait3A_1222 = tpu.memref_squeeze %dma_wait3A_1221 : memref<1x128xi32, #tpu.memory_space<vmem>> -> memref<128xi32, #tpu.memory_space<vmem>>
    %dma_wait3A_1223 = tpu.memref_slice %arg2[%multiple_of3A_1218] : memref<100000xi32, #tpu.memory_space<hbm>> -> memref<128xi32, #tpu.memory_space<hbm>>
    %dma_wait3A_1224 = arith.constant 0 : i32
    %dma_wait3A_1225 = tpu.memref_slice %arg5[%dma_wait3A_1219, %dma_wait3A_1224] : memref<25x128xi32, #tpu.memory_space<vmem>> -> memref<1x128xi32, #tpu.memory_space<vmem>>
    %dma_wait3A_1226 = tpu.memref_squeeze %dma_wait3A_1225 : memref<1x128xi32, #tpu.memory_space<vmem>> -> memref<128xi32, #tpu.memory_space<vmem>>
    %dma_wait3A_1227 = tpu.memref_slice %arg2[%multiple_of3A_1218] : memref<100000xi32, #tpu.memory_space<hbm>> -> memref<128xi32, #tpu.memory_space<hbm>>
    tpu.wait_dma2 semaphore(%arg12 : memref<!tpu.dma_semaphore, #tpu.memory_space<semaphore_mem>>) src(%dma_wait3A_1227 : memref<128xi32, #tpu.memory_space<hbm>>) dst(%dma_wait3A_1226 : memref<128xi32, #tpu.memory_space<vmem>>)
    %get3A_1228 = arith.constant 5 : i32
    %get3A_1229 = arith.index_cast %get3A_1228 : i32 to index
    %get3A_1230 = arith.constant 0 : index
    %get3A_1231 = tpu.vector_load %arg5[%get3A_1229, %get3A_1230] {strides = array<i32>} : memref<25x128xi32, #tpu.memory_space<vmem>>, vector<1x16xi32>,
    %get3A_1232 = vector.shape_cast %get3A_1231 : vector<1x16xi32> to vector<16xi32>
    %sub3A_1233 = arith.constant 1 : i32
    %sub3A_1234 = vector.broadcast %sub3A_1233 : i32 to vector<16xi32>
    %sub3A_1235 = arith.subi %get3A_1232, %sub3A_1234 : vector<16xi32>
    %swap3A_1236 = arith.constant 5 : i32
    %swap3A_1237 = arith.index_cast %swap3A_1236 : i32 to index
    %swap3A_1238 = arith.constant 0 : index
    %swap3A_1239 = tpu.vector_load %arg5[%swap3A_1237, %swap3A_1238] {strides = array<i32>} : memref<25x128xi32, #tpu.memory_space<vmem>>, vector<1x16xi32>,
    %swap3A_1240 = vector.shape_cast %swap3A_1239 : vector<1x16xi32> to vector<16xi32>
    %swap3A_1241 = vector.shape_cast %sub3A_1235 : vector<16xi32> to vector<1x16xi32>
    tpu.vector_store %arg5[%swap3A_1237, %swap3A_1238], %swap3A_1241 {strides = array<i32>} : memref<25x128xi32, #tpu.memory_space<vmem>>, vector<1x16xi32>,
    %get3A_1242 = arith.constant 5 : i32
    %get3A_1243 = arith.index_cast %get3A_1242 : i32 to index
    %get3A_1244 = arith.constant 16 : index
    %get3A_1245 = tpu.vector_load %arg5[%get3A_1243, %get3A_1244] {strides = array<i32>} : memref<25x128xi32, #tpu.memory_space<vmem>>, vector<1x16xi32>,
    %get3A_1246 = vector.shape_cast %get3A_1245 : vector<1x16xi32> to vector<16xi32>
    %sub3A_1247 = arith.constant 1 : i32
    %sub3A_1248 = vector.broadcast %sub3A_1247 : i32 to vector<16xi32>
    %sub3A_1249 = arith.subi %get3A_1246, %sub3A_1248 : vector<16xi32>
    %swap3A_1250 = arith.constant 5 : i32
    %swap3A_1251 = arith.index_cast %swap3A_1250 : i32 to index
    %swap3A_1252 = arith.constant 16 : index
    %swap3A_1253 = tpu.vector_load %arg5[%swap3A_1251, %swap3A_1252] {strides = array<i32>} : memref<25x128xi32, #tpu.memory_space<vmem>>, vector<1x16xi32>,
    %swap3A_1254 = vector.shape_cast %swap3A_1253 : vector<1x16xi32> to vector<16xi32>
    %swap3A_1255 = vector.shape_cast %sub3A_1249 : vector<16xi32> to vector<1x16xi32>
    tpu.vector_store %arg5[%swap3A_1251, %swap3A_1252], %swap3A_1255 {strides = array<i32>} : memref<25x128xi32, #tpu.memory_space<vmem>>, vector<1x16xi32>,
    %get3A_1256 = arith.constant 5 : i32
    %get3A_1257 = arith.index_cast %get3A_1256 : i32 to index
    %get3A_1258 = arith.constant 32 : index
    %get3A_1259 = tpu.vector_load %arg5[%get3A_1257, %get3A_1258] {strides = array<i32>} : memref<25x128xi32, #tpu.memory_space<vmem>>, vector<1x16xi32>,
    %get3A_1260 = vector.shape_cast %get3A_1259 : vector<1x16xi32> to vector<16xi32>
    %sub3A_1261 = arith.constant 1 : i32
    %sub3A_1262 = vector.broadcast %sub3A_1261 : i32 to vector<16xi32>
    %sub3A_1263 = arith.subi %get3A_1260, %sub3A_1262 : vector<16xi32>
    %swap3A_1264 = arith.constant 5 : i32
    %swap3A_1265 = arith.index_cast %swap3A_1264 : i32 to index
    %swap3A_1266 = arith.constant 32 : index
    %swap3A_1267 = tpu.vector_load %arg5[%swap3A_1265, %swap3A_1266] {strides = array<i32>} : memref<25x128xi32, #tpu.memory_space<vmem>>, vector<1x16xi32>,
    %swap3A_1268 = vector.shape_cast %swap3A_1267 : vector<1x16xi32> to vector<16xi32>
    %swap3A_1269 = vector.shape_cast %sub3A_1263 : vector<16xi32> to vector<1x16xi32>
    tpu.vector_store %arg5[%swap3A_1265, %swap3A_1266], %swap3A_1269 {strides = array<i32>} : memref<25x128xi32, #tpu.memory_space<vmem>>, vector<1x16xi32>,
    %get3A_1270 = arith.constant 5 : i32
    %get3A_1271 = arith.index_cast %get3A_1270 : i32 to index
    %get3A_1272 = arith.constant 48 : index
    %get3A_1273 = tpu.vector_load %arg5[%get3A_1271, %get3A_1272] {strides = array<i32>} : memref<25x128xi32, #tpu.memory_space<vmem>>, vector<1x16xi32>,
    %get3A_1274 = vector.shape_cast %get3A_1273 : vector<1x16xi32> to vector<16xi32>
    %sub3A_1275 = arith.constant 1 : i32
    %sub3A_1276 = vector.broadcast %sub3A_1275 : i32 to vector<16xi32>
    %sub3A_1277 = arith.subi %get3A_1274, %sub3A_1276 : vector<16xi32>
    %swap3A_1278 = arith.constant 5 : i32
    %swap3A_1279 = arith.index_cast %swap3A_1278 : i32 to index
    %swap3A_1280 = arith.constant 48 : index
    %swap3A_1281 = tpu.vector_load %arg5[%swap3A_1279, %swap3A_1280] {strides = array<i32>} : memref<25x128xi32, #tpu.memory_space<vmem>>, vector<1x16xi32>,
    %swap3A_1282 = vector.shape_cast %swap3A_1281 : vector<1x16xi32> to vector<16xi32>
    %swap3A_1283 = vector.shape_cast %sub3A_1277 : vector<16xi32> to vector<1x16xi32>
    tpu.vector_store %arg5[%swap3A_1279, %swap3A_1280], %swap3A_1283 {strides = array<i32>} : memref<25x128xi32, #tpu.memory_space<vmem>>, vector<1x16xi32>,
    %get3A_1284 = arith.constant 5 : i32
    %get3A_1285 = arith.index_cast %get3A_1284 : i32 to index
    %get3A_1286 = arith.constant 64 : index
    %get3A_1287 = tpu.vector_load %arg5[%get3A_1285, %get3A_1286] {strides = array<i32>} : memref<25x128xi32, #tpu.memory_space<vmem>>, vector<1x16xi32>,
    %get3A_1288 = vector.shape_cast %get3A_1287 : vector<1x16xi32> to vector<16xi32>
    %sub3A_1289 = arith.constant 1 : i32
    %sub3A_1290 = vector.broadcast %sub3A_1289 : i32 to vector<16xi32>
    %sub3A_1291 = arith.subi %get3A_1288, %sub3A_1290 : vector<16xi32>
    %swap3A_1292 = arith.constant 5 : i32
    %swap3A_1293 = arith.index_cast %swap3A_1292 : i32 to index
    %swap3A_1294 = arith.constant 64 : index
    %swap3A_1295 = tpu.vector_load %arg5[%swap3A_1293, %swap3A_1294] {strides = array<i32>} : memref<25x128xi32, #tpu.memory_space<vmem>>, vector<1x16xi32>,
    %swap3A_1296 = vector.shape_cast %swap3A_1295 : vector<1x16xi32> to vector<16xi32>
    %swap3A_1297 = vector.shape_cast %sub3A_1291 : vector<16xi32> to vector<1x16xi32>
    tpu.vector_store %arg5[%swap3A_1293, %swap3A_1294], %swap3A_1297 {strides = array<i32>} : memref<25x128xi32, #tpu.memory_space<vmem>>, vector<1x16xi32>,
    %get3A_1298 = arith.constant 5 : i32
    %get3A_1299 = arith.index_cast %get3A_1298 : i32 to index
    %get3A_1300 = arith.constant 80 : index
    %get3A_1301 = tpu.vector_load %arg5[%get3A_1299, %get3A_1300] {strides = array<i32>} : memref<25x128xi32, #tpu.memory_space<vmem>>, vector<1x16xi32>,
    %get3A_1302 = vector.shape_cast %get3A_1301 : vector<1x16xi32> to vector<16xi32>
    %sub3A_1303 = arith.constant 1 : i32
    %sub3A_1304 = vector.broadcast %sub3A_1303 : i32 to vector<16xi32>
    %sub3A_1305 = arith.subi %get3A_1302, %sub3A_1304 : vector<16xi32>
    %swap3A_1306 = arith.constant 5 : i32
    %swap3A_1307 = arith.index_cast %swap3A_1306 : i32 to index
    %swap3A_1308 = arith.constant 80 : index
    %swap3A_1309 = tpu.vector_load %arg5[%swap3A_1307, %swap3A_1308] {strides = array<i32>} : memref<25x128xi32, #tpu.memory_space<vmem>>, vector<1x16xi32>,
    %swap3A_1310 = vector.shape_cast %swap3A_1309 : vector<1x16xi32> to vector<16xi32>
    %swap3A_1311 = vector.shape_cast %sub3A_1305 : vector<16xi32> to vector<1x16xi32>
    tpu.vector_store %arg5[%swap3A_1307, %swap3A_1308], %swap3A_1311 {strides = array<i32>} : memref<25x128xi32, #tpu.memory_space<vmem>>, vector<1x16xi32>,
    %get3A_1312 = arith.constant 5 : i32
    %get3A_1313 = arith.index_cast %get3A_1312 : i32 to index
    %get3A_1314 = arith.constant 96 : index
    %get3A_1315 = tpu.vector_load %arg5[%get3A_1313, %get3A_1314] {strides = array<i32>} : memref<25x128xi32, #tpu.memory_space<vmem>>, vector<1x16xi32>,
    %get3A_1316 = vector.shape_cast %get3A_1315 : vector<1x16xi32> to vector<16xi32>
    %sub3A_1317 = arith.constant 1 : i32
    %sub3A_1318 = vector.broadcast %sub3A_1317 : i32 to vector<16xi32>
    %sub3A_1319 = arith.subi %get3A_1316, %sub3A_1318 : vector<16xi32>
    %swap3A_1320 = arith.constant 5 : i32
    %swap3A_1321 = arith.index_cast %swap3A_1320 : i32 to index
    %swap3A_1322 = arith.constant 96 : index
    %swap3A_1323 = tpu.vector_load %arg5[%swap3A_1321, %swap3A_1322] {strides = array<i32>} : memref<25x128xi32, #tpu.memory_space<vmem>>, vector<1x16xi32>,
    %swap3A_1324 = vector.shape_cast %swap3A_1323 : vector<1x16xi32> to vector<16xi32>
    %swap3A_1325 = vector.shape_cast %sub3A_1319 : vector<16xi32> to vector<1x16xi32>
    tpu.vector_store %arg5[%swap3A_1321, %swap3A_1322], %swap3A_1325 {strides = array<i32>} : memref<25x128xi32, #tpu.memory_space<vmem>>, vector<1x16xi32>,
    %get3A_1326 = arith.constant 5 : i32
    %get3A_1327 = arith.index_cast %get3A_1326 : i32 to index
    %get3A_1328 = arith.constant 112 : index
    %get3A_1329 = tpu.vector_load %arg5[%get3A_1327, %get3A_1328] {strides = array<i32>} : memref<25x128xi32, #tpu.memory_space<vmem>>, vector<1x16xi32>,
    %get3A_1330 = vector.shape_cast %get3A_1329 : vector<1x16xi32> to vector<16xi32>
    %sub3A_1331 = arith.constant 1 : i32
    %sub3A_1332 = vector.broadcast %sub3A_1331 : i32 to vector<16xi32>
    %sub3A_1333 = arith.subi %get3A_1330, %sub3A_1332 : vector<16xi32>
    %swap3A_1334 = arith.constant 5 : i32
    %swap3A_1335 = arith.index_cast %swap3A_1334 : i32 to index
    %swap3A_1336 = arith.constant 112 : index
    %swap3A_1337 = tpu.vector_load %arg5[%swap3A_1335, %swap3A_1336] {strides = array<i32>} : memref<25x128xi32, #tpu.memory_space<vmem>>, vector<1x16xi32>,
    %swap3A_1338 = vector.shape_cast %swap3A_1337 : vector<1x16xi32> to vector<16xi32>
    %swap3A_1339 = vector.shape_cast %sub3A_1333 : vector<16xi32> to vector<1x16xi32>
    tpu.vector_store %arg5[%swap3A_1335, %swap3A_1336], %swap3A_1339 {strides = array<i32>} : memref<25x128xi32, #tpu.memory_space<vmem>>, vector<1x16xi32>,
    %dma_start3A_1340 = arith.constant 5 : i32
    %dma_start3A_1341 = arith.constant 0 : i32
    %dma_start3A_1342 = tpu.memref_slice %arg5[%dma_start3A_1340, %dma_start3A_1341] : memref<25x128xi32, #tpu.memory_space<vmem>> -> memref<1x128xi32, #tpu.memory_space<vmem>>
    %dma_start3A_1343 = tpu.memref_squeeze %dma_start3A_1342 : memref<1x128xi32, #tpu.memory_space<vmem>> -> memref<128xi32, #tpu.memory_space<vmem>>
    %dma_start3A_1344 = arith.constant 0 : i32
    %dma_start3A_1345 = arith.constant 0 : i32
    %dma_start3A_1346 = tpu.memref_slice %arg11[%dma_start3A_1344, %dma_start3A_1345] : memref<100x128xf32, #tpu.memory_space<vmem_shared>> -> memref<100x128xf32, #tpu.memory_space<vmem_shared>>
    tpu.enqueue_indirect_dma source(%dma_start3A_1346 : memref<100x128xf32, #tpu.memory_space<vmem_shared>>) target(%arg6 : memref<128x128xf32, #tpu.memory_space<vmem>>) offsets(%dma_start3A_1343 : memref<128xi32, #tpu.memory_space<vmem>>) semaphore(%arg13 : memref<!tpu.dma_semaphore, #tpu.memory_space<semaphore_mem>>)
    %dma_wait3A_1347 = arith.constant 4 : i32
    %dma_wait3A_1348 = arith.constant 0 : i32
    %dma_wait3A_1349 = tpu.memref_slice %arg5[%dma_wait3A_1347, %dma_wait3A_1348] : memref<25x128xi32, #tpu.memory_space<vmem>> -> memref<1x128xi32, #tpu.memory_space<vmem>>
    %dma_wait3A_1350 = tpu.memref_squeeze %dma_wait3A_1349 : memref<1x128xi32, #tpu.memory_space<vmem>> -> memref<128xi32, #tpu.memory_space<vmem>>
    %dma_wait3A_1351 = arith.constant 0 : i32
    %dma_wait3A_1352 = arith.constant 0 : i32
    %dma_wait3A_1353 = tpu.memref_slice %arg11[%dma_wait3A_1351, %dma_wait3A_1352] : memref<100x128xf32, #tpu.memory_space<vmem_shared>> -> memref<100x128xf32, #tpu.memory_space<vmem_shared>>
    tpu.wait_indirect_dma semaphore(%arg17 : memref<!tpu.dma_semaphore, #tpu.memory_space<semaphore_mem>>) src(%dma_wait3A_1353 : memref<100x128xf32, #tpu.memory_space<vmem_shared>>) dst(%arg10 : memref<128x128xf32, #tpu.memory_space<vmem>>)
    %add3A_1354 = arith.constant 128 : i32
    %add3A_1355 = arith.addi %add3A, %add3A_1354 : i32
    %min3A_1356 = arith.constant 781 : i32
    %min3A_1357 = arith.minsi %add3A_1355, %min3A_1356 : i32
    %mul3A_1358 = arith.constant 128 : i32
    %mul3A_1359 = arith.muli %min3A_1357, %mul3A_1358 : i32
    %min3A_1360 = arith.constant 99872 : i32
    %min3A_1361 = arith.minsi %mul3A_1359, %min3A_1360 : i32
    %multiple_of3A_1362 = tpu.assume_multiple %min3A_1361, 8 : i32
    %dma_start3A_1363 = arith.constant 0 : i32
    %dma_start3A_1364 = tpu.memref_slice %arg4[%multiple_of3A_1362, %dma_start3A_1363] : memref<100000x128xf32, #tpu.memory_space<hbm>> -> memref<128x128xf32, #tpu.memory_space<hbm>>
    %dma_start3A_1365 = arith.constant 0 : i32
    %dma_start3A_1366 = tpu.memref_slice %arg4[%multiple_of3A_1362, %dma_start3A_1365] : memref<100000x128xf32, #tpu.memory_space<hbm>> -> memref<128x128xf32, #tpu.memory_space<hbm>>
    tpu.enqueue_dma source(%arg10 : memref<128x128xf32, #tpu.memory_space<vmem>>) target(%dma_start3A_1366 : memref<128x128xf32, #tpu.memory_space<hbm>>) target_semaphore(%arg22 : memref<!tpu.dma_semaphore, #tpu.memory_space<semaphore_mem>>)
    %add3A_1367 = arith.constant 32 : i32
    %add3A_1368 = arith.addi %add3A, %add3A_1367 : i32
    %min3A_1369 = arith.constant 781 : i32
    %min3A_1370 = arith.minsi %add3A_1368, %min3A_1369 : i32
    %mul3A_1371 = arith.constant 128 : i32
    %mul3A_1372 = arith.muli %min3A_1370, %mul3A_1371 : i32
    %min3A_1373 = arith.constant 99872 : i32
    %min3A_1374 = arith.minsi %mul3A_1372, %min3A_1373 : i32
    %multiple_of3A_1375 = tpu.assume_multiple %min3A_1374, 8 : i32
    %dma_wait3A_1376 = arith.constant 0 : i32
    %dma_wait3A_1377 = tpu.memref_slice %arg4[%multiple_of3A_1375, %dma_wait3A_1376] : memref<100000x128xf32, #tpu.memory_space<hbm>> -> memref<128x128xf32, #tpu.memory_space<hbm>>
    %dma_wait3A_1378 = arith.constant 0 : i32
    %dma_wait3A_1379 = tpu.memref_slice %arg4[%multiple_of3A_1375, %dma_wait3A_1378] : memref<100000x128xf32, #tpu.memory_space<hbm>> -> memref<128x128xf32, #tpu.memory_space<hbm>>
    tpu.wait_dma2 semaphore(%arg19 : memref<!tpu.dma_semaphore, #tpu.memory_space<semaphore_mem>>) src(%arg7 : memref<128x128xf32, #tpu.memory_space<vmem>>) dst(%dma_wait3A_1379 : memref<128x128xf32, #tpu.memory_space<hbm>>)
    %add3A_1380 = arith.constant 192 : i32
    %add3A_1381 = arith.addi %add3A, %add3A_1380 : i32
    %min3A_1382 = arith.constant 781 : i32
    %min3A_1383 = arith.minsi %add3A_1381, %min3A_1382 : i32
    %mul3A_1384 = arith.constant 128 : i32
    %mul3A_1385 = arith.muli %min3A_1383, %mul3A_1384 : i32
    %min3A_1386 = arith.constant 99872 : i32
    %min3A_1387 = arith.minsi %mul3A_1385, %min3A_1386 : i32
    %multiple_of3A_1388 = tpu.assume_multiple %min3A_1387, 8 : i32
    %dma_wait3A_1389 = arith.constant 6 : i32
    %dma_wait3A_1390 = arith.constant 0 : i32
    %dma_wait3A_1391 = tpu.memref_slice %arg5[%dma_wait3A_1389, %dma_wait3A_1390] : memref<25x128xi32, #tpu.memory_space<vmem>> -> memref<1x128xi32, #tpu.memory_space<vmem>>
    %dma_wait3A_1392 = tpu.memref_squeeze %dma_wait3A_1391 : memref<1x128xi32, #tpu.memory_space<vmem>> -> memref<128xi32, #tpu.memory_space<vmem>>
    %dma_wait3A_1393 = tpu.memref_slice %arg2[%multiple_of3A_1388] : memref<100000xi32, #tpu.memory_space<hbm>> -> memref<128xi32, #tpu.memory_space<hbm>>
    %dma_wait3A_1394 = arith.constant 0 : i32
    %dma_wait3A_1395 = tpu.memref_slice %arg5[%dma_wait3A_1389, %dma_wait3A_1394] : memref<25x128xi32, #tpu.memory_space<vmem>> -> memref<1x128xi32, #tpu.memory_space<vmem>>
    %dma_wait3A_1396 = tpu.memref_squeeze %dma_wait3A_1395 : memref<1x128xi32, #tpu.memory_space<vmem>> -> memref<128xi32, #tpu.memory_space<vmem>>
    %dma_wait3A_1397 = tpu.memref_slice %arg2[%multiple_of3A_1388] : memref<100000xi32, #tpu.memory_space<hbm>> -> memref<128xi32, #tpu.memory_space<hbm>>
    tpu.wait_dma2 semaphore(%arg12 : memref<!tpu.dma_semaphore, #tpu.memory_space<semaphore_mem>>) src(%dma_wait3A_1397 : memref<128xi32, #tpu.memory_space<hbm>>) dst(%dma_wait3A_1396 : memref<128xi32, #tpu.memory_space<vmem>>)
    %get3A_1398 = arith.constant 6 : i32
    %get3A_1399 = arith.index_cast %get3A_1398 : i32 to index
    %get3A_1400 = arith.constant 0 : index
    %get3A_1401 = tpu.vector_load %arg5[%get3A_1399, %get3A_1400] {strides = array<i32>} : memref<25x128xi32, #tpu.memory_space<vmem>>, vector<1x16xi32>,
    %get3A_1402 = vector.shape_cast %get3A_1401 : vector<1x16xi32> to vector<16xi32>
    %sub3A_1403 = arith.constant 1 : i32
    %sub3A_1404 = vector.broadcast %sub3A_1403 : i32 to vector<16xi32>
    %sub3A_1405 = arith.subi %get3A_1402, %sub3A_1404 : vector<16xi32>
    %swap3A_1406 = arith.constant 6 : i32
    %swap3A_1407 = arith.index_cast %swap3A_1406 : i32 to index
    %swap3A_1408 = arith.constant 0 : index
    %swap3A_1409 = tpu.vector_load %arg5[%swap3A_1407, %swap3A_1408] {strides = array<i32>} : memref<25x128xi32, #tpu.memory_space<vmem>>, vector<1x16xi32>,
    %swap3A_1410 = vector.shape_cast %swap3A_1409 : vector<1x16xi32> to vector<16xi32>
    %swap3A_1411 = vector.shape_cast %sub3A_1405 : vector<16xi32> to vector<1x16xi32>
    tpu.vector_store %arg5[%swap3A_1407, %swap3A_1408], %swap3A_1411 {strides = array<i32>} : memref<25x128xi32, #tpu.memory_space<vmem>>, vector<1x16xi32>,
    %get3A_1412 = arith.constant 6 : i32
    %get3A_1413 = arith.index_cast %get3A_1412 : i32 to index
    %get3A_1414 = arith.constant 16 : index
    %get3A_1415 = tpu.vector_load %arg5[%get3A_1413, %get3A_1414] {strides = array<i32>} : memref<25x128xi32, #tpu.memory_space<vmem>>, vector<1x16xi32>,
    %get3A_1416 = vector.shape_cast %get3A_1415 : vector<1x16xi32> to vector<16xi32>
    %sub3A_1417 = arith.constant 1 : i32
    %sub3A_1418 = vector.broadcast %sub3A_1417 : i32 to vector<16xi32>
    %sub3A_1419 = arith.subi %get3A_1416, %sub3A_1418 : vector<16xi32>
    %swap3A_1420 = arith.constant 6 : i32
    %swap3A_1421 = arith.index_cast %swap3A_1420 : i32 to index
    %swap3A_1422 = arith.constant 16 : index
    %swap3A_1423 = tpu.vector_load %arg5[%swap3A_1421, %swap3A_1422] {strides = array<i32>} : memref<25x128xi32, #tpu.memory_space<vmem>>, vector<1x16xi32>,
    %swap3A_1424 = vector.shape_cast %swap3A_1423 : vector<1x16xi32> to vector<16xi32>
    %swap3A_1425 = vector.shape_cast %sub3A_1419 : vector<16xi32> to vector<1x16xi32>
    tpu.vector_store %arg5[%swap3A_1421, %swap3A_1422], %swap3A_1425 {strides = array<i32>} : memref<25x128xi32, #tpu.memory_space<vmem>>, vector<1x16xi32>,
    %get3A_1426 = arith.constant 6 : i32
    %get3A_1427 = arith.index_cast %get3A_1426 : i32 to index
    %get3A_1428 = arith.constant 32 : index
    %get3A_1429 = tpu.vector_load %arg5[%get3A_1427, %get3A_1428] {strides = array<i32>} : memref<25x128xi32, #tpu.memory_space<vmem>>, vector<1x16xi32>,
    %get3A_1430 = vector.shape_cast %get3A_1429 : vector<1x16xi32> to vector<16xi32>
    %sub3A_1431 = arith.constant 1 : i32
    %sub3A_1432 = vector.broadcast %sub3A_1431 : i32 to vector<16xi32>
    %sub3A_1433 = arith.subi %get3A_1430, %sub3A_1432 : vector<16xi32>
    %swap3A_1434 = arith.constant 6 : i32
    %swap3A_1435 = arith.index_cast %swap3A_1434 : i32 to index
    %swap3A_1436 = arith.constant 32 : index
    %swap3A_1437 = tpu.vector_load %arg5[%swap3A_1435, %swap3A_1436] {strides = array<i32>} : memref<25x128xi32, #tpu.memory_space<vmem>>, vector<1x16xi32>,
    %swap3A_1438 = vector.shape_cast %swap3A_1437 : vector<1x16xi32> to vector<16xi32>
    %swap3A_1439 = vector.shape_cast %sub3A_1433 : vector<16xi32> to vector<1x16xi32>
    tpu.vector_store %arg5[%swap3A_1435, %swap3A_1436], %swap3A_1439 {strides = array<i32>} : memref<25x128xi32, #tpu.memory_space<vmem>>, vector<1x16xi32>,
    %get3A_1440 = arith.constant 6 : i32
    %get3A_1441 = arith.index_cast %get3A_1440 : i32 to index
    %get3A_1442 = arith.constant 48 : index
    %get3A_1443 = tpu.vector_load %arg5[%get3A_1441, %get3A_1442] {strides = array<i32>} : memref<25x128xi32, #tpu.memory_space<vmem>>, vector<1x16xi32>,
    %get3A_1444 = vector.shape_cast %get3A_1443 : vector<1x16xi32> to vector<16xi32>
    %sub3A_1445 = arith.constant 1 : i32
    %sub3A_1446 = vector.broadcast %sub3A_1445 : i32 to vector<16xi32>
    %sub3A_1447 = arith.subi %get3A_1444, %sub3A_1446 : vector<16xi32>
    %swap3A_1448 = arith.constant 6 : i32
    %swap3A_1449 = arith.index_cast %swap3A_1448 : i32 to index
    %swap3A_1450 = arith.constant 48 : index
    %swap3A_1451 = tpu.vector_load %arg5[%swap3A_1449, %swap3A_1450] {strides = array<i32>} : memref<25x128xi32, #tpu.memory_space<vmem>>, vector<1x16xi32>,
    %swap3A_1452 = vector.shape_cast %swap3A_1451 : vector<1x16xi32> to vector<16xi32>
    %swap3A_1453 = vector.shape_cast %sub3A_1447 : vector<16xi32> to vector<1x16xi32>
    tpu.vector_store %arg5[%swap3A_1449, %swap3A_1450], %swap3A_1453 {strides = array<i32>} : memref<25x128xi32, #tpu.memory_space<vmem>>, vector<1x16xi32>,
    %get3A_1454 = arith.constant 6 : i32
    %get3A_1455 = arith.index_cast %get3A_1454 : i32 to index
    %get3A_1456 = arith.constant 64 : index
    %get3A_1457 = tpu.vector_load %arg5[%get3A_1455, %get3A_1456] {strides = array<i32>} : memref<25x128xi32, #tpu.memory_space<vmem>>, vector<1x16xi32>,
    %get3A_1458 = vector.shape_cast %get3A_1457 : vector<1x16xi32> to vector<16xi32>
    %sub3A_1459 = arith.constant 1 : i32
    %sub3A_1460 = vector.broadcast %sub3A_1459 : i32 to vector<16xi32>
    %sub3A_1461 = arith.subi %get3A_1458, %sub3A_1460 : vector<16xi32>
    %swap3A_1462 = arith.constant 6 : i32
    %swap3A_1463 = arith.index_cast %swap3A_1462 : i32 to index
    %swap3A_1464 = arith.constant 64 : index
    %swap3A_1465 = tpu.vector_load %arg5[%swap3A_1463, %swap3A_1464] {strides = array<i32>} : memref<25x128xi32, #tpu.memory_space<vmem>>, vector<1x16xi32>,
    %swap3A_1466 = vector.shape_cast %swap3A_1465 : vector<1x16xi32> to vector<16xi32>
    %swap3A_1467 = vector.shape_cast %sub3A_1461 : vector<16xi32> to vector<1x16xi32>
    tpu.vector_store %arg5[%swap3A_1463, %swap3A_1464], %swap3A_1467 {strides = array<i32>} : memref<25x128xi32, #tpu.memory_space<vmem>>, vector<1x16xi32>,
    %get3A_1468 = arith.constant 6 : i32
    %get3A_1469 = arith.index_cast %get3A_1468 : i32 to index
    %get3A_1470 = arith.constant 80 : index
    %get3A_1471 = tpu.vector_load %arg5[%get3A_1469, %get3A_1470] {strides = array<i32>} : memref<25x128xi32, #tpu.memory_space<vmem>>, vector<1x16xi32>,
    %get3A_1472 = vector.shape_cast %get3A_1471 : vector<1x16xi32> to vector<16xi32>
    %sub3A_1473 = arith.constant 1 : i32
    %sub3A_1474 = vector.broadcast %sub3A_1473 : i32 to vector<16xi32>
    %sub3A_1475 = arith.subi %get3A_1472, %sub3A_1474 : vector<16xi32>
    %swap3A_1476 = arith.constant 6 : i32
    %swap3A_1477 = arith.index_cast %swap3A_1476 : i32 to index
    %swap3A_1478 = arith.constant 80 : index
    %swap3A_1479 = tpu.vector_load %arg5[%swap3A_1477, %swap3A_1478] {strides = array<i32>} : memref<25x128xi32, #tpu.memory_space<vmem>>, vector<1x16xi32>,
    %swap3A_1480 = vector.shape_cast %swap3A_1479 : vector<1x16xi32> to vector<16xi32>
    %swap3A_1481 = vector.shape_cast %sub3A_1475 : vector<16xi32> to vector<1x16xi32>
    tpu.vector_store %arg5[%swap3A_1477, %swap3A_1478], %swap3A_1481 {strides = array<i32>} : memref<25x128xi32, #tpu.memory_space<vmem>>, vector<1x16xi32>,
    %get3A_1482 = arith.constant 6 : i32
    %get3A_1483 = arith.index_cast %get3A_1482 : i32 to index
    %get3A_1484 = arith.constant 96 : index
    %get3A_1485 = tpu.vector_load %arg5[%get3A_1483, %get3A_1484] {strides = array<i32>} : memref<25x128xi32, #tpu.memory_space<vmem>>, vector<1x16xi32>,
    %get3A_1486 = vector.shape_cast %get3A_1485 : vector<1x16xi32> to vector<16xi32>
    %sub3A_1487 = arith.constant 1 : i32
    %sub3A_1488 = vector.broadcast %sub3A_1487 : i32 to vector<16xi32>
    %sub3A_1489 = arith.subi %get3A_1486, %sub3A_1488 : vector<16xi32>
    %swap3A_1490 = arith.constant 6 : i32
    %swap3A_1491 = arith.index_cast %swap3A_1490 : i32 to index
    %swap3A_1492 = arith.constant 96 : index
    %swap3A_1493 = tpu.vector_load %arg5[%swap3A_1491, %swap3A_1492] {strides = array<i32>} : memref<25x128xi32, #tpu.memory_space<vmem>>, vector<1x16xi32>,
    %swap3A_1494 = vector.shape_cast %swap3A_1493 : vector<1x16xi32> to vector<16xi32>
    %swap3A_1495 = vector.shape_cast %sub3A_1489 : vector<16xi32> to vector<1x16xi32>
    tpu.vector_store %arg5[%swap3A_1491, %swap3A_1492], %swap3A_1495 {strides = array<i32>} : memref<25x128xi32, #tpu.memory_space<vmem>>, vector<1x16xi32>,
    %get3A_1496 = arith.constant 6 : i32
    %get3A_1497 = arith.index_cast %get3A_1496 : i32 to index
    %get3A_1498 = arith.constant 112 : index
    %get3A_1499 = tpu.vector_load %arg5[%get3A_1497, %get3A_1498] {strides = array<i32>} : memref<25x128xi32, #tpu.memory_space<vmem>>, vector<1x16xi32>,
    %get3A_1500 = vector.shape_cast %get3A_1499 : vector<1x16xi32> to vector<16xi32>
    %sub3A_1501 = arith.constant 1 : i32
    %sub3A_1502 = vector.broadcast %sub3A_1501 : i32 to vector<16xi32>
    %sub3A_1503 = arith.subi %get3A_1500, %sub3A_1502 : vector<16xi32>
    %swap3A_1504 = arith.constant 6 : i32
    %swap3A_1505 = arith.index_cast %swap3A_1504 : i32 to index
    %swap3A_1506 = arith.constant 112 : index
    %swap3A_1507 = tpu.vector_load %arg5[%swap3A_1505, %swap3A_1506] {strides = array<i32>} : memref<25x128xi32, #tpu.memory_space<vmem>>, vector<1x16xi32>,
    %swap3A_1508 = vector.shape_cast %swap3A_1507 : vector<1x16xi32> to vector<16xi32>
    %swap3A_1509 = vector.shape_cast %sub3A_1503 : vector<16xi32> to vector<1x16xi32>
    tpu.vector_store %arg5[%swap3A_1505, %swap3A_1506], %swap3A_1509 {strides = array<i32>} : memref<25x128xi32, #tpu.memory_space<vmem>>, vector<1x16xi32>,
    %dma_start3A_1510 = arith.constant 6 : i32
    %dma_start3A_1511 = arith.constant 0 : i32
    %dma_start3A_1512 = tpu.memref_slice %arg5[%dma_start3A_1510, %dma_start3A_1511] : memref<25x128xi32, #tpu.memory_space<vmem>> -> memref<1x128xi32, #tpu.memory_space<vmem>>
    %dma_start3A_1513 = tpu.memref_squeeze %dma_start3A_1512 : memref<1x128xi32, #tpu.memory_space<vmem>> -> memref<128xi32, #tpu.memory_space<vmem>>
    %dma_start3A_1514 = arith.constant 0 : i32
    %dma_start3A_1515 = arith.constant 0 : i32
    %dma_start3A_1516 = tpu.memref_slice %arg11[%dma_start3A_1514, %dma_start3A_1515] : memref<100x128xf32, #tpu.memory_space<vmem_shared>> -> memref<100x128xf32, #tpu.memory_space<vmem_shared>>
    tpu.enqueue_indirect_dma source(%dma_start3A_1516 : memref<100x128xf32, #tpu.memory_space<vmem_shared>>) target(%arg7 : memref<128x128xf32, #tpu.memory_space<vmem>>) offsets(%dma_start3A_1513 : memref<128xi32, #tpu.memory_space<vmem>>) semaphore(%arg14 : memref<!tpu.dma_semaphore, #tpu.memory_space<semaphore_mem>>)
    %dma_wait3A_1517 = arith.constant 5 : i32
    %dma_wait3A_1518 = arith.constant 0 : i32
    %dma_wait3A_1519 = tpu.memref_slice %arg5[%dma_wait3A_1517, %dma_wait3A_1518] : memref<25x128xi32, #tpu.memory_space<vmem>> -> memref<1x128xi32, #tpu.memory_space<vmem>>
    %dma_wait3A_1520 = tpu.memref_squeeze %dma_wait3A_1519 : memref<1x128xi32, #tpu.memory_space<vmem>> -> memref<128xi32, #tpu.memory_space<vmem>>
    %dma_wait3A_1521 = arith.constant 0 : i32
    %dma_wait3A_1522 = arith.constant 0 : i32
    %dma_wait3A_1523 = tpu.memref_slice %arg11[%dma_wait3A_1521, %dma_wait3A_1522] : memref<100x128xf32, #tpu.memory_space<vmem_shared>> -> memref<100x128xf32, #tpu.memory_space<vmem_shared>>
    tpu.wait_indirect_dma semaphore(%arg13 : memref<!tpu.dma_semaphore, #tpu.memory_space<semaphore_mem>>) src(%dma_wait3A_1523 : memref<100x128xf32, #tpu.memory_space<vmem_shared>>) dst(%arg6 : memref<128x128xf32, #tpu.memory_space<vmem>>)
    %add3A_1524 = arith.constant 160 : i32
    %add3A_1525 = arith.addi %add3A, %add3A_1524 : i32
    %min3A_1526 = arith.constant 781 : i32
    %min3A_1527 = arith.minsi %add3A_1525, %min3A_1526 : i32
    %mul3A_1528 = arith.constant 128 : i32
    %mul3A_1529 = arith.muli %min3A_1527, %mul3A_1528 : i32
    %min3A_1530 = arith.constant 99872 : i32
    %min3A_1531 = arith.minsi %mul3A_1529, %min3A_1530 : i32
    %multiple_of3A_1532 = tpu.assume_multiple %min3A_1531, 8 : i32
    %dma_start3A_1533 = arith.constant 0 : i32
    %dma_start3A_1534 = tpu.memref_slice %arg4[%multiple_of3A_1532, %dma_start3A_1533] : memref<100000x128xf32, #tpu.memory_space<hbm>> -> memref<128x128xf32, #tpu.memory_space<hbm>>
    %dma_start3A_1535 = arith.constant 0 : i32
    %dma_start3A_1536 = tpu.memref_slice %arg4[%multiple_of3A_1532, %dma_start3A_1535] : memref<100000x128xf32, #tpu.memory_space<hbm>> -> memref<128x128xf32, #tpu.memory_space<hbm>>
    tpu.enqueue_dma source(%arg6 : memref<128x128xf32, #tpu.memory_space<vmem>>) target(%dma_start3A_1536 : memref<128x128xf32, #tpu.memory_space<hbm>>) target_semaphore(%arg18 : memref<!tpu.dma_semaphore, #tpu.memory_space<semaphore_mem>>)
    %add3A_1537 = arith.constant 64 : i32
    %add3A_1538 = arith.addi %add3A, %add3A_1537 : i32
    %min3A_1539 = arith.constant 781 : i32
    %min3A_1540 = arith.minsi %add3A_1538, %min3A_1539 : i32
    %mul3A_1541 = arith.constant 128 : i32
    %mul3A_1542 = arith.muli %min3A_1540, %mul3A_1541 : i32
    %min3A_1543 = arith.constant 99872 : i32
    %min3A_1544 = arith.minsi %mul3A_1542, %min3A_1543 : i32
    %multiple_of3A_1545 = tpu.assume_multiple %min3A_1544, 8 : i32
    %dma_wait3A_1546 = arith.constant 0 : i32
    %dma_wait3A_1547 = tpu.memref_slice %arg4[%multiple_of3A_1545, %dma_wait3A_1546] : memref<100000x128xf32, #tpu.memory_space<hbm>> -> memref<128x128xf32, #tpu.memory_space<hbm>>
    %dma_wait3A_1548 = arith.constant 0 : i32
    %dma_wait3A_1549 = tpu.memref_slice %arg4[%multiple_of3A_1545, %dma_wait3A_1548] : memref<100000x128xf32, #tpu.memory_space<hbm>> -> memref<128x128xf32, #tpu.memory_space<hbm>>
    tpu.wait_dma2 semaphore(%arg20 : memref<!tpu.dma_semaphore, #tpu.memory_space<semaphore_mem>>) src(%arg8 : memref<128x128xf32, #tpu.memory_space<vmem>>) dst(%dma_wait3A_1549 : memref<128x128xf32, #tpu.memory_space<hbm>>)
    %add3A_1550 = arith.constant 224 : i32
    %add3A_1551 = arith.addi %add3A, %add3A_1550 : i32
    %min3A_1552 = arith.constant 781 : i32
    %min3A_1553 = arith.minsi %add3A_1551, %min3A_1552 : i32
    %mul3A_1554 = arith.constant 128 : i32
    %mul3A_1555 = arith.muli %min3A_1553, %mul3A_1554 : i32
    %min3A_1556 = arith.constant 99872 : i32
    %min3A_1557 = arith.minsi %mul3A_1555, %min3A_1556 : i32
    %multiple_of3A_1558 = tpu.assume_multiple %min3A_1557, 8 : i32
    %dma_wait3A_1559 = arith.constant 7 : i32
    %dma_wait3A_1560 = arith.constant 0 : i32
    %dma_wait3A_1561 = tpu.memref_slice %arg5[%dma_wait3A_1559, %dma_wait3A_1560] : memref<25x128xi32, #tpu.memory_space<vmem>> -> memref<1x128xi32, #tpu.memory_space<vmem>>
    %dma_wait3A_1562 = tpu.memref_squeeze %dma_wait3A_1561 : memref<1x128xi32, #tpu.memory_space<vmem>> -> memref<128xi32, #tpu.memory_space<vmem>>
    %dma_wait3A_1563 = tpu.memref_slice %arg2[%multiple_of3A_1558] : memref<100000xi32, #tpu.memory_space<hbm>> -> memref<128xi32, #tpu.memory_space<hbm>>
    %dma_wait3A_1564 = arith.constant 0 : i32
    %dma_wait3A_1565 = tpu.memref_slice %arg5[%dma_wait3A_1559, %dma_wait3A_1564] : memref<25x128xi32, #tpu.memory_space<vmem>> -> memref<1x128xi32, #tpu.memory_space<vmem>>
    %dma_wait3A_1566 = tpu.memref_squeeze %dma_wait3A_1565 : memref<1x128xi32, #tpu.memory_space<vmem>> -> memref<128xi32, #tpu.memory_space<vmem>>
    %dma_wait3A_1567 = tpu.memref_slice %arg2[%multiple_of3A_1558] : memref<100000xi32, #tpu.memory_space<hbm>> -> memref<128xi32, #tpu.memory_space<hbm>>
    tpu.wait_dma2 semaphore(%arg12 : memref<!tpu.dma_semaphore, #tpu.memory_space<semaphore_mem>>) src(%dma_wait3A_1567 : memref<128xi32, #tpu.memory_space<hbm>>) dst(%dma_wait3A_1566 : memref<128xi32, #tpu.memory_space<vmem>>)
    %get3A_1568 = arith.constant 7 : i32
    %get3A_1569 = arith.index_cast %get3A_1568 : i32 to index
    %get3A_1570 = arith.constant 0 : index
    %get3A_1571 = tpu.vector_load %arg5[%get3A_1569, %get3A_1570] {strides = array<i32>} : memref<25x128xi32, #tpu.memory_space<vmem>>, vector<1x16xi32>,
    %get3A_1572 = vector.shape_cast %get3A_1571 : vector<1x16xi32> to vector<16xi32>
    %sub3A_1573 = arith.constant 1 : i32
    %sub3A_1574 = vector.broadcast %sub3A_1573 : i32 to vector<16xi32>
    %sub3A_1575 = arith.subi %get3A_1572, %sub3A_1574 : vector<16xi32>
    %swap3A_1576 = arith.constant 7 : i32
    %swap3A_1577 = arith.index_cast %swap3A_1576 : i32 to index
    %swap3A_1578 = arith.constant 0 : index
    %swap3A_1579 = tpu.vector_load %arg5[%swap3A_1577, %swap3A_1578] {strides = array<i32>} : memref<25x128xi32, #tpu.memory_space<vmem>>, vector<1x16xi32>,
    %swap3A_1580 = vector.shape_cast %swap3A_1579 : vector<1x16xi32> to vector<16xi32>
    %swap3A_1581 = vector.shape_cast %sub3A_1575 : vector<16xi32> to vector<1x16xi32>
    tpu.vector_store %arg5[%swap3A_1577, %swap3A_1578], %swap3A_1581 {strides = array<i32>} : memref<25x128xi32, #tpu.memory_space<vmem>>, vector<1x16xi32>,
    %get3A_1582 = arith.constant 7 : i32
    %get3A_1583 = arith.index_cast %get3A_1582 : i32 to index
    %get3A_1584 = arith.constant 16 : index
    %get3A_1585 = tpu.vector_load %arg5[%get3A_1583, %get3A_1584] {strides = array<i32>} : memref<25x128xi32, #tpu.memory_space<vmem>>, vector<1x16xi32>,
    %get3A_1586 = vector.shape_cast %get3A_1585 : vector<1x16xi32> to vector<16xi32>
    %sub3A_1587 = arith.constant 1 : i32
    %sub3A_1588 = vector.broadcast %sub3A_1587 : i32 to vector<16xi32>
    %sub3A_1589 = arith.subi %get3A_1586, %sub3A_1588 : vector<16xi32>
    %swap3A_1590 = arith.constant 7 : i32
    %swap3A_1591 = arith.index_cast %swap3A_1590 : i32 to index
    %swap3A_1592 = arith.constant 16 : index
    %swap3A_1593 = tpu.vector_load %arg5[%swap3A_1591, %swap3A_1592] {strides = array<i32>} : memref<25x128xi32, #tpu.memory_space<vmem>>, vector<1x16xi32>,
    %swap3A_1594 = vector.shape_cast %swap3A_1593 : vector<1x16xi32> to vector<16xi32>
    %swap3A_1595 = vector.shape_cast %sub3A_1589 : vector<16xi32> to vector<1x16xi32>
    tpu.vector_store %arg5[%swap3A_1591, %swap3A_1592], %swap3A_1595 {strides = array<i32>} : memref<25x128xi32, #tpu.memory_space<vmem>>, vector<1x16xi32>,
    %get3A_1596 = arith.constant 7 : i32
    %get3A_1597 = arith.index_cast %get3A_1596 : i32 to index
    %get3A_1598 = arith.constant 32 : index
    %get3A_1599 = tpu.vector_load %arg5[%get3A_1597, %get3A_1598] {strides = array<i32>} : memref<25x128xi32, #tpu.memory_space<vmem>>, vector<1x16xi32>,
    %get3A_1600 = vector.shape_cast %get3A_1599 : vector<1x16xi32> to vector<16xi32>
    %sub3A_1601 = arith.constant 1 : i32
    %sub3A_1602 = vector.broadcast %sub3A_1601 : i32 to vector<16xi32>
    %sub3A_1603 = arith.subi %get3A_1600, %sub3A_1602 : vector<16xi32>
    %swap3A_1604 = arith.constant 7 : i32
    %swap3A_1605 = arith.index_cast %swap3A_1604 : i32 to index
    %swap3A_1606 = arith.constant 32 : index
    %swap3A_1607 = tpu.vector_load %arg5[%swap3A_1605, %swap3A_1606] {strides = array<i32>} : memref<25x128xi32, #tpu.memory_space<vmem>>, vector<1x16xi32>,
    %swap3A_1608 = vector.shape_cast %swap3A_1607 : vector<1x16xi32> to vector<16xi32>
    %swap3A_1609 = vector.shape_cast %sub3A_1603 : vector<16xi32> to vector<1x16xi32>
    tpu.vector_store %arg5[%swap3A_1605, %swap3A_1606], %swap3A_1609 {strides = array<i32>} : memref<25x128xi32, #tpu.memory_space<vmem>>, vector<1x16xi32>,
    %get3A_1610 = arith.constant 7 : i32
    %get3A_1611 = arith.index_cast %get3A_1610 : i32 to index
    %get3A_1612 = arith.constant 48 : index
    %get3A_1613 = tpu.vector_load %arg5[%get3A_1611, %get3A_1612] {strides = array<i32>} : memref<25x128xi32, #tpu.memory_space<vmem>>, vector<1x16xi32>,
    %get3A_1614 = vector.shape_cast %get3A_1613 : vector<1x16xi32> to vector<16xi32>
    %sub3A_1615 = arith.constant 1 : i32
    %sub3A_1616 = vector.broadcast %sub3A_1615 : i32 to vector<16xi32>
    %sub3A_1617 = arith.subi %get3A_1614, %sub3A_1616 : vector<16xi32>
    %swap3A_1618 = arith.constant 7 : i32
    %swap3A_1619 = arith.index_cast %swap3A_1618 : i32 to index
    %swap3A_1620 = arith.constant 48 : index
    %swap3A_1621 = tpu.vector_load %arg5[%swap3A_1619, %swap3A_1620] {strides = array<i32>} : memref<25x128xi32, #tpu.memory_space<vmem>>, vector<1x16xi32>,
    %swap3A_1622 = vector.shape_cast %swap3A_1621 : vector<1x16xi32> to vector<16xi32>
    %swap3A_1623 = vector.shape_cast %sub3A_1617 : vector<16xi32> to vector<1x16xi32>
    tpu.vector_store %arg5[%swap3A_1619, %swap3A_1620], %swap3A_1623 {strides = array<i32>} : memref<25x128xi32, #tpu.memory_space<vmem>>, vector<1x16xi32>,
    %get3A_1624 = arith.constant 7 : i32
    %get3A_1625 = arith.index_cast %get3A_1624 : i32 to index
    %get3A_1626 = arith.constant 64 : index
    %get3A_1627 = tpu.vector_load %arg5[%get3A_1625, %get3A_1626] {strides = array<i32>} : memref<25x128xi32, #tpu.memory_space<vmem>>, vector<1x16xi32>,
    %get3A_1628 = vector.shape_cast %get3A_1627 : vector<1x16xi32> to vector<16xi32>
    %sub3A_1629 = arith.constant 1 : i32
    %sub3A_1630 = vector.broadcast %sub3A_1629 : i32 to vector<16xi32>
    %sub3A_1631 = arith.subi %get3A_1628, %sub3A_1630 : vector<16xi32>
    %swap3A_1632 = arith.constant 7 : i32
    %swap3A_1633 = arith.index_cast %swap3A_1632 : i32 to index
    %swap3A_1634 = arith.constant 64 : index
    %swap3A_1635 = tpu.vector_load %arg5[%swap3A_1633, %swap3A_1634] {strides = array<i32>} : memref<25x128xi32, #tpu.memory_space<vmem>>, vector<1x16xi32>,
    %swap3A_1636 = vector.shape_cast %swap3A_1635 : vector<1x16xi32> to vector<16xi32>
    %swap3A_1637 = vector.shape_cast %sub3A_1631 : vector<16xi32> to vector<1x16xi32>
    tpu.vector_store %arg5[%swap3A_1633, %swap3A_1634], %swap3A_1637 {strides = array<i32>} : memref<25x128xi32, #tpu.memory_space<vmem>>, vector<1x16xi32>,
    %get3A_1638 = arith.constant 7 : i32
    %get3A_1639 = arith.index_cast %get3A_1638 : i32 to index
    %get3A_1640 = arith.constant 80 : index
    %get3A_1641 = tpu.vector_load %arg5[%get3A_1639, %get3A_1640] {strides = array<i32>} : memref<25x128xi32, #tpu.memory_space<vmem>>, vector<1x16xi32>,
    %get3A_1642 = vector.shape_cast %get3A_1641 : vector<1x16xi32> to vector<16xi32>
    %sub3A_1643 = arith.constant 1 : i32
    %sub3A_1644 = vector.broadcast %sub3A_1643 : i32 to vector<16xi32>
    %sub3A_1645 = arith.subi %get3A_1642, %sub3A_1644 : vector<16xi32>
    %swap3A_1646 = arith.constant 7 : i32
    %swap3A_1647 = arith.index_cast %swap3A_1646 : i32 to index
    %swap3A_1648 = arith.constant 80 : index
    %swap3A_1649 = tpu.vector_load %arg5[%swap3A_1647, %swap3A_1648] {strides = array<i32>} : memref<25x128xi32, #tpu.memory_space<vmem>>, vector<1x16xi32>,
    %swap3A_1650 = vector.shape_cast %swap3A_1649 : vector<1x16xi32> to vector<16xi32>
    %swap3A_1651 = vector.shape_cast %sub3A_1645 : vector<16xi32> to vector<1x16xi32>
    tpu.vector_store %arg5[%swap3A_1647, %swap3A_1648], %swap3A_1651 {strides = array<i32>} : memref<25x128xi32, #tpu.memory_space<vmem>>, vector<1x16xi32>,
    %get3A_1652 = arith.constant 7 : i32
    %get3A_1653 = arith.index_cast %get3A_1652 : i32 to index
    %get3A_1654 = arith.constant 96 : index
    %get3A_1655 = tpu.vector_load %arg5[%get3A_1653, %get3A_1654] {strides = array<i32>} : memref<25x128xi32, #tpu.memory_space<vmem>>, vector<1x16xi32>,
    %get3A_1656 = vector.shape_cast %get3A_1655 : vector<1x16xi32> to vector<16xi32>
    %sub3A_1657 = arith.constant 1 : i32
    %sub3A_1658 = vector.broadcast %sub3A_1657 : i32 to vector<16xi32>
    %sub3A_1659 = arith.subi %get3A_1656, %sub3A_1658 : vector<16xi32>
    %swap3A_1660 = arith.constant 7 : i32
    %swap3A_1661 = arith.index_cast %swap3A_1660 : i32 to index
    %swap3A_1662 = arith.constant 96 : index
    %swap3A_1663 = tpu.vector_load %arg5[%swap3A_1661, %swap3A_1662] {strides = array<i32>} : memref<25x128xi32, #tpu.memory_space<vmem>>, vector<1x16xi32>,
    %swap3A_1664 = vector.shape_cast %swap3A_1663 : vector<1x16xi32> to vector<16xi32>
    %swap3A_1665 = vector.shape_cast %sub3A_1659 : vector<16xi32> to vector<1x16xi32>
    tpu.vector_store %arg5[%swap3A_1661, %swap3A_1662], %swap3A_1665 {strides = array<i32>} : memref<25x128xi32, #tpu.memory_space<vmem>>, vector<1x16xi32>,
    %get3A_1666 = arith.constant 7 : i32
    %get3A_1667 = arith.index_cast %get3A_1666 : i32 to index
    %get3A_1668 = arith.constant 112 : index
    %get3A_1669 = tpu.vector_load %arg5[%get3A_1667, %get3A_1668] {strides = array<i32>} : memref<25x128xi32, #tpu.memory_space<vmem>>, vector<1x16xi32>,
    %get3A_1670 = vector.shape_cast %get3A_1669 : vector<1x16xi32> to vector<16xi32>
    %sub3A_1671 = arith.constant 1 : i32
    %sub3A_1672 = vector.broadcast %sub3A_1671 : i32 to vector<16xi32>
    %sub3A_1673 = arith.subi %get3A_1670, %sub3A_1672 : vector<16xi32>
    %swap3A_1674 = arith.constant 7 : i32
    %swap3A_1675 = arith.index_cast %swap3A_1674 : i32 to index
    %swap3A_1676 = arith.constant 112 : index
    %swap3A_1677 = tpu.vector_load %arg5[%swap3A_1675, %swap3A_1676] {strides = array<i32>} : memref<25x128xi32, #tpu.memory_space<vmem>>, vector<1x16xi32>,
    %swap3A_1678 = vector.shape_cast %swap3A_1677 : vector<1x16xi32> to vector<16xi32>
    %swap3A_1679 = vector.shape_cast %sub3A_1673 : vector<16xi32> to vector<1x16xi32>
    tpu.vector_store %arg5[%swap3A_1675, %swap3A_1676], %swap3A_1679 {strides = array<i32>} : memref<25x128xi32, #tpu.memory_space<vmem>>, vector<1x16xi32>,
    %dma_start3A_1680 = arith.constant 7 : i32
    %dma_start3A_1681 = arith.constant 0 : i32
    %dma_start3A_1682 = tpu.memref_slice %arg5[%dma_start3A_1680, %dma_start3A_1681] : memref<25x128xi32, #tpu.memory_space<vmem>> -> memref<1x128xi32, #tpu.memory_space<vmem>>
    %dma_start3A_1683 = tpu.memref_squeeze %dma_start3A_1682 : memref<1x128xi32, #tpu.memory_space<vmem>> -> memref<128xi32, #tpu.memory_space<vmem>>
    %dma_start3A_1684 = arith.constant 0 : i32
    %dma_start3A_1685 = arith.constant 0 : i32
    %dma_start3A_1686 = tpu.memref_slice %arg11[%dma_start3A_1684, %dma_start3A_1685] : memref<100x128xf32, #tpu.memory_space<vmem_shared>> -> memref<100x128xf32, #tpu.memory_space<vmem_shared>>
    tpu.enqueue_indirect_dma source(%dma_start3A_1686 : memref<100x128xf32, #tpu.memory_space<vmem_shared>>) target(%arg8 : memref<128x128xf32, #tpu.memory_space<vmem>>) offsets(%dma_start3A_1683 : memref<128xi32, #tpu.memory_space<vmem>>) semaphore(%arg15 : memref<!tpu.dma_semaphore, #tpu.memory_space<semaphore_mem>>)
    %dma_wait3A_1687 = arith.constant 6 : i32
    %dma_wait3A_1688 = arith.constant 0 : i32
    %dma_wait3A_1689 = tpu.memref_slice %arg5[%dma_wait3A_1687, %dma_wait3A_1688] : memref<25x128xi32, #tpu.memory_space<vmem>> -> memref<1x128xi32, #tpu.memory_space<vmem>>
    %dma_wait3A_1690 = tpu.memref_squeeze %dma_wait3A_1689 : memref<1x128xi32, #tpu.memory_space<vmem>> -> memref<128xi32, #tpu.memory_space<vmem>>
    %dma_wait3A_1691 = arith.constant 0 : i32
    %dma_wait3A_1692 = arith.constant 0 : i32
    %dma_wait3A_1693 = tpu.memref_slice %arg11[%dma_wait3A_1691, %dma_wait3A_1692] : memref<100x128xf32, #tpu.memory_space<vmem_shared>> -> memref<100x128xf32, #tpu.memory_space<vmem_shared>>
    tpu.wait_indirect_dma semaphore(%arg14 : memref<!tpu.dma_semaphore, #tpu.memory_space<semaphore_mem>>) src(%dma_wait3A_1693 : memref<100x128xf32, #tpu.memory_space<vmem_shared>>) dst(%arg7 : memref<128x128xf32, #tpu.memory_space<vmem>>)
    %add3A_1694 = arith.constant 192 : i32
    %add3A_1695 = arith.addi %add3A, %add3A_1694 : i32
    %min3A_1696 = arith.constant 781 : i32
    %min3A_1697 = arith.minsi %add3A_1695, %min3A_1696 : i32
    %mul3A_1698 = arith.constant 128 : i32
    %mul3A_1699 = arith.muli %min3A_1697, %mul3A_1698 : i32
    %min3A_1700 = arith.constant 99872 : i32
    %min3A_1701 = arith.minsi %mul3A_1699, %min3A_1700 : i32
    %multiple_of3A_1702 = tpu.assume_multiple %min3A_1701, 8 : i32
    %dma_start3A_1703 = arith.constant 0 : i32
    %dma_start3A_1704 = tpu.memref_slice %arg4[%multiple_of3A_1702, %dma_start3A_1703] : memref<100000x128xf32, #tpu.memory_space<hbm>> -> memref<128x128xf32, #tpu.memory_space<hbm>>
    %dma_start3A_1705 = arith.constant 0 : i32
    %dma_start3A_1706 = tpu.memref_slice %arg4[%multiple_of3A_1702, %dma_start3A_1705] : memref<100000x128xf32, #tpu.memory_space<hbm>> -> memref<128x128xf32, #tpu.memory_space<hbm>>
    tpu.enqueue_dma source(%arg7 : memref<128x128xf32, #tpu.memory_space<vmem>>) target(%dma_start3A_1706 : memref<128x128xf32, #tpu.memory_space<hbm>>) target_semaphore(%arg19 : memref<!tpu.dma_semaphore, #tpu.memory_space<semaphore_mem>>)
    %add3A_1707 = arith.constant 96 : i32
    %add3A_1708 = arith.addi %add3A, %add3A_1707 : i32
    %min3A_1709 = arith.constant 781 : i32
    %min3A_1710 = arith.minsi %add3A_1708, %min3A_1709 : i32
    %mul3A_1711 = arith.constant 128 : i32
    %mul3A_1712 = arith.muli %min3A_1710, %mul3A_1711 : i32
    %min3A_1713 = arith.constant 99872 : i32
    %min3A_1714 = arith.minsi %mul3A_1712, %min3A_1713 : i32
    %multiple_of3A_1715 = tpu.assume_multiple %min3A_1714, 8 : i32
    %dma_wait3A_1716 = arith.constant 0 : i32
    %dma_wait3A_1717 = tpu.memref_slice %arg4[%multiple_of3A_1715, %dma_wait3A_1716] : memref<100000x128xf32, #tpu.memory_space<hbm>> -> memref<128x128xf32, #tpu.memory_space<hbm>>
    %dma_wait3A_1718 = arith.constant 0 : i32
    %dma_wait3A_1719 = tpu.memref_slice %arg4[%multiple_of3A_1715, %dma_wait3A_1718] : memref<100000x128xf32, #tpu.memory_space<hbm>> -> memref<128x128xf32, #tpu.memory_space<hbm>>
    tpu.wait_dma2 semaphore(%arg21 : memref<!tpu.dma_semaphore, #tpu.memory_space<semaphore_mem>>) src(%arg9 : memref<128x128xf32, #tpu.memory_space<vmem>>) dst(%dma_wait3A_1719 : memref<128x128xf32, #tpu.memory_space<hbm>>)
    %add3A_1720 = arith.constant 256 : i32
    %add3A_1721 = arith.addi %add3A, %add3A_1720 : i32
    %min3A_1722 = arith.constant 781 : i32
    %min3A_1723 = arith.minsi %add3A_1721, %min3A_1722 : i32
    %mul3A_1724 = arith.constant 128 : i32
    %mul3A_1725 = arith.muli %min3A_1723, %mul3A_1724 : i32
    %min3A_1726 = arith.constant 99872 : i32
    %min3A_1727 = arith.minsi %mul3A_1725, %min3A_1726 : i32
    %multiple_of3A_1728 = tpu.assume_multiple %min3A_1727, 8 : i32
    %dma_wait3A_1729 = arith.constant 8 : i32
    %dma_wait3A_1730 = arith.constant 0 : i32
    %dma_wait3A_1731 = tpu.memref_slice %arg5[%dma_wait3A_1729, %dma_wait3A_1730] : memref<25x128xi32, #tpu.memory_space<vmem>> -> memref<1x128xi32, #tpu.memory_space<vmem>>
    %dma_wait3A_1732 = tpu.memref_squeeze %dma_wait3A_1731 : memref<1x128xi32, #tpu.memory_space<vmem>> -> memref<128xi32, #tpu.memory_space<vmem>>
    %dma_wait3A_1733 = tpu.memref_slice %arg2[%multiple_of3A_1728] : memref<100000xi32, #tpu.memory_space<hbm>> -> memref<128xi32, #tpu.memory_space<hbm>>
    %dma_wait3A_1734 = arith.constant 0 : i32
    %dma_wait3A_1735 = tpu.memref_slice %arg5[%dma_wait3A_1729, %dma_wait3A_1734] : memref<25x128xi32, #tpu.memory_space<vmem>> -> memref<1x128xi32, #tpu.memory_space<vmem>>
    %dma_wait3A_1736 = tpu.memref_squeeze %dma_wait3A_1735 : memref<1x128xi32, #tpu.memory_space<vmem>> -> memref<128xi32, #tpu.memory_space<vmem>>
    %dma_wait3A_1737 = tpu.memref_slice %arg2[%multiple_of3A_1728] : memref<100000xi32, #tpu.memory_space<hbm>> -> memref<128xi32, #tpu.memory_space<hbm>>
    tpu.wait_dma2 semaphore(%arg12 : memref<!tpu.dma_semaphore, #tpu.memory_space<semaphore_mem>>) src(%dma_wait3A_1737 : memref<128xi32, #tpu.memory_space<hbm>>) dst(%dma_wait3A_1736 : memref<128xi32, #tpu.memory_space<vmem>>)
    %get3A_1738 = arith.constant 8 : i32
    %get3A_1739 = arith.index_cast %get3A_1738 : i32 to index
    %get3A_1740 = arith.constant 0 : index
    %get3A_1741 = tpu.vector_load %arg5[%get3A_1739, %get3A_1740] {strides = array<i32>} : memref<25x128xi32, #tpu.memory_space<vmem>>, vector<1x16xi32>,
    %get3A_1742 = vector.shape_cast %get3A_1741 : vector<1x16xi32> to vector<16xi32>
    %sub3A_1743 = arith.constant 1 : i32
    %sub3A_1744 = vector.broadcast %sub3A_1743 : i32 to vector<16xi32>
    %sub3A_1745 = arith.subi %get3A_1742, %sub3A_1744 : vector<16xi32>
    %swap3A_1746 = arith.constant 8 : i32
    %swap3A_1747 = arith.index_cast %swap3A_1746 : i32 to index
    %swap3A_1748 = arith.constant 0 : index
    %swap3A_1749 = tpu.vector_load %arg5[%swap3A_1747, %swap3A_1748] {strides = array<i32>} : memref<25x128xi32, #tpu.memory_space<vmem>>, vector<1x16xi32>,
    %swap3A_1750 = vector.shape_cast %swap3A_1749 : vector<1x16xi32> to vector<16xi32>
    %swap3A_1751 = vector.shape_cast %sub3A_1745 : vector<16xi32> to vector<1x16xi32>
    tpu.vector_store %arg5[%swap3A_1747, %swap3A_1748], %swap3A_1751 {strides = array<i32>} : memref<25x128xi32, #tpu.memory_space<vmem>>, vector<1x16xi32>,
    %get3A_1752 = arith.constant 8 : i32
    %get3A_1753 = arith.index_cast %get3A_1752 : i32 to index
    %get3A_1754 = arith.constant 16 : index
    %get3A_1755 = tpu.vector_load %arg5[%get3A_1753, %get3A_1754] {strides = array<i32>} : memref<25x128xi32, #tpu.memory_space<vmem>>, vector<1x16xi32>,
    %get3A_1756 = vector.shape_cast %get3A_1755 : vector<1x16xi32> to vector<16xi32>
    %sub3A_1757 = arith.constant 1 : i32
    %sub3A_1758 = vector.broadcast %sub3A_1757 : i32 to vector<16xi32>
    %sub3A_1759 = arith.subi %get3A_1756, %sub3A_1758 : vector<16xi32>
    %swap3A_1760 = arith.constant 8 : i32
    %swap3A_1761 = arith.index_cast %swap3A_1760 : i32 to index
    %swap3A_1762 = arith.constant 16 : index
    %swap3A_1763 = tpu.vector_load %arg5[%swap3A_1761, %swap3A_1762] {strides = array<i32>} : memref<25x128xi32, #tpu.memory_space<vmem>>, vector<1x16xi32>,
    %swap3A_1764 = vector.shape_cast %swap3A_1763 : vector<1x16xi32> to vector<16xi32>
    %swap3A_1765 = vector.shape_cast %sub3A_1759 : vector<16xi32> to vector<1x16xi32>
    tpu.vector_store %arg5[%swap3A_1761, %swap3A_1762], %swap3A_1765 {strides = array<i32>} : memref<25x128xi32, #tpu.memory_space<vmem>>, vector<1x16xi32>,
    %get3A_1766 = arith.constant 8 : i32
    %get3A_1767 = arith.index_cast %get3A_1766 : i32 to index
    %get3A_1768 = arith.constant 32 : index
    %get3A_1769 = tpu.vector_load %arg5[%get3A_1767, %get3A_1768] {strides = array<i32>} : memref<25x128xi32, #tpu.memory_space<vmem>>, vector<1x16xi32>,
    %get3A_1770 = vector.shape_cast %get3A_1769 : vector<1x16xi32> to vector<16xi32>
    %sub3A_1771 = arith.constant 1 : i32
    %sub3A_1772 = vector.broadcast %sub3A_1771 : i32 to vector<16xi32>
    %sub3A_1773 = arith.subi %get3A_1770, %sub3A_1772 : vector<16xi32>
    %swap3A_1774 = arith.constant 8 : i32
    %swap3A_1775 = arith.index_cast %swap3A_1774 : i32 to index
    %swap3A_1776 = arith.constant 32 : index
    %swap3A_1777 = tpu.vector_load %arg5[%swap3A_1775, %swap3A_1776] {strides = array<i32>} : memref<25x128xi32, #tpu.memory_space<vmem>>, vector<1x16xi32>,
    %swap3A_1778 = vector.shape_cast %swap3A_1777 : vector<1x16xi32> to vector<16xi32>
    %swap3A_1779 = vector.shape_cast %sub3A_1773 : vector<16xi32> to vector<1x16xi32>
    tpu.vector_store %arg5[%swap3A_1775, %swap3A_1776], %swap3A_1779 {strides = array<i32>} : memref<25x128xi32, #tpu.memory_space<vmem>>, vector<1x16xi32>,
    %get3A_1780 = arith.constant 8 : i32
    %get3A_1781 = arith.index_cast %get3A_1780 : i32 to index
    %get3A_1782 = arith.constant 48 : index
    %get3A_1783 = tpu.vector_load %arg5[%get3A_1781, %get3A_1782] {strides = array<i32>} : memref<25x128xi32, #tpu.memory_space<vmem>>, vector<1x16xi32>,
    %get3A_1784 = vector.shape_cast %get3A_1783 : vector<1x16xi32> to vector<16xi32>
    %sub3A_1785 = arith.constant 1 : i32
    %sub3A_1786 = vector.broadcast %sub3A_1785 : i32 to vector<16xi32>
    %sub3A_1787 = arith.subi %get3A_1784, %sub3A_1786 : vector<16xi32>
    %swap3A_1788 = arith.constant 8 : i32
    %swap3A_1789 = arith.index_cast %swap3A_1788 : i32 to index
    %swap3A_1790 = arith.constant 48 : index
    %swap3A_1791 = tpu.vector_load %arg5[%swap3A_1789, %swap3A_1790] {strides = array<i32>} : memref<25x128xi32, #tpu.memory_space<vmem>>, vector<1x16xi32>,
    %swap3A_1792 = vector.shape_cast %swap3A_1791 : vector<1x16xi32> to vector<16xi32>
    %swap3A_1793 = vector.shape_cast %sub3A_1787 : vector<16xi32> to vector<1x16xi32>
    tpu.vector_store %arg5[%swap3A_1789, %swap3A_1790], %swap3A_1793 {strides = array<i32>} : memref<25x128xi32, #tpu.memory_space<vmem>>, vector<1x16xi32>,
    %get3A_1794 = arith.constant 8 : i32
    %get3A_1795 = arith.index_cast %get3A_1794 : i32 to index
    %get3A_1796 = arith.constant 64 : index
    %get3A_1797 = tpu.vector_load %arg5[%get3A_1795, %get3A_1796] {strides = array<i32>} : memref<25x128xi32, #tpu.memory_space<vmem>>, vector<1x16xi32>,
    %get3A_1798 = vector.shape_cast %get3A_1797 : vector<1x16xi32> to vector<16xi32>
    %sub3A_1799 = arith.constant 1 : i32
    %sub3A_1800 = vector.broadcast %sub3A_1799 : i32 to vector<16xi32>
    %sub3A_1801 = arith.subi %get3A_1798, %sub3A_1800 : vector<16xi32>
    %swap3A_1802 = arith.constant 8 : i32
    %swap3A_1803 = arith.index_cast %swap3A_1802 : i32 to index
    %swap3A_1804 = arith.constant 64 : index
    %swap3A_1805 = tpu.vector_load %arg5[%swap3A_1803, %swap3A_1804] {strides = array<i32>} : memref<25x128xi32, #tpu.memory_space<vmem>>, vector<1x16xi32>,
    %swap3A_1806 = vector.shape_cast %swap3A_1805 : vector<1x16xi32> to vector<16xi32>
    %swap3A_1807 = vector.shape_cast %sub3A_1801 : vector<16xi32> to vector<1x16xi32>
    tpu.vector_store %arg5[%swap3A_1803, %swap3A_1804], %swap3A_1807 {strides = array<i32>} : memref<25x128xi32, #tpu.memory_space<vmem>>, vector<1x16xi32>,
    %get3A_1808 = arith.constant 8 : i32
    %get3A_1809 = arith.index_cast %get3A_1808 : i32 to index
    %get3A_1810 = arith.constant 80 : index
    %get3A_1811 = tpu.vector_load %arg5[%get3A_1809, %get3A_1810] {strides = array<i32>} : memref<25x128xi32, #tpu.memory_space<vmem>>, vector<1x16xi32>,
    %get3A_1812 = vector.shape_cast %get3A_1811 : vector<1x16xi32> to vector<16xi32>
    %sub3A_1813 = arith.constant 1 : i32
    %sub3A_1814 = vector.broadcast %sub3A_1813 : i32 to vector<16xi32>
    %sub3A_1815 = arith.subi %get3A_1812, %sub3A_1814 : vector<16xi32>
    %swap3A_1816 = arith.constant 8 : i32
    %swap3A_1817 = arith.index_cast %swap3A_1816 : i32 to index
    %swap3A_1818 = arith.constant 80 : index
    %swap3A_1819 = tpu.vector_load %arg5[%swap3A_1817, %swap3A_1818] {strides = array<i32>} : memref<25x128xi32, #tpu.memory_space<vmem>>, vector<1x16xi32>,
    %swap3A_1820 = vector.shape_cast %swap3A_1819 : vector<1x16xi32> to vector<16xi32>
    %swap3A_1821 = vector.shape_cast %sub3A_1815 : vector<16xi32> to vector<1x16xi32>
    tpu.vector_store %arg5[%swap3A_1817, %swap3A_1818], %swap3A_1821 {strides = array<i32>} : memref<25x128xi32, #tpu.memory_space<vmem>>, vector<1x16xi32>,
    %get3A_1822 = arith.constant 8 : i32
    %get3A_1823 = arith.index_cast %get3A_1822 : i32 to index
    %get3A_1824 = arith.constant 96 : index
    %get3A_1825 = tpu.vector_load %arg5[%get3A_1823, %get3A_1824] {strides = array<i32>} : memref<25x128xi32, #tpu.memory_space<vmem>>, vector<1x16xi32>,
    %get3A_1826 = vector.shape_cast %get3A_1825 : vector<1x16xi32> to vector<16xi32>
    %sub3A_1827 = arith.constant 1 : i32
    %sub3A_1828 = vector.broadcast %sub3A_1827 : i32 to vector<16xi32>
    %sub3A_1829 = arith.subi %get3A_1826, %sub3A_1828 : vector<16xi32>
    %swap3A_1830 = arith.constant 8 : i32
    %swap3A_1831 = arith.index_cast %swap3A_1830 : i32 to index
    %swap3A_1832 = arith.constant 96 : index
    %swap3A_1833 = tpu.vector_load %arg5[%swap3A_1831, %swap3A_1832] {strides = array<i32>} : memref<25x128xi32, #tpu.memory_space<vmem>>, vector<1x16xi32>,
    %swap3A_1834 = vector.shape_cast %swap3A_1833 : vector<1x16xi32> to vector<16xi32>
    %swap3A_1835 = vector.shape_cast %sub3A_1829 : vector<16xi32> to vector<1x16xi32>
    tpu.vector_store %arg5[%swap3A_1831, %swap3A_1832], %swap3A_1835 {strides = array<i32>} : memref<25x128xi32, #tpu.memory_space<vmem>>, vector<1x16xi32>,
    %get3A_1836 = arith.constant 8 : i32
    %get3A_1837 = arith.index_cast %get3A_1836 : i32 to index
    %get3A_1838 = arith.constant 112 : index
    %get3A_1839 = tpu.vector_load %arg5[%get3A_1837, %get3A_1838] {strides = array<i32>} : memref<25x128xi32, #tpu.memory_space<vmem>>, vector<1x16xi32>,
    %get3A_1840 = vector.shape_cast %get3A_1839 : vector<1x16xi32> to vector<16xi32>
    %sub3A_1841 = arith.constant 1 : i32
    %sub3A_1842 = vector.broadcast %sub3A_1841 : i32 to vector<16xi32>
    %sub3A_1843 = arith.subi %get3A_1840, %sub3A_1842 : vector<16xi32>
    %swap3A_1844 = arith.constant 8 : i32
    %swap3A_1845 = arith.index_cast %swap3A_1844 : i32 to index
    %swap3A_1846 = arith.constant 112 : index
    %swap3A_1847 = tpu.vector_load %arg5[%swap3A_1845, %swap3A_1846] {strides = array<i32>} : memref<25x128xi32, #tpu.memory_space<vmem>>, vector<1x16xi32>,
    %swap3A_1848 = vector.shape_cast %swap3A_1847 : vector<1x16xi32> to vector<16xi32>
    %swap3A_1849 = vector.shape_cast %sub3A_1843 : vector<16xi32> to vector<1x16xi32>
    tpu.vector_store %arg5[%swap3A_1845, %swap3A_1846], %swap3A_1849 {strides = array<i32>} : memref<25x128xi32, #tpu.memory_space<vmem>>, vector<1x16xi32>,
    %dma_start3A_1850 = arith.constant 8 : i32
    %dma_start3A_1851 = arith.constant 0 : i32
    %dma_start3A_1852 = tpu.memref_slice %arg5[%dma_start3A_1850, %dma_start3A_1851] : memref<25x128xi32, #tpu.memory_space<vmem>> -> memref<1x128xi32, #tpu.memory_space<vmem>>
    %dma_start3A_1853 = tpu.memref_squeeze %dma_start3A_1852 : memref<1x128xi32, #tpu.memory_space<vmem>> -> memref<128xi32, #tpu.memory_space<vmem>>
    %dma_start3A_1854 = arith.constant 0 : i32
    %dma_start3A_1855 = arith.constant 0 : i32
    %dma_start3A_1856 = tpu.memref_slice %arg11[%dma_start3A_1854, %dma_start3A_1855] : memref<100x128xf32, #tpu.memory_space<vmem_shared>> -> memref<100x128xf32, #tpu.memory_space<vmem_shared>>
    tpu.enqueue_indirect_dma source(%dma_start3A_1856 : memref<100x128xf32, #tpu.memory_space<vmem_shared>>) target(%arg9 : memref<128x128xf32, #tpu.memory_space<vmem>>) offsets(%dma_start3A_1853 : memref<128xi32, #tpu.memory_space<vmem>>) semaphore(%arg16 : memref<!tpu.dma_semaphore, #tpu.memory_space<semaphore_mem>>)
    %dma_wait3A_1857 = arith.constant 7 : i32
    %dma_wait3A_1858 = arith.constant 0 : i32
    %dma_wait3A_1859 = tpu.memref_slice %arg5[%dma_wait3A_1857, %dma_wait3A_1858] : memref<25x128xi32, #tpu.memory_space<vmem>> -> memref<1x128xi32, #tpu.memory_space<vmem>>
    %dma_wait3A_1860 = tpu.memref_squeeze %dma_wait3A_1859 : memref<1x128xi32, #tpu.memory_space<vmem>> -> memref<128xi32, #tpu.memory_space<vmem>>
    %dma_wait3A_1861 = arith.constant 0 : i32
    %dma_wait3A_1862 = arith.constant 0 : i32
    %dma_wait3A_1863 = tpu.memref_slice %arg11[%dma_wait3A_1861, %dma_wait3A_1862] : memref<100x128xf32, #tpu.memory_space<vmem_shared>> -> memref<100x128xf32, #tpu.memory_space<vmem_shared>>
    tpu.wait_indirect_dma semaphore(%arg15 : memref<!tpu.dma_semaphore, #tpu.memory_space<semaphore_mem>>) src(%dma_wait3A_1863 : memref<100x128xf32, #tpu.memory_space<vmem_shared>>) dst(%arg8 : memref<128x128xf32, #tpu.memory_space<vmem>>)
    %add3A_1864 = arith.constant 224 : i32
    %add3A_1865 = arith.addi %add3A, %add3A_1864 : i32
    %min3A_1866 = arith.constant 781 : i32
    %min3A_1867 = arith.minsi %add3A_1865, %min3A_1866 : i32
    %mul3A_1868 = arith.constant 128 : i32
    %mul3A_1869 = arith.muli %min3A_1867, %mul3A_1868 : i32
    %min3A_1870 = arith.constant 99872 : i32
    %min3A_1871 = arith.minsi %mul3A_1869, %min3A_1870 : i32
    %multiple_of3A_1872 = tpu.assume_multiple %min3A_1871, 8 : i32
    %dma_start3A_1873 = arith.constant 0 : i32
    %dma_start3A_1874 = tpu.memref_slice %arg4[%multiple_of3A_1872, %dma_start3A_1873] : memref<100000x128xf32, #tpu.memory_space<hbm>> -> memref<128x128xf32, #tpu.memory_space<hbm>>
    %dma_start3A_1875 = arith.constant 0 : i32
    %dma_start3A_1876 = tpu.memref_slice %arg4[%multiple_of3A_1872, %dma_start3A_1875] : memref<100000x128xf32, #tpu.memory_space<hbm>> -> memref<128x128xf32, #tpu.memory_space<hbm>>
    tpu.enqueue_dma source(%arg8 : memref<128x128xf32, #tpu.memory_space<vmem>>) target(%dma_start3A_1876 : memref<128x128xf32, #tpu.memory_space<hbm>>) target_semaphore(%arg20 : memref<!tpu.dma_semaphore, #tpu.memory_space<semaphore_mem>>)
    %add3A_1877 = arith.constant 128 : i32
    %add3A_1878 = arith.addi %add3A, %add3A_1877 : i32
    %min3A_1879 = arith.constant 781 : i32
    %min3A_1880 = arith.minsi %add3A_1878, %min3A_1879 : i32
    %mul3A_1881 = arith.constant 128 : i32
    %mul3A_1882 = arith.muli %min3A_1880, %mul3A_1881 : i32
    %min3A_1883 = arith.constant 99872 : i32
    %min3A_1884 = arith.minsi %mul3A_1882, %min3A_1883 : i32
    %multiple_of3A_1885 = tpu.assume_multiple %min3A_1884, 8 : i32
    %dma_wait3A_1886 = arith.constant 0 : i32
    %dma_wait3A_1887 = tpu.memref_slice %arg4[%multiple_of3A_1885, %dma_wait3A_1886] : memref<100000x128xf32, #tpu.memory_space<hbm>> -> memref<128x128xf32, #tpu.memory_space<hbm>>
    %dma_wait3A_1888 = arith.constant 0 : i32
    %dma_wait3A_1889 = tpu.memref_slice %arg4[%multiple_of3A_1885, %dma_wait3A_1888] : memref<100000x128xf32, #tpu.memory_space<hbm>> -> memref<128x128xf32, #tpu.memory_space<hbm>>
    tpu.wait_dma2 semaphore(%arg22 : memref<!tpu.dma_semaphore, #tpu.memory_space<semaphore_mem>>) src(%arg10 : memref<128x128xf32, #tpu.memory_space<vmem>>) dst(%dma_wait3A_1889 : memref<128x128xf32, #tpu.memory_space<hbm>>)
    %add3A_1890 = arith.constant 288 : i32
    %add3A_1891 = arith.addi %add3A, %add3A_1890 : i32
    %min3A_1892 = arith.constant 781 : i32
    %min3A_1893 = arith.minsi %add3A_1891, %min3A_1892 : i32
    %mul3A_1894 = arith.constant 128 : i32
    %mul3A_1895 = arith.muli %min3A_1893, %mul3A_1894 : i32
    %min3A_1896 = arith.constant 99872 : i32
    %min3A_1897 = arith.minsi %mul3A_1895, %min3A_1896 : i32
    %multiple_of3A_1898 = tpu.assume_multiple %min3A_1897, 8 : i32
    %dma_wait3A_1899 = arith.constant 9 : i32
    %dma_wait3A_1900 = arith.constant 0 : i32
    %dma_wait3A_1901 = tpu.memref_slice %arg5[%dma_wait3A_1899, %dma_wait3A_1900] : memref<25x128xi32, #tpu.memory_space<vmem>> -> memref<1x128xi32, #tpu.memory_space<vmem>>
    %dma_wait3A_1902 = tpu.memref_squeeze %dma_wait3A_1901 : memref<1x128xi32, #tpu.memory_space<vmem>> -> memref<128xi32, #tpu.memory_space<vmem>>
    %dma_wait3A_1903 = tpu.memref_slice %arg2[%multiple_of3A_1898] : memref<100000xi32, #tpu.memory_space<hbm>> -> memref<128xi32, #tpu.memory_space<hbm>>
    %dma_wait3A_1904 = arith.constant 0 : i32
    %dma_wait3A_1905 = tpu.memref_slice %arg5[%dma_wait3A_1899, %dma_wait3A_1904] : memref<25x128xi32, #tpu.memory_space<vmem>> -> memref<1x128xi32, #tpu.memory_space<vmem>>
    %dma_wait3A_1906 = tpu.memref_squeeze %dma_wait3A_1905 : memref<1x128xi32, #tpu.memory_space<vmem>> -> memref<128xi32, #tpu.memory_space<vmem>>
    %dma_wait3A_1907 = tpu.memref_slice %arg2[%multiple_of3A_1898] : memref<100000xi32, #tpu.memory_space<hbm>> -> memref<128xi32, #tpu.memory_space<hbm>>
    tpu.wait_dma2 semaphore(%arg12 : memref<!tpu.dma_semaphore, #tpu.memory_space<semaphore_mem>>) src(%dma_wait3A_1907 : memref<128xi32, #tpu.memory_space<hbm>>) dst(%dma_wait3A_1906 : memref<128xi32, #tpu.memory_space<vmem>>)
    %get3A_1908 = arith.constant 9 : i32
    %get3A_1909 = arith.index_cast %get3A_1908 : i32 to index
    %get3A_1910 = arith.constant 0 : index
    %get3A_1911 = tpu.vector_load %arg5[%get3A_1909, %get3A_1910] {strides = array<i32>} : memref<25x128xi32, #tpu.memory_space<vmem>>, vector<1x16xi32>,
    %get3A_1912 = vector.shape_cast %get3A_1911 : vector<1x16xi32> to vector<16xi32>
    %sub3A_1913 = arith.constant 1 : i32
    %sub3A_1914 = vector.broadcast %sub3A_1913 : i32 to vector<16xi32>
    %sub3A_1915 = arith.subi %get3A_1912, %sub3A_1914 : vector<16xi32>
    %swap3A_1916 = arith.constant 9 : i32
    %swap3A_1917 = arith.index_cast %swap3A_1916 : i32 to index
    %swap3A_1918 = arith.constant 0 : index
    %swap3A_1919 = tpu.vector_load %arg5[%swap3A_1917, %swap3A_1918] {strides = array<i32>} : memref<25x128xi32, #tpu.memory_space<vmem>>, vector<1x16xi32>,
    %swap3A_1920 = vector.shape_cast %swap3A_1919 : vector<1x16xi32> to vector<16xi32>
    %swap3A_1921 = vector.shape_cast %sub3A_1915 : vector<16xi32> to vector<1x16xi32>
    tpu.vector_store %arg5[%swap3A_1917, %swap3A_1918], %swap3A_1921 {strides = array<i32>} : memref<25x128xi32, #tpu.memory_space<vmem>>, vector<1x16xi32>,
    %get3A_1922 = arith.constant 9 : i32
    %get3A_1923 = arith.index_cast %get3A_1922 : i32 to index
    %get3A_1924 = arith.constant 16 : index
    %get3A_1925 = tpu.vector_load %arg5[%get3A_1923, %get3A_1924] {strides = array<i32>} : memref<25x128xi32, #tpu.memory_space<vmem>>, vector<1x16xi32>,
    %get3A_1926 = vector.shape_cast %get3A_1925 : vector<1x16xi32> to vector<16xi32>
    %sub3A_1927 = arith.constant 1 : i32
    %sub3A_1928 = vector.broadcast %sub3A_1927 : i32 to vector<16xi32>
    %sub3A_1929 = arith.subi %get3A_1926, %sub3A_1928 : vector<16xi32>
    %swap3A_1930 = arith.constant 9 : i32
    %swap3A_1931 = arith.index_cast %swap3A_1930 : i32 to index
    %swap3A_1932 = arith.constant 16 : index
    %swap3A_1933 = tpu.vector_load %arg5[%swap3A_1931, %swap3A_1932] {strides = array<i32>} : memref<25x128xi32, #tpu.memory_space<vmem>>, vector<1x16xi32>,
    %swap3A_1934 = vector.shape_cast %swap3A_1933 : vector<1x16xi32> to vector<16xi32>
    %swap3A_1935 = vector.shape_cast %sub3A_1929 : vector<16xi32> to vector<1x16xi32>
    tpu.vector_store %arg5[%swap3A_1931, %swap3A_1932], %swap3A_1935 {strides = array<i32>} : memref<25x128xi32, #tpu.memory_space<vmem>>, vector<1x16xi32>,
    %get3A_1936 = arith.constant 9 : i32
    %get3A_1937 = arith.index_cast %get3A_1936 : i32 to index
    %get3A_1938 = arith.constant 32 : index
    %get3A_1939 = tpu.vector_load %arg5[%get3A_1937, %get3A_1938] {strides = array<i32>} : memref<25x128xi32, #tpu.memory_space<vmem>>, vector<1x16xi32>,
    %get3A_1940 = vector.shape_cast %get3A_1939 : vector<1x16xi32> to vector<16xi32>
    %sub3A_1941 = arith.constant 1 : i32
    %sub3A_1942 = vector.broadcast %sub3A_1941 : i32 to vector<16xi32>
    %sub3A_1943 = arith.subi %get3A_1940, %sub3A_1942 : vector<16xi32>
    %swap3A_1944 = arith.constant 9 : i32
    %swap3A_1945 = arith.index_cast %swap3A_1944 : i32 to index
    %swap3A_1946 = arith.constant 32 : index
    %swap3A_1947 = tpu.vector_load %arg5[%swap3A_1945, %swap3A_1946] {strides = array<i32>} : memref<25x128xi32, #tpu.memory_space<vmem>>, vector<1x16xi32>,
    %swap3A_1948 = vector.shape_cast %swap3A_1947 : vector<1x16xi32> to vector<16xi32>
    %swap3A_1949 = vector.shape_cast %sub3A_1943 : vector<16xi32> to vector<1x16xi32>
    tpu.vector_store %arg5[%swap3A_1945, %swap3A_1946], %swap3A_1949 {strides = array<i32>} : memref<25x128xi32, #tpu.memory_space<vmem>>, vector<1x16xi32>,
    %get3A_1950 = arith.constant 9 : i32
    %get3A_1951 = arith.index_cast %get3A_1950 : i32 to index
    %get3A_1952 = arith.constant 48 : index
    %get3A_1953 = tpu.vector_load %arg5[%get3A_1951, %get3A_1952] {strides = array<i32>} : memref<25x128xi32, #tpu.memory_space<vmem>>, vector<1x16xi32>,
    %get3A_1954 = vector.shape_cast %get3A_1953 : vector<1x16xi32> to vector<16xi32>
    %sub3A_1955 = arith.constant 1 : i32
    %sub3A_1956 = vector.broadcast %sub3A_1955 : i32 to vector<16xi32>
    %sub3A_1957 = arith.subi %get3A_1954, %sub3A_1956 : vector<16xi32>
    %swap3A_1958 = arith.constant 9 : i32
    %swap3A_1959 = arith.index_cast %swap3A_1958 : i32 to index
    %swap3A_1960 = arith.constant 48 : index
    %swap3A_1961 = tpu.vector_load %arg5[%swap3A_1959, %swap3A_1960] {strides = array<i32>} : memref<25x128xi32, #tpu.memory_space<vmem>>, vector<1x16xi32>,
    %swap3A_1962 = vector.shape_cast %swap3A_1961 : vector<1x16xi32> to vector<16xi32>
    %swap3A_1963 = vector.shape_cast %sub3A_1957 : vector<16xi32> to vector<1x16xi32>
    tpu.vector_store %arg5[%swap3A_1959, %swap3A_1960], %swap3A_1963 {strides = array<i32>} : memref<25x128xi32, #tpu.memory_space<vmem>>, vector<1x16xi32>,
    %get3A_1964 = arith.constant 9 : i32
    %get3A_1965 = arith.index_cast %get3A_1964 : i32 to index
    %get3A_1966 = arith.constant 64 : index
    %get3A_1967 = tpu.vector_load %arg5[%get3A_1965, %get3A_1966] {strides = array<i32>} : memref<25x128xi32, #tpu.memory_space<vmem>>, vector<1x16xi32>,
    %get3A_1968 = vector.shape_cast %get3A_1967 : vector<1x16xi32> to vector<16xi32>
    %sub3A_1969 = arith.constant 1 : i32
    %sub3A_1970 = vector.broadcast %sub3A_1969 : i32 to vector<16xi32>
    %sub3A_1971 = arith.subi %get3A_1968, %sub3A_1970 : vector<16xi32>
    %swap3A_1972 = arith.constant 9 : i32
    %swap3A_1973 = arith.index_cast %swap3A_1972 : i32 to index
    %swap3A_1974 = arith.constant 64 : index
    %swap3A_1975 = tpu.vector_load %arg5[%swap3A_1973, %swap3A_1974] {strides = array<i32>} : memref<25x128xi32, #tpu.memory_space<vmem>>, vector<1x16xi32>,
    %swap3A_1976 = vector.shape_cast %swap3A_1975 : vector<1x16xi32> to vector<16xi32>
    %swap3A_1977 = vector.shape_cast %sub3A_1971 : vector<16xi32> to vector<1x16xi32>
    tpu.vector_store %arg5[%swap3A_1973, %swap3A_1974], %swap3A_1977 {strides = array<i32>} : memref<25x128xi32, #tpu.memory_space<vmem>>, vector<1x16xi32>,
    %get3A_1978 = arith.constant 9 : i32
    %get3A_1979 = arith.index_cast %get3A_1978 : i32 to index
    %get3A_1980 = arith.constant 80 : index
    %get3A_1981 = tpu.vector_load %arg5[%get3A_1979, %get3A_1980] {strides = array<i32>} : memref<25x128xi32, #tpu.memory_space<vmem>>, vector<1x16xi32>,
    %get3A_1982 = vector.shape_cast %get3A_1981 : vector<1x16xi32> to vector<16xi32>
    %sub3A_1983 = arith.constant 1 : i32
    %sub3A_1984 = vector.broadcast %sub3A_1983 : i32 to vector<16xi32>
    %sub3A_1985 = arith.subi %get3A_1982, %sub3A_1984 : vector<16xi32>
    %swap3A_1986 = arith.constant 9 : i32
    %swap3A_1987 = arith.index_cast %swap3A_1986 : i32 to index
    %swap3A_1988 = arith.constant 80 : index
    %swap3A_1989 = tpu.vector_load %arg5[%swap3A_1987, %swap3A_1988] {strides = array<i32>} : memref<25x128xi32, #tpu.memory_space<vmem>>, vector<1x16xi32>,
    %swap3A_1990 = vector.shape_cast %swap3A_1989 : vector<1x16xi32> to vector<16xi32>
    %swap3A_1991 = vector.shape_cast %sub3A_1985 : vector<16xi32> to vector<1x16xi32>
    tpu.vector_store %arg5[%swap3A_1987, %swap3A_1988], %swap3A_1991 {strides = array<i32>} : memref<25x128xi32, #tpu.memory_space<vmem>>, vector<1x16xi32>,
    %get3A_1992 = arith.constant 9 : i32
    %get3A_1993 = arith.index_cast %get3A_1992 : i32 to index
    %get3A_1994 = arith.constant 96 : index
    %get3A_1995 = tpu.vector_load %arg5[%get3A_1993, %get3A_1994] {strides = array<i32>} : memref<25x128xi32, #tpu.memory_space<vmem>>, vector<1x16xi32>,
    %get3A_1996 = vector.shape_cast %get3A_1995 : vector<1x16xi32> to vector<16xi32>
    %sub3A_1997 = arith.constant 1 : i32
    %sub3A_1998 = vector.broadcast %sub3A_1997 : i32 to vector<16xi32>
    %sub3A_1999 = arith.subi %get3A_1996, %sub3A_1998 : vector<16xi32>
    %swap3A_2000 = arith.constant 9 : i32
    %swap3A_2001 = arith.index_cast %swap3A_2000 : i32 to index
    %swap3A_2002 = arith.constant 96 : index
    %swap3A_2003 = tpu.vector_load %arg5[%swap3A_2001, %swap3A_2002] {strides = array<i32>} : memref<25x128xi32, #tpu.memory_space<vmem>>, vector<1x16xi32>,
    %swap3A_2004 = vector.shape_cast %swap3A_2003 : vector<1x16xi32> to vector<16xi32>
    %swap3A_2005 = vector.shape_cast %sub3A_1999 : vector<16xi32> to vector<1x16xi32>
    tpu.vector_store %arg5[%swap3A_2001, %swap3A_2002], %swap3A_2005 {strides = array<i32>} : memref<25x128xi32, #tpu.memory_space<vmem>>, vector<1x16xi32>,
    %get3A_2006 = arith.constant 9 : i32
    %get3A_2007 = arith.index_cast %get3A_2006 : i32 to index
    %get3A_2008 = arith.constant 112 : index
    %get3A_2009 = tpu.vector_load %arg5[%get3A_2007, %get3A_2008] {strides = array<i32>} : memref<25x128xi32, #tpu.memory_space<vmem>>, vector<1x16xi32>,
    %get3A_2010 = vector.shape_cast %get3A_2009 : vector<1x16xi32> to vector<16xi32>
    %sub3A_2011 = arith.constant 1 : i32
    %sub3A_2012 = vector.broadcast %sub3A_2011 : i32 to vector<16xi32>
    %sub3A_2013 = arith.subi %get3A_2010, %sub3A_2012 : vector<16xi32>
    %swap3A_2014 = arith.constant 9 : i32
    %swap3A_2015 = arith.index_cast %swap3A_2014 : i32 to index
    %swap3A_2016 = arith.constant 112 : index
    %swap3A_2017 = tpu.vector_load %arg5[%swap3A_2015, %swap3A_2016] {strides = array<i32>} : memref<25x128xi32, #tpu.memory_space<vmem>>, vector<1x16xi32>,
    %swap3A_2018 = vector.shape_cast %swap3A_2017 : vector<1x16xi32> to vector<16xi32>
    %swap3A_2019 = vector.shape_cast %sub3A_2013 : vector<16xi32> to vector<1x16xi32>
    tpu.vector_store %arg5[%swap3A_2015, %swap3A_2016], %swap3A_2019 {strides = array<i32>} : memref<25x128xi32, #tpu.memory_space<vmem>>, vector<1x16xi32>,
    %dma_start3A_2020 = arith.constant 9 : i32
    %dma_start3A_2021 = arith.constant 0 : i32
    %dma_start3A_2022 = tpu.memref_slice %arg5[%dma_start3A_2020, %dma_start3A_2021] : memref<25x128xi32, #tpu.memory_space<vmem>> -> memref<1x128xi32, #tpu.memory_space<vmem>>
    %dma_start3A_2023 = tpu.memref_squeeze %dma_start3A_2022 : memref<1x128xi32, #tpu.memory_space<vmem>> -> memref<128xi32, #tpu.memory_space<vmem>>
    %dma_start3A_2024 = arith.constant 0 : i32
    %dma_start3A_2025 = arith.constant 0 : i32
    %dma_start3A_2026 = tpu.memref_slice %arg11[%dma_start3A_2024, %dma_start3A_2025] : memref<100x128xf32, #tpu.memory_space<vmem_shared>> -> memref<100x128xf32, #tpu.memory_space<vmem_shared>>
    tpu.enqueue_indirect_dma source(%dma_start3A_2026 : memref<100x128xf32, #tpu.memory_space<vmem_shared>>) target(%arg10 : memref<128x128xf32, #tpu.memory_space<vmem>>) offsets(%dma_start3A_2023 : memref<128xi32, #tpu.memory_space<vmem>>) semaphore(%arg17 : memref<!tpu.dma_semaphore, #tpu.memory_space<semaphore_mem>>)
    %dma_wait3A_2027 = arith.constant 8 : i32
    %dma_wait3A_2028 = arith.constant 0 : i32
    %dma_wait3A_2029 = tpu.memref_slice %arg5[%dma_wait3A_2027, %dma_wait3A_2028] : memref<25x128xi32, #tpu.memory_space<vmem>> -> memref<1x128xi32, #tpu.memory_space<vmem>>
    %dma_wait3A_2030 = tpu.memref_squeeze %dma_wait3A_2029 : memref<1x128xi32, #tpu.memory_space<vmem>> -> memref<128xi32, #tpu.memory_space<vmem>>
    %dma_wait3A_2031 = arith.constant 0 : i32
    %dma_wait3A_2032 = arith.constant 0 : i32
    %dma_wait3A_2033 = tpu.memref_slice %arg11[%dma_wait3A_2031, %dma_wait3A_2032] : memref<100x128xf32, #tpu.memory_space<vmem_shared>> -> memref<100x128xf32, #tpu.memory_space<vmem_shared>>
    tpu.wait_indirect_dma semaphore(%arg16 : memref<!tpu.dma_semaphore, #tpu.memory_space<semaphore_mem>>) src(%dma_wait3A_2033 : memref<100x128xf32, #tpu.memory_space<vmem_shared>>) dst(%arg9 : memref<128x128xf32, #tpu.memory_space<vmem>>)
    %add3A_2034 = arith.constant 256 : i32
    %add3A_2035 = arith.addi %add3A, %add3A_2034 : i32
    %min3A_2036 = arith.constant 781 : i32
    %min3A_2037 = arith.minsi %add3A_2035, %min3A_2036 : i32
    %mul3A_2038 = arith.constant 128 : i32
    %mul3A_2039 = arith.muli %min3A_2037, %mul3A_2038 : i32
    %min3A_2040 = arith.constant 99872 : i32
    %min3A_2041 = arith.minsi %mul3A_2039, %min3A_2040 : i32
    %multiple_of3A_2042 = tpu.assume_multiple %min3A_2041, 8 : i32
    %dma_start3A_2043 = arith.constant 0 : i32
    %dma_start3A_2044 = tpu.memref_slice %arg4[%multiple_of3A_2042, %dma_start3A_2043] : memref<100000x128xf32, #tpu.memory_space<hbm>> -> memref<128x128xf32, #tpu.memory_space<hbm>>
    %dma_start3A_2045 = arith.constant 0 : i32
    %dma_start3A_2046 = tpu.memref_slice %arg4[%multiple_of3A_2042, %dma_start3A_2045] : memref<100000x128xf32, #tpu.memory_space<hbm>> -> memref<128x128xf32, #tpu.memory_space<hbm>>
    tpu.enqueue_dma source(%arg9 : memref<128x128xf32, #tpu.memory_space<vmem>>) target(%dma_start3A_2046 : memref<128x128xf32, #tpu.memory_space<hbm>>) target_semaphore(%arg21 : memref<!tpu.dma_semaphore, #tpu.memory_space<semaphore_mem>>)
    %add3A_2047 = arith.constant 160 : i32
    %add3A_2048 = arith.addi %add3A, %add3A_2047 : i32
    %min3A_2049 = arith.constant 781 : i32
    %min3A_2050 = arith.minsi %add3A_2048, %min3A_2049 : i32
    %mul3A_2051 = arith.constant 128 : i32
    %mul3A_2052 = arith.muli %min3A_2050, %mul3A_2051 : i32
    %min3A_2053 = arith.constant 99872 : i32
    %min3A_2054 = arith.minsi %mul3A_2052, %min3A_2053 : i32
    %multiple_of3A_2055 = tpu.assume_multiple %min3A_2054, 8 : i32
    %dma_wait3A_2056 = arith.constant 0 : i32
    %dma_wait3A_2057 = tpu.memref_slice %arg4[%multiple_of3A_2055, %dma_wait3A_2056] : memref<100000x128xf32, #tpu.memory_space<hbm>> -> memref<128x128xf32, #tpu.memory_space<hbm>>
    %dma_wait3A_2058 = arith.constant 0 : i32
    %dma_wait3A_2059 = tpu.memref_slice %arg4[%multiple_of3A_2055, %dma_wait3A_2058] : memref<100000x128xf32, #tpu.memory_space<hbm>> -> memref<128x128xf32, #tpu.memory_space<hbm>>
    tpu.wait_dma2 semaphore(%arg18 : memref<!tpu.dma_semaphore, #tpu.memory_space<semaphore_mem>>) src(%arg6 : memref<128x128xf32, #tpu.memory_space<vmem>>) dst(%dma_wait3A_2059 : memref<128x128xf32, #tpu.memory_space<hbm>>)
    %add3A_2060 = arith.constant 320 : i32
    %add3A_2061 = arith.addi %add3A, %add3A_2060 : i32
    %min3A_2062 = arith.constant 781 : i32
    %min3A_2063 = arith.minsi %add3A_2061, %min3A_2062 : i32
    %mul3A_2064 = arith.constant 128 : i32
    %mul3A_2065 = arith.muli %min3A_2063, %mul3A_2064 : i32
    %min3A_2066 = arith.constant 99872 : i32
    %min3A_2067 = arith.minsi %mul3A_2065, %min3A_2066 : i32
    %multiple_of3A_2068 = tpu.assume_multiple %min3A_2067, 8 : i32
    %dma_wait3A_2069 = arith.constant 10 : i32
    %dma_wait3A_2070 = arith.constant 0 : i32
    %dma_wait3A_2071 = tpu.memref_slice %arg5[%dma_wait3A_2069, %dma_wait3A_2070] : memref<25x128xi32, #tpu.memory_space<vmem>> -> memref<1x128xi32, #tpu.memory_space<vmem>>
    %dma_wait3A_2072 = tpu.memref_squeeze %dma_wait3A_2071 : memref<1x128xi32, #tpu.memory_space<vmem>> -> memref<128xi32, #tpu.memory_space<vmem>>
    %dma_wait3A_2073 = tpu.memref_slice %arg2[%multiple_of3A_2068] : memref<100000xi32, #tpu.memory_space<hbm>> -> memref<128xi32, #tpu.memory_space<hbm>>
    %dma_wait3A_2074 = arith.constant 0 : i32
    %dma_wait3A_2075 = tpu.memref_slice %arg5[%dma_wait3A_2069, %dma_wait3A_2074] : memref<25x128xi32, #tpu.memory_space<vmem>> -> memref<1x128xi32, #tpu.memory_space<vmem>>
    %dma_wait3A_2076 = tpu.memref_squeeze %dma_wait3A_2075 : memref<1x128xi32, #tpu.memory_space<vmem>> -> memref<128xi32, #tpu.memory_space<vmem>>
    %dma_wait3A_2077 = tpu.memref_slice %arg2[%multiple_of3A_2068] : memref<100000xi32, #tpu.memory_space<hbm>> -> memref<128xi32, #tpu.memory_space<hbm>>
    tpu.wait_dma2 semaphore(%arg12 : memref<!tpu.dma_semaphore, #tpu.memory_space<semaphore_mem>>) src(%dma_wait3A_2077 : memref<128xi32, #tpu.memory_space<hbm>>) dst(%dma_wait3A_2076 : memref<128xi32, #tpu.memory_space<vmem>>)
    %get3A_2078 = arith.constant 10 : i32
    %get3A_2079 = arith.index_cast %get3A_2078 : i32 to index
    %get3A_2080 = arith.constant 0 : index
    %get3A_2081 = tpu.vector_load %arg5[%get3A_2079, %get3A_2080] {strides = array<i32>} : memref<25x128xi32, #tpu.memory_space<vmem>>, vector<1x16xi32>,
    %get3A_2082 = vector.shape_cast %get3A_2081 : vector<1x16xi32> to vector<16xi32>
    %sub3A_2083 = arith.constant 1 : i32
    %sub3A_2084 = vector.broadcast %sub3A_2083 : i32 to vector<16xi32>
    %sub3A_2085 = arith.subi %get3A_2082, %sub3A_2084 : vector<16xi32>
    %swap3A_2086 = arith.constant 10 : i32
    %swap3A_2087 = arith.index_cast %swap3A_2086 : i32 to index
    %swap3A_2088 = arith.constant 0 : index
    %swap3A_2089 = tpu.vector_load %arg5[%swap3A_2087, %swap3A_2088] {strides = array<i32>} : memref<25x128xi32, #tpu.memory_space<vmem>>, vector<1x16xi32>,
    %swap3A_2090 = vector.shape_cast %swap3A_2089 : vector<1x16xi32> to vector<16xi32>
    %swap3A_2091 = vector.shape_cast %sub3A_2085 : vector<16xi32> to vector<1x16xi32>
    tpu.vector_store %arg5[%swap3A_2087, %swap3A_2088], %swap3A_2091 {strides = array<i32>} : memref<25x128xi32, #tpu.memory_space<vmem>>, vector<1x16xi32>,
    %get3A_2092 = arith.constant 10 : i32
    %get3A_2093 = arith.index_cast %get3A_2092 : i32 to index
    %get3A_2094 = arith.constant 16 : index
    %get3A_2095 = tpu.vector_load %arg5[%get3A_2093, %get3A_2094] {strides = array<i32>} : memref<25x128xi32, #tpu.memory_space<vmem>>, vector<1x16xi32>,
    %get3A_2096 = vector.shape_cast %get3A_2095 : vector<1x16xi32> to vector<16xi32>
    %sub3A_2097 = arith.constant 1 : i32
    %sub3A_2098 = vector.broadcast %sub3A_2097 : i32 to vector<16xi32>
    %sub3A_2099 = arith.subi %get3A_2096, %sub3A_2098 : vector<16xi32>
    %swap3A_2100 = arith.constant 10 : i32
    %swap3A_2101 = arith.index_cast %swap3A_2100 : i32 to index
    %swap3A_2102 = arith.constant 16 : index
    %swap3A_2103 = tpu.vector_load %arg5[%swap3A_2101, %swap3A_2102] {strides = array<i32>} : memref<25x128xi32, #tpu.memory_space<vmem>>, vector<1x16xi32>,
    %swap3A_2104 = vector.shape_cast %swap3A_2103 : vector<1x16xi32> to vector<16xi32>
    %swap3A_2105 = vector.shape_cast %sub3A_2099 : vector<16xi32> to vector<1x16xi32>
    tpu.vector_store %arg5[%swap3A_2101, %swap3A_2102], %swap3A_2105 {strides = array<i32>} : memref<25x128xi32, #tpu.memory_space<vmem>>, vector<1x16xi32>,
    %get3A_2106 = arith.constant 10 : i32
    %get3A_2107 = arith.index_cast %get3A_2106 : i32 to index
    %get3A_2108 = arith.constant 32 : index
    %get3A_2109 = tpu.vector_load %arg5[%get3A_2107, %get3A_2108] {strides = array<i32>} : memref<25x128xi32, #tpu.memory_space<vmem>>, vector<1x16xi32>,
    %get3A_2110 = vector.shape_cast %get3A_2109 : vector<1x16xi32> to vector<16xi32>
    %sub3A_2111 = arith.constant 1 : i32
    %sub3A_2112 = vector.broadcast %sub3A_2111 : i32 to vector<16xi32>
    %sub3A_2113 = arith.subi %get3A_2110, %sub3A_2112 : vector<16xi32>
    %swap3A_2114 = arith.constant 10 : i32
    %swap3A_2115 = arith.index_cast %swap3A_2114 : i32 to index
    %swap3A_2116 = arith.constant 32 : index
    %swap3A_2117 = tpu.vector_load %arg5[%swap3A_2115, %swap3A_2116] {strides = array<i32>} : memref<25x128xi32, #tpu.memory_space<vmem>>, vector<1x16xi32>,
    %swap3A_2118 = vector.shape_cast %swap3A_2117 : vector<1x16xi32> to vector<16xi32>
    %swap3A_2119 = vector.shape_cast %sub3A_2113 : vector<16xi32> to vector<1x16xi32>
    tpu.vector_store %arg5[%swap3A_2115, %swap3A_2116], %swap3A_2119 {strides = array<i32>} : memref<25x128xi32, #tpu.memory_space<vmem>>, vector<1x16xi32>,
    %get3A_2120 = arith.constant 10 : i32
    %get3A_2121 = arith.index_cast %get3A_2120 : i32 to index
    %get3A_2122 = arith.constant 48 : index
    %get3A_2123 = tpu.vector_load %arg5[%get3A_2121, %get3A_2122] {strides = array<i32>} : memref<25x128xi32, #tpu.memory_space<vmem>>, vector<1x16xi32>,
    %get3A_2124 = vector.shape_cast %get3A_2123 : vector<1x16xi32> to vector<16xi32>
    %sub3A_2125 = arith.constant 1 : i32
    %sub3A_2126 = vector.broadcast %sub3A_2125 : i32 to vector<16xi32>
    %sub3A_2127 = arith.subi %get3A_2124, %sub3A_2126 : vector<16xi32>
    %swap3A_2128 = arith.constant 10 : i32
    %swap3A_2129 = arith.index_cast %swap3A_2128 : i32 to index
    %swap3A_2130 = arith.constant 48 : index
    %swap3A_2131 = tpu.vector_load %arg5[%swap3A_2129, %swap3A_2130] {strides = array<i32>} : memref<25x128xi32, #tpu.memory_space<vmem>>, vector<1x16xi32>,
    %swap3A_2132 = vector.shape_cast %swap3A_2131 : vector<1x16xi32> to vector<16xi32>
    %swap3A_2133 = vector.shape_cast %sub3A_2127 : vector<16xi32> to vector<1x16xi32>
    tpu.vector_store %arg5[%swap3A_2129, %swap3A_2130], %swap3A_2133 {strides = array<i32>} : memref<25x128xi32, #tpu.memory_space<vmem>>, vector<1x16xi32>,
    %get3A_2134 = arith.constant 10 : i32
    %get3A_2135 = arith.index_cast %get3A_2134 : i32 to index
    %get3A_2136 = arith.constant 64 : index
    %get3A_2137 = tpu.vector_load %arg5[%get3A_2135, %get3A_2136] {strides = array<i32>} : memref<25x128xi32, #tpu.memory_space<vmem>>, vector<1x16xi32>,
    %get3A_2138 = vector.shape_cast %get3A_2137 : vector<1x16xi32> to vector<16xi32>
    %sub3A_2139 = arith.constant 1 : i32
    %sub3A_2140 = vector.broadcast %sub3A_2139 : i32 to vector<16xi32>
    %sub3A_2141 = arith.subi %get3A_2138, %sub3A_2140 : vector<16xi32>
    %swap3A_2142 = arith.constant 10 : i32
    %swap3A_2143 = arith.index_cast %swap3A_2142 : i32 to index
    %swap3A_2144 = arith.constant 64 : index
    %swap3A_2145 = tpu.vector_load %arg5[%swap3A_2143, %swap3A_2144] {strides = array<i32>} : memref<25x128xi32, #tpu.memory_space<vmem>>, vector<1x16xi32>,
    %swap3A_2146 = vector.shape_cast %swap3A_2145 : vector<1x16xi32> to vector<16xi32>
    %swap3A_2147 = vector.shape_cast %sub3A_2141 : vector<16xi32> to vector<1x16xi32>
    tpu.vector_store %arg5[%swap3A_2143, %swap3A_2144], %swap3A_2147 {strides = array<i32>} : memref<25x128xi32, #tpu.memory_space<vmem>>, vector<1x16xi32>,
    %get3A_2148 = arith.constant 10 : i32
    %get3A_2149 = arith.index_cast %get3A_2148 : i32 to index
    %get3A_2150 = arith.constant 80 : index
    %get3A_2151 = tpu.vector_load %arg5[%get3A_2149, %get3A_2150] {strides = array<i32>} : memref<25x128xi32, #tpu.memory_space<vmem>>, vector<1x16xi32>,
    %get3A_2152 = vector.shape_cast %get3A_2151 : vector<1x16xi32> to vector<16xi32>
    %sub3A_2153 = arith.constant 1 : i32
    %sub3A_2154 = vector.broadcast %sub3A_2153 : i32 to vector<16xi32>
    %sub3A_2155 = arith.subi %get3A_2152, %sub3A_2154 : vector<16xi32>
    %swap3A_2156 = arith.constant 10 : i32
    %swap3A_2157 = arith.index_cast %swap3A_2156 : i32 to index
    %swap3A_2158 = arith.constant 80 : index
    %swap3A_2159 = tpu.vector_load %arg5[%swap3A_2157, %swap3A_2158] {strides = array<i32>} : memref<25x128xi32, #tpu.memory_space<vmem>>, vector<1x16xi32>,
    %swap3A_2160 = vector.shape_cast %swap3A_2159 : vector<1x16xi32> to vector<16xi32>
    %swap3A_2161 = vector.shape_cast %sub3A_2155 : vector<16xi32> to vector<1x16xi32>
    tpu.vector_store %arg5[%swap3A_2157, %swap3A_2158], %swap3A_2161 {strides = array<i32>} : memref<25x128xi32, #tpu.memory_space<vmem>>, vector<1x16xi32>,
    %get3A_2162 = arith.constant 10 : i32
    %get3A_2163 = arith.index_cast %get3A_2162 : i32 to index
    %get3A_2164 = arith.constant 96 : index
    %get3A_2165 = tpu.vector_load %arg5[%get3A_2163, %get3A_2164] {strides = array<i32>} : memref<25x128xi32, #tpu.memory_space<vmem>>, vector<1x16xi32>,
    %get3A_2166 = vector.shape_cast %get3A_2165 : vector<1x16xi32> to vector<16xi32>
    %sub3A_2167 = arith.constant 1 : i32
    %sub3A_2168 = vector.broadcast %sub3A_2167 : i32 to vector<16xi32>
    %sub3A_2169 = arith.subi %get3A_2166, %sub3A_2168 : vector<16xi32>
    %swap3A_2170 = arith.constant 10 : i32
    %swap3A_2171 = arith.index_cast %swap3A_2170 : i32 to index
    %swap3A_2172 = arith.constant 96 : index
    %swap3A_2173 = tpu.vector_load %arg5[%swap3A_2171, %swap3A_2172] {strides = array<i32>} : memref<25x128xi32, #tpu.memory_space<vmem>>, vector<1x16xi32>,
    %swap3A_2174 = vector.shape_cast %swap3A_2173 : vector<1x16xi32> to vector<16xi32>
    %swap3A_2175 = vector.shape_cast %sub3A_2169 : vector<16xi32> to vector<1x16xi32>
    tpu.vector_store %arg5[%swap3A_2171, %swap3A_2172], %swap3A_2175 {strides = array<i32>} : memref<25x128xi32, #tpu.memory_space<vmem>>, vector<1x16xi32>,
    %get3A_2176 = arith.constant 10 : i32
    %get3A_2177 = arith.index_cast %get3A_2176 : i32 to index
    %get3A_2178 = arith.constant 112 : index
    %get3A_2179 = tpu.vector_load %arg5[%get3A_2177, %get3A_2178] {strides = array<i32>} : memref<25x128xi32, #tpu.memory_space<vmem>>, vector<1x16xi32>,
    %get3A_2180 = vector.shape_cast %get3A_2179 : vector<1x16xi32> to vector<16xi32>
    %sub3A_2181 = arith.constant 1 : i32
    %sub3A_2182 = vector.broadcast %sub3A_2181 : i32 to vector<16xi32>
    %sub3A_2183 = arith.subi %get3A_2180, %sub3A_2182 : vector<16xi32>
    %swap3A_2184 = arith.constant 10 : i32
    %swap3A_2185 = arith.index_cast %swap3A_2184 : i32 to index
    %swap3A_2186 = arith.constant 112 : index
    %swap3A_2187 = tpu.vector_load %arg5[%swap3A_2185, %swap3A_2186] {strides = array<i32>} : memref<25x128xi32, #tpu.memory_space<vmem>>, vector<1x16xi32>,
    %swap3A_2188 = vector.shape_cast %swap3A_2187 : vector<1x16xi32> to vector<16xi32>
    %swap3A_2189 = vector.shape_cast %sub3A_2183 : vector<16xi32> to vector<1x16xi32>
    tpu.vector_store %arg5[%swap3A_2185, %swap3A_2186], %swap3A_2189 {strides = array<i32>} : memref<25x128xi32, #tpu.memory_space<vmem>>, vector<1x16xi32>,
    %dma_start3A_2190 = arith.constant 10 : i32
    %dma_start3A_2191 = arith.constant 0 : i32
    %dma_start3A_2192 = tpu.memref_slice %arg5[%dma_start3A_2190, %dma_start3A_2191] : memref<25x128xi32, #tpu.memory_space<vmem>> -> memref<1x128xi32, #tpu.memory_space<vmem>>
    %dma_start3A_2193 = tpu.memref_squeeze %dma_start3A_2192 : memref<1x128xi32, #tpu.memory_space<vmem>> -> memref<128xi32, #tpu.memory_space<vmem>>
    %dma_start3A_2194 = arith.constant 0 : i32
    %dma_start3A_2195 = arith.constant 0 : i32
    %dma_start3A_2196 = tpu.memref_slice %arg11[%dma_start3A_2194, %dma_start3A_2195] : memref<100x128xf32, #tpu.memory_space<vmem_shared>> -> memref<100x128xf32, #tpu.memory_space<vmem_shared>>
    tpu.enqueue_indirect_dma source(%dma_start3A_2196 : memref<100x128xf32, #tpu.memory_space<vmem_shared>>) target(%arg6 : memref<128x128xf32, #tpu.memory_space<vmem>>) offsets(%dma_start3A_2193 : memref<128xi32, #tpu.memory_space<vmem>>) semaphore(%arg13 : memref<!tpu.dma_semaphore, #tpu.memory_space<semaphore_mem>>)
    %dma_wait3A_2197 = arith.constant 9 : i32
    %dma_wait3A_2198 = arith.constant 0 : i32
    %dma_wait3A_2199 = tpu.memref_slice %arg5[%dma_wait3A_2197, %dma_wait3A_2198] : memref<25x128xi32, #tpu.memory_space<vmem>> -> memref<1x128xi32, #tpu.memory_space<vmem>>
    %dma_wait3A_2200 = tpu.memref_squeeze %dma_wait3A_2199 : memref<1x128xi32, #tpu.memory_space<vmem>> -> memref<128xi32, #tpu.memory_space<vmem>>
    %dma_wait3A_2201 = arith.constant 0 : i32
    %dma_wait3A_2202 = arith.constant 0 : i32
    %dma_wait3A_2203 = tpu.memref_slice %arg11[%dma_wait3A_2201, %dma_wait3A_2202] : memref<100x128xf32, #tpu.memory_space<vmem_shared>> -> memref<100x128xf32, #tpu.memory_space<vmem_shared>>
    tpu.wait_indirect_dma semaphore(%arg17 : memref<!tpu.dma_semaphore, #tpu.memory_space<semaphore_mem>>) src(%dma_wait3A_2203 : memref<100x128xf32, #tpu.memory_space<vmem_shared>>) dst(%arg10 : memref<128x128xf32, #tpu.memory_space<vmem>>)
    %add3A_2204 = arith.constant 288 : i32
    %add3A_2205 = arith.addi %add3A, %add3A_2204 : i32
    %min3A_2206 = arith.constant 781 : i32
    %min3A_2207 = arith.minsi %add3A_2205, %min3A_2206 : i32
    %mul3A_2208 = arith.constant 128 : i32
    %mul3A_2209 = arith.muli %min3A_2207, %mul3A_2208 : i32
    %min3A_2210 = arith.constant 99872 : i32
    %min3A_2211 = arith.minsi %mul3A_2209, %min3A_2210 : i32
    %multiple_of3A_2212 = tpu.assume_multiple %min3A_2211, 8 : i32
    %dma_start3A_2213 = arith.constant 0 : i32
    %dma_start3A_2214 = tpu.memref_slice %arg4[%multiple_of3A_2212, %dma_start3A_2213] : memref<100000x128xf32, #tpu.memory_space<hbm>> -> memref<128x128xf32, #tpu.memory_space<hbm>>
    %dma_start3A_2215 = arith.constant 0 : i32
    %dma_start3A_2216 = tpu.memref_slice %arg4[%multiple_of3A_2212, %dma_start3A_2215] : memref<100000x128xf32, #tpu.memory_space<hbm>> -> memref<128x128xf32, #tpu.memory_space<hbm>>
    tpu.enqueue_dma source(%arg10 : memref<128x128xf32, #tpu.memory_space<vmem>>) target(%dma_start3A_2216 : memref<128x128xf32, #tpu.memory_space<hbm>>) target_semaphore(%arg22 : memref<!tpu.dma_semaphore, #tpu.memory_space<semaphore_mem>>)
    %add3A_2217 = arith.constant 192 : i32
    %add3A_2218 = arith.addi %add3A, %add3A_2217 : i32
    %min3A_2219 = arith.constant 781 : i32
    %min3A_2220 = arith.minsi %add3A_2218, %min3A_2219 : i32
    %mul3A_2221 = arith.constant 128 : i32
    %mul3A_2222 = arith.muli %min3A_2220, %mul3A_2221 : i32
    %min3A_2223 = arith.constant 99872 : i32
    %min3A_2224 = arith.minsi %mul3A_2222, %min3A_2223 : i32
    %multiple_of3A_2225 = tpu.assume_multiple %min3A_2224, 8 : i32
    %dma_wait3A_2226 = arith.constant 0 : i32
    %dma_wait3A_2227 = tpu.memref_slice %arg4[%multiple_of3A_2225, %dma_wait3A_2226] : memref<100000x128xf32, #tpu.memory_space<hbm>> -> memref<128x128xf32, #tpu.memory_space<hbm>>
    %dma_wait3A_2228 = arith.constant 0 : i32
    %dma_wait3A_2229 = tpu.memref_slice %arg4[%multiple_of3A_2225, %dma_wait3A_2228] : memref<100000x128xf32, #tpu.memory_space<hbm>> -> memref<128x128xf32, #tpu.memory_space<hbm>>
    tpu.wait_dma2 semaphore(%arg19 : memref<!tpu.dma_semaphore, #tpu.memory_space<semaphore_mem>>) src(%arg7 : memref<128x128xf32, #tpu.memory_space<vmem>>) dst(%dma_wait3A_2229 : memref<128x128xf32, #tpu.memory_space<hbm>>)
    %add3A_2230 = arith.constant 352 : i32
    %add3A_2231 = arith.addi %add3A, %add3A_2230 : i32
    %min3A_2232 = arith.constant 781 : i32
    %min3A_2233 = arith.minsi %add3A_2231, %min3A_2232 : i32
    %mul3A_2234 = arith.constant 128 : i32
    %mul3A_2235 = arith.muli %min3A_2233, %mul3A_2234 : i32
    %min3A_2236 = arith.constant 99872 : i32
    %min3A_2237 = arith.minsi %mul3A_2235, %min3A_2236 : i32
    %multiple_of3A_2238 = tpu.assume_multiple %min3A_2237, 8 : i32
    %dma_wait3A_2239 = arith.constant 11 : i32
    %dma_wait3A_2240 = arith.constant 0 : i32
    %dma_wait3A_2241 = tpu.memref_slice %arg5[%dma_wait3A_2239, %dma_wait3A_2240] : memref<25x128xi32, #tpu.memory_space<vmem>> -> memref<1x128xi32, #tpu.memory_space<vmem>>
    %dma_wait3A_2242 = tpu.memref_squeeze %dma_wait3A_2241 : memref<1x128xi32, #tpu.memory_space<vmem>> -> memref<128xi32, #tpu.memory_space<vmem>>
    %dma_wait3A_2243 = tpu.memref_slice %arg2[%multiple_of3A_2238] : memref<100000xi32, #tpu.memory_space<hbm>> -> memref<128xi32, #tpu.memory_space<hbm>>
    %dma_wait3A_2244 = arith.constant 0 : i32
    %dma_wait3A_2245 = tpu.memref_slice %arg5[%dma_wait3A_2239, %dma_wait3A_2244] : memref<25x128xi32, #tpu.memory_space<vmem>> -> memref<1x128xi32, #tpu.memory_space<vmem>>
    %dma_wait3A_2246 = tpu.memref_squeeze %dma_wait3A_2245 : memref<1x128xi32, #tpu.memory_space<vmem>> -> memref<128xi32, #tpu.memory_space<vmem>>
    %dma_wait3A_2247 = tpu.memref_slice %arg2[%multiple_of3A_2238] : memref<100000xi32, #tpu.memory_space<hbm>> -> memref<128xi32, #tpu.memory_space<hbm>>
    tpu.wait_dma2 semaphore(%arg12 : memref<!tpu.dma_semaphore, #tpu.memory_space<semaphore_mem>>) src(%dma_wait3A_2247 : memref<128xi32, #tpu.memory_space<hbm>>) dst(%dma_wait3A_2246 : memref<128xi32, #tpu.memory_space<vmem>>)
    %get3A_2248 = arith.constant 11 : i32
    %get3A_2249 = arith.index_cast %get3A_2248 : i32 to index
    %get3A_2250 = arith.constant 0 : index
    %get3A_2251 = tpu.vector_load %arg5[%get3A_2249, %get3A_2250] {strides = array<i32>} : memref<25x128xi32, #tpu.memory_space<vmem>>, vector<1x16xi32>,
    %get3A_2252 = vector.shape_cast %get3A_2251 : vector<1x16xi32> to vector<16xi32>
    %sub3A_2253 = arith.constant 1 : i32
    %sub3A_2254 = vector.broadcast %sub3A_2253 : i32 to vector<16xi32>
    %sub3A_2255 = arith.subi %get3A_2252, %sub3A_2254 : vector<16xi32>
    %swap3A_2256 = arith.constant 11 : i32
    %swap3A_2257 = arith.index_cast %swap3A_2256 : i32 to index
    %swap3A_2258 = arith.constant 0 : index
    %swap3A_2259 = tpu.vector_load %arg5[%swap3A_2257, %swap3A_2258] {strides = array<i32>} : memref<25x128xi32, #tpu.memory_space<vmem>>, vector<1x16xi32>,
    %swap3A_2260 = vector.shape_cast %swap3A_2259 : vector<1x16xi32> to vector<16xi32>
    %swap3A_2261 = vector.shape_cast %sub3A_2255 : vector<16xi32> to vector<1x16xi32>
    tpu.vector_store %arg5[%swap3A_2257, %swap3A_2258], %swap3A_2261 {strides = array<i32>} : memref<25x128xi32, #tpu.memory_space<vmem>>, vector<1x16xi32>,
    %get3A_2262 = arith.constant 11 : i32
    %get3A_2263 = arith.index_cast %get3A_2262 : i32 to index
    %get3A_2264 = arith.constant 16 : index
    %get3A_2265 = tpu.vector_load %arg5[%get3A_2263, %get3A_2264] {strides = array<i32>} : memref<25x128xi32, #tpu.memory_space<vmem>>, vector<1x16xi32>,
    %get3A_2266 = vector.shape_cast %get3A_2265 : vector<1x16xi32> to vector<16xi32>
    %sub3A_2267 = arith.constant 1 : i32
    %sub3A_2268 = vector.broadcast %sub3A_2267 : i32 to vector<16xi32>
    %sub3A_2269 = arith.subi %get3A_2266, %sub3A_2268 : vector<16xi32>
    %swap3A_2270 = arith.constant 11 : i32
    %swap3A_2271 = arith.index_cast %swap3A_2270 : i32 to index
    %swap3A_2272 = arith.constant 16 : index
    %swap3A_2273 = tpu.vector_load %arg5[%swap3A_2271, %swap3A_2272] {strides = array<i32>} : memref<25x128xi32, #tpu.memory_space<vmem>>, vector<1x16xi32>,
    %swap3A_2274 = vector.shape_cast %swap3A_2273 : vector<1x16xi32> to vector<16xi32>
    %swap3A_2275 = vector.shape_cast %sub3A_2269 : vector<16xi32> to vector<1x16xi32>
    tpu.vector_store %arg5[%swap3A_2271, %swap3A_2272], %swap3A_2275 {strides = array<i32>} : memref<25x128xi32, #tpu.memory_space<vmem>>, vector<1x16xi32>,
    %get3A_2276 = arith.constant 11 : i32
    %get3A_2277 = arith.index_cast %get3A_2276 : i32 to index
    %get3A_2278 = arith.constant 32 : index
    %get3A_2279 = tpu.vector_load %arg5[%get3A_2277, %get3A_2278] {strides = array<i32>} : memref<25x128xi32, #tpu.memory_space<vmem>>, vector<1x16xi32>,
    %get3A_2280 = vector.shape_cast %get3A_2279 : vector<1x16xi32> to vector<16xi32>
    %sub3A_2281 = arith.constant 1 : i32
    %sub3A_2282 = vector.broadcast %sub3A_2281 : i32 to vector<16xi32>
    %sub3A_2283 = arith.subi %get3A_2280, %sub3A_2282 : vector<16xi32>
    %swap3A_2284 = arith.constant 11 : i32
    %swap3A_2285 = arith.index_cast %swap3A_2284 : i32 to index
    %swap3A_2286 = arith.constant 32 : index
    %swap3A_2287 = tpu.vector_load %arg5[%swap3A_2285, %swap3A_2286] {strides = array<i32>} : memref<25x128xi32, #tpu.memory_space<vmem>>, vector<1x16xi32>,
    %swap3A_2288 = vector.shape_cast %swap3A_2287 : vector<1x16xi32> to vector<16xi32>
    %swap3A_2289 = vector.shape_cast %sub3A_2283 : vector<16xi32> to vector<1x16xi32>
    tpu.vector_store %arg5[%swap3A_2285, %swap3A_2286], %swap3A_2289 {strides = array<i32>} : memref<25x128xi32, #tpu.memory_space<vmem>>, vector<1x16xi32>,
    %get3A_2290 = arith.constant 11 : i32
    %get3A_2291 = arith.index_cast %get3A_2290 : i32 to index
    %get3A_2292 = arith.constant 48 : index
    %get3A_2293 = tpu.vector_load %arg5[%get3A_2291, %get3A_2292] {strides = array<i32>} : memref<25x128xi32, #tpu.memory_space<vmem>>, vector<1x16xi32>,
    %get3A_2294 = vector.shape_cast %get3A_2293 : vector<1x16xi32> to vector<16xi32>
    %sub3A_2295 = arith.constant 1 : i32
    %sub3A_2296 = vector.broadcast %sub3A_2295 : i32 to vector<16xi32>
    %sub3A_2297 = arith.subi %get3A_2294, %sub3A_2296 : vector<16xi32>
    %swap3A_2298 = arith.constant 11 : i32
    %swap3A_2299 = arith.index_cast %swap3A_2298 : i32 to index
    %swap3A_2300 = arith.constant 48 : index
    %swap3A_2301 = tpu.vector_load %arg5[%swap3A_2299, %swap3A_2300] {strides = array<i32>} : memref<25x128xi32, #tpu.memory_space<vmem>>, vector<1x16xi32>,
    %swap3A_2302 = vector.shape_cast %swap3A_2301 : vector<1x16xi32> to vector<16xi32>
    %swap3A_2303 = vector.shape_cast %sub3A_2297 : vector<16xi32> to vector<1x16xi32>
    tpu.vector_store %arg5[%swap3A_2299, %swap3A_2300], %swap3A_2303 {strides = array<i32>} : memref<25x128xi32, #tpu.memory_space<vmem>>, vector<1x16xi32>,
    %get3A_2304 = arith.constant 11 : i32
    %get3A_2305 = arith.index_cast %get3A_2304 : i32 to index
    %get3A_2306 = arith.constant 64 : index
    %get3A_2307 = tpu.vector_load %arg5[%get3A_2305, %get3A_2306] {strides = array<i32>} : memref<25x128xi32, #tpu.memory_space<vmem>>, vector<1x16xi32>,
    %get3A_2308 = vector.shape_cast %get3A_2307 : vector<1x16xi32> to vector<16xi32>
    %sub3A_2309 = arith.constant 1 : i32
    %sub3A_2310 = vector.broadcast %sub3A_2309 : i32 to vector<16xi32>
    %sub3A_2311 = arith.subi %get3A_2308, %sub3A_2310 : vector<16xi32>
    %swap3A_2312 = arith.constant 11 : i32
    %swap3A_2313 = arith.index_cast %swap3A_2312 : i32 to index
    %swap3A_2314 = arith.constant 64 : index
    %swap3A_2315 = tpu.vector_load %arg5[%swap3A_2313, %swap3A_2314] {strides = array<i32>} : memref<25x128xi32, #tpu.memory_space<vmem>>, vector<1x16xi32>,
    %swap3A_2316 = vector.shape_cast %swap3A_2315 : vector<1x16xi32> to vector<16xi32>
    %swap3A_2317 = vector.shape_cast %sub3A_2311 : vector<16xi32> to vector<1x16xi32>
    tpu.vector_store %arg5[%swap3A_2313, %swap3A_2314], %swap3A_2317 {strides = array<i32>} : memref<25x128xi32, #tpu.memory_space<vmem>>, vector<1x16xi32>,
    %get3A_2318 = arith.constant 11 : i32
    %get3A_2319 = arith.index_cast %get3A_2318 : i32 to index
    %get3A_2320 = arith.constant 80 : index
    %get3A_2321 = tpu.vector_load %arg5[%get3A_2319, %get3A_2320] {strides = array<i32>} : memref<25x128xi32, #tpu.memory_space<vmem>>, vector<1x16xi32>,
    %get3A_2322 = vector.shape_cast %get3A_2321 : vector<1x16xi32> to vector<16xi32>
    %sub3A_2323 = arith.constant 1 : i32
    %sub3A_2324 = vector.broadcast %sub3A_2323 : i32 to vector<16xi32>
    %sub3A_2325 = arith.subi %get3A_2322, %sub3A_2324 : vector<16xi32>
    %swap3A_2326 = arith.constant 11 : i32
    %swap3A_2327 = arith.index_cast %swap3A_2326 : i32 to index
    %swap3A_2328 = arith.constant 80 : index
    %swap3A_2329 = tpu.vector_load %arg5[%swap3A_2327, %swap3A_2328] {strides = array<i32>} : memref<25x128xi32, #tpu.memory_space<vmem>>, vector<1x16xi32>,
    %swap3A_2330 = vector.shape_cast %swap3A_2329 : vector<1x16xi32> to vector<16xi32>
    %swap3A_2331 = vector.shape_cast %sub3A_2325 : vector<16xi32> to vector<1x16xi32>
    tpu.vector_store %arg5[%swap3A_2327, %swap3A_2328], %swap3A_2331 {strides = array<i32>} : memref<25x128xi32, #tpu.memory_space<vmem>>, vector<1x16xi32>,
    %get3A_2332 = arith.constant 11 : i32
    %get3A_2333 = arith.index_cast %get3A_2332 : i32 to index
    %get3A_2334 = arith.constant 96 : index
    %get3A_2335 = tpu.vector_load %arg5[%get3A_2333, %get3A_2334] {strides = array<i32>} : memref<25x128xi32, #tpu.memory_space<vmem>>, vector<1x16xi32>,
    %get3A_2336 = vector.shape_cast %get3A_2335 : vector<1x16xi32> to vector<16xi32>
    %sub3A_2337 = arith.constant 1 : i32
    %sub3A_2338 = vector.broadcast %sub3A_2337 : i32 to vector<16xi32>
    %sub3A_2339 = arith.subi %get3A_2336, %sub3A_2338 : vector<16xi32>
    %swap3A_2340 = arith.constant 11 : i32
    %swap3A_2341 = arith.index_cast %swap3A_2340 : i32 to index
    %swap3A_2342 = arith.constant 96 : index
    %swap3A_2343 = tpu.vector_load %arg5[%swap3A_2341, %swap3A_2342] {strides = array<i32>} : memref<25x128xi32, #tpu.memory_space<vmem>>, vector<1x16xi32>,
    %swap3A_2344 = vector.shape_cast %swap3A_2343 : vector<1x16xi32> to vector<16xi32>
    %swap3A_2345 = vector.shape_cast %sub3A_2339 : vector<16xi32> to vector<1x16xi32>
    tpu.vector_store %arg5[%swap3A_2341, %swap3A_2342], %swap3A_2345 {strides = array<i32>} : memref<25x128xi32, #tpu.memory_space<vmem>>, vector<1x16xi32>,
    %get3A_2346 = arith.constant 11 : i32
    %get3A_2347 = arith.index_cast %get3A_2346 : i32 to index
    %get3A_2348 = arith.constant 112 : index
    %get3A_2349 = tpu.vector_load %arg5[%get3A_2347, %get3A_2348] {strides = array<i32>} : memref<25x128xi32, #tpu.memory_space<vmem>>, vector<1x16xi32>,
    %get3A_2350 = vector.shape_cast %get3A_2349 : vector<1x16xi32> to vector<16xi32>
    %sub3A_2351 = arith.constant 1 : i32
    %sub3A_2352 = vector.broadcast %sub3A_2351 : i32 to vector<16xi32>
    %sub3A_2353 = arith.subi %get3A_2350, %sub3A_2352 : vector<16xi32>
    %swap3A_2354 = arith.constant 11 : i32
    %swap3A_2355 = arith.index_cast %swap3A_2354 : i32 to index
    %swap3A_2356 = arith.constant 112 : index
    %swap3A_2357 = tpu.vector_load %arg5[%swap3A_2355, %swap3A_2356] {strides = array<i32>} : memref<25x128xi32, #tpu.memory_space<vmem>>, vector<1x16xi32>,
    %swap3A_2358 = vector.shape_cast %swap3A_2357 : vector<1x16xi32> to vector<16xi32>
    %swap3A_2359 = vector.shape_cast %sub3A_2353 : vector<16xi32> to vector<1x16xi32>
    tpu.vector_store %arg5[%swap3A_2355, %swap3A_2356], %swap3A_2359 {strides = array<i32>} : memref<25x128xi32, #tpu.memory_space<vmem>>, vector<1x16xi32>,
    %dma_start3A_2360 = arith.constant 11 : i32
    %dma_start3A_2361 = arith.constant 0 : i32
    %dma_start3A_2362 = tpu.memref_slice %arg5[%dma_start3A_2360, %dma_start3A_2361] : memref<25x128xi32, #tpu.memory_space<vmem>> -> memref<1x128xi32, #tpu.memory_space<vmem>>
    %dma_start3A_2363 = tpu.memref_squeeze %dma_start3A_2362 : memref<1x128xi32, #tpu.memory_space<vmem>> -> memref<128xi32, #tpu.memory_space<vmem>>
    %dma_start3A_2364 = arith.constant 0 : i32
    %dma_start3A_2365 = arith.constant 0 : i32
    %dma_start3A_2366 = tpu.memref_slice %arg11[%dma_start3A_2364, %dma_start3A_2365] : memref<100x128xf32, #tpu.memory_space<vmem_shared>> -> memref<100x128xf32, #tpu.memory_space<vmem_shared>>
    tpu.enqueue_indirect_dma source(%dma_start3A_2366 : memref<100x128xf32, #tpu.memory_space<vmem_shared>>) target(%arg7 : memref<128x128xf32, #tpu.memory_space<vmem>>) offsets(%dma_start3A_2363 : memref<128xi32, #tpu.memory_space<vmem>>) semaphore(%arg14 : memref<!tpu.dma_semaphore, #tpu.memory_space<semaphore_mem>>)
    %dma_wait3A_2367 = arith.constant 10 : i32
    %dma_wait3A_2368 = arith.constant 0 : i32
    %dma_wait3A_2369 = tpu.memref_slice %arg5[%dma_wait3A_2367, %dma_wait3A_2368] : memref<25x128xi32, #tpu.memory_space<vmem>> -> memref<1x128xi32, #tpu.memory_space<vmem>>
    %dma_wait3A_2370 = tpu.memref_squeeze %dma_wait3A_2369 : memref<1x128xi32, #tpu.memory_space<vmem>> -> memref<128xi32, #tpu.memory_space<vmem>>
    %dma_wait3A_2371 = arith.constant 0 : i32
    %dma_wait3A_2372 = arith.constant 0 : i32
    %dma_wait3A_2373 = tpu.memref_slice %arg11[%dma_wait3A_2371, %dma_wait3A_2372] : memref<100x128xf32, #tpu.memory_space<vmem_shared>> -> memref<100x128xf32, #tpu.memory_space<vmem_shared>>
    tpu.wait_indirect_dma semaphore(%arg13 : memref<!tpu.dma_semaphore, #tpu.memory_space<semaphore_mem>>) src(%dma_wait3A_2373 : memref<100x128xf32, #tpu.memory_space<vmem_shared>>) dst(%arg6 : memref<128x128xf32, #tpu.memory_space<vmem>>)
    %add3A_2374 = arith.constant 320 : i32
    %add3A_2375 = arith.addi %add3A, %add3A_2374 : i32
    %min3A_2376 = arith.constant 781 : i32
    %min3A_2377 = arith.minsi %add3A_2375, %min3A_2376 : i32
    %mul3A_2378 = arith.constant 128 : i32
    %mul3A_2379 = arith.muli %min3A_2377, %mul3A_2378 : i32
    %min3A_2380 = arith.constant 99872 : i32
    %min3A_2381 = arith.minsi %mul3A_2379, %min3A_2380 : i32
    %multiple_of3A_2382 = tpu.assume_multiple %min3A_2381, 8 : i32
    %dma_start3A_2383 = arith.constant 0 : i32
    %dma_start3A_2384 = tpu.memref_slice %arg4[%multiple_of3A_2382, %dma_start3A_2383] : memref<100000x128xf32, #tpu.memory_space<hbm>> -> memref<128x128xf32, #tpu.memory_space<hbm>>
    %dma_start3A_2385 = arith.constant 0 : i32
    %dma_start3A_2386 = tpu.memref_slice %arg4[%multiple_of3A_2382, %dma_start3A_2385] : memref<100000x128xf32, #tpu.memory_space<hbm>> -> memref<128x128xf32, #tpu.memory_space<hbm>>
    tpu.enqueue_dma source(%arg6 : memref<128x128xf32, #tpu.memory_space<vmem>>) target(%dma_start3A_2386 : memref<128x128xf32, #tpu.memory_space<hbm>>) target_semaphore(%arg18 : memref<!tpu.dma_semaphore, #tpu.memory_space<semaphore_mem>>)
    %add3A_2387 = arith.constant 224 : i32
    %add3A_2388 = arith.addi %add3A, %add3A_2387 : i32
    %min3A_2389 = arith.constant 781 : i32
    %min3A_2390 = arith.minsi %add3A_2388, %min3A_2389 : i32
    %mul3A_2391 = arith.constant 128 : i32
    %mul3A_2392 = arith.muli %min3A_2390, %mul3A_2391 : i32
    %min3A_2393 = arith.constant 99872 : i32
    %min3A_2394 = arith.minsi %mul3A_2392, %min3A_2393 : i32
    %multiple_of3A_2395 = tpu.assume_multiple %min3A_2394, 8 : i32
    %dma_wait3A_2396 = arith.constant 0 : i32
    %dma_wait3A_2397 = tpu.memref_slice %arg4[%multiple_of3A_2395, %dma_wait3A_2396] : memref<100000x128xf32, #tpu.memory_space<hbm>> -> memref<128x128xf32, #tpu.memory_space<hbm>>
    %dma_wait3A_2398 = arith.constant 0 : i32
    %dma_wait3A_2399 = tpu.memref_slice %arg4[%multiple_of3A_2395, %dma_wait3A_2398] : memref<100000x128xf32, #tpu.memory_space<hbm>> -> memref<128x128xf32, #tpu.memory_space<hbm>>
    tpu.wait_dma2 semaphore(%arg20 : memref<!tpu.dma_semaphore, #tpu.memory_space<semaphore_mem>>) src(%arg8 : memref<128x128xf32, #tpu.memory_space<vmem>>) dst(%dma_wait3A_2399 : memref<128x128xf32, #tpu.memory_space<hbm>>)
    %add3A_2400 = arith.constant 384 : i32
    %add3A_2401 = arith.addi %add3A, %add3A_2400 : i32
    %min3A_2402 = arith.constant 781 : i32
    %min3A_2403 = arith.minsi %add3A_2401, %min3A_2402 : i32
    %mul3A_2404 = arith.constant 128 : i32
    %mul3A_2405 = arith.muli %min3A_2403, %mul3A_2404 : i32
    %min3A_2406 = arith.constant 99872 : i32
    %min3A_2407 = arith.minsi %mul3A_2405, %min3A_2406 : i32
    %multiple_of3A_2408 = tpu.assume_multiple %min3A_2407, 8 : i32
    %dma_wait3A_2409 = arith.constant 12 : i32
    %dma_wait3A_2410 = arith.constant 0 : i32
    %dma_wait3A_2411 = tpu.memref_slice %arg5[%dma_wait3A_2409, %dma_wait3A_2410] : memref<25x128xi32, #tpu.memory_space<vmem>> -> memref<1x128xi32, #tpu.memory_space<vmem>>
    %dma_wait3A_2412 = tpu.memref_squeeze %dma_wait3A_2411 : memref<1x128xi32, #tpu.memory_space<vmem>> -> memref<128xi32, #tpu.memory_space<vmem>>
    %dma_wait3A_2413 = tpu.memref_slice %arg2[%multiple_of3A_2408] : memref<100000xi32, #tpu.memory_space<hbm>> -> memref<128xi32, #tpu.memory_space<hbm>>
    %dma_wait3A_2414 = arith.constant 0 : i32
    %dma_wait3A_2415 = tpu.memref_slice %arg5[%dma_wait3A_2409, %dma_wait3A_2414] : memref<25x128xi32, #tpu.memory_space<vmem>> -> memref<1x128xi32, #tpu.memory_space<vmem>>
    %dma_wait3A_2416 = tpu.memref_squeeze %dma_wait3A_2415 : memref<1x128xi32, #tpu.memory_space<vmem>> -> memref<128xi32, #tpu.memory_space<vmem>>
    %dma_wait3A_2417 = tpu.memref_slice %arg2[%multiple_of3A_2408] : memref<100000xi32, #tpu.memory_space<hbm>> -> memref<128xi32, #tpu.memory_space<hbm>>
    tpu.wait_dma2 semaphore(%arg12 : memref<!tpu.dma_semaphore, #tpu.memory_space<semaphore_mem>>) src(%dma_wait3A_2417 : memref<128xi32, #tpu.memory_space<hbm>>) dst(%dma_wait3A_2416 : memref<128xi32, #tpu.memory_space<vmem>>)
    %get3A_2418 = arith.constant 12 : i32
    %get3A_2419 = arith.index_cast %get3A_2418 : i32 to index
    %get3A_2420 = arith.constant 0 : index
    %get3A_2421 = tpu.vector_load %arg5[%get3A_2419, %get3A_2420] {strides = array<i32>} : memref<25x128xi32, #tpu.memory_space<vmem>>, vector<1x16xi32>,
    %get3A_2422 = vector.shape_cast %get3A_2421 : vector<1x16xi32> to vector<16xi32>
    %sub3A_2423 = arith.constant 1 : i32
    %sub3A_2424 = vector.broadcast %sub3A_2423 : i32 to vector<16xi32>
    %sub3A_2425 = arith.subi %get3A_2422, %sub3A_2424 : vector<16xi32>
    %swap3A_2426 = arith.constant 12 : i32
    %swap3A_2427 = arith.index_cast %swap3A_2426 : i32 to index
    %swap3A_2428 = arith.constant 0 : index
    %swap3A_2429 = tpu.vector_load %arg5[%swap3A_2427, %swap3A_2428] {strides = array<i32>} : memref<25x128xi32, #tpu.memory_space<vmem>>, vector<1x16xi32>,
    %swap3A_2430 = vector.shape_cast %swap3A_2429 : vector<1x16xi32> to vector<16xi32>
    %swap3A_2431 = vector.shape_cast %sub3A_2425 : vector<16xi32> to vector<1x16xi32>
    tpu.vector_store %arg5[%swap3A_2427, %swap3A_2428], %swap3A_2431 {strides = array<i32>} : memref<25x128xi32, #tpu.memory_space<vmem>>, vector<1x16xi32>,
    %get3A_2432 = arith.constant 12 : i32
    %get3A_2433 = arith.index_cast %get3A_2432 : i32 to index
    %get3A_2434 = arith.constant 16 : index
    %get3A_2435 = tpu.vector_load %arg5[%get3A_2433, %get3A_2434] {strides = array<i32>} : memref<25x128xi32, #tpu.memory_space<vmem>>, vector<1x16xi32>,
    %get3A_2436 = vector.shape_cast %get3A_2435 : vector<1x16xi32> to vector<16xi32>
    %sub3A_2437 = arith.constant 1 : i32
    %sub3A_2438 = vector.broadcast %sub3A_2437 : i32 to vector<16xi32>
    %sub3A_2439 = arith.subi %get3A_2436, %sub3A_2438 : vector<16xi32>
    %swap3A_2440 = arith.constant 12 : i32
    %swap3A_2441 = arith.index_cast %swap3A_2440 : i32 to index
    %swap3A_2442 = arith.constant 16 : index
    %swap3A_2443 = tpu.vector_load %arg5[%swap3A_2441, %swap3A_2442] {strides = array<i32>} : memref<25x128xi32, #tpu.memory_space<vmem>>, vector<1x16xi32>,
    %swap3A_2444 = vector.shape_cast %swap3A_2443 : vector<1x16xi32> to vector<16xi32>
    %swap3A_2445 = vector.shape_cast %sub3A_2439 : vector<16xi32> to vector<1x16xi32>
    tpu.vector_store %arg5[%swap3A_2441, %swap3A_2442], %swap3A_2445 {strides = array<i32>} : memref<25x128xi32, #tpu.memory_space<vmem>>, vector<1x16xi32>,
    %get3A_2446 = arith.constant 12 : i32
    %get3A_2447 = arith.index_cast %get3A_2446 : i32 to index
    %get3A_2448 = arith.constant 32 : index
    %get3A_2449 = tpu.vector_load %arg5[%get3A_2447, %get3A_2448] {strides = array<i32>} : memref<25x128xi32, #tpu.memory_space<vmem>>, vector<1x16xi32>,
    %get3A_2450 = vector.shape_cast %get3A_2449 : vector<1x16xi32> to vector<16xi32>
    %sub3A_2451 = arith.constant 1 : i32
    %sub3A_2452 = vector.broadcast %sub3A_2451 : i32 to vector<16xi32>
    %sub3A_2453 = arith.subi %get3A_2450, %sub3A_2452 : vector<16xi32>
    %swap3A_2454 = arith.constant 12 : i32
    %swap3A_2455 = arith.index_cast %swap3A_2454 : i32 to index
    %swap3A_2456 = arith.constant 32 : index
    %swap3A_2457 = tpu.vector_load %arg5[%swap3A_2455, %swap3A_2456] {strides = array<i32>} : memref<25x128xi32, #tpu.memory_space<vmem>>, vector<1x16xi32>,
    %swap3A_2458 = vector.shape_cast %swap3A_2457 : vector<1x16xi32> to vector<16xi32>
    %swap3A_2459 = vector.shape_cast %sub3A_2453 : vector<16xi32> to vector<1x16xi32>
    tpu.vector_store %arg5[%swap3A_2455, %swap3A_2456], %swap3A_2459 {strides = array<i32>} : memref<25x128xi32, #tpu.memory_space<vmem>>, vector<1x16xi32>,
    %get3A_2460 = arith.constant 12 : i32
    %get3A_2461 = arith.index_cast %get3A_2460 : i32 to index
    %get3A_2462 = arith.constant 48 : index
    %get3A_2463 = tpu.vector_load %arg5[%get3A_2461, %get3A_2462] {strides = array<i32>} : memref<25x128xi32, #tpu.memory_space<vmem>>, vector<1x16xi32>,
    %get3A_2464 = vector.shape_cast %get3A_2463 : vector<1x16xi32> to vector<16xi32>
    %sub3A_2465 = arith.constant 1 : i32
    %sub3A_2466 = vector.broadcast %sub3A_2465 : i32 to vector<16xi32>
    %sub3A_2467 = arith.subi %get3A_2464, %sub3A_2466 : vector<16xi32>
    %swap3A_2468 = arith.constant 12 : i32
    %swap3A_2469 = arith.index_cast %swap3A_2468 : i32 to index
    %swap3A_2470 = arith.constant 48 : index
    %swap3A_2471 = tpu.vector_load %arg5[%swap3A_2469, %swap3A_2470] {strides = array<i32>} : memref<25x128xi32, #tpu.memory_space<vmem>>, vector<1x16xi32>,
    %swap3A_2472 = vector.shape_cast %swap3A_2471 : vector<1x16xi32> to vector<16xi32>
    %swap3A_2473 = vector.shape_cast %sub3A_2467 : vector<16xi32> to vector<1x16xi32>
    tpu.vector_store %arg5[%swap3A_2469, %swap3A_2470], %swap3A_2473 {strides = array<i32>} : memref<25x128xi32, #tpu.memory_space<vmem>>, vector<1x16xi32>,
    %get3A_2474 = arith.constant 12 : i32
    %get3A_2475 = arith.index_cast %get3A_2474 : i32 to index
    %get3A_2476 = arith.constant 64 : index
    %get3A_2477 = tpu.vector_load %arg5[%get3A_2475, %get3A_2476] {strides = array<i32>} : memref<25x128xi32, #tpu.memory_space<vmem>>, vector<1x16xi32>,
    %get3A_2478 = vector.shape_cast %get3A_2477 : vector<1x16xi32> to vector<16xi32>
    %sub3A_2479 = arith.constant 1 : i32
    %sub3A_2480 = vector.broadcast %sub3A_2479 : i32 to vector<16xi32>
    %sub3A_2481 = arith.subi %get3A_2478, %sub3A_2480 : vector<16xi32>
    %swap3A_2482 = arith.constant 12 : i32
    %swap3A_2483 = arith.index_cast %swap3A_2482 : i32 to index
    %swap3A_2484 = arith.constant 64 : index
    %swap3A_2485 = tpu.vector_load %arg5[%swap3A_2483, %swap3A_2484] {strides = array<i32>} : memref<25x128xi32, #tpu.memory_space<vmem>>, vector<1x16xi32>,
    %swap3A_2486 = vector.shape_cast %swap3A_2485 : vector<1x16xi32> to vector<16xi32>
    %swap3A_2487 = vector.shape_cast %sub3A_2481 : vector<16xi32> to vector<1x16xi32>
    tpu.vector_store %arg5[%swap3A_2483, %swap3A_2484], %swap3A_2487 {strides = array<i32>} : memref<25x128xi32, #tpu.memory_space<vmem>>, vector<1x16xi32>,
    %get3A_2488 = arith.constant 12 : i32
    %get3A_2489 = arith.index_cast %get3A_2488 : i32 to index
    %get3A_2490 = arith.constant 80 : index
    %get3A_2491 = tpu.vector_load %arg5[%get3A_2489, %get3A_2490] {strides = array<i32>} : memref<25x128xi32, #tpu.memory_space<vmem>>, vector<1x16xi32>,
    %get3A_2492 = vector.shape_cast %get3A_2491 : vector<1x16xi32> to vector<16xi32>
    %sub3A_2493 = arith.constant 1 : i32
    %sub3A_2494 = vector.broadcast %sub3A_2493 : i32 to vector<16xi32>
    %sub3A_2495 = arith.subi %get3A_2492, %sub3A_2494 : vector<16xi32>
    %swap3A_2496 = arith.constant 12 : i32
    %swap3A_2497 = arith.index_cast %swap3A_2496 : i32 to index
    %swap3A_2498 = arith.constant 80 : index
    %swap3A_2499 = tpu.vector_load %arg5[%swap3A_2497, %swap3A_2498] {strides = array<i32>} : memref<25x128xi32, #tpu.memory_space<vmem>>, vector<1x16xi32>,
    %swap3A_2500 = vector.shape_cast %swap3A_2499 : vector<1x16xi32> to vector<16xi32>
    %swap3A_2501 = vector.shape_cast %sub3A_2495 : vector<16xi32> to vector<1x16xi32>
    tpu.vector_store %arg5[%swap3A_2497, %swap3A_2498], %swap3A_2501 {strides = array<i32>} : memref<25x128xi32, #tpu.memory_space<vmem>>, vector<1x16xi32>,
    %get3A_2502 = arith.constant 12 : i32
    %get3A_2503 = arith.index_cast %get3A_2502 : i32 to index
    %get3A_2504 = arith.constant 96 : index
    %get3A_2505 = tpu.vector_load %arg5[%get3A_2503, %get3A_2504] {strides = array<i32>} : memref<25x128xi32, #tpu.memory_space<vmem>>, vector<1x16xi32>,
    %get3A_2506 = vector.shape_cast %get3A_2505 : vector<1x16xi32> to vector<16xi32>
    %sub3A_2507 = arith.constant 1 : i32
    %sub3A_2508 = vector.broadcast %sub3A_2507 : i32 to vector<16xi32>
    %sub3A_2509 = arith.subi %get3A_2506, %sub3A_2508 : vector<16xi32>
    %swap3A_2510 = arith.constant 12 : i32
    %swap3A_2511 = arith.index_cast %swap3A_2510 : i32 to index
    %swap3A_2512 = arith.constant 96 : index
    %swap3A_2513 = tpu.vector_load %arg5[%swap3A_2511, %swap3A_2512] {strides = array<i32>} : memref<25x128xi32, #tpu.memory_space<vmem>>, vector<1x16xi32>,
    %swap3A_2514 = vector.shape_cast %swap3A_2513 : vector<1x16xi32> to vector<16xi32>
    %swap3A_2515 = vector.shape_cast %sub3A_2509 : vector<16xi32> to vector<1x16xi32>
    tpu.vector_store %arg5[%swap3A_2511, %swap3A_2512], %swap3A_2515 {strides = array<i32>} : memref<25x128xi32, #tpu.memory_space<vmem>>, vector<1x16xi32>,
    %get3A_2516 = arith.constant 12 : i32
    %get3A_2517 = arith.index_cast %get3A_2516 : i32 to index
    %get3A_2518 = arith.constant 112 : index
    %get3A_2519 = tpu.vector_load %arg5[%get3A_2517, %get3A_2518] {strides = array<i32>} : memref<25x128xi32, #tpu.memory_space<vmem>>, vector<1x16xi32>,
    %get3A_2520 = vector.shape_cast %get3A_2519 : vector<1x16xi32> to vector<16xi32>
    %sub3A_2521 = arith.constant 1 : i32
    %sub3A_2522 = vector.broadcast %sub3A_2521 : i32 to vector<16xi32>
    %sub3A_2523 = arith.subi %get3A_2520, %sub3A_2522 : vector<16xi32>
    %swap3A_2524 = arith.constant 12 : i32
    %swap3A_2525 = arith.index_cast %swap3A_2524 : i32 to index
    %swap3A_2526 = arith.constant 112 : index
    %swap3A_2527 = tpu.vector_load %arg5[%swap3A_2525, %swap3A_2526] {strides = array<i32>} : memref<25x128xi32, #tpu.memory_space<vmem>>, vector<1x16xi32>,
    %swap3A_2528 = vector.shape_cast %swap3A_2527 : vector<1x16xi32> to vector<16xi32>
    %swap3A_2529 = vector.shape_cast %sub3A_2523 : vector<16xi32> to vector<1x16xi32>
    tpu.vector_store %arg5[%swap3A_2525, %swap3A_2526], %swap3A_2529 {strides = array<i32>} : memref<25x128xi32, #tpu.memory_space<vmem>>, vector<1x16xi32>,
    %dma_start3A_2530 = arith.constant 12 : i32
    %dma_start3A_2531 = arith.constant 0 : i32
    %dma_start3A_2532 = tpu.memref_slice %arg5[%dma_start3A_2530, %dma_start3A_2531] : memref<25x128xi32, #tpu.memory_space<vmem>> -> memref<1x128xi32, #tpu.memory_space<vmem>>
    %dma_start3A_2533 = tpu.memref_squeeze %dma_start3A_2532 : memref<1x128xi32, #tpu.memory_space<vmem>> -> memref<128xi32, #tpu.memory_space<vmem>>
    %dma_start3A_2534 = arith.constant 0 : i32
    %dma_start3A_2535 = arith.constant 0 : i32
    %dma_start3A_2536 = tpu.memref_slice %arg11[%dma_start3A_2534, %dma_start3A_2535] : memref<100x128xf32, #tpu.memory_space<vmem_shared>> -> memref<100x128xf32, #tpu.memory_space<vmem_shared>>
    tpu.enqueue_indirect_dma source(%dma_start3A_2536 : memref<100x128xf32, #tpu.memory_space<vmem_shared>>) target(%arg8 : memref<128x128xf32, #tpu.memory_space<vmem>>) offsets(%dma_start3A_2533 : memref<128xi32, #tpu.memory_space<vmem>>) semaphore(%arg15 : memref<!tpu.dma_semaphore, #tpu.memory_space<semaphore_mem>>)
    %dma_wait3A_2537 = arith.constant 11 : i32
    %dma_wait3A_2538 = arith.constant 0 : i32
    %dma_wait3A_2539 = tpu.memref_slice %arg5[%dma_wait3A_2537, %dma_wait3A_2538] : memref<25x128xi32, #tpu.memory_space<vmem>> -> memref<1x128xi32, #tpu.memory_space<vmem>>
    %dma_wait3A_2540 = tpu.memref_squeeze %dma_wait3A_2539 : memref<1x128xi32, #tpu.memory_space<vmem>> -> memref<128xi32, #tpu.memory_space<vmem>>
    %dma_wait3A_2541 = arith.constant 0 : i32
    %dma_wait3A_2542 = arith.constant 0 : i32
    %dma_wait3A_2543 = tpu.memref_slice %arg11[%dma_wait3A_2541, %dma_wait3A_2542] : memref<100x128xf32, #tpu.memory_space<vmem_shared>> -> memref<100x128xf32, #tpu.memory_space<vmem_shared>>
    tpu.wait_indirect_dma semaphore(%arg14 : memref<!tpu.dma_semaphore, #tpu.memory_space<semaphore_mem>>) src(%dma_wait3A_2543 : memref<100x128xf32, #tpu.memory_space<vmem_shared>>) dst(%arg7 : memref<128x128xf32, #tpu.memory_space<vmem>>)
    %add3A_2544 = arith.constant 352 : i32
    %add3A_2545 = arith.addi %add3A, %add3A_2544 : i32
    %min3A_2546 = arith.constant 781 : i32
    %min3A_2547 = arith.minsi %add3A_2545, %min3A_2546 : i32
    %mul3A_2548 = arith.constant 128 : i32
    %mul3A_2549 = arith.muli %min3A_2547, %mul3A_2548 : i32
    %min3A_2550 = arith.constant 99872 : i32
    %min3A_2551 = arith.minsi %mul3A_2549, %min3A_2550 : i32
    %multiple_of3A_2552 = tpu.assume_multiple %min3A_2551, 8 : i32
    %dma_start3A_2553 = arith.constant 0 : i32
    %dma_start3A_2554 = tpu.memref_slice %arg4[%multiple_of3A_2552, %dma_start3A_2553] : memref<100000x128xf32, #tpu.memory_space<hbm>> -> memref<128x128xf32, #tpu.memory_space<hbm>>
    %dma_start3A_2555 = arith.constant 0 : i32
    %dma_start3A_2556 = tpu.memref_slice %arg4[%multiple_of3A_2552, %dma_start3A_2555] : memref<100000x128xf32, #tpu.memory_space<hbm>> -> memref<128x128xf32, #tpu.memory_space<hbm>>
    tpu.enqueue_dma source(%arg7 : memref<128x128xf32, #tpu.memory_space<vmem>>) target(%dma_start3A_2556 : memref<128x128xf32, #tpu.memory_space<hbm>>) target_semaphore(%arg19 : memref<!tpu.dma_semaphore, #tpu.memory_space<semaphore_mem>>)
    %add3A_2557 = arith.constant 256 : i32
    %add3A_2558 = arith.addi %add3A, %add3A_2557 : i32
    %min3A_2559 = arith.constant 781 : i32
    %min3A_2560 = arith.minsi %add3A_2558, %min3A_2559 : i32
    %mul3A_2561 = arith.constant 128 : i32
    %mul3A_2562 = arith.muli %min3A_2560, %mul3A_2561 : i32
    %min3A_2563 = arith.constant 99872 : i32
    %min3A_2564 = arith.minsi %mul3A_2562, %min3A_2563 : i32
    %multiple_of3A_2565 = tpu.assume_multiple %min3A_2564, 8 : i32
    %dma_wait3A_2566 = arith.constant 0 : i32
    %dma_wait3A_2567 = tpu.memref_slice %arg4[%multiple_of3A_2565, %dma_wait3A_2566] : memref<100000x128xf32, #tpu.memory_space<hbm>> -> memref<128x128xf32, #tpu.memory_space<hbm>>
    %dma_wait3A_2568 = arith.constant 0 : i32
    %dma_wait3A_2569 = tpu.memref_slice %arg4[%multiple_of3A_2565, %dma_wait3A_2568] : memref<100000x128xf32, #tpu.memory_space<hbm>> -> memref<128x128xf32, #tpu.memory_space<hbm>>
    tpu.wait_dma2 semaphore(%arg21 : memref<!tpu.dma_semaphore, #tpu.memory_space<semaphore_mem>>) src(%arg9 : memref<128x128xf32, #tpu.memory_space<vmem>>) dst(%dma_wait3A_2569 : memref<128x128xf32, #tpu.memory_space<hbm>>)
    %add3A_2570 = arith.constant 416 : i32
    %add3A_2571 = arith.addi %add3A, %add3A_2570 : i32
    %min3A_2572 = arith.constant 781 : i32
    %min3A_2573 = arith.minsi %add3A_2571, %min3A_2572 : i32
    %mul3A_2574 = arith.constant 128 : i32
    %mul3A_2575 = arith.muli %min3A_2573, %mul3A_2574 : i32
    %min3A_2576 = arith.constant 99872 : i32
    %min3A_2577 = arith.minsi %mul3A_2575, %min3A_2576 : i32
    %multiple_of3A_2578 = tpu.assume_multiple %min3A_2577, 8 : i32
    %dma_wait3A_2579 = arith.constant 13 : i32
    %dma_wait3A_2580 = arith.constant 0 : i32
    %dma_wait3A_2581 = tpu.memref_slice %arg5[%dma_wait3A_2579, %dma_wait3A_2580] : memref<25x128xi32, #tpu.memory_space<vmem>> -> memref<1x128xi32, #tpu.memory_space<vmem>>
    %dma_wait3A_2582 = tpu.memref_squeeze %dma_wait3A_2581 : memref<1x128xi32, #tpu.memory_space<vmem>> -> memref<128xi32, #tpu.memory_space<vmem>>
    %dma_wait3A_2583 = tpu.memref_slice %arg2[%multiple_of3A_2578] : memref<100000xi32, #tpu.memory_space<hbm>> -> memref<128xi32, #tpu.memory_space<hbm>>
    %dma_wait3A_2584 = arith.constant 0 : i32
    %dma_wait3A_2585 = tpu.memref_slice %arg5[%dma_wait3A_2579, %dma_wait3A_2584] : memref<25x128xi32, #tpu.memory_space<vmem>> -> memref<1x128xi32, #tpu.memory_space<vmem>>
    %dma_wait3A_2586 = tpu.memref_squeeze %dma_wait3A_2585 : memref<1x128xi32, #tpu.memory_space<vmem>> -> memref<128xi32, #tpu.memory_space<vmem>>
    %dma_wait3A_2587 = tpu.memref_slice %arg2[%multiple_of3A_2578] : memref<100000xi32, #tpu.memory_space<hbm>> -> memref<128xi32, #tpu.memory_space<hbm>>
    tpu.wait_dma2 semaphore(%arg12 : memref<!tpu.dma_semaphore, #tpu.memory_space<semaphore_mem>>) src(%dma_wait3A_2587 : memref<128xi32, #tpu.memory_space<hbm>>) dst(%dma_wait3A_2586 : memref<128xi32, #tpu.memory_space<vmem>>)
    %get3A_2588 = arith.constant 13 : i32
    %get3A_2589 = arith.index_cast %get3A_2588 : i32 to index
    %get3A_2590 = arith.constant 0 : index
    %get3A_2591 = tpu.vector_load %arg5[%get3A_2589, %get3A_2590] {strides = array<i32>} : memref<25x128xi32, #tpu.memory_space<vmem>>, vector<1x16xi32>,
    %get3A_2592 = vector.shape_cast %get3A_2591 : vector<1x16xi32> to vector<16xi32>
    %sub3A_2593 = arith.constant 1 : i32
    %sub3A_2594 = vector.broadcast %sub3A_2593 : i32 to vector<16xi32>
    %sub3A_2595 = arith.subi %get3A_2592, %sub3A_2594 : vector<16xi32>
    %swap3A_2596 = arith.constant 13 : i32
    %swap3A_2597 = arith.index_cast %swap3A_2596 : i32 to index
    %swap3A_2598 = arith.constant 0 : index
    %swap3A_2599 = tpu.vector_load %arg5[%swap3A_2597, %swap3A_2598] {strides = array<i32>} : memref<25x128xi32, #tpu.memory_space<vmem>>, vector<1x16xi32>,
    %swap3A_2600 = vector.shape_cast %swap3A_2599 : vector<1x16xi32> to vector<16xi32>
    %swap3A_2601 = vector.shape_cast %sub3A_2595 : vector<16xi32> to vector<1x16xi32>
    tpu.vector_store %arg5[%swap3A_2597, %swap3A_2598], %swap3A_2601 {strides = array<i32>} : memref<25x128xi32, #tpu.memory_space<vmem>>, vector<1x16xi32>,
    %get3A_2602 = arith.constant 13 : i32
    %get3A_2603 = arith.index_cast %get3A_2602 : i32 to index
    %get3A_2604 = arith.constant 16 : index
    %get3A_2605 = tpu.vector_load %arg5[%get3A_2603, %get3A_2604] {strides = array<i32>} : memref<25x128xi32, #tpu.memory_space<vmem>>, vector<1x16xi32>,
    %get3A_2606 = vector.shape_cast %get3A_2605 : vector<1x16xi32> to vector<16xi32>
    %sub3A_2607 = arith.constant 1 : i32
    %sub3A_2608 = vector.broadcast %sub3A_2607 : i32 to vector<16xi32>
    %sub3A_2609 = arith.subi %get3A_2606, %sub3A_2608 : vector<16xi32>
    %swap3A_2610 = arith.constant 13 : i32
    %swap3A_2611 = arith.index_cast %swap3A_2610 : i32 to index
    %swap3A_2612 = arith.constant 16 : index
    %swap3A_2613 = tpu.vector_load %arg5[%swap3A_2611, %swap3A_2612] {strides = array<i32>} : memref<25x128xi32, #tpu.memory_space<vmem>>, vector<1x16xi32>,
    %swap3A_2614 = vector.shape_cast %swap3A_2613 : vector<1x16xi32> to vector<16xi32>
    %swap3A_2615 = vector.shape_cast %sub3A_2609 : vector<16xi32> to vector<1x16xi32>
    tpu.vector_store %arg5[%swap3A_2611, %swap3A_2612], %swap3A_2615 {strides = array<i32>} : memref<25x128xi32, #tpu.memory_space<vmem>>, vector<1x16xi32>,
    %get3A_2616 = arith.constant 13 : i32
    %get3A_2617 = arith.index_cast %get3A_2616 : i32 to index
    %get3A_2618 = arith.constant 32 : index
    %get3A_2619 = tpu.vector_load %arg5[%get3A_2617, %get3A_2618] {strides = array<i32>} : memref<25x128xi32, #tpu.memory_space<vmem>>, vector<1x16xi32>,
    %get3A_2620 = vector.shape_cast %get3A_2619 : vector<1x16xi32> to vector<16xi32>
    %sub3A_2621 = arith.constant 1 : i32
    %sub3A_2622 = vector.broadcast %sub3A_2621 : i32 to vector<16xi32>
    %sub3A_2623 = arith.subi %get3A_2620, %sub3A_2622 : vector<16xi32>
    %swap3A_2624 = arith.constant 13 : i32
    %swap3A_2625 = arith.index_cast %swap3A_2624 : i32 to index
    %swap3A_2626 = arith.constant 32 : index
    %swap3A_2627 = tpu.vector_load %arg5[%swap3A_2625, %swap3A_2626] {strides = array<i32>} : memref<25x128xi32, #tpu.memory_space<vmem>>, vector<1x16xi32>,
    %swap3A_2628 = vector.shape_cast %swap3A_2627 : vector<1x16xi32> to vector<16xi32>
    %swap3A_2629 = vector.shape_cast %sub3A_2623 : vector<16xi32> to vector<1x16xi32>
    tpu.vector_store %arg5[%swap3A_2625, %swap3A_2626], %swap3A_2629 {strides = array<i32>} : memref<25x128xi32, #tpu.memory_space<vmem>>, vector<1x16xi32>,
    %get3A_2630 = arith.constant 13 : i32
    %get3A_2631 = arith.index_cast %get3A_2630 : i32 to index
    %get3A_2632 = arith.constant 48 : index
    %get3A_2633 = tpu.vector_load %arg5[%get3A_2631, %get3A_2632] {strides = array<i32>} : memref<25x128xi32, #tpu.memory_space<vmem>>, vector<1x16xi32>,
    %get3A_2634 = vector.shape_cast %get3A_2633 : vector<1x16xi32> to vector<16xi32>
    %sub3A_2635 = arith.constant 1 : i32
    %sub3A_2636 = vector.broadcast %sub3A_2635 : i32 to vector<16xi32>
    %sub3A_2637 = arith.subi %get3A_2634, %sub3A_2636 : vector<16xi32>
    %swap3A_2638 = arith.constant 13 : i32
    %swap3A_2639 = arith.index_cast %swap3A_2638 : i32 to index
    %swap3A_2640 = arith.constant 48 : index
    %swap3A_2641 = tpu.vector_load %arg5[%swap3A_2639, %swap3A_2640] {strides = array<i32>} : memref<25x128xi32, #tpu.memory_space<vmem>>, vector<1x16xi32>,
    %swap3A_2642 = vector.shape_cast %swap3A_2641 : vector<1x16xi32> to vector<16xi32>
    %swap3A_2643 = vector.shape_cast %sub3A_2637 : vector<16xi32> to vector<1x16xi32>
    tpu.vector_store %arg5[%swap3A_2639, %swap3A_2640], %swap3A_2643 {strides = array<i32>} : memref<25x128xi32, #tpu.memory_space<vmem>>, vector<1x16xi32>,
    %get3A_2644 = arith.constant 13 : i32
    %get3A_2645 = arith.index_cast %get3A_2644 : i32 to index
    %get3A_2646 = arith.constant 64 : index
    %get3A_2647 = tpu.vector_load %arg5[%get3A_2645, %get3A_2646] {strides = array<i32>} : memref<25x128xi32, #tpu.memory_space<vmem>>, vector<1x16xi32>,
    %get3A_2648 = vector.shape_cast %get3A_2647 : vector<1x16xi32> to vector<16xi32>
    %sub3A_2649 = arith.constant 1 : i32
    %sub3A_2650 = vector.broadcast %sub3A_2649 : i32 to vector<16xi32>
    %sub3A_2651 = arith.subi %get3A_2648, %sub3A_2650 : vector<16xi32>
    %swap3A_2652 = arith.constant 13 : i32
    %swap3A_2653 = arith.index_cast %swap3A_2652 : i32 to index
    %swap3A_2654 = arith.constant 64 : index
    %swap3A_2655 = tpu.vector_load %arg5[%swap3A_2653, %swap3A_2654] {strides = array<i32>} : memref<25x128xi32, #tpu.memory_space<vmem>>, vector<1x16xi32>,
    %swap3A_2656 = vector.shape_cast %swap3A_2655 : vector<1x16xi32> to vector<16xi32>
    %swap3A_2657 = vector.shape_cast %sub3A_2651 : vector<16xi32> to vector<1x16xi32>
    tpu.vector_store %arg5[%swap3A_2653, %swap3A_2654], %swap3A_2657 {strides = array<i32>} : memref<25x128xi32, #tpu.memory_space<vmem>>, vector<1x16xi32>,
    %get3A_2658 = arith.constant 13 : i32
    %get3A_2659 = arith.index_cast %get3A_2658 : i32 to index
    %get3A_2660 = arith.constant 80 : index
    %get3A_2661 = tpu.vector_load %arg5[%get3A_2659, %get3A_2660] {strides = array<i32>} : memref<25x128xi32, #tpu.memory_space<vmem>>, vector<1x16xi32>,
    %get3A_2662 = vector.shape_cast %get3A_2661 : vector<1x16xi32> to vector<16xi32>
    %sub3A_2663 = arith.constant 1 : i32
    %sub3A_2664 = vector.broadcast %sub3A_2663 : i32 to vector<16xi32>
    %sub3A_2665 = arith.subi %get3A_2662, %sub3A_2664 : vector<16xi32>
    %swap3A_2666 = arith.constant 13 : i32
    %swap3A_2667 = arith.index_cast %swap3A_2666 : i32 to index
    %swap3A_2668 = arith.constant 80 : index
    %swap3A_2669 = tpu.vector_load %arg5[%swap3A_2667, %swap3A_2668] {strides = array<i32>} : memref<25x128xi32, #tpu.memory_space<vmem>>, vector<1x16xi32>,
    %swap3A_2670 = vector.shape_cast %swap3A_2669 : vector<1x16xi32> to vector<16xi32>
    %swap3A_2671 = vector.shape_cast %sub3A_2665 : vector<16xi32> to vector<1x16xi32>
    tpu.vector_store %arg5[%swap3A_2667, %swap3A_2668], %swap3A_2671 {strides = array<i32>} : memref<25x128xi32, #tpu.memory_space<vmem>>, vector<1x16xi32>,
    %get3A_2672 = arith.constant 13 : i32
    %get3A_2673 = arith.index_cast %get3A_2672 : i32 to index
    %get3A_2674 = arith.constant 96 : index
    %get3A_2675 = tpu.vector_load %arg5[%get3A_2673, %get3A_2674] {strides = array<i32>} : memref<25x128xi32, #tpu.memory_space<vmem>>, vector<1x16xi32>,
    %get3A_2676 = vector.shape_cast %get3A_2675 : vector<1x16xi32> to vector<16xi32>
    %sub3A_2677 = arith.constant 1 : i32
    %sub3A_2678 = vector.broadcast %sub3A_2677 : i32 to vector<16xi32>
    %sub3A_2679 = arith.subi %get3A_2676, %sub3A_2678 : vector<16xi32>
    %swap3A_2680 = arith.constant 13 : i32
    %swap3A_2681 = arith.index_cast %swap3A_2680 : i32 to index
    %swap3A_2682 = arith.constant 96 : index
    %swap3A_2683 = tpu.vector_load %arg5[%swap3A_2681, %swap3A_2682] {strides = array<i32>} : memref<25x128xi32, #tpu.memory_space<vmem>>, vector<1x16xi32>,
    %swap3A_2684 = vector.shape_cast %swap3A_2683 : vector<1x16xi32> to vector<16xi32>
    %swap3A_2685 = vector.shape_cast %sub3A_2679 : vector<16xi32> to vector<1x16xi32>
    tpu.vector_store %arg5[%swap3A_2681, %swap3A_2682], %swap3A_2685 {strides = array<i32>} : memref<25x128xi32, #tpu.memory_space<vmem>>, vector<1x16xi32>,
    %get3A_2686 = arith.constant 13 : i32
    %get3A_2687 = arith.index_cast %get3A_2686 : i32 to index
    %get3A_2688 = arith.constant 112 : index
    %get3A_2689 = tpu.vector_load %arg5[%get3A_2687, %get3A_2688] {strides = array<i32>} : memref<25x128xi32, #tpu.memory_space<vmem>>, vector<1x16xi32>,
    %get3A_2690 = vector.shape_cast %get3A_2689 : vector<1x16xi32> to vector<16xi32>
    %sub3A_2691 = arith.constant 1 : i32
    %sub3A_2692 = vector.broadcast %sub3A_2691 : i32 to vector<16xi32>
    %sub3A_2693 = arith.subi %get3A_2690, %sub3A_2692 : vector<16xi32>
    %swap3A_2694 = arith.constant 13 : i32
    %swap3A_2695 = arith.index_cast %swap3A_2694 : i32 to index
    %swap3A_2696 = arith.constant 112 : index
    %swap3A_2697 = tpu.vector_load %arg5[%swap3A_2695, %swap3A_2696] {strides = array<i32>} : memref<25x128xi32, #tpu.memory_space<vmem>>, vector<1x16xi32>,
    %swap3A_2698 = vector.shape_cast %swap3A_2697 : vector<1x16xi32> to vector<16xi32>
    %swap3A_2699 = vector.shape_cast %sub3A_2693 : vector<16xi32> to vector<1x16xi32>
    tpu.vector_store %arg5[%swap3A_2695, %swap3A_2696], %swap3A_2699 {strides = array<i32>} : memref<25x128xi32, #tpu.memory_space<vmem>>, vector<1x16xi32>,
    %dma_start3A_2700 = arith.constant 13 : i32
    %dma_start3A_2701 = arith.constant 0 : i32
    %dma_start3A_2702 = tpu.memref_slice %arg5[%dma_start3A_2700, %dma_start3A_2701] : memref<25x128xi32, #tpu.memory_space<vmem>> -> memref<1x128xi32, #tpu.memory_space<vmem>>
    %dma_start3A_2703 = tpu.memref_squeeze %dma_start3A_2702 : memref<1x128xi32, #tpu.memory_space<vmem>> -> memref<128xi32, #tpu.memory_space<vmem>>
    %dma_start3A_2704 = arith.constant 0 : i32
    %dma_start3A_2705 = arith.constant 0 : i32
    %dma_start3A_2706 = tpu.memref_slice %arg11[%dma_start3A_2704, %dma_start3A_2705] : memref<100x128xf32, #tpu.memory_space<vmem_shared>> -> memref<100x128xf32, #tpu.memory_space<vmem_shared>>
    tpu.enqueue_indirect_dma source(%dma_start3A_2706 : memref<100x128xf32, #tpu.memory_space<vmem_shared>>) target(%arg9 : memref<128x128xf32, #tpu.memory_space<vmem>>) offsets(%dma_start3A_2703 : memref<128xi32, #tpu.memory_space<vmem>>) semaphore(%arg16 : memref<!tpu.dma_semaphore, #tpu.memory_space<semaphore_mem>>)
    %dma_wait3A_2707 = arith.constant 12 : i32
    %dma_wait3A_2708 = arith.constant 0 : i32
    %dma_wait3A_2709 = tpu.memref_slice %arg5[%dma_wait3A_2707, %dma_wait3A_2708] : memref<25x128xi32, #tpu.memory_space<vmem>> -> memref<1x128xi32, #tpu.memory_space<vmem>>
    %dma_wait3A_2710 = tpu.memref_squeeze %dma_wait3A_2709 : memref<1x128xi32, #tpu.memory_space<vmem>> -> memref<128xi32, #tpu.memory_space<vmem>>
    %dma_wait3A_2711 = arith.constant 0 : i32
    %dma_wait3A_2712 = arith.constant 0 : i32
    %dma_wait3A_2713 = tpu.memref_slice %arg11[%dma_wait3A_2711, %dma_wait3A_2712] : memref<100x128xf32, #tpu.memory_space<vmem_shared>> -> memref<100x128xf32, #tpu.memory_space<vmem_shared>>
    tpu.wait_indirect_dma semaphore(%arg15 : memref<!tpu.dma_semaphore, #tpu.memory_space<semaphore_mem>>) src(%dma_wait3A_2713 : memref<100x128xf32, #tpu.memory_space<vmem_shared>>) dst(%arg8 : memref<128x128xf32, #tpu.memory_space<vmem>>)
    %add3A_2714 = arith.constant 384 : i32
    %add3A_2715 = arith.addi %add3A, %add3A_2714 : i32
    %min3A_2716 = arith.constant 781 : i32
    %min3A_2717 = arith.minsi %add3A_2715, %min3A_2716 : i32
    %mul3A_2718 = arith.constant 128 : i32
    %mul3A_2719 = arith.muli %min3A_2717, %mul3A_2718 : i32
    %min3A_2720 = arith.constant 99872 : i32
    %min3A_2721 = arith.minsi %mul3A_2719, %min3A_2720 : i32
    %multiple_of3A_2722 = tpu.assume_multiple %min3A_2721, 8 : i32
    %dma_start3A_2723 = arith.constant 0 : i32
    %dma_start3A_2724 = tpu.memref_slice %arg4[%multiple_of3A_2722, %dma_start3A_2723] : memref<100000x128xf32, #tpu.memory_space<hbm>> -> memref<128x128xf32, #tpu.memory_space<hbm>>
    %dma_start3A_2725 = arith.constant 0 : i32
    %dma_start3A_2726 = tpu.memref_slice %arg4[%multiple_of3A_2722, %dma_start3A_2725] : memref<100000x128xf32, #tpu.memory_space<hbm>> -> memref<128x128xf32, #tpu.memory_space<hbm>>
    tpu.enqueue_dma source(%arg8 : memref<128x128xf32, #tpu.memory_space<vmem>>) target(%dma_start3A_2726 : memref<128x128xf32, #tpu.memory_space<hbm>>) target_semaphore(%arg20 : memref<!tpu.dma_semaphore, #tpu.memory_space<semaphore_mem>>)
    %add3A_2727 = arith.constant 288 : i32
    %add3A_2728 = arith.addi %add3A, %add3A_2727 : i32
    %min3A_2729 = arith.constant 781 : i32
    %min3A_2730 = arith.minsi %add3A_2728, %min3A_2729 : i32
    %mul3A_2731 = arith.constant 128 : i32
    %mul3A_2732 = arith.muli %min3A_2730, %mul3A_2731 : i32
    %min3A_2733 = arith.constant 99872 : i32
    %min3A_2734 = arith.minsi %mul3A_2732, %min3A_2733 : i32
    %multiple_of3A_2735 = tpu.assume_multiple %min3A_2734, 8 : i32
    %dma_wait3A_2736 = arith.constant 0 : i32
    %dma_wait3A_2737 = tpu.memref_slice %arg4[%multiple_of3A_2735, %dma_wait3A_2736] : memref<100000x128xf32, #tpu.memory_space<hbm>> -> memref<128x128xf32, #tpu.memory_space<hbm>>
    %dma_wait3A_2738 = arith.constant 0 : i32
    %dma_wait3A_2739 = tpu.memref_slice %arg4[%multiple_of3A_2735, %dma_wait3A_2738] : memref<100000x128xf32, #tpu.memory_space<hbm>> -> memref<128x128xf32, #tpu.memory_space<hbm>>
    tpu.wait_dma2 semaphore(%arg22 : memref<!tpu.dma_semaphore, #tpu.memory_space<semaphore_mem>>) src(%arg10 : memref<128x128xf32, #tpu.memory_space<vmem>>) dst(%dma_wait3A_2739 : memref<128x128xf32, #tpu.memory_space<hbm>>)
    %add3A_2740 = arith.constant 448 : i32
    %add3A_2741 = arith.addi %add3A, %add3A_2740 : i32
    %min3A_2742 = arith.constant 781 : i32
    %min3A_2743 = arith.minsi %add3A_2741, %min3A_2742 : i32
    %mul3A_2744 = arith.constant 128 : i32
    %mul3A_2745 = arith.muli %min3A_2743, %mul3A_2744 : i32
    %min3A_2746 = arith.constant 99872 : i32
    %min3A_2747 = arith.minsi %mul3A_2745, %min3A_2746 : i32
    %multiple_of3A_2748 = tpu.assume_multiple %min3A_2747, 8 : i32
    %dma_wait3A_2749 = arith.constant 14 : i32
    %dma_wait3A_2750 = arith.constant 0 : i32
    %dma_wait3A_2751 = tpu.memref_slice %arg5[%dma_wait3A_2749, %dma_wait3A_2750] : memref<25x128xi32, #tpu.memory_space<vmem>> -> memref<1x128xi32, #tpu.memory_space<vmem>>
    %dma_wait3A_2752 = tpu.memref_squeeze %dma_wait3A_2751 : memref<1x128xi32, #tpu.memory_space<vmem>> -> memref<128xi32, #tpu.memory_space<vmem>>
    %dma_wait3A_2753 = tpu.memref_slice %arg2[%multiple_of3A_2748] : memref<100000xi32, #tpu.memory_space<hbm>> -> memref<128xi32, #tpu.memory_space<hbm>>
    %dma_wait3A_2754 = arith.constant 0 : i32
    %dma_wait3A_2755 = tpu.memref_slice %arg5[%dma_wait3A_2749, %dma_wait3A_2754] : memref<25x128xi32, #tpu.memory_space<vmem>> -> memref<1x128xi32, #tpu.memory_space<vmem>>
    %dma_wait3A_2756 = tpu.memref_squeeze %dma_wait3A_2755 : memref<1x128xi32, #tpu.memory_space<vmem>> -> memref<128xi32, #tpu.memory_space<vmem>>
    %dma_wait3A_2757 = tpu.memref_slice %arg2[%multiple_of3A_2748] : memref<100000xi32, #tpu.memory_space<hbm>> -> memref<128xi32, #tpu.memory_space<hbm>>
    tpu.wait_dma2 semaphore(%arg12 : memref<!tpu.dma_semaphore, #tpu.memory_space<semaphore_mem>>) src(%dma_wait3A_2757 : memref<128xi32, #tpu.memory_space<hbm>>) dst(%dma_wait3A_2756 : memref<128xi32, #tpu.memory_space<vmem>>)
    %get3A_2758 = arith.constant 14 : i32
    %get3A_2759 = arith.index_cast %get3A_2758 : i32 to index
    %get3A_2760 = arith.constant 0 : index
    %get3A_2761 = tpu.vector_load %arg5[%get3A_2759, %get3A_2760] {strides = array<i32>} : memref<25x128xi32, #tpu.memory_space<vmem>>, vector<1x16xi32>,
    %get3A_2762 = vector.shape_cast %get3A_2761 : vector<1x16xi32> to vector<16xi32>
    %sub3A_2763 = arith.constant 1 : i32
    %sub3A_2764 = vector.broadcast %sub3A_2763 : i32 to vector<16xi32>
    %sub3A_2765 = arith.subi %get3A_2762, %sub3A_2764 : vector<16xi32>
    %swap3A_2766 = arith.constant 14 : i32
    %swap3A_2767 = arith.index_cast %swap3A_2766 : i32 to index
    %swap3A_2768 = arith.constant 0 : index
    %swap3A_2769 = tpu.vector_load %arg5[%swap3A_2767, %swap3A_2768] {strides = array<i32>} : memref<25x128xi32, #tpu.memory_space<vmem>>, vector<1x16xi32>,
    %swap3A_2770 = vector.shape_cast %swap3A_2769 : vector<1x16xi32> to vector<16xi32>
    %swap3A_2771 = vector.shape_cast %sub3A_2765 : vector<16xi32> to vector<1x16xi32>
    tpu.vector_store %arg5[%swap3A_2767, %swap3A_2768], %swap3A_2771 {strides = array<i32>} : memref<25x128xi32, #tpu.memory_space<vmem>>, vector<1x16xi32>,
    %get3A_2772 = arith.constant 14 : i32
    %get3A_2773 = arith.index_cast %get3A_2772 : i32 to index
    %get3A_2774 = arith.constant 16 : index
    %get3A_2775 = tpu.vector_load %arg5[%get3A_2773, %get3A_2774] {strides = array<i32>} : memref<25x128xi32, #tpu.memory_space<vmem>>, vector<1x16xi32>,
    %get3A_2776 = vector.shape_cast %get3A_2775 : vector<1x16xi32> to vector<16xi32>
    %sub3A_2777 = arith.constant 1 : i32
    %sub3A_2778 = vector.broadcast %sub3A_2777 : i32 to vector<16xi32>
    %sub3A_2779 = arith.subi %get3A_2776, %sub3A_2778 : vector<16xi32>
    %swap3A_2780 = arith.constant 14 : i32
    %swap3A_2781 = arith.index_cast %swap3A_2780 : i32 to index
    %swap3A_2782 = arith.constant 16 : index
    %swap3A_2783 = tpu.vector_load %arg5[%swap3A_2781, %swap3A_2782] {strides = array<i32>} : memref<25x128xi32, #tpu.memory_space<vmem>>, vector<1x16xi32>,
    %swap3A_2784 = vector.shape_cast %swap3A_2783 : vector<1x16xi32> to vector<16xi32>
    %swap3A_2785 = vector.shape_cast %sub3A_2779 : vector<16xi32> to vector<1x16xi32>
    tpu.vector_store %arg5[%swap3A_2781, %swap3A_2782], %swap3A_2785 {strides = array<i32>} : memref<25x128xi32, #tpu.memory_space<vmem>>, vector<1x16xi32>,
    %get3A_2786 = arith.constant 14 : i32
    %get3A_2787 = arith.index_cast %get3A_2786 : i32 to index
    %get3A_2788 = arith.constant 32 : index
    %get3A_2789 = tpu.vector_load %arg5[%get3A_2787, %get3A_2788] {strides = array<i32>} : memref<25x128xi32, #tpu.memory_space<vmem>>, vector<1x16xi32>,
    %get3A_2790 = vector.shape_cast %get3A_2789 : vector<1x16xi32> to vector<16xi32>
    %sub3A_2791 = arith.constant 1 : i32
    %sub3A_2792 = vector.broadcast %sub3A_2791 : i32 to vector<16xi32>
    %sub3A_2793 = arith.subi %get3A_2790, %sub3A_2792 : vector<16xi32>
    %swap3A_2794 = arith.constant 14 : i32
    %swap3A_2795 = arith.index_cast %swap3A_2794 : i32 to index
    %swap3A_2796 = arith.constant 32 : index
    %swap3A_2797 = tpu.vector_load %arg5[%swap3A_2795, %swap3A_2796] {strides = array<i32>} : memref<25x128xi32, #tpu.memory_space<vmem>>, vector<1x16xi32>,
    %swap3A_2798 = vector.shape_cast %swap3A_2797 : vector<1x16xi32> to vector<16xi32>
    %swap3A_2799 = vector.shape_cast %sub3A_2793 : vector<16xi32> to vector<1x16xi32>
    tpu.vector_store %arg5[%swap3A_2795, %swap3A_2796], %swap3A_2799 {strides = array<i32>} : memref<25x128xi32, #tpu.memory_space<vmem>>, vector<1x16xi32>,
    %get3A_2800 = arith.constant 14 : i32
    %get3A_2801 = arith.index_cast %get3A_2800 : i32 to index
    %get3A_2802 = arith.constant 48 : index
    %get3A_2803 = tpu.vector_load %arg5[%get3A_2801, %get3A_2802] {strides = array<i32>} : memref<25x128xi32, #tpu.memory_space<vmem>>, vector<1x16xi32>,
    %get3A_2804 = vector.shape_cast %get3A_2803 : vector<1x16xi32> to vector<16xi32>
    %sub3A_2805 = arith.constant 1 : i32
    %sub3A_2806 = vector.broadcast %sub3A_2805 : i32 to vector<16xi32>
    %sub3A_2807 = arith.subi %get3A_2804, %sub3A_2806 : vector<16xi32>
    %swap3A_2808 = arith.constant 14 : i32
    %swap3A_2809 = arith.index_cast %swap3A_2808 : i32 to index
    %swap3A_2810 = arith.constant 48 : index
    %swap3A_2811 = tpu.vector_load %arg5[%swap3A_2809, %swap3A_2810] {strides = array<i32>} : memref<25x128xi32, #tpu.memory_space<vmem>>, vector<1x16xi32>,
    %swap3A_2812 = vector.shape_cast %swap3A_2811 : vector<1x16xi32> to vector<16xi32>
    %swap3A_2813 = vector.shape_cast %sub3A_2807 : vector<16xi32> to vector<1x16xi32>
    tpu.vector_store %arg5[%swap3A_2809, %swap3A_2810], %swap3A_2813 {strides = array<i32>} : memref<25x128xi32, #tpu.memory_space<vmem>>, vector<1x16xi32>,
    %get3A_2814 = arith.constant 14 : i32
    %get3A_2815 = arith.index_cast %get3A_2814 : i32 to index
    %get3A_2816 = arith.constant 64 : index
    %get3A_2817 = tpu.vector_load %arg5[%get3A_2815, %get3A_2816] {strides = array<i32>} : memref<25x128xi32, #tpu.memory_space<vmem>>, vector<1x16xi32>,
    %get3A_2818 = vector.shape_cast %get3A_2817 : vector<1x16xi32> to vector<16xi32>
    %sub3A_2819 = arith.constant 1 : i32
    %sub3A_2820 = vector.broadcast %sub3A_2819 : i32 to vector<16xi32>
    %sub3A_2821 = arith.subi %get3A_2818, %sub3A_2820 : vector<16xi32>
    %swap3A_2822 = arith.constant 14 : i32
    %swap3A_2823 = arith.index_cast %swap3A_2822 : i32 to index
    %swap3A_2824 = arith.constant 64 : index
    %swap3A_2825 = tpu.vector_load %arg5[%swap3A_2823, %swap3A_2824] {strides = array<i32>} : memref<25x128xi32, #tpu.memory_space<vmem>>, vector<1x16xi32>,
    %swap3A_2826 = vector.shape_cast %swap3A_2825 : vector<1x16xi32> to vector<16xi32>
    %swap3A_2827 = vector.shape_cast %sub3A_2821 : vector<16xi32> to vector<1x16xi32>
    tpu.vector_store %arg5[%swap3A_2823, %swap3A_2824], %swap3A_2827 {strides = array<i32>} : memref<25x128xi32, #tpu.memory_space<vmem>>, vector<1x16xi32>,
    %get3A_2828 = arith.constant 14 : i32
    %get3A_2829 = arith.index_cast %get3A_2828 : i32 to index
    %get3A_2830 = arith.constant 80 : index
    %get3A_2831 = tpu.vector_load %arg5[%get3A_2829, %get3A_2830] {strides = array<i32>} : memref<25x128xi32, #tpu.memory_space<vmem>>, vector<1x16xi32>,
    %get3A_2832 = vector.shape_cast %get3A_2831 : vector<1x16xi32> to vector<16xi32>
    %sub3A_2833 = arith.constant 1 : i32
    %sub3A_2834 = vector.broadcast %sub3A_2833 : i32 to vector<16xi32>
    %sub3A_2835 = arith.subi %get3A_2832, %sub3A_2834 : vector<16xi32>
    %swap3A_2836 = arith.constant 14 : i32
    %swap3A_2837 = arith.index_cast %swap3A_2836 : i32 to index
    %swap3A_2838 = arith.constant 80 : index
    %swap3A_2839 = tpu.vector_load %arg5[%swap3A_2837, %swap3A_2838] {strides = array<i32>} : memref<25x128xi32, #tpu.memory_space<vmem>>, vector<1x16xi32>,
    %swap3A_2840 = vector.shape_cast %swap3A_2839 : vector<1x16xi32> to vector<16xi32>
    %swap3A_2841 = vector.shape_cast %sub3A_2835 : vector<16xi32> to vector<1x16xi32>
    tpu.vector_store %arg5[%swap3A_2837, %swap3A_2838], %swap3A_2841 {strides = array<i32>} : memref<25x128xi32, #tpu.memory_space<vmem>>, vector<1x16xi32>,
    %get3A_2842 = arith.constant 14 : i32
    %get3A_2843 = arith.index_cast %get3A_2842 : i32 to index
    %get3A_2844 = arith.constant 96 : index
    %get3A_2845 = tpu.vector_load %arg5[%get3A_2843, %get3A_2844] {strides = array<i32>} : memref<25x128xi32, #tpu.memory_space<vmem>>, vector<1x16xi32>,
    %get3A_2846 = vector.shape_cast %get3A_2845 : vector<1x16xi32> to vector<16xi32>
    %sub3A_2847 = arith.constant 1 : i32
    %sub3A_2848 = vector.broadcast %sub3A_2847 : i32 to vector<16xi32>
    %sub3A_2849 = arith.subi %get3A_2846, %sub3A_2848 : vector<16xi32>
    %swap3A_2850 = arith.constant 14 : i32
    %swap3A_2851 = arith.index_cast %swap3A_2850 : i32 to index
    %swap3A_2852 = arith.constant 96 : index
    %swap3A_2853 = tpu.vector_load %arg5[%swap3A_2851, %swap3A_2852] {strides = array<i32>} : memref<25x128xi32, #tpu.memory_space<vmem>>, vector<1x16xi32>,
    %swap3A_2854 = vector.shape_cast %swap3A_2853 : vector<1x16xi32> to vector<16xi32>
    %swap3A_2855 = vector.shape_cast %sub3A_2849 : vector<16xi32> to vector<1x16xi32>
    tpu.vector_store %arg5[%swap3A_2851, %swap3A_2852], %swap3A_2855 {strides = array<i32>} : memref<25x128xi32, #tpu.memory_space<vmem>>, vector<1x16xi32>,
    %get3A_2856 = arith.constant 14 : i32
    %get3A_2857 = arith.index_cast %get3A_2856 : i32 to index
    %get3A_2858 = arith.constant 112 : index
    %get3A_2859 = tpu.vector_load %arg5[%get3A_2857, %get3A_2858] {strides = array<i32>} : memref<25x128xi32, #tpu.memory_space<vmem>>, vector<1x16xi32>,
    %get3A_2860 = vector.shape_cast %get3A_2859 : vector<1x16xi32> to vector<16xi32>
    %sub3A_2861 = arith.constant 1 : i32
    %sub3A_2862 = vector.broadcast %sub3A_2861 : i32 to vector<16xi32>
    %sub3A_2863 = arith.subi %get3A_2860, %sub3A_2862 : vector<16xi32>
    %swap3A_2864 = arith.constant 14 : i32
    %swap3A_2865 = arith.index_cast %swap3A_2864 : i32 to index
    %swap3A_2866 = arith.constant 112 : index
    %swap3A_2867 = tpu.vector_load %arg5[%swap3A_2865, %swap3A_2866] {strides = array<i32>} : memref<25x128xi32, #tpu.memory_space<vmem>>, vector<1x16xi32>,
    %swap3A_2868 = vector.shape_cast %swap3A_2867 : vector<1x16xi32> to vector<16xi32>
    %swap3A_2869 = vector.shape_cast %sub3A_2863 : vector<16xi32> to vector<1x16xi32>
    tpu.vector_store %arg5[%swap3A_2865, %swap3A_2866], %swap3A_2869 {strides = array<i32>} : memref<25x128xi32, #tpu.memory_space<vmem>>, vector<1x16xi32>,
    %dma_start3A_2870 = arith.constant 14 : i32
    %dma_start3A_2871 = arith.constant 0 : i32
    %dma_start3A_2872 = tpu.memref_slice %arg5[%dma_start3A_2870, %dma_start3A_2871] : memref<25x128xi32, #tpu.memory_space<vmem>> -> memref<1x128xi32, #tpu.memory_space<vmem>>
    %dma_start3A_2873 = tpu.memref_squeeze %dma_start3A_2872 : memref<1x128xi32, #tpu.memory_space<vmem>> -> memref<128xi32, #tpu.memory_space<vmem>>
    %dma_start3A_2874 = arith.constant 0 : i32
    %dma_start3A_2875 = arith.constant 0 : i32
    %dma_start3A_2876 = tpu.memref_slice %arg11[%dma_start3A_2874, %dma_start3A_2875] : memref<100x128xf32, #tpu.memory_space<vmem_shared>> -> memref<100x128xf32, #tpu.memory_space<vmem_shared>>
    tpu.enqueue_indirect_dma source(%dma_start3A_2876 : memref<100x128xf32, #tpu.memory_space<vmem_shared>>) target(%arg10 : memref<128x128xf32, #tpu.memory_space<vmem>>) offsets(%dma_start3A_2873 : memref<128xi32, #tpu.memory_space<vmem>>) semaphore(%arg17 : memref<!tpu.dma_semaphore, #tpu.memory_space<semaphore_mem>>)
    %dma_wait3A_2877 = arith.constant 13 : i32
    %dma_wait3A_2878 = arith.constant 0 : i32
    %dma_wait3A_2879 = tpu.memref_slice %arg5[%dma_wait3A_2877, %dma_wait3A_2878] : memref<25x128xi32, #tpu.memory_space<vmem>> -> memref<1x128xi32, #tpu.memory_space<vmem>>
    %dma_wait3A_2880 = tpu.memref_squeeze %dma_wait3A_2879 : memref<1x128xi32, #tpu.memory_space<vmem>> -> memref<128xi32, #tpu.memory_space<vmem>>
    %dma_wait3A_2881 = arith.constant 0 : i32
    %dma_wait3A_2882 = arith.constant 0 : i32
    %dma_wait3A_2883 = tpu.memref_slice %arg11[%dma_wait3A_2881, %dma_wait3A_2882] : memref<100x128xf32, #tpu.memory_space<vmem_shared>> -> memref<100x128xf32, #tpu.memory_space<vmem_shared>>
    tpu.wait_indirect_dma semaphore(%arg16 : memref<!tpu.dma_semaphore, #tpu.memory_space<semaphore_mem>>) src(%dma_wait3A_2883 : memref<100x128xf32, #tpu.memory_space<vmem_shared>>) dst(%arg9 : memref<128x128xf32, #tpu.memory_space<vmem>>)
    %add3A_2884 = arith.constant 416 : i32
    %add3A_2885 = arith.addi %add3A, %add3A_2884 : i32
    %min3A_2886 = arith.constant 781 : i32
    %min3A_2887 = arith.minsi %add3A_2885, %min3A_2886 : i32
    %mul3A_2888 = arith.constant 128 : i32
    %mul3A_2889 = arith.muli %min3A_2887, %mul3A_2888 : i32
    %min3A_2890 = arith.constant 99872 : i32
    %min3A_2891 = arith.minsi %mul3A_2889, %min3A_2890 : i32
    %multiple_of3A_2892 = tpu.assume_multiple %min3A_2891, 8 : i32
    %dma_start3A_2893 = arith.constant 0 : i32
    %dma_start3A_2894 = tpu.memref_slice %arg4[%multiple_of3A_2892, %dma_start3A_2893] : memref<100000x128xf32, #tpu.memory_space<hbm>> -> memref<128x128xf32, #tpu.memory_space<hbm>>
    %dma_start3A_2895 = arith.constant 0 : i32
    %dma_start3A_2896 = tpu.memref_slice %arg4[%multiple_of3A_2892, %dma_start3A_2895] : memref<100000x128xf32, #tpu.memory_space<hbm>> -> memref<128x128xf32, #tpu.memory_space<hbm>>
    tpu.enqueue_dma source(%arg9 : memref<128x128xf32, #tpu.memory_space<vmem>>) target(%dma_start3A_2896 : memref<128x128xf32, #tpu.memory_space<hbm>>) target_semaphore(%arg21 : memref<!tpu.dma_semaphore, #tpu.memory_space<semaphore_mem>>)
    %add3A_2897 = arith.constant 320 : i32
    %add3A_2898 = arith.addi %add3A, %add3A_2897 : i32
    %min3A_2899 = arith.constant 781 : i32
    %min3A_2900 = arith.minsi %add3A_2898, %min3A_2899 : i32
    %mul3A_2901 = arith.constant 128 : i32
    %mul3A_2902 = arith.muli %min3A_2900, %mul3A_2901 : i32
    %min3A_2903 = arith.constant 99872 : i32
    %min3A_2904 = arith.minsi %mul3A_2902, %min3A_2903 : i32
    %multiple_of3A_2905 = tpu.assume_multiple %min3A_2904, 8 : i32
    %dma_wait3A_2906 = arith.constant 0 : i32
    %dma_wait3A_2907 = tpu.memref_slice %arg4[%multiple_of3A_2905, %dma_wait3A_2906] : memref<100000x128xf32, #tpu.memory_space<hbm>> -> memref<128x128xf32, #tpu.memory_space<hbm>>
    %dma_wait3A_2908 = arith.constant 0 : i32
    %dma_wait3A_2909 = tpu.memref_slice %arg4[%multiple_of3A_2905, %dma_wait3A_2908] : memref<100000x128xf32, #tpu.memory_space<hbm>> -> memref<128x128xf32, #tpu.memory_space<hbm>>
    tpu.wait_dma2 semaphore(%arg18 : memref<!tpu.dma_semaphore, #tpu.memory_space<semaphore_mem>>) src(%arg6 : memref<128x128xf32, #tpu.memory_space<vmem>>) dst(%dma_wait3A_2909 : memref<128x128xf32, #tpu.memory_space<hbm>>)
    %add3A_2910 = arith.constant 480 : i32
    %add3A_2911 = arith.addi %add3A, %add3A_2910 : i32
    %min3A_2912 = arith.constant 781 : i32
    %min3A_2913 = arith.minsi %add3A_2911, %min3A_2912 : i32
    %mul3A_2914 = arith.constant 128 : i32
    %mul3A_2915 = arith.muli %min3A_2913, %mul3A_2914 : i32
    %min3A_2916 = arith.constant 99872 : i32
    %min3A_2917 = arith.minsi %mul3A_2915, %min3A_2916 : i32
    %multiple_of3A_2918 = tpu.assume_multiple %min3A_2917, 8 : i32
    %dma_wait3A_2919 = arith.constant 15 : i32
    %dma_wait3A_2920 = arith.constant 0 : i32
    %dma_wait3A_2921 = tpu.memref_slice %arg5[%dma_wait3A_2919, %dma_wait3A_2920] : memref<25x128xi32, #tpu.memory_space<vmem>> -> memref<1x128xi32, #tpu.memory_space<vmem>>
    %dma_wait3A_2922 = tpu.memref_squeeze %dma_wait3A_2921 : memref<1x128xi32, #tpu.memory_space<vmem>> -> memref<128xi32, #tpu.memory_space<vmem>>
    %dma_wait3A_2923 = tpu.memref_slice %arg2[%multiple_of3A_2918] : memref<100000xi32, #tpu.memory_space<hbm>> -> memref<128xi32, #tpu.memory_space<hbm>>
    %dma_wait3A_2924 = arith.constant 0 : i32
    %dma_wait3A_2925 = tpu.memref_slice %arg5[%dma_wait3A_2919, %dma_wait3A_2924] : memref<25x128xi32, #tpu.memory_space<vmem>> -> memref<1x128xi32, #tpu.memory_space<vmem>>
    %dma_wait3A_2926 = tpu.memref_squeeze %dma_wait3A_2925 : memref<1x128xi32, #tpu.memory_space<vmem>> -> memref<128xi32, #tpu.memory_space<vmem>>
    %dma_wait3A_2927 = tpu.memref_slice %arg2[%multiple_of3A_2918] : memref<100000xi32, #tpu.memory_space<hbm>> -> memref<128xi32, #tpu.memory_space<hbm>>
    tpu.wait_dma2 semaphore(%arg12 : memref<!tpu.dma_semaphore, #tpu.memory_space<semaphore_mem>>) src(%dma_wait3A_2927 : memref<128xi32, #tpu.memory_space<hbm>>) dst(%dma_wait3A_2926 : memref<128xi32, #tpu.memory_space<vmem>>)
    %get3A_2928 = arith.constant 15 : i32
    %get3A_2929 = arith.index_cast %get3A_2928 : i32 to index
    %get3A_2930 = arith.constant 0 : index
    %get3A_2931 = tpu.vector_load %arg5[%get3A_2929, %get3A_2930] {strides = array<i32>} : memref<25x128xi32, #tpu.memory_space<vmem>>, vector<1x16xi32>,
    %get3A_2932 = vector.shape_cast %get3A_2931 : vector<1x16xi32> to vector<16xi32>
    %sub3A_2933 = arith.constant 1 : i32
    %sub3A_2934 = vector.broadcast %sub3A_2933 : i32 to vector<16xi32>
    %sub3A_2935 = arith.subi %get3A_2932, %sub3A_2934 : vector<16xi32>
    %swap3A_2936 = arith.constant 15 : i32
    %swap3A_2937 = arith.index_cast %swap3A_2936 : i32 to index
    %swap3A_2938 = arith.constant 0 : index
    %swap3A_2939 = tpu.vector_load %arg5[%swap3A_2937, %swap3A_2938] {strides = array<i32>} : memref<25x128xi32, #tpu.memory_space<vmem>>, vector<1x16xi32>,
    %swap3A_2940 = vector.shape_cast %swap3A_2939 : vector<1x16xi32> to vector<16xi32>
    %swap3A_2941 = vector.shape_cast %sub3A_2935 : vector<16xi32> to vector<1x16xi32>
    tpu.vector_store %arg5[%swap3A_2937, %swap3A_2938], %swap3A_2941 {strides = array<i32>} : memref<25x128xi32, #tpu.memory_space<vmem>>, vector<1x16xi32>,
    %get3A_2942 = arith.constant 15 : i32
    %get3A_2943 = arith.index_cast %get3A_2942 : i32 to index
    %get3A_2944 = arith.constant 16 : index
    %get3A_2945 = tpu.vector_load %arg5[%get3A_2943, %get3A_2944] {strides = array<i32>} : memref<25x128xi32, #tpu.memory_space<vmem>>, vector<1x16xi32>,
    %get3A_2946 = vector.shape_cast %get3A_2945 : vector<1x16xi32> to vector<16xi32>
    %sub3A_2947 = arith.constant 1 : i32
    %sub3A_2948 = vector.broadcast %sub3A_2947 : i32 to vector<16xi32>
    %sub3A_2949 = arith.subi %get3A_2946, %sub3A_2948 : vector<16xi32>
    %swap3A_2950 = arith.constant 15 : i32
    %swap3A_2951 = arith.index_cast %swap3A_2950 : i32 to index
    %swap3A_2952 = arith.constant 16 : index
    %swap3A_2953 = tpu.vector_load %arg5[%swap3A_2951, %swap3A_2952] {strides = array<i32>} : memref<25x128xi32, #tpu.memory_space<vmem>>, vector<1x16xi32>,
    %swap3A_2954 = vector.shape_cast %swap3A_2953 : vector<1x16xi32> to vector<16xi32>
    %swap3A_2955 = vector.shape_cast %sub3A_2949 : vector<16xi32> to vector<1x16xi32>
    tpu.vector_store %arg5[%swap3A_2951, %swap3A_2952], %swap3A_2955 {strides = array<i32>} : memref<25x128xi32, #tpu.memory_space<vmem>>, vector<1x16xi32>,
    %get3A_2956 = arith.constant 15 : i32
    %get3A_2957 = arith.index_cast %get3A_2956 : i32 to index
    %get3A_2958 = arith.constant 32 : index
    %get3A_2959 = tpu.vector_load %arg5[%get3A_2957, %get3A_2958] {strides = array<i32>} : memref<25x128xi32, #tpu.memory_space<vmem>>, vector<1x16xi32>,
    %get3A_2960 = vector.shape_cast %get3A_2959 : vector<1x16xi32> to vector<16xi32>
    %sub3A_2961 = arith.constant 1 : i32
    %sub3A_2962 = vector.broadcast %sub3A_2961 : i32 to vector<16xi32>
    %sub3A_2963 = arith.subi %get3A_2960, %sub3A_2962 : vector<16xi32>
    %swap3A_2964 = arith.constant 15 : i32
    %swap3A_2965 = arith.index_cast %swap3A_2964 : i32 to index
    %swap3A_2966 = arith.constant 32 : index
    %swap3A_2967 = tpu.vector_load %arg5[%swap3A_2965, %swap3A_2966] {strides = array<i32>} : memref<25x128xi32, #tpu.memory_space<vmem>>, vector<1x16xi32>,
    %swap3A_2968 = vector.shape_cast %swap3A_2967 : vector<1x16xi32> to vector<16xi32>
    %swap3A_2969 = vector.shape_cast %sub3A_2963 : vector<16xi32> to vector<1x16xi32>
    tpu.vector_store %arg5[%swap3A_2965, %swap3A_2966], %swap3A_2969 {strides = array<i32>} : memref<25x128xi32, #tpu.memory_space<vmem>>, vector<1x16xi32>,
    %get3A_2970 = arith.constant 15 : i32
    %get3A_2971 = arith.index_cast %get3A_2970 : i32 to index
    %get3A_2972 = arith.constant 48 : index
    %get3A_2973 = tpu.vector_load %arg5[%get3A_2971, %get3A_2972] {strides = array<i32>} : memref<25x128xi32, #tpu.memory_space<vmem>>, vector<1x16xi32>,
    %get3A_2974 = vector.shape_cast %get3A_2973 : vector<1x16xi32> to vector<16xi32>
    %sub3A_2975 = arith.constant 1 : i32
    %sub3A_2976 = vector.broadcast %sub3A_2975 : i32 to vector<16xi32>
    %sub3A_2977 = arith.subi %get3A_2974, %sub3A_2976 : vector<16xi32>
    %swap3A_2978 = arith.constant 15 : i32
    %swap3A_2979 = arith.index_cast %swap3A_2978 : i32 to index
    %swap3A_2980 = arith.constant 48 : index
    %swap3A_2981 = tpu.vector_load %arg5[%swap3A_2979, %swap3A_2980] {strides = array<i32>} : memref<25x128xi32, #tpu.memory_space<vmem>>, vector<1x16xi32>,
    %swap3A_2982 = vector.shape_cast %swap3A_2981 : vector<1x16xi32> to vector<16xi32>
    %swap3A_2983 = vector.shape_cast %sub3A_2977 : vector<16xi32> to vector<1x16xi32>
    tpu.vector_store %arg5[%swap3A_2979, %swap3A_2980], %swap3A_2983 {strides = array<i32>} : memref<25x128xi32, #tpu.memory_space<vmem>>, vector<1x16xi32>,
    %get3A_2984 = arith.constant 15 : i32
    %get3A_2985 = arith.index_cast %get3A_2984 : i32 to index
    %get3A_2986 = arith.constant 64 : index
    %get3A_2987 = tpu.vector_load %arg5[%get3A_2985, %get3A_2986] {strides = array<i32>} : memref<25x128xi32, #tpu.memory_space<vmem>>, vector<1x16xi32>,
    %get3A_2988 = vector.shape_cast %get3A_2987 : vector<1x16xi32> to vector<16xi32>
    %sub3A_2989 = arith.constant 1 : i32
    %sub3A_2990 = vector.broadcast %sub3A_2989 : i32 to vector<16xi32>
    %sub3A_2991 = arith.subi %get3A_2988, %sub3A_2990 : vector<16xi32>
    %swap3A_2992 = arith.constant 15 : i32
    %swap3A_2993 = arith.index_cast %swap3A_2992 : i32 to index
    %swap3A_2994 = arith.constant 64 : index
    %swap3A_2995 = tpu.vector_load %arg5[%swap3A_2993, %swap3A_2994] {strides = array<i32>} : memref<25x128xi32, #tpu.memory_space<vmem>>, vector<1x16xi32>,
    %swap3A_2996 = vector.shape_cast %swap3A_2995 : vector<1x16xi32> to vector<16xi32>
    %swap3A_2997 = vector.shape_cast %sub3A_2991 : vector<16xi32> to vector<1x16xi32>
    tpu.vector_store %arg5[%swap3A_2993, %swap3A_2994], %swap3A_2997 {strides = array<i32>} : memref<25x128xi32, #tpu.memory_space<vmem>>, vector<1x16xi32>,
    %get3A_2998 = arith.constant 15 : i32
    %get3A_2999 = arith.index_cast %get3A_2998 : i32 to index
    %get3A_3000 = arith.constant 80 : index
    %get3A_3001 = tpu.vector_load %arg5[%get3A_2999, %get3A_3000] {strides = array<i32>} : memref<25x128xi32, #tpu.memory_space<vmem>>, vector<1x16xi32>,
    %get3A_3002 = vector.shape_cast %get3A_3001 : vector<1x16xi32> to vector<16xi32>
    %sub3A_3003 = arith.constant 1 : i32
    %sub3A_3004 = vector.broadcast %sub3A_3003 : i32 to vector<16xi32>
    %sub3A_3005 = arith.subi %get3A_3002, %sub3A_3004 : vector<16xi32>
    %swap3A_3006 = arith.constant 15 : i32
    %swap3A_3007 = arith.index_cast %swap3A_3006 : i32 to index
    %swap3A_3008 = arith.constant 80 : index
    %swap3A_3009 = tpu.vector_load %arg5[%swap3A_3007, %swap3A_3008] {strides = array<i32>} : memref<25x128xi32, #tpu.memory_space<vmem>>, vector<1x16xi32>,
    %swap3A_3010 = vector.shape_cast %swap3A_3009 : vector<1x16xi32> to vector<16xi32>
    %swap3A_3011 = vector.shape_cast %sub3A_3005 : vector<16xi32> to vector<1x16xi32>
    tpu.vector_store %arg5[%swap3A_3007, %swap3A_3008], %swap3A_3011 {strides = array<i32>} : memref<25x128xi32, #tpu.memory_space<vmem>>, vector<1x16xi32>,
    %get3A_3012 = arith.constant 15 : i32
    %get3A_3013 = arith.index_cast %get3A_3012 : i32 to index
    %get3A_3014 = arith.constant 96 : index
    %get3A_3015 = tpu.vector_load %arg5[%get3A_3013, %get3A_3014] {strides = array<i32>} : memref<25x128xi32, #tpu.memory_space<vmem>>, vector<1x16xi32>,
    %get3A_3016 = vector.shape_cast %get3A_3015 : vector<1x16xi32> to vector<16xi32>
    %sub3A_3017 = arith.constant 1 : i32
    %sub3A_3018 = vector.broadcast %sub3A_3017 : i32 to vector<16xi32>
    %sub3A_3019 = arith.subi %get3A_3016, %sub3A_3018 : vector<16xi32>
    %swap3A_3020 = arith.constant 15 : i32
    %swap3A_3021 = arith.index_cast %swap3A_3020 : i32 to index
    %swap3A_3022 = arith.constant 96 : index
    %swap3A_3023 = tpu.vector_load %arg5[%swap3A_3021, %swap3A_3022] {strides = array<i32>} : memref<25x128xi32, #tpu.memory_space<vmem>>, vector<1x16xi32>,
    %swap3A_3024 = vector.shape_cast %swap3A_3023 : vector<1x16xi32> to vector<16xi32>
    %swap3A_3025 = vector.shape_cast %sub3A_3019 : vector<16xi32> to vector<1x16xi32>
    tpu.vector_store %arg5[%swap3A_3021, %swap3A_3022], %swap3A_3025 {strides = array<i32>} : memref<25x128xi32, #tpu.memory_space<vmem>>, vector<1x16xi32>,
    %get3A_3026 = arith.constant 15 : i32
    %get3A_3027 = arith.index_cast %get3A_3026 : i32 to index
    %get3A_3028 = arith.constant 112 : index
    %get3A_3029 = tpu.vector_load %arg5[%get3A_3027, %get3A_3028] {strides = array<i32>} : memref<25x128xi32, #tpu.memory_space<vmem>>, vector<1x16xi32>,
    %get3A_3030 = vector.shape_cast %get3A_3029 : vector<1x16xi32> to vector<16xi32>
    %sub3A_3031 = arith.constant 1 : i32
    %sub3A_3032 = vector.broadcast %sub3A_3031 : i32 to vector<16xi32>
    %sub3A_3033 = arith.subi %get3A_3030, %sub3A_3032 : vector<16xi32>
    %swap3A_3034 = arith.constant 15 : i32
    %swap3A_3035 = arith.index_cast %swap3A_3034 : i32 to index
    %swap3A_3036 = arith.constant 112 : index
    %swap3A_3037 = tpu.vector_load %arg5[%swap3A_3035, %swap3A_3036] {strides = array<i32>} : memref<25x128xi32, #tpu.memory_space<vmem>>, vector<1x16xi32>,
    %swap3A_3038 = vector.shape_cast %swap3A_3037 : vector<1x16xi32> to vector<16xi32>
    %swap3A_3039 = vector.shape_cast %sub3A_3033 : vector<16xi32> to vector<1x16xi32>
    tpu.vector_store %arg5[%swap3A_3035, %swap3A_3036], %swap3A_3039 {strides = array<i32>} : memref<25x128xi32, #tpu.memory_space<vmem>>, vector<1x16xi32>,
    %dma_start3A_3040 = arith.constant 15 : i32
    %dma_start3A_3041 = arith.constant 0 : i32
    %dma_start3A_3042 = tpu.memref_slice %arg5[%dma_start3A_3040, %dma_start3A_3041] : memref<25x128xi32, #tpu.memory_space<vmem>> -> memref<1x128xi32, #tpu.memory_space<vmem>>
    %dma_start3A_3043 = tpu.memref_squeeze %dma_start3A_3042 : memref<1x128xi32, #tpu.memory_space<vmem>> -> memref<128xi32, #tpu.memory_space<vmem>>
    %dma_start3A_3044 = arith.constant 0 : i32
    %dma_start3A_3045 = arith.constant 0 : i32
    %dma_start3A_3046 = tpu.memref_slice %arg11[%dma_start3A_3044, %dma_start3A_3045] : memref<100x128xf32, #tpu.memory_space<vmem_shared>> -> memref<100x128xf32, #tpu.memory_space<vmem_shared>>
    tpu.enqueue_indirect_dma source(%dma_start3A_3046 : memref<100x128xf32, #tpu.memory_space<vmem_shared>>) target(%arg6 : memref<128x128xf32, #tpu.memory_space<vmem>>) offsets(%dma_start3A_3043 : memref<128xi32, #tpu.memory_space<vmem>>) semaphore(%arg13 : memref<!tpu.dma_semaphore, #tpu.memory_space<semaphore_mem>>)
    %dma_wait3A_3047 = arith.constant 14 : i32
    %dma_wait3A_3048 = arith.constant 0 : i32
    %dma_wait3A_3049 = tpu.memref_slice %arg5[%dma_wait3A_3047, %dma_wait3A_3048] : memref<25x128xi32, #tpu.memory_space<vmem>> -> memref<1x128xi32, #tpu.memory_space<vmem>>
    %dma_wait3A_3050 = tpu.memref_squeeze %dma_wait3A_3049 : memref<1x128xi32, #tpu.memory_space<vmem>> -> memref<128xi32, #tpu.memory_space<vmem>>
    %dma_wait3A_3051 = arith.constant 0 : i32
    %dma_wait3A_3052 = arith.constant 0 : i32
    %dma_wait3A_3053 = tpu.memref_slice %arg11[%dma_wait3A_3051, %dma_wait3A_3052] : memref<100x128xf32, #tpu.memory_space<vmem_shared>> -> memref<100x128xf32, #tpu.memory_space<vmem_shared>>
    tpu.wait_indirect_dma semaphore(%arg17 : memref<!tpu.dma_semaphore, #tpu.memory_space<semaphore_mem>>) src(%dma_wait3A_3053 : memref<100x128xf32, #tpu.memory_space<vmem_shared>>) dst(%arg10 : memref<128x128xf32, #tpu.memory_space<vmem>>)
    %add3A_3054 = arith.constant 448 : i32
    %add3A_3055 = arith.addi %add3A, %add3A_3054 : i32
    %min3A_3056 = arith.constant 781 : i32
    %min3A_3057 = arith.minsi %add3A_3055, %min3A_3056 : i32
    %mul3A_3058 = arith.constant 128 : i32
    %mul3A_3059 = arith.muli %min3A_3057, %mul3A_3058 : i32
    %min3A_3060 = arith.constant 99872 : i32
    %min3A_3061 = arith.minsi %mul3A_3059, %min3A_3060 : i32
    %multiple_of3A_3062 = tpu.assume_multiple %min3A_3061, 8 : i32
    %dma_start3A_3063 = arith.constant 0 : i32
    %dma_start3A_3064 = tpu.memref_slice %arg4[%multiple_of3A_3062, %dma_start3A_3063] : memref<100000x128xf32, #tpu.memory_space<hbm>> -> memref<128x128xf32, #tpu.memory_space<hbm>>
    %dma_start3A_3065 = arith.constant 0 : i32
    %dma_start3A_3066 = tpu.memref_slice %arg4[%multiple_of3A_3062, %dma_start3A_3065] : memref<100000x128xf32, #tpu.memory_space<hbm>> -> memref<128x128xf32, #tpu.memory_space<hbm>>
    tpu.enqueue_dma source(%arg10 : memref<128x128xf32, #tpu.memory_space<vmem>>) target(%dma_start3A_3066 : memref<128x128xf32, #tpu.memory_space<hbm>>) target_semaphore(%arg22 : memref<!tpu.dma_semaphore, #tpu.memory_space<semaphore_mem>>)
    %add3A_3067 = arith.constant 352 : i32
    %add3A_3068 = arith.addi %add3A, %add3A_3067 : i32
    %min3A_3069 = arith.constant 781 : i32
    %min3A_3070 = arith.minsi %add3A_3068, %min3A_3069 : i32
    %mul3A_3071 = arith.constant 128 : i32
    %mul3A_3072 = arith.muli %min3A_3070, %mul3A_3071 : i32
    %min3A_3073 = arith.constant 99872 : i32
    %min3A_3074 = arith.minsi %mul3A_3072, %min3A_3073 : i32
    %multiple_of3A_3075 = tpu.assume_multiple %min3A_3074, 8 : i32
    %dma_wait3A_3076 = arith.constant 0 : i32
    %dma_wait3A_3077 = tpu.memref_slice %arg4[%multiple_of3A_3075, %dma_wait3A_3076] : memref<100000x128xf32, #tpu.memory_space<hbm>> -> memref<128x128xf32, #tpu.memory_space<hbm>>
    %dma_wait3A_3078 = arith.constant 0 : i32
    %dma_wait3A_3079 = tpu.memref_slice %arg4[%multiple_of3A_3075, %dma_wait3A_3078] : memref<100000x128xf32, #tpu.memory_space<hbm>> -> memref<128x128xf32, #tpu.memory_space<hbm>>
    tpu.wait_dma2 semaphore(%arg19 : memref<!tpu.dma_semaphore, #tpu.memory_space<semaphore_mem>>) src(%arg7 : memref<128x128xf32, #tpu.memory_space<vmem>>) dst(%dma_wait3A_3079 : memref<128x128xf32, #tpu.memory_space<hbm>>)
    %add3A_3080 = arith.constant 512 : i32
    %add3A_3081 = arith.addi %add3A, %add3A_3080 : i32
    %min3A_3082 = arith.constant 781 : i32
    %min3A_3083 = arith.minsi %add3A_3081, %min3A_3082 : i32
    %mul3A_3084 = arith.constant 128 : i32
    %mul3A_3085 = arith.muli %min3A_3083, %mul3A_3084 : i32
    %min3A_3086 = arith.constant 99872 : i32
    %min3A_3087 = arith.minsi %mul3A_3085, %min3A_3086 : i32
    %multiple_of3A_3088 = tpu.assume_multiple %min3A_3087, 8 : i32
    %dma_wait3A_3089 = arith.constant 16 : i32
    %dma_wait3A_3090 = arith.constant 0 : i32
    %dma_wait3A_3091 = tpu.memref_slice %arg5[%dma_wait3A_3089, %dma_wait3A_3090] : memref<25x128xi32, #tpu.memory_space<vmem>> -> memref<1x128xi32, #tpu.memory_space<vmem>>
    %dma_wait3A_3092 = tpu.memref_squeeze %dma_wait3A_3091 : memref<1x128xi32, #tpu.memory_space<vmem>> -> memref<128xi32, #tpu.memory_space<vmem>>
    %dma_wait3A_3093 = tpu.memref_slice %arg2[%multiple_of3A_3088] : memref<100000xi32, #tpu.memory_space<hbm>> -> memref<128xi32, #tpu.memory_space<hbm>>
    %dma_wait3A_3094 = arith.constant 0 : i32
    %dma_wait3A_3095 = tpu.memref_slice %arg5[%dma_wait3A_3089, %dma_wait3A_3094] : memref<25x128xi32, #tpu.memory_space<vmem>> -> memref<1x128xi32, #tpu.memory_space<vmem>>
    %dma_wait3A_3096 = tpu.memref_squeeze %dma_wait3A_3095 : memref<1x128xi32, #tpu.memory_space<vmem>> -> memref<128xi32, #tpu.memory_space<vmem>>
    %dma_wait3A_3097 = tpu.memref_slice %arg2[%multiple_of3A_3088] : memref<100000xi32, #tpu.memory_space<hbm>> -> memref<128xi32, #tpu.memory_space<hbm>>
    tpu.wait_dma2 semaphore(%arg12 : memref<!tpu.dma_semaphore, #tpu.memory_space<semaphore_mem>>) src(%dma_wait3A_3097 : memref<128xi32, #tpu.memory_space<hbm>>) dst(%dma_wait3A_3096 : memref<128xi32, #tpu.memory_space<vmem>>)
    %get3A_3098 = arith.constant 16 : i32
    %get3A_3099 = arith.index_cast %get3A_3098 : i32 to index
    %get3A_3100 = arith.constant 0 : index
    %get3A_3101 = tpu.vector_load %arg5[%get3A_3099, %get3A_3100] {strides = array<i32>} : memref<25x128xi32, #tpu.memory_space<vmem>>, vector<1x16xi32>,
    %get3A_3102 = vector.shape_cast %get3A_3101 : vector<1x16xi32> to vector<16xi32>
    %sub3A_3103 = arith.constant 1 : i32
    %sub3A_3104 = vector.broadcast %sub3A_3103 : i32 to vector<16xi32>
    %sub3A_3105 = arith.subi %get3A_3102, %sub3A_3104 : vector<16xi32>
    %swap3A_3106 = arith.constant 16 : i32
    %swap3A_3107 = arith.index_cast %swap3A_3106 : i32 to index
    %swap3A_3108 = arith.constant 0 : index
    %swap3A_3109 = tpu.vector_load %arg5[%swap3A_3107, %swap3A_3108] {strides = array<i32>} : memref<25x128xi32, #tpu.memory_space<vmem>>, vector<1x16xi32>,
    %swap3A_3110 = vector.shape_cast %swap3A_3109 : vector<1x16xi32> to vector<16xi32>
    %swap3A_3111 = vector.shape_cast %sub3A_3105 : vector<16xi32> to vector<1x16xi32>
    tpu.vector_store %arg5[%swap3A_3107, %swap3A_3108], %swap3A_3111 {strides = array<i32>} : memref<25x128xi32, #tpu.memory_space<vmem>>, vector<1x16xi32>,
    %get3A_3112 = arith.constant 16 : i32
    %get3A_3113 = arith.index_cast %get3A_3112 : i32 to index
    %get3A_3114 = arith.constant 16 : index
    %get3A_3115 = tpu.vector_load %arg5[%get3A_3113, %get3A_3114] {strides = array<i32>} : memref<25x128xi32, #tpu.memory_space<vmem>>, vector<1x16xi32>,
    %get3A_3116 = vector.shape_cast %get3A_3115 : vector<1x16xi32> to vector<16xi32>
    %sub3A_3117 = arith.constant 1 : i32
    %sub3A_3118 = vector.broadcast %sub3A_3117 : i32 to vector<16xi32>
    %sub3A_3119 = arith.subi %get3A_3116, %sub3A_3118 : vector<16xi32>
    %swap3A_3120 = arith.constant 16 : i32
    %swap3A_3121 = arith.index_cast %swap3A_3120 : i32 to index
    %swap3A_3122 = arith.constant 16 : index
    %swap3A_3123 = tpu.vector_load %arg5[%swap3A_3121, %swap3A_3122] {strides = array<i32>} : memref<25x128xi32, #tpu.memory_space<vmem>>, vector<1x16xi32>,
    %swap3A_3124 = vector.shape_cast %swap3A_3123 : vector<1x16xi32> to vector<16xi32>
    %swap3A_3125 = vector.shape_cast %sub3A_3119 : vector<16xi32> to vector<1x16xi32>
    tpu.vector_store %arg5[%swap3A_3121, %swap3A_3122], %swap3A_3125 {strides = array<i32>} : memref<25x128xi32, #tpu.memory_space<vmem>>, vector<1x16xi32>,
    %get3A_3126 = arith.constant 16 : i32
    %get3A_3127 = arith.index_cast %get3A_3126 : i32 to index
    %get3A_3128 = arith.constant 32 : index
    %get3A_3129 = tpu.vector_load %arg5[%get3A_3127, %get3A_3128] {strides = array<i32>} : memref<25x128xi32, #tpu.memory_space<vmem>>, vector<1x16xi32>,
    %get3A_3130 = vector.shape_cast %get3A_3129 : vector<1x16xi32> to vector<16xi32>
    %sub3A_3131 = arith.constant 1 : i32
    %sub3A_3132 = vector.broadcast %sub3A_3131 : i32 to vector<16xi32>
    %sub3A_3133 = arith.subi %get3A_3130, %sub3A_3132 : vector<16xi32>
    %swap3A_3134 = arith.constant 16 : i32
    %swap3A_3135 = arith.index_cast %swap3A_3134 : i32 to index
    %swap3A_3136 = arith.constant 32 : index
    %swap3A_3137 = tpu.vector_load %arg5[%swap3A_3135, %swap3A_3136] {strides = array<i32>} : memref<25x128xi32, #tpu.memory_space<vmem>>, vector<1x16xi32>,
    %swap3A_3138 = vector.shape_cast %swap3A_3137 : vector<1x16xi32> to vector<16xi32>
    %swap3A_3139 = vector.shape_cast %sub3A_3133 : vector<16xi32> to vector<1x16xi32>
    tpu.vector_store %arg5[%swap3A_3135, %swap3A_3136], %swap3A_3139 {strides = array<i32>} : memref<25x128xi32, #tpu.memory_space<vmem>>, vector<1x16xi32>,
    %get3A_3140 = arith.constant 16 : i32
    %get3A_3141 = arith.index_cast %get3A_3140 : i32 to index
    %get3A_3142 = arith.constant 48 : index
    %get3A_3143 = tpu.vector_load %arg5[%get3A_3141, %get3A_3142] {strides = array<i32>} : memref<25x128xi32, #tpu.memory_space<vmem>>, vector<1x16xi32>,
    %get3A_3144 = vector.shape_cast %get3A_3143 : vector<1x16xi32> to vector<16xi32>
    %sub3A_3145 = arith.constant 1 : i32
    %sub3A_3146 = vector.broadcast %sub3A_3145 : i32 to vector<16xi32>
    %sub3A_3147 = arith.subi %get3A_3144, %sub3A_3146 : vector<16xi32>
    %swap3A_3148 = arith.constant 16 : i32
    %swap3A_3149 = arith.index_cast %swap3A_3148 : i32 to index
    %swap3A_3150 = arith.constant 48 : index
    %swap3A_3151 = tpu.vector_load %arg5[%swap3A_3149, %swap3A_3150] {strides = array<i32>} : memref<25x128xi32, #tpu.memory_space<vmem>>, vector<1x16xi32>,
    %swap3A_3152 = vector.shape_cast %swap3A_3151 : vector<1x16xi32> to vector<16xi32>
    %swap3A_3153 = vector.shape_cast %sub3A_3147 : vector<16xi32> to vector<1x16xi32>
    tpu.vector_store %arg5[%swap3A_3149, %swap3A_3150], %swap3A_3153 {strides = array<i32>} : memref<25x128xi32, #tpu.memory_space<vmem>>, vector<1x16xi32>,
    %get3A_3154 = arith.constant 16 : i32
    %get3A_3155 = arith.index_cast %get3A_3154 : i32 to index
    %get3A_3156 = arith.constant 64 : index
    %get3A_3157 = tpu.vector_load %arg5[%get3A_3155, %get3A_3156] {strides = array<i32>} : memref<25x128xi32, #tpu.memory_space<vmem>>, vector<1x16xi32>,
    %get3A_3158 = vector.shape_cast %get3A_3157 : vector<1x16xi32> to vector<16xi32>
    %sub3A_3159 = arith.constant 1 : i32
    %sub3A_3160 = vector.broadcast %sub3A_3159 : i32 to vector<16xi32>
    %sub3A_3161 = arith.subi %get3A_3158, %sub3A_3160 : vector<16xi32>
    %swap3A_3162 = arith.constant 16 : i32
    %swap3A_3163 = arith.index_cast %swap3A_3162 : i32 to index
    %swap3A_3164 = arith.constant 64 : index
    %swap3A_3165 = tpu.vector_load %arg5[%swap3A_3163, %swap3A_3164] {strides = array<i32>} : memref<25x128xi32, #tpu.memory_space<vmem>>, vector<1x16xi32>,
    %swap3A_3166 = vector.shape_cast %swap3A_3165 : vector<1x16xi32> to vector<16xi32>
    %swap3A_3167 = vector.shape_cast %sub3A_3161 : vector<16xi32> to vector<1x16xi32>
    tpu.vector_store %arg5[%swap3A_3163, %swap3A_3164], %swap3A_3167 {strides = array<i32>} : memref<25x128xi32, #tpu.memory_space<vmem>>, vector<1x16xi32>,
    %get3A_3168 = arith.constant 16 : i32
    %get3A_3169 = arith.index_cast %get3A_3168 : i32 to index
    %get3A_3170 = arith.constant 80 : index
    %get3A_3171 = tpu.vector_load %arg5[%get3A_3169, %get3A_3170] {strides = array<i32>} : memref<25x128xi32, #tpu.memory_space<vmem>>, vector<1x16xi32>,
    %get3A_3172 = vector.shape_cast %get3A_3171 : vector<1x16xi32> to vector<16xi32>
    %sub3A_3173 = arith.constant 1 : i32
    %sub3A_3174 = vector.broadcast %sub3A_3173 : i32 to vector<16xi32>
    %sub3A_3175 = arith.subi %get3A_3172, %sub3A_3174 : vector<16xi32>
    %swap3A_3176 = arith.constant 16 : i32
    %swap3A_3177 = arith.index_cast %swap3A_3176 : i32 to index
    %swap3A_3178 = arith.constant 80 : index
    %swap3A_3179 = tpu.vector_load %arg5[%swap3A_3177, %swap3A_3178] {strides = array<i32>} : memref<25x128xi32, #tpu.memory_space<vmem>>, vector<1x16xi32>,
    %swap3A_3180 = vector.shape_cast %swap3A_3179 : vector<1x16xi32> to vector<16xi32>
    %swap3A_3181 = vector.shape_cast %sub3A_3175 : vector<16xi32> to vector<1x16xi32>
    tpu.vector_store %arg5[%swap3A_3177, %swap3A_3178], %swap3A_3181 {strides = array<i32>} : memref<25x128xi32, #tpu.memory_space<vmem>>, vector<1x16xi32>,
    %get3A_3182 = arith.constant 16 : i32
    %get3A_3183 = arith.index_cast %get3A_3182 : i32 to index
    %get3A_3184 = arith.constant 96 : index
    %get3A_3185 = tpu.vector_load %arg5[%get3A_3183, %get3A_3184] {strides = array<i32>} : memref<25x128xi32, #tpu.memory_space<vmem>>, vector<1x16xi32>,
    %get3A_3186 = vector.shape_cast %get3A_3185 : vector<1x16xi32> to vector<16xi32>
    %sub3A_3187 = arith.constant 1 : i32
    %sub3A_3188 = vector.broadcast %sub3A_3187 : i32 to vector<16xi32>
    %sub3A_3189 = arith.subi %get3A_3186, %sub3A_3188 : vector<16xi32>
    %swap3A_3190 = arith.constant 16 : i32
    %swap3A_3191 = arith.index_cast %swap3A_3190 : i32 to index
    %swap3A_3192 = arith.constant 96 : index
    %swap3A_3193 = tpu.vector_load %arg5[%swap3A_3191, %swap3A_3192] {strides = array<i32>} : memref<25x128xi32, #tpu.memory_space<vmem>>, vector<1x16xi32>,
    %swap3A_3194 = vector.shape_cast %swap3A_3193 : vector<1x16xi32> to vector<16xi32>
    %swap3A_3195 = vector.shape_cast %sub3A_3189 : vector<16xi32> to vector<1x16xi32>
    tpu.vector_store %arg5[%swap3A_3191, %swap3A_3192], %swap3A_3195 {strides = array<i32>} : memref<25x128xi32, #tpu.memory_space<vmem>>, vector<1x16xi32>,
    %get3A_3196 = arith.constant 16 : i32
    %get3A_3197 = arith.index_cast %get3A_3196 : i32 to index
    %get3A_3198 = arith.constant 112 : index
    %get3A_3199 = tpu.vector_load %arg5[%get3A_3197, %get3A_3198] {strides = array<i32>} : memref<25x128xi32, #tpu.memory_space<vmem>>, vector<1x16xi32>,
    %get3A_3200 = vector.shape_cast %get3A_3199 : vector<1x16xi32> to vector<16xi32>
    %sub3A_3201 = arith.constant 1 : i32
    %sub3A_3202 = vector.broadcast %sub3A_3201 : i32 to vector<16xi32>
    %sub3A_3203 = arith.subi %get3A_3200, %sub3A_3202 : vector<16xi32>
    %swap3A_3204 = arith.constant 16 : i32
    %swap3A_3205 = arith.index_cast %swap3A_3204 : i32 to index
    %swap3A_3206 = arith.constant 112 : index
    %swap3A_3207 = tpu.vector_load %arg5[%swap3A_3205, %swap3A_3206] {strides = array<i32>} : memref<25x128xi32, #tpu.memory_space<vmem>>, vector<1x16xi32>,
    %swap3A_3208 = vector.shape_cast %swap3A_3207 : vector<1x16xi32> to vector<16xi32>
    %swap3A_3209 = vector.shape_cast %sub3A_3203 : vector<16xi32> to vector<1x16xi32>
    tpu.vector_store %arg5[%swap3A_3205, %swap3A_3206], %swap3A_3209 {strides = array<i32>} : memref<25x128xi32, #tpu.memory_space<vmem>>, vector<1x16xi32>,
    %dma_start3A_3210 = arith.constant 16 : i32
    %dma_start3A_3211 = arith.constant 0 : i32
    %dma_start3A_3212 = tpu.memref_slice %arg5[%dma_start3A_3210, %dma_start3A_3211] : memref<25x128xi32, #tpu.memory_space<vmem>> -> memref<1x128xi32, #tpu.memory_space<vmem>>
    %dma_start3A_3213 = tpu.memref_squeeze %dma_start3A_3212 : memref<1x128xi32, #tpu.memory_space<vmem>> -> memref<128xi32, #tpu.memory_space<vmem>>
    %dma_start3A_3214 = arith.constant 0 : i32
    %dma_start3A_3215 = arith.constant 0 : i32
    %dma_start3A_3216 = tpu.memref_slice %arg11[%dma_start3A_3214, %dma_start3A_3215] : memref<100x128xf32, #tpu.memory_space<vmem_shared>> -> memref<100x128xf32, #tpu.memory_space<vmem_shared>>
    tpu.enqueue_indirect_dma source(%dma_start3A_3216 : memref<100x128xf32, #tpu.memory_space<vmem_shared>>) target(%arg7 : memref<128x128xf32, #tpu.memory_space<vmem>>) offsets(%dma_start3A_3213 : memref<128xi32, #tpu.memory_space<vmem>>) semaphore(%arg14 : memref<!tpu.dma_semaphore, #tpu.memory_space<semaphore_mem>>)
    %dma_wait3A_3217 = arith.constant 15 : i32
    %dma_wait3A_3218 = arith.constant 0 : i32
    %dma_wait3A_3219 = tpu.memref_slice %arg5[%dma_wait3A_3217, %dma_wait3A_3218] : memref<25x128xi32, #tpu.memory_space<vmem>> -> memref<1x128xi32, #tpu.memory_space<vmem>>
    %dma_wait3A_3220 = tpu.memref_squeeze %dma_wait3A_3219 : memref<1x128xi32, #tpu.memory_space<vmem>> -> memref<128xi32, #tpu.memory_space<vmem>>
    %dma_wait3A_3221 = arith.constant 0 : i32
    %dma_wait3A_3222 = arith.constant 0 : i32
    %dma_wait3A_3223 = tpu.memref_slice %arg11[%dma_wait3A_3221, %dma_wait3A_3222] : memref<100x128xf32, #tpu.memory_space<vmem_shared>> -> memref<100x128xf32, #tpu.memory_space<vmem_shared>>
    tpu.wait_indirect_dma semaphore(%arg13 : memref<!tpu.dma_semaphore, #tpu.memory_space<semaphore_mem>>) src(%dma_wait3A_3223 : memref<100x128xf32, #tpu.memory_space<vmem_shared>>) dst(%arg6 : memref<128x128xf32, #tpu.memory_space<vmem>>)
    %add3A_3224 = arith.constant 480 : i32
    %add3A_3225 = arith.addi %add3A, %add3A_3224 : i32
    %min3A_3226 = arith.constant 781 : i32
    %min3A_3227 = arith.minsi %add3A_3225, %min3A_3226 : i32
    %mul3A_3228 = arith.constant 128 : i32
    %mul3A_3229 = arith.muli %min3A_3227, %mul3A_3228 : i32
    %min3A_3230 = arith.constant 99872 : i32
    %min3A_3231 = arith.minsi %mul3A_3229, %min3A_3230 : i32
    %multiple_of3A_3232 = tpu.assume_multiple %min3A_3231, 8 : i32
    %dma_start3A_3233 = arith.constant 0 : i32
    %dma_start3A_3234 = tpu.memref_slice %arg4[%multiple_of3A_3232, %dma_start3A_3233] : memref<100000x128xf32, #tpu.memory_space<hbm>> -> memref<128x128xf32, #tpu.memory_space<hbm>>
    %dma_start3A_3235 = arith.constant 0 : i32
    %dma_start3A_3236 = tpu.memref_slice %arg4[%multiple_of3A_3232, %dma_start3A_3235] : memref<100000x128xf32, #tpu.memory_space<hbm>> -> memref<128x128xf32, #tpu.memory_space<hbm>>
    tpu.enqueue_dma source(%arg6 : memref<128x128xf32, #tpu.memory_space<vmem>>) target(%dma_start3A_3236 : memref<128x128xf32, #tpu.memory_space<hbm>>) target_semaphore(%arg18 : memref<!tpu.dma_semaphore, #tpu.memory_space<semaphore_mem>>)
    %add3A_3237 = arith.constant 384 : i32
    %add3A_3238 = arith.addi %add3A, %add3A_3237 : i32
    %min3A_3239 = arith.constant 781 : i32
    %min3A_3240 = arith.minsi %add3A_3238, %min3A_3239 : i32
    %mul3A_3241 = arith.constant 128 : i32
    %mul3A_3242 = arith.muli %min3A_3240, %mul3A_3241 : i32
    %min3A_3243 = arith.constant 99872 : i32
    %min3A_3244 = arith.minsi %mul3A_3242, %min3A_3243 : i32
    %multiple_of3A_3245 = tpu.assume_multiple %min3A_3244, 8 : i32
    %dma_wait3A_3246 = arith.constant 0 : i32
    %dma_wait3A_3247 = tpu.memref_slice %arg4[%multiple_of3A_3245, %dma_wait3A_3246] : memref<100000x128xf32, #tpu.memory_space<hbm>> -> memref<128x128xf32, #tpu.memory_space<hbm>>
    %dma_wait3A_3248 = arith.constant 0 : i32
    %dma_wait3A_3249 = tpu.memref_slice %arg4[%multiple_of3A_3245, %dma_wait3A_3248] : memref<100000x128xf32, #tpu.memory_space<hbm>> -> memref<128x128xf32, #tpu.memory_space<hbm>>
    tpu.wait_dma2 semaphore(%arg20 : memref<!tpu.dma_semaphore, #tpu.memory_space<semaphore_mem>>) src(%arg8 : memref<128x128xf32, #tpu.memory_space<vmem>>) dst(%dma_wait3A_3249 : memref<128x128xf32, #tpu.memory_space<hbm>>)
    %add3A_3250 = arith.constant 544 : i32
    %add3A_3251 = arith.addi %add3A, %add3A_3250 : i32
    %min3A_3252 = arith.constant 781 : i32
    %min3A_3253 = arith.minsi %add3A_3251, %min3A_3252 : i32
    %mul3A_3254 = arith.constant 128 : i32
    %mul3A_3255 = arith.muli %min3A_3253, %mul3A_3254 : i32
    %min3A_3256 = arith.constant 99872 : i32
    %min3A_3257 = arith.minsi %mul3A_3255, %min3A_3256 : i32
    %multiple_of3A_3258 = tpu.assume_multiple %min3A_3257, 8 : i32
    %dma_wait3A_3259 = arith.constant 17 : i32
    %dma_wait3A_3260 = arith.constant 0 : i32
    %dma_wait3A_3261 = tpu.memref_slice %arg5[%dma_wait3A_3259, %dma_wait3A_3260] : memref<25x128xi32, #tpu.memory_space<vmem>> -> memref<1x128xi32, #tpu.memory_space<vmem>>
    %dma_wait3A_3262 = tpu.memref_squeeze %dma_wait3A_3261 : memref<1x128xi32, #tpu.memory_space<vmem>> -> memref<128xi32, #tpu.memory_space<vmem>>
    %dma_wait3A_3263 = tpu.memref_slice %arg2[%multiple_of3A_3258] : memref<100000xi32, #tpu.memory_space<hbm>> -> memref<128xi32, #tpu.memory_space<hbm>>
    %dma_wait3A_3264 = arith.constant 0 : i32
    %dma_wait3A_3265 = tpu.memref_slice %arg5[%dma_wait3A_3259, %dma_wait3A_3264] : memref<25x128xi32, #tpu.memory_space<vmem>> -> memref<1x128xi32, #tpu.memory_space<vmem>>
    %dma_wait3A_3266 = tpu.memref_squeeze %dma_wait3A_3265 : memref<1x128xi32, #tpu.memory_space<vmem>> -> memref<128xi32, #tpu.memory_space<vmem>>
    %dma_wait3A_3267 = tpu.memref_slice %arg2[%multiple_of3A_3258] : memref<100000xi32, #tpu.memory_space<hbm>> -> memref<128xi32, #tpu.memory_space<hbm>>
    tpu.wait_dma2 semaphore(%arg12 : memref<!tpu.dma_semaphore, #tpu.memory_space<semaphore_mem>>) src(%dma_wait3A_3267 : memref<128xi32, #tpu.memory_space<hbm>>) dst(%dma_wait3A_3266 : memref<128xi32, #tpu.memory_space<vmem>>)
    %get3A_3268 = arith.constant 17 : i32
    %get3A_3269 = arith.index_cast %get3A_3268 : i32 to index
    %get3A_3270 = arith.constant 0 : index
    %get3A_3271 = tpu.vector_load %arg5[%get3A_3269, %get3A_3270] {strides = array<i32>} : memref<25x128xi32, #tpu.memory_space<vmem>>, vector<1x16xi32>,
    %get3A_3272 = vector.shape_cast %get3A_3271 : vector<1x16xi32> to vector<16xi32>
    %sub3A_3273 = arith.constant 1 : i32
    %sub3A_3274 = vector.broadcast %sub3A_3273 : i32 to vector<16xi32>
    %sub3A_3275 = arith.subi %get3A_3272, %sub3A_3274 : vector<16xi32>
    %swap3A_3276 = arith.constant 17 : i32
    %swap3A_3277 = arith.index_cast %swap3A_3276 : i32 to index
    %swap3A_3278 = arith.constant 0 : index
    %swap3A_3279 = tpu.vector_load %arg5[%swap3A_3277, %swap3A_3278] {strides = array<i32>} : memref<25x128xi32, #tpu.memory_space<vmem>>, vector<1x16xi32>,
    %swap3A_3280 = vector.shape_cast %swap3A_3279 : vector<1x16xi32> to vector<16xi32>
    %swap3A_3281 = vector.shape_cast %sub3A_3275 : vector<16xi32> to vector<1x16xi32>
    tpu.vector_store %arg5[%swap3A_3277, %swap3A_3278], %swap3A_3281 {strides = array<i32>} : memref<25x128xi32, #tpu.memory_space<vmem>>, vector<1x16xi32>,
    %get3A_3282 = arith.constant 17 : i32
    %get3A_3283 = arith.index_cast %get3A_3282 : i32 to index
    %get3A_3284 = arith.constant 16 : index
    %get3A_3285 = tpu.vector_load %arg5[%get3A_3283, %get3A_3284] {strides = array<i32>} : memref<25x128xi32, #tpu.memory_space<vmem>>, vector<1x16xi32>,
    %get3A_3286 = vector.shape_cast %get3A_3285 : vector<1x16xi32> to vector<16xi32>
    %sub3A_3287 = arith.constant 1 : i32
    %sub3A_3288 = vector.broadcast %sub3A_3287 : i32 to vector<16xi32>
    %sub3A_3289 = arith.subi %get3A_3286, %sub3A_3288 : vector<16xi32>
    %swap3A_3290 = arith.constant 17 : i32
    %swap3A_3291 = arith.index_cast %swap3A_3290 : i32 to index
    %swap3A_3292 = arith.constant 16 : index
    %swap3A_3293 = tpu.vector_load %arg5[%swap3A_3291, %swap3A_3292] {strides = array<i32>} : memref<25x128xi32, #tpu.memory_space<vmem>>, vector<1x16xi32>,
    %swap3A_3294 = vector.shape_cast %swap3A_3293 : vector<1x16xi32> to vector<16xi32>
    %swap3A_3295 = vector.shape_cast %sub3A_3289 : vector<16xi32> to vector<1x16xi32>
    tpu.vector_store %arg5[%swap3A_3291, %swap3A_3292], %swap3A_3295 {strides = array<i32>} : memref<25x128xi32, #tpu.memory_space<vmem>>, vector<1x16xi32>,
    %get3A_3296 = arith.constant 17 : i32
    %get3A_3297 = arith.index_cast %get3A_3296 : i32 to index
    %get3A_3298 = arith.constant 32 : index
    %get3A_3299 = tpu.vector_load %arg5[%get3A_3297, %get3A_3298] {strides = array<i32>} : memref<25x128xi32, #tpu.memory_space<vmem>>, vector<1x16xi32>,
    %get3A_3300 = vector.shape_cast %get3A_3299 : vector<1x16xi32> to vector<16xi32>
    %sub3A_3301 = arith.constant 1 : i32
    %sub3A_3302 = vector.broadcast %sub3A_3301 : i32 to vector<16xi32>
    %sub3A_3303 = arith.subi %get3A_3300, %sub3A_3302 : vector<16xi32>
    %swap3A_3304 = arith.constant 17 : i32
    %swap3A_3305 = arith.index_cast %swap3A_3304 : i32 to index
    %swap3A_3306 = arith.constant 32 : index
    %swap3A_3307 = tpu.vector_load %arg5[%swap3A_3305, %swap3A_3306] {strides = array<i32>} : memref<25x128xi32, #tpu.memory_space<vmem>>, vector<1x16xi32>,
    %swap3A_3308 = vector.shape_cast %swap3A_3307 : vector<1x16xi32> to vector<16xi32>
    %swap3A_3309 = vector.shape_cast %sub3A_3303 : vector<16xi32> to vector<1x16xi32>
    tpu.vector_store %arg5[%swap3A_3305, %swap3A_3306], %swap3A_3309 {strides = array<i32>} : memref<25x128xi32, #tpu.memory_space<vmem>>, vector<1x16xi32>,
    %get3A_3310 = arith.constant 17 : i32
    %get3A_3311 = arith.index_cast %get3A_3310 : i32 to index
    %get3A_3312 = arith.constant 48 : index
    %get3A_3313 = tpu.vector_load %arg5[%get3A_3311, %get3A_3312] {strides = array<i32>} : memref<25x128xi32, #tpu.memory_space<vmem>>, vector<1x16xi32>,
    %get3A_3314 = vector.shape_cast %get3A_3313 : vector<1x16xi32> to vector<16xi32>
    %sub3A_3315 = arith.constant 1 : i32
    %sub3A_3316 = vector.broadcast %sub3A_3315 : i32 to vector<16xi32>
    %sub3A_3317 = arith.subi %get3A_3314, %sub3A_3316 : vector<16xi32>
    %swap3A_3318 = arith.constant 17 : i32
    %swap3A_3319 = arith.index_cast %swap3A_3318 : i32 to index
    %swap3A_3320 = arith.constant 48 : index
    %swap3A_3321 = tpu.vector_load %arg5[%swap3A_3319, %swap3A_3320] {strides = array<i32>} : memref<25x128xi32, #tpu.memory_space<vmem>>, vector<1x16xi32>,
    %swap3A_3322 = vector.shape_cast %swap3A_3321 : vector<1x16xi32> to vector<16xi32>
    %swap3A_3323 = vector.shape_cast %sub3A_3317 : vector<16xi32> to vector<1x16xi32>
    tpu.vector_store %arg5[%swap3A_3319, %swap3A_3320], %swap3A_3323 {strides = array<i32>} : memref<25x128xi32, #tpu.memory_space<vmem>>, vector<1x16xi32>,
    %get3A_3324 = arith.constant 17 : i32
    %get3A_3325 = arith.index_cast %get3A_3324 : i32 to index
    %get3A_3326 = arith.constant 64 : index
    %get3A_3327 = tpu.vector_load %arg5[%get3A_3325, %get3A_3326] {strides = array<i32>} : memref<25x128xi32, #tpu.memory_space<vmem>>, vector<1x16xi32>,
    %get3A_3328 = vector.shape_cast %get3A_3327 : vector<1x16xi32> to vector<16xi32>
    %sub3A_3329 = arith.constant 1 : i32
    %sub3A_3330 = vector.broadcast %sub3A_3329 : i32 to vector<16xi32>
    %sub3A_3331 = arith.subi %get3A_3328, %sub3A_3330 : vector<16xi32>
    %swap3A_3332 = arith.constant 17 : i32
    %swap3A_3333 = arith.index_cast %swap3A_3332 : i32 to index
    %swap3A_3334 = arith.constant 64 : index
    %swap3A_3335 = tpu.vector_load %arg5[%swap3A_3333, %swap3A_3334] {strides = array<i32>} : memref<25x128xi32, #tpu.memory_space<vmem>>, vector<1x16xi32>,
    %swap3A_3336 = vector.shape_cast %swap3A_3335 : vector<1x16xi32> to vector<16xi32>
    %swap3A_3337 = vector.shape_cast %sub3A_3331 : vector<16xi32> to vector<1x16xi32>
    tpu.vector_store %arg5[%swap3A_3333, %swap3A_3334], %swap3A_3337 {strides = array<i32>} : memref<25x128xi32, #tpu.memory_space<vmem>>, vector<1x16xi32>,
    %get3A_3338 = arith.constant 17 : i32
    %get3A_3339 = arith.index_cast %get3A_3338 : i32 to index
    %get3A_3340 = arith.constant 80 : index
    %get3A_3341 = tpu.vector_load %arg5[%get3A_3339, %get3A_3340] {strides = array<i32>} : memref<25x128xi32, #tpu.memory_space<vmem>>, vector<1x16xi32>,
    %get3A_3342 = vector.shape_cast %get3A_3341 : vector<1x16xi32> to vector<16xi32>
    %sub3A_3343 = arith.constant 1 : i32
    %sub3A_3344 = vector.broadcast %sub3A_3343 : i32 to vector<16xi32>
    %sub3A_3345 = arith.subi %get3A_3342, %sub3A_3344 : vector<16xi32>
    %swap3A_3346 = arith.constant 17 : i32
    %swap3A_3347 = arith.index_cast %swap3A_3346 : i32 to index
    %swap3A_3348 = arith.constant 80 : index
    %swap3A_3349 = tpu.vector_load %arg5[%swap3A_3347, %swap3A_3348] {strides = array<i32>} : memref<25x128xi32, #tpu.memory_space<vmem>>, vector<1x16xi32>,
    %swap3A_3350 = vector.shape_cast %swap3A_3349 : vector<1x16xi32> to vector<16xi32>
    %swap3A_3351 = vector.shape_cast %sub3A_3345 : vector<16xi32> to vector<1x16xi32>
    tpu.vector_store %arg5[%swap3A_3347, %swap3A_3348], %swap3A_3351 {strides = array<i32>} : memref<25x128xi32, #tpu.memory_space<vmem>>, vector<1x16xi32>,
    %get3A_3352 = arith.constant 17 : i32
    %get3A_3353 = arith.index_cast %get3A_3352 : i32 to index
    %get3A_3354 = arith.constant 96 : index
    %get3A_3355 = tpu.vector_load %arg5[%get3A_3353, %get3A_3354] {strides = array<i32>} : memref<25x128xi32, #tpu.memory_space<vmem>>, vector<1x16xi32>,
    %get3A_3356 = vector.shape_cast %get3A_3355 : vector<1x16xi32> to vector<16xi32>
    %sub3A_3357 = arith.constant 1 : i32
    %sub3A_3358 = vector.broadcast %sub3A_3357 : i32 to vector<16xi32>
    %sub3A_3359 = arith.subi %get3A_3356, %sub3A_3358 : vector<16xi32>
    %swap3A_3360 = arith.constant 17 : i32
    %swap3A_3361 = arith.index_cast %swap3A_3360 : i32 to index
    %swap3A_3362 = arith.constant 96 : index
    %swap3A_3363 = tpu.vector_load %arg5[%swap3A_3361, %swap3A_3362] {strides = array<i32>} : memref<25x128xi32, #tpu.memory_space<vmem>>, vector<1x16xi32>,
    %swap3A_3364 = vector.shape_cast %swap3A_3363 : vector<1x16xi32> to vector<16xi32>
    %swap3A_3365 = vector.shape_cast %sub3A_3359 : vector<16xi32> to vector<1x16xi32>
    tpu.vector_store %arg5[%swap3A_3361, %swap3A_3362], %swap3A_3365 {strides = array<i32>} : memref<25x128xi32, #tpu.memory_space<vmem>>, vector<1x16xi32>,
    %get3A_3366 = arith.constant 17 : i32
    %get3A_3367 = arith.index_cast %get3A_3366 : i32 to index
    %get3A_3368 = arith.constant 112 : index
    %get3A_3369 = tpu.vector_load %arg5[%get3A_3367, %get3A_3368] {strides = array<i32>} : memref<25x128xi32, #tpu.memory_space<vmem>>, vector<1x16xi32>,
    %get3A_3370 = vector.shape_cast %get3A_3369 : vector<1x16xi32> to vector<16xi32>
    %sub3A_3371 = arith.constant 1 : i32
    %sub3A_3372 = vector.broadcast %sub3A_3371 : i32 to vector<16xi32>
    %sub3A_3373 = arith.subi %get3A_3370, %sub3A_3372 : vector<16xi32>
    %swap3A_3374 = arith.constant 17 : i32
    %swap3A_3375 = arith.index_cast %swap3A_3374 : i32 to index
    %swap3A_3376 = arith.constant 112 : index
    %swap3A_3377 = tpu.vector_load %arg5[%swap3A_3375, %swap3A_3376] {strides = array<i32>} : memref<25x128xi32, #tpu.memory_space<vmem>>, vector<1x16xi32>,
    %swap3A_3378 = vector.shape_cast %swap3A_3377 : vector<1x16xi32> to vector<16xi32>
    %swap3A_3379 = vector.shape_cast %sub3A_3373 : vector<16xi32> to vector<1x16xi32>
    tpu.vector_store %arg5[%swap3A_3375, %swap3A_3376], %swap3A_3379 {strides = array<i32>} : memref<25x128xi32, #tpu.memory_space<vmem>>, vector<1x16xi32>,
    %dma_start3A_3380 = arith.constant 17 : i32
    %dma_start3A_3381 = arith.constant 0 : i32
    %dma_start3A_3382 = tpu.memref_slice %arg5[%dma_start3A_3380, %dma_start3A_3381] : memref<25x128xi32, #tpu.memory_space<vmem>> -> memref<1x128xi32, #tpu.memory_space<vmem>>
    %dma_start3A_3383 = tpu.memref_squeeze %dma_start3A_3382 : memref<1x128xi32, #tpu.memory_space<vmem>> -> memref<128xi32, #tpu.memory_space<vmem>>
    %dma_start3A_3384 = arith.constant 0 : i32
    %dma_start3A_3385 = arith.constant 0 : i32
    %dma_start3A_3386 = tpu.memref_slice %arg11[%dma_start3A_3384, %dma_start3A_3385] : memref<100x128xf32, #tpu.memory_space<vmem_shared>> -> memref<100x128xf32, #tpu.memory_space<vmem_shared>>
    tpu.enqueue_indirect_dma source(%dma_start3A_3386 : memref<100x128xf32, #tpu.memory_space<vmem_shared>>) target(%arg8 : memref<128x128xf32, #tpu.memory_space<vmem>>) offsets(%dma_start3A_3383 : memref<128xi32, #tpu.memory_space<vmem>>) semaphore(%arg15 : memref<!tpu.dma_semaphore, #tpu.memory_space<semaphore_mem>>)
    %dma_wait3A_3387 = arith.constant 16 : i32
    %dma_wait3A_3388 = arith.constant 0 : i32
    %dma_wait3A_3389 = tpu.memref_slice %arg5[%dma_wait3A_3387, %dma_wait3A_3388] : memref<25x128xi32, #tpu.memory_space<vmem>> -> memref<1x128xi32, #tpu.memory_space<vmem>>
    %dma_wait3A_3390 = tpu.memref_squeeze %dma_wait3A_3389 : memref<1x128xi32, #tpu.memory_space<vmem>> -> memref<128xi32, #tpu.memory_space<vmem>>
    %dma_wait3A_3391 = arith.constant 0 : i32
    %dma_wait3A_3392 = arith.constant 0 : i32
    %dma_wait3A_3393 = tpu.memref_slice %arg11[%dma_wait3A_3391, %dma_wait3A_3392] : memref<100x128xf32, #tpu.memory_space<vmem_shared>> -> memref<100x128xf32, #tpu.memory_space<vmem_shared>>
    tpu.wait_indirect_dma semaphore(%arg14 : memref<!tpu.dma_semaphore, #tpu.memory_space<semaphore_mem>>) src(%dma_wait3A_3393 : memref<100x128xf32, #tpu.memory_space<vmem_shared>>) dst(%arg7 : memref<128x128xf32, #tpu.memory_space<vmem>>)
    %add3A_3394 = arith.constant 512 : i32
    %add3A_3395 = arith.addi %add3A, %add3A_3394 : i32
    %min3A_3396 = arith.constant 781 : i32
    %min3A_3397 = arith.minsi %add3A_3395, %min3A_3396 : i32
    %mul3A_3398 = arith.constant 128 : i32
    %mul3A_3399 = arith.muli %min3A_3397, %mul3A_3398 : i32
    %min3A_3400 = arith.constant 99872 : i32
    %min3A_3401 = arith.minsi %mul3A_3399, %min3A_3400 : i32
    %multiple_of3A_3402 = tpu.assume_multiple %min3A_3401, 8 : i32
    %dma_start3A_3403 = arith.constant 0 : i32
    %dma_start3A_3404 = tpu.memref_slice %arg4[%multiple_of3A_3402, %dma_start3A_3403] : memref<100000x128xf32, #tpu.memory_space<hbm>> -> memref<128x128xf32, #tpu.memory_space<hbm>>
    %dma_start3A_3405 = arith.constant 0 : i32
    %dma_start3A_3406 = tpu.memref_slice %arg4[%multiple_of3A_3402, %dma_start3A_3405] : memref<100000x128xf32, #tpu.memory_space<hbm>> -> memref<128x128xf32, #tpu.memory_space<hbm>>
    tpu.enqueue_dma source(%arg7 : memref<128x128xf32, #tpu.memory_space<vmem>>) target(%dma_start3A_3406 : memref<128x128xf32, #tpu.memory_space<hbm>>) target_semaphore(%arg19 : memref<!tpu.dma_semaphore, #tpu.memory_space<semaphore_mem>>)
    %add3A_3407 = arith.constant 416 : i32
    %add3A_3408 = arith.addi %add3A, %add3A_3407 : i32
    %min3A_3409 = arith.constant 781 : i32
    %min3A_3410 = arith.minsi %add3A_3408, %min3A_3409 : i32
    %mul3A_3411 = arith.constant 128 : i32
    %mul3A_3412 = arith.muli %min3A_3410, %mul3A_3411 : i32
    %min3A_3413 = arith.constant 99872 : i32
    %min3A_3414 = arith.minsi %mul3A_3412, %min3A_3413 : i32
    %multiple_of3A_3415 = tpu.assume_multiple %min3A_3414, 8 : i32
    %dma_wait3A_3416 = arith.constant 0 : i32
    %dma_wait3A_3417 = tpu.memref_slice %arg4[%multiple_of3A_3415, %dma_wait3A_3416] : memref<100000x128xf32, #tpu.memory_space<hbm>> -> memref<128x128xf32, #tpu.memory_space<hbm>>
    %dma_wait3A_3418 = arith.constant 0 : i32
    %dma_wait3A_3419 = tpu.memref_slice %arg4[%multiple_of3A_3415, %dma_wait3A_3418] : memref<100000x128xf32, #tpu.memory_space<hbm>> -> memref<128x128xf32, #tpu.memory_space<hbm>>
    tpu.wait_dma2 semaphore(%arg21 : memref<!tpu.dma_semaphore, #tpu.memory_space<semaphore_mem>>) src(%arg9 : memref<128x128xf32, #tpu.memory_space<vmem>>) dst(%dma_wait3A_3419 : memref<128x128xf32, #tpu.memory_space<hbm>>)
    %add3A_3420 = arith.constant 576 : i32
    %add3A_3421 = arith.addi %add3A, %add3A_3420 : i32
    %min3A_3422 = arith.constant 781 : i32
    %min3A_3423 = arith.minsi %add3A_3421, %min3A_3422 : i32
    %mul3A_3424 = arith.constant 128 : i32
    %mul3A_3425 = arith.muli %min3A_3423, %mul3A_3424 : i32
    %min3A_3426 = arith.constant 99872 : i32
    %min3A_3427 = arith.minsi %mul3A_3425, %min3A_3426 : i32
    %multiple_of3A_3428 = tpu.assume_multiple %min3A_3427, 8 : i32
    %dma_wait3A_3429 = arith.constant 18 : i32
    %dma_wait3A_3430 = arith.constant 0 : i32
    %dma_wait3A_3431 = tpu.memref_slice %arg5[%dma_wait3A_3429, %dma_wait3A_3430] : memref<25x128xi32, #tpu.memory_space<vmem>> -> memref<1x128xi32, #tpu.memory_space<vmem>>
    %dma_wait3A_3432 = tpu.memref_squeeze %dma_wait3A_3431 : memref<1x128xi32, #tpu.memory_space<vmem>> -> memref<128xi32, #tpu.memory_space<vmem>>
    %dma_wait3A_3433 = tpu.memref_slice %arg2[%multiple_of3A_3428] : memref<100000xi32, #tpu.memory_space<hbm>> -> memref<128xi32, #tpu.memory_space<hbm>>
    %dma_wait3A_3434 = arith.constant 0 : i32
    %dma_wait3A_3435 = tpu.memref_slice %arg5[%dma_wait3A_3429, %dma_wait3A_3434] : memref<25x128xi32, #tpu.memory_space<vmem>> -> memref<1x128xi32, #tpu.memory_space<vmem>>
    %dma_wait3A_3436 = tpu.memref_squeeze %dma_wait3A_3435 : memref<1x128xi32, #tpu.memory_space<vmem>> -> memref<128xi32, #tpu.memory_space<vmem>>
    %dma_wait3A_3437 = tpu.memref_slice %arg2[%multiple_of3A_3428] : memref<100000xi32, #tpu.memory_space<hbm>> -> memref<128xi32, #tpu.memory_space<hbm>>
    tpu.wait_dma2 semaphore(%arg12 : memref<!tpu.dma_semaphore, #tpu.memory_space<semaphore_mem>>) src(%dma_wait3A_3437 : memref<128xi32, #tpu.memory_space<hbm>>) dst(%dma_wait3A_3436 : memref<128xi32, #tpu.memory_space<vmem>>)
    %get3A_3438 = arith.constant 18 : i32
    %get3A_3439 = arith.index_cast %get3A_3438 : i32 to index
    %get3A_3440 = arith.constant 0 : index
    %get3A_3441 = tpu.vector_load %arg5[%get3A_3439, %get3A_3440] {strides = array<i32>} : memref<25x128xi32, #tpu.memory_space<vmem>>, vector<1x16xi32>,
    %get3A_3442 = vector.shape_cast %get3A_3441 : vector<1x16xi32> to vector<16xi32>
    %sub3A_3443 = arith.constant 1 : i32
    %sub3A_3444 = vector.broadcast %sub3A_3443 : i32 to vector<16xi32>
    %sub3A_3445 = arith.subi %get3A_3442, %sub3A_3444 : vector<16xi32>
    %swap3A_3446 = arith.constant 18 : i32
    %swap3A_3447 = arith.index_cast %swap3A_3446 : i32 to index
    %swap3A_3448 = arith.constant 0 : index
    %swap3A_3449 = tpu.vector_load %arg5[%swap3A_3447, %swap3A_3448] {strides = array<i32>} : memref<25x128xi32, #tpu.memory_space<vmem>>, vector<1x16xi32>,
    %swap3A_3450 = vector.shape_cast %swap3A_3449 : vector<1x16xi32> to vector<16xi32>
    %swap3A_3451 = vector.shape_cast %sub3A_3445 : vector<16xi32> to vector<1x16xi32>
    tpu.vector_store %arg5[%swap3A_3447, %swap3A_3448], %swap3A_3451 {strides = array<i32>} : memref<25x128xi32, #tpu.memory_space<vmem>>, vector<1x16xi32>,
    %get3A_3452 = arith.constant 18 : i32
    %get3A_3453 = arith.index_cast %get3A_3452 : i32 to index
    %get3A_3454 = arith.constant 16 : index
    %get3A_3455 = tpu.vector_load %arg5[%get3A_3453, %get3A_3454] {strides = array<i32>} : memref<25x128xi32, #tpu.memory_space<vmem>>, vector<1x16xi32>,
    %get3A_3456 = vector.shape_cast %get3A_3455 : vector<1x16xi32> to vector<16xi32>
    %sub3A_3457 = arith.constant 1 : i32
    %sub3A_3458 = vector.broadcast %sub3A_3457 : i32 to vector<16xi32>
    %sub3A_3459 = arith.subi %get3A_3456, %sub3A_3458 : vector<16xi32>
    %swap3A_3460 = arith.constant 18 : i32
    %swap3A_3461 = arith.index_cast %swap3A_3460 : i32 to index
    %swap3A_3462 = arith.constant 16 : index
    %swap3A_3463 = tpu.vector_load %arg5[%swap3A_3461, %swap3A_3462] {strides = array<i32>} : memref<25x128xi32, #tpu.memory_space<vmem>>, vector<1x16xi32>,
    %swap3A_3464 = vector.shape_cast %swap3A_3463 : vector<1x16xi32> to vector<16xi32>
    %swap3A_3465 = vector.shape_cast %sub3A_3459 : vector<16xi32> to vector<1x16xi32>
    tpu.vector_store %arg5[%swap3A_3461, %swap3A_3462], %swap3A_3465 {strides = array<i32>} : memref<25x128xi32, #tpu.memory_space<vmem>>, vector<1x16xi32>,
    %get3A_3466 = arith.constant 18 : i32
    %get3A_3467 = arith.index_cast %get3A_3466 : i32 to index
    %get3A_3468 = arith.constant 32 : index
    %get3A_3469 = tpu.vector_load %arg5[%get3A_3467, %get3A_3468] {strides = array<i32>} : memref<25x128xi32, #tpu.memory_space<vmem>>, vector<1x16xi32>,
    %get3A_3470 = vector.shape_cast %get3A_3469 : vector<1x16xi32> to vector<16xi32>
    %sub3A_3471 = arith.constant 1 : i32
    %sub3A_3472 = vector.broadcast %sub3A_3471 : i32 to vector<16xi32>
    %sub3A_3473 = arith.subi %get3A_3470, %sub3A_3472 : vector<16xi32>
    %swap3A_3474 = arith.constant 18 : i32
    %swap3A_3475 = arith.index_cast %swap3A_3474 : i32 to index
    %swap3A_3476 = arith.constant 32 : index
    %swap3A_3477 = tpu.vector_load %arg5[%swap3A_3475, %swap3A_3476] {strides = array<i32>} : memref<25x128xi32, #tpu.memory_space<vmem>>, vector<1x16xi32>,
    %swap3A_3478 = vector.shape_cast %swap3A_3477 : vector<1x16xi32> to vector<16xi32>
    %swap3A_3479 = vector.shape_cast %sub3A_3473 : vector<16xi32> to vector<1x16xi32>
    tpu.vector_store %arg5[%swap3A_3475, %swap3A_3476], %swap3A_3479 {strides = array<i32>} : memref<25x128xi32, #tpu.memory_space<vmem>>, vector<1x16xi32>,
    %get3A_3480 = arith.constant 18 : i32
    %get3A_3481 = arith.index_cast %get3A_3480 : i32 to index
    %get3A_3482 = arith.constant 48 : index
    %get3A_3483 = tpu.vector_load %arg5[%get3A_3481, %get3A_3482] {strides = array<i32>} : memref<25x128xi32, #tpu.memory_space<vmem>>, vector<1x16xi32>,
    %get3A_3484 = vector.shape_cast %get3A_3483 : vector<1x16xi32> to vector<16xi32>
    %sub3A_3485 = arith.constant 1 : i32
    %sub3A_3486 = vector.broadcast %sub3A_3485 : i32 to vector<16xi32>
    %sub3A_3487 = arith.subi %get3A_3484, %sub3A_3486 : vector<16xi32>
    %swap3A_3488 = arith.constant 18 : i32
    %swap3A_3489 = arith.index_cast %swap3A_3488 : i32 to index
    %swap3A_3490 = arith.constant 48 : index
    %swap3A_3491 = tpu.vector_load %arg5[%swap3A_3489, %swap3A_3490] {strides = array<i32>} : memref<25x128xi32, #tpu.memory_space<vmem>>, vector<1x16xi32>,
    %swap3A_3492 = vector.shape_cast %swap3A_3491 : vector<1x16xi32> to vector<16xi32>
    %swap3A_3493 = vector.shape_cast %sub3A_3487 : vector<16xi32> to vector<1x16xi32>
    tpu.vector_store %arg5[%swap3A_3489, %swap3A_3490], %swap3A_3493 {strides = array<i32>} : memref<25x128xi32, #tpu.memory_space<vmem>>, vector<1x16xi32>,
    %get3A_3494 = arith.constant 18 : i32
    %get3A_3495 = arith.index_cast %get3A_3494 : i32 to index
    %get3A_3496 = arith.constant 64 : index
    %get3A_3497 = tpu.vector_load %arg5[%get3A_3495, %get3A_3496] {strides = array<i32>} : memref<25x128xi32, #tpu.memory_space<vmem>>, vector<1x16xi32>,
    %get3A_3498 = vector.shape_cast %get3A_3497 : vector<1x16xi32> to vector<16xi32>
    %sub3A_3499 = arith.constant 1 : i32
    %sub3A_3500 = vector.broadcast %sub3A_3499 : i32 to vector<16xi32>
    %sub3A_3501 = arith.subi %get3A_3498, %sub3A_3500 : vector<16xi32>
    %swap3A_3502 = arith.constant 18 : i32
    %swap3A_3503 = arith.index_cast %swap3A_3502 : i32 to index
    %swap3A_3504 = arith.constant 64 : index
    %swap3A_3505 = tpu.vector_load %arg5[%swap3A_3503, %swap3A_3504] {strides = array<i32>} : memref<25x128xi32, #tpu.memory_space<vmem>>, vector<1x16xi32>,
    %swap3A_3506 = vector.shape_cast %swap3A_3505 : vector<1x16xi32> to vector<16xi32>
    %swap3A_3507 = vector.shape_cast %sub3A_3501 : vector<16xi32> to vector<1x16xi32>
    tpu.vector_store %arg5[%swap3A_3503, %swap3A_3504], %swap3A_3507 {strides = array<i32>} : memref<25x128xi32, #tpu.memory_space<vmem>>, vector<1x16xi32>,
    %get3A_3508 = arith.constant 18 : i32
    %get3A_3509 = arith.index_cast %get3A_3508 : i32 to index
    %get3A_3510 = arith.constant 80 : index
    %get3A_3511 = tpu.vector_load %arg5[%get3A_3509, %get3A_3510] {strides = array<i32>} : memref<25x128xi32, #tpu.memory_space<vmem>>, vector<1x16xi32>,
    %get3A_3512 = vector.shape_cast %get3A_3511 : vector<1x16xi32> to vector<16xi32>
    %sub3A_3513 = arith.constant 1 : i32
    %sub3A_3514 = vector.broadcast %sub3A_3513 : i32 to vector<16xi32>
    %sub3A_3515 = arith.subi %get3A_3512, %sub3A_3514 : vector<16xi32>
    %swap3A_3516 = arith.constant 18 : i32
    %swap3A_3517 = arith.index_cast %swap3A_3516 : i32 to index
    %swap3A_3518 = arith.constant 80 : index
    %swap3A_3519 = tpu.vector_load %arg5[%swap3A_3517, %swap3A_3518] {strides = array<i32>} : memref<25x128xi32, #tpu.memory_space<vmem>>, vector<1x16xi32>,
    %swap3A_3520 = vector.shape_cast %swap3A_3519 : vector<1x16xi32> to vector<16xi32>
    %swap3A_3521 = vector.shape_cast %sub3A_3515 : vector<16xi32> to vector<1x16xi32>
    tpu.vector_store %arg5[%swap3A_3517, %swap3A_3518], %swap3A_3521 {strides = array<i32>} : memref<25x128xi32, #tpu.memory_space<vmem>>, vector<1x16xi32>,
    %get3A_3522 = arith.constant 18 : i32
    %get3A_3523 = arith.index_cast %get3A_3522 : i32 to index
    %get3A_3524 = arith.constant 96 : index
    %get3A_3525 = tpu.vector_load %arg5[%get3A_3523, %get3A_3524] {strides = array<i32>} : memref<25x128xi32, #tpu.memory_space<vmem>>, vector<1x16xi32>,
    %get3A_3526 = vector.shape_cast %get3A_3525 : vector<1x16xi32> to vector<16xi32>
    %sub3A_3527 = arith.constant 1 : i32
    %sub3A_3528 = vector.broadcast %sub3A_3527 : i32 to vector<16xi32>
    %sub3A_3529 = arith.subi %get3A_3526, %sub3A_3528 : vector<16xi32>
    %swap3A_3530 = arith.constant 18 : i32
    %swap3A_3531 = arith.index_cast %swap3A_3530 : i32 to index
    %swap3A_3532 = arith.constant 96 : index
    %swap3A_3533 = tpu.vector_load %arg5[%swap3A_3531, %swap3A_3532] {strides = array<i32>} : memref<25x128xi32, #tpu.memory_space<vmem>>, vector<1x16xi32>,
    %swap3A_3534 = vector.shape_cast %swap3A_3533 : vector<1x16xi32> to vector<16xi32>
    %swap3A_3535 = vector.shape_cast %sub3A_3529 : vector<16xi32> to vector<1x16xi32>
    tpu.vector_store %arg5[%swap3A_3531, %swap3A_3532], %swap3A_3535 {strides = array<i32>} : memref<25x128xi32, #tpu.memory_space<vmem>>, vector<1x16xi32>,
    %get3A_3536 = arith.constant 18 : i32
    %get3A_3537 = arith.index_cast %get3A_3536 : i32 to index
    %get3A_3538 = arith.constant 112 : index
    %get3A_3539 = tpu.vector_load %arg5[%get3A_3537, %get3A_3538] {strides = array<i32>} : memref<25x128xi32, #tpu.memory_space<vmem>>, vector<1x16xi32>,
    %get3A_3540 = vector.shape_cast %get3A_3539 : vector<1x16xi32> to vector<16xi32>
    %sub3A_3541 = arith.constant 1 : i32
    %sub3A_3542 = vector.broadcast %sub3A_3541 : i32 to vector<16xi32>
    %sub3A_3543 = arith.subi %get3A_3540, %sub3A_3542 : vector<16xi32>
    %swap3A_3544 = arith.constant 18 : i32
    %swap3A_3545 = arith.index_cast %swap3A_3544 : i32 to index
    %swap3A_3546 = arith.constant 112 : index
    %swap3A_3547 = tpu.vector_load %arg5[%swap3A_3545, %swap3A_3546] {strides = array<i32>} : memref<25x128xi32, #tpu.memory_space<vmem>>, vector<1x16xi32>,
    %swap3A_3548 = vector.shape_cast %swap3A_3547 : vector<1x16xi32> to vector<16xi32>
    %swap3A_3549 = vector.shape_cast %sub3A_3543 : vector<16xi32> to vector<1x16xi32>
    tpu.vector_store %arg5[%swap3A_3545, %swap3A_3546], %swap3A_3549 {strides = array<i32>} : memref<25x128xi32, #tpu.memory_space<vmem>>, vector<1x16xi32>,
    %dma_start3A_3550 = arith.constant 18 : i32
    %dma_start3A_3551 = arith.constant 0 : i32
    %dma_start3A_3552 = tpu.memref_slice %arg5[%dma_start3A_3550, %dma_start3A_3551] : memref<25x128xi32, #tpu.memory_space<vmem>> -> memref<1x128xi32, #tpu.memory_space<vmem>>
    %dma_start3A_3553 = tpu.memref_squeeze %dma_start3A_3552 : memref<1x128xi32, #tpu.memory_space<vmem>> -> memref<128xi32, #tpu.memory_space<vmem>>
    %dma_start3A_3554 = arith.constant 0 : i32
    %dma_start3A_3555 = arith.constant 0 : i32
    %dma_start3A_3556 = tpu.memref_slice %arg11[%dma_start3A_3554, %dma_start3A_3555] : memref<100x128xf32, #tpu.memory_space<vmem_shared>> -> memref<100x128xf32, #tpu.memory_space<vmem_shared>>
    tpu.enqueue_indirect_dma source(%dma_start3A_3556 : memref<100x128xf32, #tpu.memory_space<vmem_shared>>) target(%arg9 : memref<128x128xf32, #tpu.memory_space<vmem>>) offsets(%dma_start3A_3553 : memref<128xi32, #tpu.memory_space<vmem>>) semaphore(%arg16 : memref<!tpu.dma_semaphore, #tpu.memory_space<semaphore_mem>>)
    %dma_wait3A_3557 = arith.constant 17 : i32
    %dma_wait3A_3558 = arith.constant 0 : i32
    %dma_wait3A_3559 = tpu.memref_slice %arg5[%dma_wait3A_3557, %dma_wait3A_3558] : memref<25x128xi32, #tpu.memory_space<vmem>> -> memref<1x128xi32, #tpu.memory_space<vmem>>
    %dma_wait3A_3560 = tpu.memref_squeeze %dma_wait3A_3559 : memref<1x128xi32, #tpu.memory_space<vmem>> -> memref<128xi32, #tpu.memory_space<vmem>>
    %dma_wait3A_3561 = arith.constant 0 : i32
    %dma_wait3A_3562 = arith.constant 0 : i32
    %dma_wait3A_3563 = tpu.memref_slice %arg11[%dma_wait3A_3561, %dma_wait3A_3562] : memref<100x128xf32, #tpu.memory_space<vmem_shared>> -> memref<100x128xf32, #tpu.memory_space<vmem_shared>>
    tpu.wait_indirect_dma semaphore(%arg15 : memref<!tpu.dma_semaphore, #tpu.memory_space<semaphore_mem>>) src(%dma_wait3A_3563 : memref<100x128xf32, #tpu.memory_space<vmem_shared>>) dst(%arg8 : memref<128x128xf32, #tpu.memory_space<vmem>>)
    %add3A_3564 = arith.constant 544 : i32
    %add3A_3565 = arith.addi %add3A, %add3A_3564 : i32
    %min3A_3566 = arith.constant 781 : i32
    %min3A_3567 = arith.minsi %add3A_3565, %min3A_3566 : i32
    %mul3A_3568 = arith.constant 128 : i32
    %mul3A_3569 = arith.muli %min3A_3567, %mul3A_3568 : i32
    %min3A_3570 = arith.constant 99872 : i32
    %min3A_3571 = arith.minsi %mul3A_3569, %min3A_3570 : i32
    %multiple_of3A_3572 = tpu.assume_multiple %min3A_3571, 8 : i32
    %dma_start3A_3573 = arith.constant 0 : i32
    %dma_start3A_3574 = tpu.memref_slice %arg4[%multiple_of3A_3572, %dma_start3A_3573] : memref<100000x128xf32, #tpu.memory_space<hbm>> -> memref<128x128xf32, #tpu.memory_space<hbm>>
    %dma_start3A_3575 = arith.constant 0 : i32
    %dma_start3A_3576 = tpu.memref_slice %arg4[%multiple_of3A_3572, %dma_start3A_3575] : memref<100000x128xf32, #tpu.memory_space<hbm>> -> memref<128x128xf32, #tpu.memory_space<hbm>>
    tpu.enqueue_dma source(%arg8 : memref<128x128xf32, #tpu.memory_space<vmem>>) target(%dma_start3A_3576 : memref<128x128xf32, #tpu.memory_space<hbm>>) target_semaphore(%arg20 : memref<!tpu.dma_semaphore, #tpu.memory_space<semaphore_mem>>)
    %add3A_3577 = arith.constant 448 : i32
    %add3A_3578 = arith.addi %add3A, %add3A_3577 : i32
    %min3A_3579 = arith.constant 781 : i32
    %min3A_3580 = arith.minsi %add3A_3578, %min3A_3579 : i32
    %mul3A_3581 = arith.constant 128 : i32
    %mul3A_3582 = arith.muli %min3A_3580, %mul3A_3581 : i32
    %min3A_3583 = arith.constant 99872 : i32
    %min3A_3584 = arith.minsi %mul3A_3582, %min3A_3583 : i32
    %multiple_of3A_3585 = tpu.assume_multiple %min3A_3584, 8 : i32
    %dma_wait3A_3586 = arith.constant 0 : i32
    %dma_wait3A_3587 = tpu.memref_slice %arg4[%multiple_of3A_3585, %dma_wait3A_3586] : memref<100000x128xf32, #tpu.memory_space<hbm>> -> memref<128x128xf32, #tpu.memory_space<hbm>>
    %dma_wait3A_3588 = arith.constant 0 : i32
    %dma_wait3A_3589 = tpu.memref_slice %arg4[%multiple_of3A_3585, %dma_wait3A_3588] : memref<100000x128xf32, #tpu.memory_space<hbm>> -> memref<128x128xf32, #tpu.memory_space<hbm>>
    tpu.wait_dma2 semaphore(%arg22 : memref<!tpu.dma_semaphore, #tpu.memory_space<semaphore_mem>>) src(%arg10 : memref<128x128xf32, #tpu.memory_space<vmem>>) dst(%dma_wait3A_3589 : memref<128x128xf32, #tpu.memory_space<hbm>>)
    %add3A_3590 = arith.constant 608 : i32
    %add3A_3591 = arith.addi %add3A, %add3A_3590 : i32
    %min3A_3592 = arith.constant 781 : i32
    %min3A_3593 = arith.minsi %add3A_3591, %min3A_3592 : i32
    %mul3A_3594 = arith.constant 128 : i32
    %mul3A_3595 = arith.muli %min3A_3593, %mul3A_3594 : i32
    %min3A_3596 = arith.constant 99872 : i32
    %min3A_3597 = arith.minsi %mul3A_3595, %min3A_3596 : i32
    %multiple_of3A_3598 = tpu.assume_multiple %min3A_3597, 8 : i32
    %dma_wait3A_3599 = arith.constant 19 : i32
    %dma_wait3A_3600 = arith.constant 0 : i32
    %dma_wait3A_3601 = tpu.memref_slice %arg5[%dma_wait3A_3599, %dma_wait3A_3600] : memref<25x128xi32, #tpu.memory_space<vmem>> -> memref<1x128xi32, #tpu.memory_space<vmem>>
    %dma_wait3A_3602 = tpu.memref_squeeze %dma_wait3A_3601 : memref<1x128xi32, #tpu.memory_space<vmem>> -> memref<128xi32, #tpu.memory_space<vmem>>
    %dma_wait3A_3603 = tpu.memref_slice %arg2[%multiple_of3A_3598] : memref<100000xi32, #tpu.memory_space<hbm>> -> memref<128xi32, #tpu.memory_space<hbm>>
    %dma_wait3A_3604 = arith.constant 0 : i32
    %dma_wait3A_3605 = tpu.memref_slice %arg5[%dma_wait3A_3599, %dma_wait3A_3604] : memref<25x128xi32, #tpu.memory_space<vmem>> -> memref<1x128xi32, #tpu.memory_space<vmem>>
    %dma_wait3A_3606 = tpu.memref_squeeze %dma_wait3A_3605 : memref<1x128xi32, #tpu.memory_space<vmem>> -> memref<128xi32, #tpu.memory_space<vmem>>
    %dma_wait3A_3607 = tpu.memref_slice %arg2[%multiple_of3A_3598] : memref<100000xi32, #tpu.memory_space<hbm>> -> memref<128xi32, #tpu.memory_space<hbm>>
    tpu.wait_dma2 semaphore(%arg12 : memref<!tpu.dma_semaphore, #tpu.memory_space<semaphore_mem>>) src(%dma_wait3A_3607 : memref<128xi32, #tpu.memory_space<hbm>>) dst(%dma_wait3A_3606 : memref<128xi32, #tpu.memory_space<vmem>>)
    %get3A_3608 = arith.constant 19 : i32
    %get3A_3609 = arith.index_cast %get3A_3608 : i32 to index
    %get3A_3610 = arith.constant 0 : index
    %get3A_3611 = tpu.vector_load %arg5[%get3A_3609, %get3A_3610] {strides = array<i32>} : memref<25x128xi32, #tpu.memory_space<vmem>>, vector<1x16xi32>,
    %get3A_3612 = vector.shape_cast %get3A_3611 : vector<1x16xi32> to vector<16xi32>
    %sub3A_3613 = arith.constant 1 : i32
    %sub3A_3614 = vector.broadcast %sub3A_3613 : i32 to vector<16xi32>
    %sub3A_3615 = arith.subi %get3A_3612, %sub3A_3614 : vector<16xi32>
    %swap3A_3616 = arith.constant 19 : i32
    %swap3A_3617 = arith.index_cast %swap3A_3616 : i32 to index
    %swap3A_3618 = arith.constant 0 : index
    %swap3A_3619 = tpu.vector_load %arg5[%swap3A_3617, %swap3A_3618] {strides = array<i32>} : memref<25x128xi32, #tpu.memory_space<vmem>>, vector<1x16xi32>,
    %swap3A_3620 = vector.shape_cast %swap3A_3619 : vector<1x16xi32> to vector<16xi32>
    %swap3A_3621 = vector.shape_cast %sub3A_3615 : vector<16xi32> to vector<1x16xi32>
    tpu.vector_store %arg5[%swap3A_3617, %swap3A_3618], %swap3A_3621 {strides = array<i32>} : memref<25x128xi32, #tpu.memory_space<vmem>>, vector<1x16xi32>,
    %get3A_3622 = arith.constant 19 : i32
    %get3A_3623 = arith.index_cast %get3A_3622 : i32 to index
    %get3A_3624 = arith.constant 16 : index
    %get3A_3625 = tpu.vector_load %arg5[%get3A_3623, %get3A_3624] {strides = array<i32>} : memref<25x128xi32, #tpu.memory_space<vmem>>, vector<1x16xi32>,
    %get3A_3626 = vector.shape_cast %get3A_3625 : vector<1x16xi32> to vector<16xi32>
    %sub3A_3627 = arith.constant 1 : i32
    %sub3A_3628 = vector.broadcast %sub3A_3627 : i32 to vector<16xi32>
    %sub3A_3629 = arith.subi %get3A_3626, %sub3A_3628 : vector<16xi32>
    %swap3A_3630 = arith.constant 19 : i32
    %swap3A_3631 = arith.index_cast %swap3A_3630 : i32 to index
    %swap3A_3632 = arith.constant 16 : index
    %swap3A_3633 = tpu.vector_load %arg5[%swap3A_3631, %swap3A_3632] {strides = array<i32>} : memref<25x128xi32, #tpu.memory_space<vmem>>, vector<1x16xi32>,
    %swap3A_3634 = vector.shape_cast %swap3A_3633 : vector<1x16xi32> to vector<16xi32>
    %swap3A_3635 = vector.shape_cast %sub3A_3629 : vector<16xi32> to vector<1x16xi32>
    tpu.vector_store %arg5[%swap3A_3631, %swap3A_3632], %swap3A_3635 {strides = array<i32>} : memref<25x128xi32, #tpu.memory_space<vmem>>, vector<1x16xi32>,
    %get3A_3636 = arith.constant 19 : i32
    %get3A_3637 = arith.index_cast %get3A_3636 : i32 to index
    %get3A_3638 = arith.constant 32 : index
    %get3A_3639 = tpu.vector_load %arg5[%get3A_3637, %get3A_3638] {strides = array<i32>} : memref<25x128xi32, #tpu.memory_space<vmem>>, vector<1x16xi32>,
    %get3A_3640 = vector.shape_cast %get3A_3639 : vector<1x16xi32> to vector<16xi32>
    %sub3A_3641 = arith.constant 1 : i32
    %sub3A_3642 = vector.broadcast %sub3A_3641 : i32 to vector<16xi32>
    %sub3A_3643 = arith.subi %get3A_3640, %sub3A_3642 : vector<16xi32>
    %swap3A_3644 = arith.constant 19 : i32
    %swap3A_3645 = arith.index_cast %swap3A_3644 : i32 to index
    %swap3A_3646 = arith.constant 32 : index
    %swap3A_3647 = tpu.vector_load %arg5[%swap3A_3645, %swap3A_3646] {strides = array<i32>} : memref<25x128xi32, #tpu.memory_space<vmem>>, vector<1x16xi32>,
    %swap3A_3648 = vector.shape_cast %swap3A_3647 : vector<1x16xi32> to vector<16xi32>
    %swap3A_3649 = vector.shape_cast %sub3A_3643 : vector<16xi32> to vector<1x16xi32>
    tpu.vector_store %arg5[%swap3A_3645, %swap3A_3646], %swap3A_3649 {strides = array<i32>} : memref<25x128xi32, #tpu.memory_space<vmem>>, vector<1x16xi32>,
    %get3A_3650 = arith.constant 19 : i32
    %get3A_3651 = arith.index_cast %get3A_3650 : i32 to index
    %get3A_3652 = arith.constant 48 : index
    %get3A_3653 = tpu.vector_load %arg5[%get3A_3651, %get3A_3652] {strides = array<i32>} : memref<25x128xi32, #tpu.memory_space<vmem>>, vector<1x16xi32>,
    %get3A_3654 = vector.shape_cast %get3A_3653 : vector<1x16xi32> to vector<16xi32>
    %sub3A_3655 = arith.constant 1 : i32
    %sub3A_3656 = vector.broadcast %sub3A_3655 : i32 to vector<16xi32>
    %sub3A_3657 = arith.subi %get3A_3654, %sub3A_3656 : vector<16xi32>
    %swap3A_3658 = arith.constant 19 : i32
    %swap3A_3659 = arith.index_cast %swap3A_3658 : i32 to index
    %swap3A_3660 = arith.constant 48 : index
    %swap3A_3661 = tpu.vector_load %arg5[%swap3A_3659, %swap3A_3660] {strides = array<i32>} : memref<25x128xi32, #tpu.memory_space<vmem>>, vector<1x16xi32>,
    %swap3A_3662 = vector.shape_cast %swap3A_3661 : vector<1x16xi32> to vector<16xi32>
    %swap3A_3663 = vector.shape_cast %sub3A_3657 : vector<16xi32> to vector<1x16xi32>
    tpu.vector_store %arg5[%swap3A_3659, %swap3A_3660], %swap3A_3663 {strides = array<i32>} : memref<25x128xi32, #tpu.memory_space<vmem>>, vector<1x16xi32>,
    %get3A_3664 = arith.constant 19 : i32
    %get3A_3665 = arith.index_cast %get3A_3664 : i32 to index
    %get3A_3666 = arith.constant 64 : index
    %get3A_3667 = tpu.vector_load %arg5[%get3A_3665, %get3A_3666] {strides = array<i32>} : memref<25x128xi32, #tpu.memory_space<vmem>>, vector<1x16xi32>,
    %get3A_3668 = vector.shape_cast %get3A_3667 : vector<1x16xi32> to vector<16xi32>
    %sub3A_3669 = arith.constant 1 : i32
    %sub3A_3670 = vector.broadcast %sub3A_3669 : i32 to vector<16xi32>
    %sub3A_3671 = arith.subi %get3A_3668, %sub3A_3670 : vector<16xi32>
    %swap3A_3672 = arith.constant 19 : i32
    %swap3A_3673 = arith.index_cast %swap3A_3672 : i32 to index
    %swap3A_3674 = arith.constant 64 : index
    %swap3A_3675 = tpu.vector_load %arg5[%swap3A_3673, %swap3A_3674] {strides = array<i32>} : memref<25x128xi32, #tpu.memory_space<vmem>>, vector<1x16xi32>,
    %swap3A_3676 = vector.shape_cast %swap3A_3675 : vector<1x16xi32> to vector<16xi32>
    %swap3A_3677 = vector.shape_cast %sub3A_3671 : vector<16xi32> to vector<1x16xi32>
    tpu.vector_store %arg5[%swap3A_3673, %swap3A_3674], %swap3A_3677 {strides = array<i32>} : memref<25x128xi32, #tpu.memory_space<vmem>>, vector<1x16xi32>,
    %get3A_3678 = arith.constant 19 : i32
    %get3A_3679 = arith.index_cast %get3A_3678 : i32 to index
    %get3A_3680 = arith.constant 80 : index
    %get3A_3681 = tpu.vector_load %arg5[%get3A_3679, %get3A_3680] {strides = array<i32>} : memref<25x128xi32, #tpu.memory_space<vmem>>, vector<1x16xi32>,
    %get3A_3682 = vector.shape_cast %get3A_3681 : vector<1x16xi32> to vector<16xi32>
    %sub3A_3683 = arith.constant 1 : i32
    %sub3A_3684 = vector.broadcast %sub3A_3683 : i32 to vector<16xi32>
    %sub3A_3685 = arith.subi %get3A_3682, %sub3A_3684 : vector<16xi32>
    %swap3A_3686 = arith.constant 19 : i32
    %swap3A_3687 = arith.index_cast %swap3A_3686 : i32 to index
    %swap3A_3688 = arith.constant 80 : index
    %swap3A_3689 = tpu.vector_load %arg5[%swap3A_3687, %swap3A_3688] {strides = array<i32>} : memref<25x128xi32, #tpu.memory_space<vmem>>, vector<1x16xi32>,
    %swap3A_3690 = vector.shape_cast %swap3A_3689 : vector<1x16xi32> to vector<16xi32>
    %swap3A_3691 = vector.shape_cast %sub3A_3685 : vector<16xi32> to vector<1x16xi32>
    tpu.vector_store %arg5[%swap3A_3687, %swap3A_3688], %swap3A_3691 {strides = array<i32>} : memref<25x128xi32, #tpu.memory_space<vmem>>, vector<1x16xi32>,
    %get3A_3692 = arith.constant 19 : i32
    %get3A_3693 = arith.index_cast %get3A_3692 : i32 to index
    %get3A_3694 = arith.constant 96 : index
    %get3A_3695 = tpu.vector_load %arg5[%get3A_3693, %get3A_3694] {strides = array<i32>} : memref<25x128xi32, #tpu.memory_space<vmem>>, vector<1x16xi32>,
    %get3A_3696 = vector.shape_cast %get3A_3695 : vector<1x16xi32> to vector<16xi32>
    %sub3A_3697 = arith.constant 1 : i32
    %sub3A_3698 = vector.broadcast %sub3A_3697 : i32 to vector<16xi32>
    %sub3A_3699 = arith.subi %get3A_3696, %sub3A_3698 : vector<16xi32>
    %swap3A_3700 = arith.constant 19 : i32
    %swap3A_3701 = arith.index_cast %swap3A_3700 : i32 to index
    %swap3A_3702 = arith.constant 96 : index
    %swap3A_3703 = tpu.vector_load %arg5[%swap3A_3701, %swap3A_3702] {strides = array<i32>} : memref<25x128xi32, #tpu.memory_space<vmem>>, vector<1x16xi32>,
    %swap3A_3704 = vector.shape_cast %swap3A_3703 : vector<1x16xi32> to vector<16xi32>
    %swap3A_3705 = vector.shape_cast %sub3A_3699 : vector<16xi32> to vector<1x16xi32>
    tpu.vector_store %arg5[%swap3A_3701, %swap3A_3702], %swap3A_3705 {strides = array<i32>} : memref<25x128xi32, #tpu.memory_space<vmem>>, vector<1x16xi32>,
    %get3A_3706 = arith.constant 19 : i32
    %get3A_3707 = arith.index_cast %get3A_3706 : i32 to index
    %get3A_3708 = arith.constant 112 : index
    %get3A_3709 = tpu.vector_load %arg5[%get3A_3707, %get3A_3708] {strides = array<i32>} : memref<25x128xi32, #tpu.memory_space<vmem>>, vector<1x16xi32>,
    %get3A_3710 = vector.shape_cast %get3A_3709 : vector<1x16xi32> to vector<16xi32>
    %sub3A_3711 = arith.constant 1 : i32
    %sub3A_3712 = vector.broadcast %sub3A_3711 : i32 to vector<16xi32>
    %sub3A_3713 = arith.subi %get3A_3710, %sub3A_3712 : vector<16xi32>
    %swap3A_3714 = arith.constant 19 : i32
    %swap3A_3715 = arith.index_cast %swap3A_3714 : i32 to index
    %swap3A_3716 = arith.constant 112 : index
    %swap3A_3717 = tpu.vector_load %arg5[%swap3A_3715, %swap3A_3716] {strides = array<i32>} : memref<25x128xi32, #tpu.memory_space<vmem>>, vector<1x16xi32>,
    %swap3A_3718 = vector.shape_cast %swap3A_3717 : vector<1x16xi32> to vector<16xi32>
    %swap3A_3719 = vector.shape_cast %sub3A_3713 : vector<16xi32> to vector<1x16xi32>
    tpu.vector_store %arg5[%swap3A_3715, %swap3A_3716], %swap3A_3719 {strides = array<i32>} : memref<25x128xi32, #tpu.memory_space<vmem>>, vector<1x16xi32>,
    %dma_start3A_3720 = arith.constant 19 : i32
    %dma_start3A_3721 = arith.constant 0 : i32
    %dma_start3A_3722 = tpu.memref_slice %arg5[%dma_start3A_3720, %dma_start3A_3721] : memref<25x128xi32, #tpu.memory_space<vmem>> -> memref<1x128xi32, #tpu.memory_space<vmem>>
    %dma_start3A_3723 = tpu.memref_squeeze %dma_start3A_3722 : memref<1x128xi32, #tpu.memory_space<vmem>> -> memref<128xi32, #tpu.memory_space<vmem>>
    %dma_start3A_3724 = arith.constant 0 : i32
    %dma_start3A_3725 = arith.constant 0 : i32
    %dma_start3A_3726 = tpu.memref_slice %arg11[%dma_start3A_3724, %dma_start3A_3725] : memref<100x128xf32, #tpu.memory_space<vmem_shared>> -> memref<100x128xf32, #tpu.memory_space<vmem_shared>>
    tpu.enqueue_indirect_dma source(%dma_start3A_3726 : memref<100x128xf32, #tpu.memory_space<vmem_shared>>) target(%arg10 : memref<128x128xf32, #tpu.memory_space<vmem>>) offsets(%dma_start3A_3723 : memref<128xi32, #tpu.memory_space<vmem>>) semaphore(%arg17 : memref<!tpu.dma_semaphore, #tpu.memory_space<semaphore_mem>>)
    %dma_wait3A_3727 = arith.constant 18 : i32
    %dma_wait3A_3728 = arith.constant 0 : i32
    %dma_wait3A_3729 = tpu.memref_slice %arg5[%dma_wait3A_3727, %dma_wait3A_3728] : memref<25x128xi32, #tpu.memory_space<vmem>> -> memref<1x128xi32, #tpu.memory_space<vmem>>
    %dma_wait3A_3730 = tpu.memref_squeeze %dma_wait3A_3729 : memref<1x128xi32, #tpu.memory_space<vmem>> -> memref<128xi32, #tpu.memory_space<vmem>>
    %dma_wait3A_3731 = arith.constant 0 : i32
    %dma_wait3A_3732 = arith.constant 0 : i32
    %dma_wait3A_3733 = tpu.memref_slice %arg11[%dma_wait3A_3731, %dma_wait3A_3732] : memref<100x128xf32, #tpu.memory_space<vmem_shared>> -> memref<100x128xf32, #tpu.memory_space<vmem_shared>>
    tpu.wait_indirect_dma semaphore(%arg16 : memref<!tpu.dma_semaphore, #tpu.memory_space<semaphore_mem>>) src(%dma_wait3A_3733 : memref<100x128xf32, #tpu.memory_space<vmem_shared>>) dst(%arg9 : memref<128x128xf32, #tpu.memory_space<vmem>>)
    %add3A_3734 = arith.constant 576 : i32
    %add3A_3735 = arith.addi %add3A, %add3A_3734 : i32
    %min3A_3736 = arith.constant 781 : i32
    %min3A_3737 = arith.minsi %add3A_3735, %min3A_3736 : i32
    %mul3A_3738 = arith.constant 128 : i32
    %mul3A_3739 = arith.muli %min3A_3737, %mul3A_3738 : i32
    %min3A_3740 = arith.constant 99872 : i32
    %min3A_3741 = arith.minsi %mul3A_3739, %min3A_3740 : i32
    %multiple_of3A_3742 = tpu.assume_multiple %min3A_3741, 8 : i32
    %dma_start3A_3743 = arith.constant 0 : i32
    %dma_start3A_3744 = tpu.memref_slice %arg4[%multiple_of3A_3742, %dma_start3A_3743] : memref<100000x128xf32, #tpu.memory_space<hbm>> -> memref<128x128xf32, #tpu.memory_space<hbm>>
    %dma_start3A_3745 = arith.constant 0 : i32
    %dma_start3A_3746 = tpu.memref_slice %arg4[%multiple_of3A_3742, %dma_start3A_3745] : memref<100000x128xf32, #tpu.memory_space<hbm>> -> memref<128x128xf32, #tpu.memory_space<hbm>>
    tpu.enqueue_dma source(%arg9 : memref<128x128xf32, #tpu.memory_space<vmem>>) target(%dma_start3A_3746 : memref<128x128xf32, #tpu.memory_space<hbm>>) target_semaphore(%arg21 : memref<!tpu.dma_semaphore, #tpu.memory_space<semaphore_mem>>)
    %add3A_3747 = arith.constant 480 : i32
    %add3A_3748 = arith.addi %add3A, %add3A_3747 : i32
    %min3A_3749 = arith.constant 781 : i32
    %min3A_3750 = arith.minsi %add3A_3748, %min3A_3749 : i32
    %mul3A_3751 = arith.constant 128 : i32
    %mul3A_3752 = arith.muli %min3A_3750, %mul3A_3751 : i32
    %min3A_3753 = arith.constant 99872 : i32
    %min3A_3754 = arith.minsi %mul3A_3752, %min3A_3753 : i32
    %multiple_of3A_3755 = tpu.assume_multiple %min3A_3754, 8 : i32
    %dma_wait3A_3756 = arith.constant 0 : i32
    %dma_wait3A_3757 = tpu.memref_slice %arg4[%multiple_of3A_3755, %dma_wait3A_3756] : memref<100000x128xf32, #tpu.memory_space<hbm>> -> memref<128x128xf32, #tpu.memory_space<hbm>>
    %dma_wait3A_3758 = arith.constant 0 : i32
    %dma_wait3A_3759 = tpu.memref_slice %arg4[%multiple_of3A_3755, %dma_wait3A_3758] : memref<100000x128xf32, #tpu.memory_space<hbm>> -> memref<128x128xf32, #tpu.memory_space<hbm>>
    tpu.wait_dma2 semaphore(%arg18 : memref<!tpu.dma_semaphore, #tpu.memory_space<semaphore_mem>>) src(%arg6 : memref<128x128xf32, #tpu.memory_space<vmem>>) dst(%dma_wait3A_3759 : memref<128x128xf32, #tpu.memory_space<hbm>>)
    %add3A_3760 = arith.constant 640 : i32
    %add3A_3761 = arith.addi %add3A, %add3A_3760 : i32
    %min3A_3762 = arith.constant 781 : i32
    %min3A_3763 = arith.minsi %add3A_3761, %min3A_3762 : i32
    %mul3A_3764 = arith.constant 128 : i32
    %mul3A_3765 = arith.muli %min3A_3763, %mul3A_3764 : i32
    %min3A_3766 = arith.constant 99872 : i32
    %min3A_3767 = arith.minsi %mul3A_3765, %min3A_3766 : i32
    %multiple_of3A_3768 = tpu.assume_multiple %min3A_3767, 8 : i32
    %dma_wait3A_3769 = arith.constant 20 : i32
    %dma_wait3A_3770 = arith.constant 0 : i32
    %dma_wait3A_3771 = tpu.memref_slice %arg5[%dma_wait3A_3769, %dma_wait3A_3770] : memref<25x128xi32, #tpu.memory_space<vmem>> -> memref<1x128xi32, #tpu.memory_space<vmem>>
    %dma_wait3A_3772 = tpu.memref_squeeze %dma_wait3A_3771 : memref<1x128xi32, #tpu.memory_space<vmem>> -> memref<128xi32, #tpu.memory_space<vmem>>
    %dma_wait3A_3773 = tpu.memref_slice %arg2[%multiple_of3A_3768] : memref<100000xi32, #tpu.memory_space<hbm>> -> memref<128xi32, #tpu.memory_space<hbm>>
    %dma_wait3A_3774 = arith.constant 0 : i32
    %dma_wait3A_3775 = tpu.memref_slice %arg5[%dma_wait3A_3769, %dma_wait3A_3774] : memref<25x128xi32, #tpu.memory_space<vmem>> -> memref<1x128xi32, #tpu.memory_space<vmem>>
    %dma_wait3A_3776 = tpu.memref_squeeze %dma_wait3A_3775 : memref<1x128xi32, #tpu.memory_space<vmem>> -> memref<128xi32, #tpu.memory_space<vmem>>
    %dma_wait3A_3777 = tpu.memref_slice %arg2[%multiple_of3A_3768] : memref<100000xi32, #tpu.memory_space<hbm>> -> memref<128xi32, #tpu.memory_space<hbm>>
    tpu.wait_dma2 semaphore(%arg12 : memref<!tpu.dma_semaphore, #tpu.memory_space<semaphore_mem>>) src(%dma_wait3A_3777 : memref<128xi32, #tpu.memory_space<hbm>>) dst(%dma_wait3A_3776 : memref<128xi32, #tpu.memory_space<vmem>>)
    %get3A_3778 = arith.constant 20 : i32
    %get3A_3779 = arith.index_cast %get3A_3778 : i32 to index
    %get3A_3780 = arith.constant 0 : index
    %get3A_3781 = tpu.vector_load %arg5[%get3A_3779, %get3A_3780] {strides = array<i32>} : memref<25x128xi32, #tpu.memory_space<vmem>>, vector<1x16xi32>,
    %get3A_3782 = vector.shape_cast %get3A_3781 : vector<1x16xi32> to vector<16xi32>
    %sub3A_3783 = arith.constant 1 : i32
    %sub3A_3784 = vector.broadcast %sub3A_3783 : i32 to vector<16xi32>
    %sub3A_3785 = arith.subi %get3A_3782, %sub3A_3784 : vector<16xi32>
    %swap3A_3786 = arith.constant 20 : i32
    %swap3A_3787 = arith.index_cast %swap3A_3786 : i32 to index
    %swap3A_3788 = arith.constant 0 : index
    %swap3A_3789 = tpu.vector_load %arg5[%swap3A_3787, %swap3A_3788] {strides = array<i32>} : memref<25x128xi32, #tpu.memory_space<vmem>>, vector<1x16xi32>,
    %swap3A_3790 = vector.shape_cast %swap3A_3789 : vector<1x16xi32> to vector<16xi32>
    %swap3A_3791 = vector.shape_cast %sub3A_3785 : vector<16xi32> to vector<1x16xi32>
    tpu.vector_store %arg5[%swap3A_3787, %swap3A_3788], %swap3A_3791 {strides = array<i32>} : memref<25x128xi32, #tpu.memory_space<vmem>>, vector<1x16xi32>,
    %get3A_3792 = arith.constant 20 : i32
    %get3A_3793 = arith.index_cast %get3A_3792 : i32 to index
    %get3A_3794 = arith.constant 16 : index
    %get3A_3795 = tpu.vector_load %arg5[%get3A_3793, %get3A_3794] {strides = array<i32>} : memref<25x128xi32, #tpu.memory_space<vmem>>, vector<1x16xi32>,
    %get3A_3796 = vector.shape_cast %get3A_3795 : vector<1x16xi32> to vector<16xi32>
    %sub3A_3797 = arith.constant 1 : i32
    %sub3A_3798 = vector.broadcast %sub3A_3797 : i32 to vector<16xi32>
    %sub3A_3799 = arith.subi %get3A_3796, %sub3A_3798 : vector<16xi32>
    %swap3A_3800 = arith.constant 20 : i32
    %swap3A_3801 = arith.index_cast %swap3A_3800 : i32 to index
    %swap3A_3802 = arith.constant 16 : index
    %swap3A_3803 = tpu.vector_load %arg5[%swap3A_3801, %swap3A_3802] {strides = array<i32>} : memref<25x128xi32, #tpu.memory_space<vmem>>, vector<1x16xi32>,
    %swap3A_3804 = vector.shape_cast %swap3A_3803 : vector<1x16xi32> to vector<16xi32>
    %swap3A_3805 = vector.shape_cast %sub3A_3799 : vector<16xi32> to vector<1x16xi32>
    tpu.vector_store %arg5[%swap3A_3801, %swap3A_3802], %swap3A_3805 {strides = array<i32>} : memref<25x128xi32, #tpu.memory_space<vmem>>, vector<1x16xi32>,
    %get3A_3806 = arith.constant 20 : i32
    %get3A_3807 = arith.index_cast %get3A_3806 : i32 to index
    %get3A_3808 = arith.constant 32 : index
    %get3A_3809 = tpu.vector_load %arg5[%get3A_3807, %get3A_3808] {strides = array<i32>} : memref<25x128xi32, #tpu.memory_space<vmem>>, vector<1x16xi32>,
    %get3A_3810 = vector.shape_cast %get3A_3809 : vector<1x16xi32> to vector<16xi32>
    %sub3A_3811 = arith.constant 1 : i32
    %sub3A_3812 = vector.broadcast %sub3A_3811 : i32 to vector<16xi32>
    %sub3A_3813 = arith.subi %get3A_3810, %sub3A_3812 : vector<16xi32>
    %swap3A_3814 = arith.constant 20 : i32
    %swap3A_3815 = arith.index_cast %swap3A_3814 : i32 to index
    %swap3A_3816 = arith.constant 32 : index
    %swap3A_3817 = tpu.vector_load %arg5[%swap3A_3815, %swap3A_3816] {strides = array<i32>} : memref<25x128xi32, #tpu.memory_space<vmem>>, vector<1x16xi32>,
    %swap3A_3818 = vector.shape_cast %swap3A_3817 : vector<1x16xi32> to vector<16xi32>
    %swap3A_3819 = vector.shape_cast %sub3A_3813 : vector<16xi32> to vector<1x16xi32>
    tpu.vector_store %arg5[%swap3A_3815, %swap3A_3816], %swap3A_3819 {strides = array<i32>} : memref<25x128xi32, #tpu.memory_space<vmem>>, vector<1x16xi32>,
    %get3A_3820 = arith.constant 20 : i32
    %get3A_3821 = arith.index_cast %get3A_3820 : i32 to index
    %get3A_3822 = arith.constant 48 : index
    %get3A_3823 = tpu.vector_load %arg5[%get3A_3821, %get3A_3822] {strides = array<i32>} : memref<25x128xi32, #tpu.memory_space<vmem>>, vector<1x16xi32>,
    %get3A_3824 = vector.shape_cast %get3A_3823 : vector<1x16xi32> to vector<16xi32>
    %sub3A_3825 = arith.constant 1 : i32
    %sub3A_3826 = vector.broadcast %sub3A_3825 : i32 to vector<16xi32>
    %sub3A_3827 = arith.subi %get3A_3824, %sub3A_3826 : vector<16xi32>
    %swap3A_3828 = arith.constant 20 : i32
    %swap3A_3829 = arith.index_cast %swap3A_3828 : i32 to index
    %swap3A_3830 = arith.constant 48 : index
    %swap3A_3831 = tpu.vector_load %arg5[%swap3A_3829, %swap3A_3830] {strides = array<i32>} : memref<25x128xi32, #tpu.memory_space<vmem>>, vector<1x16xi32>,
    %swap3A_3832 = vector.shape_cast %swap3A_3831 : vector<1x16xi32> to vector<16xi32>
    %swap3A_3833 = vector.shape_cast %sub3A_3827 : vector<16xi32> to vector<1x16xi32>
    tpu.vector_store %arg5[%swap3A_3829, %swap3A_3830], %swap3A_3833 {strides = array<i32>} : memref<25x128xi32, #tpu.memory_space<vmem>>, vector<1x16xi32>,
    %get3A_3834 = arith.constant 20 : i32
    %get3A_3835 = arith.index_cast %get3A_3834 : i32 to index
    %get3A_3836 = arith.constant 64 : index
    %get3A_3837 = tpu.vector_load %arg5[%get3A_3835, %get3A_3836] {strides = array<i32>} : memref<25x128xi32, #tpu.memory_space<vmem>>, vector<1x16xi32>,
    %get3A_3838 = vector.shape_cast %get3A_3837 : vector<1x16xi32> to vector<16xi32>
    %sub3A_3839 = arith.constant 1 : i32
    %sub3A_3840 = vector.broadcast %sub3A_3839 : i32 to vector<16xi32>
    %sub3A_3841 = arith.subi %get3A_3838, %sub3A_3840 : vector<16xi32>
    %swap3A_3842 = arith.constant 20 : i32
    %swap3A_3843 = arith.index_cast %swap3A_3842 : i32 to index
    %swap3A_3844 = arith.constant 64 : index
    %swap3A_3845 = tpu.vector_load %arg5[%swap3A_3843, %swap3A_3844] {strides = array<i32>} : memref<25x128xi32, #tpu.memory_space<vmem>>, vector<1x16xi32>,
    %swap3A_3846 = vector.shape_cast %swap3A_3845 : vector<1x16xi32> to vector<16xi32>
    %swap3A_3847 = vector.shape_cast %sub3A_3841 : vector<16xi32> to vector<1x16xi32>
    tpu.vector_store %arg5[%swap3A_3843, %swap3A_3844], %swap3A_3847 {strides = array<i32>} : memref<25x128xi32, #tpu.memory_space<vmem>>, vector<1x16xi32>,
    %get3A_3848 = arith.constant 20 : i32
    %get3A_3849 = arith.index_cast %get3A_3848 : i32 to index
    %get3A_3850 = arith.constant 80 : index
    %get3A_3851 = tpu.vector_load %arg5[%get3A_3849, %get3A_3850] {strides = array<i32>} : memref<25x128xi32, #tpu.memory_space<vmem>>, vector<1x16xi32>,
    %get3A_3852 = vector.shape_cast %get3A_3851 : vector<1x16xi32> to vector<16xi32>
    %sub3A_3853 = arith.constant 1 : i32
    %sub3A_3854 = vector.broadcast %sub3A_3853 : i32 to vector<16xi32>
    %sub3A_3855 = arith.subi %get3A_3852, %sub3A_3854 : vector<16xi32>
    %swap3A_3856 = arith.constant 20 : i32
    %swap3A_3857 = arith.index_cast %swap3A_3856 : i32 to index
    %swap3A_3858 = arith.constant 80 : index
    %swap3A_3859 = tpu.vector_load %arg5[%swap3A_3857, %swap3A_3858] {strides = array<i32>} : memref<25x128xi32, #tpu.memory_space<vmem>>, vector<1x16xi32>,
    %swap3A_3860 = vector.shape_cast %swap3A_3859 : vector<1x16xi32> to vector<16xi32>
    %swap3A_3861 = vector.shape_cast %sub3A_3855 : vector<16xi32> to vector<1x16xi32>
    tpu.vector_store %arg5[%swap3A_3857, %swap3A_3858], %swap3A_3861 {strides = array<i32>} : memref<25x128xi32, #tpu.memory_space<vmem>>, vector<1x16xi32>,
    %get3A_3862 = arith.constant 20 : i32
    %get3A_3863 = arith.index_cast %get3A_3862 : i32 to index
    %get3A_3864 = arith.constant 96 : index
    %get3A_3865 = tpu.vector_load %arg5[%get3A_3863, %get3A_3864] {strides = array<i32>} : memref<25x128xi32, #tpu.memory_space<vmem>>, vector<1x16xi32>,
    %get3A_3866 = vector.shape_cast %get3A_3865 : vector<1x16xi32> to vector<16xi32>
    %sub3A_3867 = arith.constant 1 : i32
    %sub3A_3868 = vector.broadcast %sub3A_3867 : i32 to vector<16xi32>
    %sub3A_3869 = arith.subi %get3A_3866, %sub3A_3868 : vector<16xi32>
    %swap3A_3870 = arith.constant 20 : i32
    %swap3A_3871 = arith.index_cast %swap3A_3870 : i32 to index
    %swap3A_3872 = arith.constant 96 : index
    %swap3A_3873 = tpu.vector_load %arg5[%swap3A_3871, %swap3A_3872] {strides = array<i32>} : memref<25x128xi32, #tpu.memory_space<vmem>>, vector<1x16xi32>,
    %swap3A_3874 = vector.shape_cast %swap3A_3873 : vector<1x16xi32> to vector<16xi32>
    %swap3A_3875 = vector.shape_cast %sub3A_3869 : vector<16xi32> to vector<1x16xi32>
    tpu.vector_store %arg5[%swap3A_3871, %swap3A_3872], %swap3A_3875 {strides = array<i32>} : memref<25x128xi32, #tpu.memory_space<vmem>>, vector<1x16xi32>,
    %get3A_3876 = arith.constant 20 : i32
    %get3A_3877 = arith.index_cast %get3A_3876 : i32 to index
    %get3A_3878 = arith.constant 112 : index
    %get3A_3879 = tpu.vector_load %arg5[%get3A_3877, %get3A_3878] {strides = array<i32>} : memref<25x128xi32, #tpu.memory_space<vmem>>, vector<1x16xi32>,
    %get3A_3880 = vector.shape_cast %get3A_3879 : vector<1x16xi32> to vector<16xi32>
    %sub3A_3881 = arith.constant 1 : i32
    %sub3A_3882 = vector.broadcast %sub3A_3881 : i32 to vector<16xi32>
    %sub3A_3883 = arith.subi %get3A_3880, %sub3A_3882 : vector<16xi32>
    %swap3A_3884 = arith.constant 20 : i32
    %swap3A_3885 = arith.index_cast %swap3A_3884 : i32 to index
    %swap3A_3886 = arith.constant 112 : index
    %swap3A_3887 = tpu.vector_load %arg5[%swap3A_3885, %swap3A_3886] {strides = array<i32>} : memref<25x128xi32, #tpu.memory_space<vmem>>, vector<1x16xi32>,
    %swap3A_3888 = vector.shape_cast %swap3A_3887 : vector<1x16xi32> to vector<16xi32>
    %swap3A_3889 = vector.shape_cast %sub3A_3883 : vector<16xi32> to vector<1x16xi32>
    tpu.vector_store %arg5[%swap3A_3885, %swap3A_3886], %swap3A_3889 {strides = array<i32>} : memref<25x128xi32, #tpu.memory_space<vmem>>, vector<1x16xi32>,
    %dma_start3A_3890 = arith.constant 20 : i32
    %dma_start3A_3891 = arith.constant 0 : i32
    %dma_start3A_3892 = tpu.memref_slice %arg5[%dma_start3A_3890, %dma_start3A_3891] : memref<25x128xi32, #tpu.memory_space<vmem>> -> memref<1x128xi32, #tpu.memory_space<vmem>>
    %dma_start3A_3893 = tpu.memref_squeeze %dma_start3A_3892 : memref<1x128xi32, #tpu.memory_space<vmem>> -> memref<128xi32, #tpu.memory_space<vmem>>
    %dma_start3A_3894 = arith.constant 0 : i32
    %dma_start3A_3895 = arith.constant 0 : i32
    %dma_start3A_3896 = tpu.memref_slice %arg11[%dma_start3A_3894, %dma_start3A_3895] : memref<100x128xf32, #tpu.memory_space<vmem_shared>> -> memref<100x128xf32, #tpu.memory_space<vmem_shared>>
    tpu.enqueue_indirect_dma source(%dma_start3A_3896 : memref<100x128xf32, #tpu.memory_space<vmem_shared>>) target(%arg6 : memref<128x128xf32, #tpu.memory_space<vmem>>) offsets(%dma_start3A_3893 : memref<128xi32, #tpu.memory_space<vmem>>) semaphore(%arg13 : memref<!tpu.dma_semaphore, #tpu.memory_space<semaphore_mem>>)
    %dma_wait3A_3897 = arith.constant 19 : i32
    %dma_wait3A_3898 = arith.constant 0 : i32
    %dma_wait3A_3899 = tpu.memref_slice %arg5[%dma_wait3A_3897, %dma_wait3A_3898] : memref<25x128xi32, #tpu.memory_space<vmem>> -> memref<1x128xi32, #tpu.memory_space<vmem>>
    %dma_wait3A_3900 = tpu.memref_squeeze %dma_wait3A_3899 : memref<1x128xi32, #tpu.memory_space<vmem>> -> memref<128xi32, #tpu.memory_space<vmem>>
    %dma_wait3A_3901 = arith.constant 0 : i32
    %dma_wait3A_3902 = arith.constant 0 : i32
    %dma_wait3A_3903 = tpu.memref_slice %arg11[%dma_wait3A_3901, %dma_wait3A_3902] : memref<100x128xf32, #tpu.memory_space<vmem_shared>> -> memref<100x128xf32, #tpu.memory_space<vmem_shared>>
    tpu.wait_indirect_dma semaphore(%arg17 : memref<!tpu.dma_semaphore, #tpu.memory_space<semaphore_mem>>) src(%dma_wait3A_3903 : memref<100x128xf32, #tpu.memory_space<vmem_shared>>) dst(%arg10 : memref<128x128xf32, #tpu.memory_space<vmem>>)
    %add3A_3904 = arith.constant 608 : i32
    %add3A_3905 = arith.addi %add3A, %add3A_3904 : i32
    %min3A_3906 = arith.constant 781 : i32
    %min3A_3907 = arith.minsi %add3A_3905, %min3A_3906 : i32
    %mul3A_3908 = arith.constant 128 : i32
    %mul3A_3909 = arith.muli %min3A_3907, %mul3A_3908 : i32
    %min3A_3910 = arith.constant 99872 : i32
    %min3A_3911 = arith.minsi %mul3A_3909, %min3A_3910 : i32
    %multiple_of3A_3912 = tpu.assume_multiple %min3A_3911, 8 : i32
    %dma_start3A_3913 = arith.constant 0 : i32
    %dma_start3A_3914 = tpu.memref_slice %arg4[%multiple_of3A_3912, %dma_start3A_3913] : memref<100000x128xf32, #tpu.memory_space<hbm>> -> memref<128x128xf32, #tpu.memory_space<hbm>>
    %dma_start3A_3915 = arith.constant 0 : i32
    %dma_start3A_3916 = tpu.memref_slice %arg4[%multiple_of3A_3912, %dma_start3A_3915] : memref<100000x128xf32, #tpu.memory_space<hbm>> -> memref<128x128xf32, #tpu.memory_space<hbm>>
    tpu.enqueue_dma source(%arg10 : memref<128x128xf32, #tpu.memory_space<vmem>>) target(%dma_start3A_3916 : memref<128x128xf32, #tpu.memory_space<hbm>>) target_semaphore(%arg22 : memref<!tpu.dma_semaphore, #tpu.memory_space<semaphore_mem>>)
    %add3A_3917 = arith.constant 512 : i32
    %add3A_3918 = arith.addi %add3A, %add3A_3917 : i32
    %min3A_3919 = arith.constant 781 : i32
    %min3A_3920 = arith.minsi %add3A_3918, %min3A_3919 : i32
    %mul3A_3921 = arith.constant 128 : i32
    %mul3A_3922 = arith.muli %min3A_3920, %mul3A_3921 : i32
    %min3A_3923 = arith.constant 99872 : i32
    %min3A_3924 = arith.minsi %mul3A_3922, %min3A_3923 : i32
    %multiple_of3A_3925 = tpu.assume_multiple %min3A_3924, 8 : i32
    %dma_wait3A_3926 = arith.constant 0 : i32
    %dma_wait3A_3927 = tpu.memref_slice %arg4[%multiple_of3A_3925, %dma_wait3A_3926] : memref<100000x128xf32, #tpu.memory_space<hbm>> -> memref<128x128xf32, #tpu.memory_space<hbm>>
    %dma_wait3A_3928 = arith.constant 0 : i32
    %dma_wait3A_3929 = tpu.memref_slice %arg4[%multiple_of3A_3925, %dma_wait3A_3928] : memref<100000x128xf32, #tpu.memory_space<hbm>> -> memref<128x128xf32, #tpu.memory_space<hbm>>
    tpu.wait_dma2 semaphore(%arg19 : memref<!tpu.dma_semaphore, #tpu.memory_space<semaphore_mem>>) src(%arg7 : memref<128x128xf32, #tpu.memory_space<vmem>>) dst(%dma_wait3A_3929 : memref<128x128xf32, #tpu.memory_space<hbm>>)
    %add3A_3930 = arith.constant 672 : i32
    %add3A_3931 = arith.addi %add3A, %add3A_3930 : i32
    %min3A_3932 = arith.constant 781 : i32
    %min3A_3933 = arith.minsi %add3A_3931, %min3A_3932 : i32
    %mul3A_3934 = arith.constant 128 : i32
    %mul3A_3935 = arith.muli %min3A_3933, %mul3A_3934 : i32
    %min3A_3936 = arith.constant 99872 : i32
    %min3A_3937 = arith.minsi %mul3A_3935, %min3A_3936 : i32
    %multiple_of3A_3938 = tpu.assume_multiple %min3A_3937, 8 : i32
    %dma_wait3A_3939 = arith.constant 21 : i32
    %dma_wait3A_3940 = arith.constant 0 : i32
    %dma_wait3A_3941 = tpu.memref_slice %arg5[%dma_wait3A_3939, %dma_wait3A_3940] : memref<25x128xi32, #tpu.memory_space<vmem>> -> memref<1x128xi32, #tpu.memory_space<vmem>>
    %dma_wait3A_3942 = tpu.memref_squeeze %dma_wait3A_3941 : memref<1x128xi32, #tpu.memory_space<vmem>> -> memref<128xi32, #tpu.memory_space<vmem>>
    %dma_wait3A_3943 = tpu.memref_slice %arg2[%multiple_of3A_3938] : memref<100000xi32, #tpu.memory_space<hbm>> -> memref<128xi32, #tpu.memory_space<hbm>>
    %dma_wait3A_3944 = arith.constant 0 : i32
    %dma_wait3A_3945 = tpu.memref_slice %arg5[%dma_wait3A_3939, %dma_wait3A_3944] : memref<25x128xi32, #tpu.memory_space<vmem>> -> memref<1x128xi32, #tpu.memory_space<vmem>>
    %dma_wait3A_3946 = tpu.memref_squeeze %dma_wait3A_3945 : memref<1x128xi32, #tpu.memory_space<vmem>> -> memref<128xi32, #tpu.memory_space<vmem>>
    %dma_wait3A_3947 = tpu.memref_slice %arg2[%multiple_of3A_3938] : memref<100000xi32, #tpu.memory_space<hbm>> -> memref<128xi32, #tpu.memory_space<hbm>>
    tpu.wait_dma2 semaphore(%arg12 : memref<!tpu.dma_semaphore, #tpu.memory_space<semaphore_mem>>) src(%dma_wait3A_3947 : memref<128xi32, #tpu.memory_space<hbm>>) dst(%dma_wait3A_3946 : memref<128xi32, #tpu.memory_space<vmem>>)
    %get3A_3948 = arith.constant 21 : i32
    %get3A_3949 = arith.index_cast %get3A_3948 : i32 to index
    %get3A_3950 = arith.constant 0 : index
    %get3A_3951 = tpu.vector_load %arg5[%get3A_3949, %get3A_3950] {strides = array<i32>} : memref<25x128xi32, #tpu.memory_space<vmem>>, vector<1x16xi32>,
    %get3A_3952 = vector.shape_cast %get3A_3951 : vector<1x16xi32> to vector<16xi32>
    %sub3A_3953 = arith.constant 1 : i32
    %sub3A_3954 = vector.broadcast %sub3A_3953 : i32 to vector<16xi32>
    %sub3A_3955 = arith.subi %get3A_3952, %sub3A_3954 : vector<16xi32>
    %swap3A_3956 = arith.constant 21 : i32
    %swap3A_3957 = arith.index_cast %swap3A_3956 : i32 to index
    %swap3A_3958 = arith.constant 0 : index
    %swap3A_3959 = tpu.vector_load %arg5[%swap3A_3957, %swap3A_3958] {strides = array<i32>} : memref<25x128xi32, #tpu.memory_space<vmem>>, vector<1x16xi32>,
    %swap3A_3960 = vector.shape_cast %swap3A_3959 : vector<1x16xi32> to vector<16xi32>
    %swap3A_3961 = vector.shape_cast %sub3A_3955 : vector<16xi32> to vector<1x16xi32>
    tpu.vector_store %arg5[%swap3A_3957, %swap3A_3958], %swap3A_3961 {strides = array<i32>} : memref<25x128xi32, #tpu.memory_space<vmem>>, vector<1x16xi32>,
    %get3A_3962 = arith.constant 21 : i32
    %get3A_3963 = arith.index_cast %get3A_3962 : i32 to index
    %get3A_3964 = arith.constant 16 : index
    %get3A_3965 = tpu.vector_load %arg5[%get3A_3963, %get3A_3964] {strides = array<i32>} : memref<25x128xi32, #tpu.memory_space<vmem>>, vector<1x16xi32>,
    %get3A_3966 = vector.shape_cast %get3A_3965 : vector<1x16xi32> to vector<16xi32>
    %sub3A_3967 = arith.constant 1 : i32
    %sub3A_3968 = vector.broadcast %sub3A_3967 : i32 to vector<16xi32>
    %sub3A_3969 = arith.subi %get3A_3966, %sub3A_3968 : vector<16xi32>
    %swap3A_3970 = arith.constant 21 : i32
    %swap3A_3971 = arith.index_cast %swap3A_3970 : i32 to index
    %swap3A_3972 = arith.constant 16 : index
    %swap3A_3973 = tpu.vector_load %arg5[%swap3A_3971, %swap3A_3972] {strides = array<i32>} : memref<25x128xi32, #tpu.memory_space<vmem>>, vector<1x16xi32>,
    %swap3A_3974 = vector.shape_cast %swap3A_3973 : vector<1x16xi32> to vector<16xi32>
    %swap3A_3975 = vector.shape_cast %sub3A_3969 : vector<16xi32> to vector<1x16xi32>
    tpu.vector_store %arg5[%swap3A_3971, %swap3A_3972], %swap3A_3975 {strides = array<i32>} : memref<25x128xi32, #tpu.memory_space<vmem>>, vector<1x16xi32>,
    %get3A_3976 = arith.constant 21 : i32
    %get3A_3977 = arith.index_cast %get3A_3976 : i32 to index
    %get3A_3978 = arith.constant 32 : index
    %get3A_3979 = tpu.vector_load %arg5[%get3A_3977, %get3A_3978] {strides = array<i32>} : memref<25x128xi32, #tpu.memory_space<vmem>>, vector<1x16xi32>,
    %get3A_3980 = vector.shape_cast %get3A_3979 : vector<1x16xi32> to vector<16xi32>
    %sub3A_3981 = arith.constant 1 : i32
    %sub3A_3982 = vector.broadcast %sub3A_3981 : i32 to vector<16xi32>
    %sub3A_3983 = arith.subi %get3A_3980, %sub3A_3982 : vector<16xi32>
    %swap3A_3984 = arith.constant 21 : i32
    %swap3A_3985 = arith.index_cast %swap3A_3984 : i32 to index
    %swap3A_3986 = arith.constant 32 : index
    %swap3A_3987 = tpu.vector_load %arg5[%swap3A_3985, %swap3A_3986] {strides = array<i32>} : memref<25x128xi32, #tpu.memory_space<vmem>>, vector<1x16xi32>,
    %swap3A_3988 = vector.shape_cast %swap3A_3987 : vector<1x16xi32> to vector<16xi32>
    %swap3A_3989 = vector.shape_cast %sub3A_3983 : vector<16xi32> to vector<1x16xi32>
    tpu.vector_store %arg5[%swap3A_3985, %swap3A_3986], %swap3A_3989 {strides = array<i32>} : memref<25x128xi32, #tpu.memory_space<vmem>>, vector<1x16xi32>,
    %get3A_3990 = arith.constant 21 : i32
    %get3A_3991 = arith.index_cast %get3A_3990 : i32 to index
    %get3A_3992 = arith.constant 48 : index
    %get3A_3993 = tpu.vector_load %arg5[%get3A_3991, %get3A_3992] {strides = array<i32>} : memref<25x128xi32, #tpu.memory_space<vmem>>, vector<1x16xi32>,
    %get3A_3994 = vector.shape_cast %get3A_3993 : vector<1x16xi32> to vector<16xi32>
    %sub3A_3995 = arith.constant 1 : i32
    %sub3A_3996 = vector.broadcast %sub3A_3995 : i32 to vector<16xi32>
    %sub3A_3997 = arith.subi %get3A_3994, %sub3A_3996 : vector<16xi32>
    %swap3A_3998 = arith.constant 21 : i32
    %swap3A_3999 = arith.index_cast %swap3A_3998 : i32 to index
    %swap3A_4000 = arith.constant 48 : index
    %swap3A_4001 = tpu.vector_load %arg5[%swap3A_3999, %swap3A_4000] {strides = array<i32>} : memref<25x128xi32, #tpu.memory_space<vmem>>, vector<1x16xi32>,
    %swap3A_4002 = vector.shape_cast %swap3A_4001 : vector<1x16xi32> to vector<16xi32>
    %swap3A_4003 = vector.shape_cast %sub3A_3997 : vector<16xi32> to vector<1x16xi32>
    tpu.vector_store %arg5[%swap3A_3999, %swap3A_4000], %swap3A_4003 {strides = array<i32>} : memref<25x128xi32, #tpu.memory_space<vmem>>, vector<1x16xi32>,
    %get3A_4004 = arith.constant 21 : i32
    %get3A_4005 = arith.index_cast %get3A_4004 : i32 to index
    %get3A_4006 = arith.constant 64 : index
    %get3A_4007 = tpu.vector_load %arg5[%get3A_4005, %get3A_4006] {strides = array<i32>} : memref<25x128xi32, #tpu.memory_space<vmem>>, vector<1x16xi32>,
    %get3A_4008 = vector.shape_cast %get3A_4007 : vector<1x16xi32> to vector<16xi32>
    %sub3A_4009 = arith.constant 1 : i32
    %sub3A_4010 = vector.broadcast %sub3A_4009 : i32 to vector<16xi32>
    %sub3A_4011 = arith.subi %get3A_4008, %sub3A_4010 : vector<16xi32>
    %swap3A_4012 = arith.constant 21 : i32
    %swap3A_4013 = arith.index_cast %swap3A_4012 : i32 to index
    %swap3A_4014 = arith.constant 64 : index
    %swap3A_4015 = tpu.vector_load %arg5[%swap3A_4013, %swap3A_4014] {strides = array<i32>} : memref<25x128xi32, #tpu.memory_space<vmem>>, vector<1x16xi32>,
    %swap3A_4016 = vector.shape_cast %swap3A_4015 : vector<1x16xi32> to vector<16xi32>
    %swap3A_4017 = vector.shape_cast %sub3A_4011 : vector<16xi32> to vector<1x16xi32>
    tpu.vector_store %arg5[%swap3A_4013, %swap3A_4014], %swap3A_4017 {strides = array<i32>} : memref<25x128xi32, #tpu.memory_space<vmem>>, vector<1x16xi32>,
    %get3A_4018 = arith.constant 21 : i32
    %get3A_4019 = arith.index_cast %get3A_4018 : i32 to index
    %get3A_4020 = arith.constant 80 : index
    %get3A_4021 = tpu.vector_load %arg5[%get3A_4019, %get3A_4020] {strides = array<i32>} : memref<25x128xi32, #tpu.memory_space<vmem>>, vector<1x16xi32>,
    %get3A_4022 = vector.shape_cast %get3A_4021 : vector<1x16xi32> to vector<16xi32>
    %sub3A_4023 = arith.constant 1 : i32
    %sub3A_4024 = vector.broadcast %sub3A_4023 : i32 to vector<16xi32>
    %sub3A_4025 = arith.subi %get3A_4022, %sub3A_4024 : vector<16xi32>
    %swap3A_4026 = arith.constant 21 : i32
    %swap3A_4027 = arith.index_cast %swap3A_4026 : i32 to index
    %swap3A_4028 = arith.constant 80 : index
    %swap3A_4029 = tpu.vector_load %arg5[%swap3A_4027, %swap3A_4028] {strides = array<i32>} : memref<25x128xi32, #tpu.memory_space<vmem>>, vector<1x16xi32>,
    %swap3A_4030 = vector.shape_cast %swap3A_4029 : vector<1x16xi32> to vector<16xi32>
    %swap3A_4031 = vector.shape_cast %sub3A_4025 : vector<16xi32> to vector<1x16xi32>
    tpu.vector_store %arg5[%swap3A_4027, %swap3A_4028], %swap3A_4031 {strides = array<i32>} : memref<25x128xi32, #tpu.memory_space<vmem>>, vector<1x16xi32>,
    %get3A_4032 = arith.constant 21 : i32
    %get3A_4033 = arith.index_cast %get3A_4032 : i32 to index
    %get3A_4034 = arith.constant 96 : index
    %get3A_4035 = tpu.vector_load %arg5[%get3A_4033, %get3A_4034] {strides = array<i32>} : memref<25x128xi32, #tpu.memory_space<vmem>>, vector<1x16xi32>,
    %get3A_4036 = vector.shape_cast %get3A_4035 : vector<1x16xi32> to vector<16xi32>
    %sub3A_4037 = arith.constant 1 : i32
    %sub3A_4038 = vector.broadcast %sub3A_4037 : i32 to vector<16xi32>
    %sub3A_4039 = arith.subi %get3A_4036, %sub3A_4038 : vector<16xi32>
    %swap3A_4040 = arith.constant 21 : i32
    %swap3A_4041 = arith.index_cast %swap3A_4040 : i32 to index
    %swap3A_4042 = arith.constant 96 : index
    %swap3A_4043 = tpu.vector_load %arg5[%swap3A_4041, %swap3A_4042] {strides = array<i32>} : memref<25x128xi32, #tpu.memory_space<vmem>>, vector<1x16xi32>,
    %swap3A_4044 = vector.shape_cast %swap3A_4043 : vector<1x16xi32> to vector<16xi32>
    %swap3A_4045 = vector.shape_cast %sub3A_4039 : vector<16xi32> to vector<1x16xi32>
    tpu.vector_store %arg5[%swap3A_4041, %swap3A_4042], %swap3A_4045 {strides = array<i32>} : memref<25x128xi32, #tpu.memory_space<vmem>>, vector<1x16xi32>,
    %get3A_4046 = arith.constant 21 : i32
    %get3A_4047 = arith.index_cast %get3A_4046 : i32 to index
    %get3A_4048 = arith.constant 112 : index
    %get3A_4049 = tpu.vector_load %arg5[%get3A_4047, %get3A_4048] {strides = array<i32>} : memref<25x128xi32, #tpu.memory_space<vmem>>, vector<1x16xi32>,
    %get3A_4050 = vector.shape_cast %get3A_4049 : vector<1x16xi32> to vector<16xi32>
    %sub3A_4051 = arith.constant 1 : i32
    %sub3A_4052 = vector.broadcast %sub3A_4051 : i32 to vector<16xi32>
    %sub3A_4053 = arith.subi %get3A_4050, %sub3A_4052 : vector<16xi32>
    %swap3A_4054 = arith.constant 21 : i32
    %swap3A_4055 = arith.index_cast %swap3A_4054 : i32 to index
    %swap3A_4056 = arith.constant 112 : index
    %swap3A_4057 = tpu.vector_load %arg5[%swap3A_4055, %swap3A_4056] {strides = array<i32>} : memref<25x128xi32, #tpu.memory_space<vmem>>, vector<1x16xi32>,
    %swap3A_4058 = vector.shape_cast %swap3A_4057 : vector<1x16xi32> to vector<16xi32>
    %swap3A_4059 = vector.shape_cast %sub3A_4053 : vector<16xi32> to vector<1x16xi32>
    tpu.vector_store %arg5[%swap3A_4055, %swap3A_4056], %swap3A_4059 {strides = array<i32>} : memref<25x128xi32, #tpu.memory_space<vmem>>, vector<1x16xi32>,
    %dma_start3A_4060 = arith.constant 21 : i32
    %dma_start3A_4061 = arith.constant 0 : i32
    %dma_start3A_4062 = tpu.memref_slice %arg5[%dma_start3A_4060, %dma_start3A_4061] : memref<25x128xi32, #tpu.memory_space<vmem>> -> memref<1x128xi32, #tpu.memory_space<vmem>>
    %dma_start3A_4063 = tpu.memref_squeeze %dma_start3A_4062 : memref<1x128xi32, #tpu.memory_space<vmem>> -> memref<128xi32, #tpu.memory_space<vmem>>
    %dma_start3A_4064 = arith.constant 0 : i32
    %dma_start3A_4065 = arith.constant 0 : i32
    %dma_start3A_4066 = tpu.memref_slice %arg11[%dma_start3A_4064, %dma_start3A_4065] : memref<100x128xf32, #tpu.memory_space<vmem_shared>> -> memref<100x128xf32, #tpu.memory_space<vmem_shared>>
    tpu.enqueue_indirect_dma source(%dma_start3A_4066 : memref<100x128xf32, #tpu.memory_space<vmem_shared>>) target(%arg7 : memref<128x128xf32, #tpu.memory_space<vmem>>) offsets(%dma_start3A_4063 : memref<128xi32, #tpu.memory_space<vmem>>) semaphore(%arg14 : memref<!tpu.dma_semaphore, #tpu.memory_space<semaphore_mem>>)
    %dma_wait3A_4067 = arith.constant 20 : i32
    %dma_wait3A_4068 = arith.constant 0 : i32
    %dma_wait3A_4069 = tpu.memref_slice %arg5[%dma_wait3A_4067, %dma_wait3A_4068] : memref<25x128xi32, #tpu.memory_space<vmem>> -> memref<1x128xi32, #tpu.memory_space<vmem>>
    %dma_wait3A_4070 = tpu.memref_squeeze %dma_wait3A_4069 : memref<1x128xi32, #tpu.memory_space<vmem>> -> memref<128xi32, #tpu.memory_space<vmem>>
    %dma_wait3A_4071 = arith.constant 0 : i32
    %dma_wait3A_4072 = arith.constant 0 : i32
    %dma_wait3A_4073 = tpu.memref_slice %arg11[%dma_wait3A_4071, %dma_wait3A_4072] : memref<100x128xf32, #tpu.memory_space<vmem_shared>> -> memref<100x128xf32, #tpu.memory_space<vmem_shared>>
    tpu.wait_indirect_dma semaphore(%arg13 : memref<!tpu.dma_semaphore, #tpu.memory_space<semaphore_mem>>) src(%dma_wait3A_4073 : memref<100x128xf32, #tpu.memory_space<vmem_shared>>) dst(%arg6 : memref<128x128xf32, #tpu.memory_space<vmem>>)
    %add3A_4074 = arith.constant 640 : i32
    %add3A_4075 = arith.addi %add3A, %add3A_4074 : i32
    %min3A_4076 = arith.constant 781 : i32
    %min3A_4077 = arith.minsi %add3A_4075, %min3A_4076 : i32
    %mul3A_4078 = arith.constant 128 : i32
    %mul3A_4079 = arith.muli %min3A_4077, %mul3A_4078 : i32
    %min3A_4080 = arith.constant 99872 : i32
    %min3A_4081 = arith.minsi %mul3A_4079, %min3A_4080 : i32
    %multiple_of3A_4082 = tpu.assume_multiple %min3A_4081, 8 : i32
    %dma_start3A_4083 = arith.constant 0 : i32
    %dma_start3A_4084 = tpu.memref_slice %arg4[%multiple_of3A_4082, %dma_start3A_4083] : memref<100000x128xf32, #tpu.memory_space<hbm>> -> memref<128x128xf32, #tpu.memory_space<hbm>>
    %dma_start3A_4085 = arith.constant 0 : i32
    %dma_start3A_4086 = tpu.memref_slice %arg4[%multiple_of3A_4082, %dma_start3A_4085] : memref<100000x128xf32, #tpu.memory_space<hbm>> -> memref<128x128xf32, #tpu.memory_space<hbm>>
    tpu.enqueue_dma source(%arg6 : memref<128x128xf32, #tpu.memory_space<vmem>>) target(%dma_start3A_4086 : memref<128x128xf32, #tpu.memory_space<hbm>>) target_semaphore(%arg18 : memref<!tpu.dma_semaphore, #tpu.memory_space<semaphore_mem>>)
    %add3A_4087 = arith.constant 544 : i32
    %add3A_4088 = arith.addi %add3A, %add3A_4087 : i32
    %min3A_4089 = arith.constant 781 : i32
    %min3A_4090 = arith.minsi %add3A_4088, %min3A_4089 : i32
    %mul3A_4091 = arith.constant 128 : i32
    %mul3A_4092 = arith.muli %min3A_4090, %mul3A_4091 : i32
    %min3A_4093 = arith.constant 99872 : i32
    %min3A_4094 = arith.minsi %mul3A_4092, %min3A_4093 : i32
    %multiple_of3A_4095 = tpu.assume_multiple %min3A_4094, 8 : i32
    %dma_wait3A_4096 = arith.constant 0 : i32
    %dma_wait3A_4097 = tpu.memref_slice %arg4[%multiple_of3A_4095, %dma_wait3A_4096] : memref<100000x128xf32, #tpu.memory_space<hbm>> -> memref<128x128xf32, #tpu.memory_space<hbm>>
    %dma_wait3A_4098 = arith.constant 0 : i32
    %dma_wait3A_4099 = tpu.memref_slice %arg4[%multiple_of3A_4095, %dma_wait3A_4098] : memref<100000x128xf32, #tpu.memory_space<hbm>> -> memref<128x128xf32, #tpu.memory_space<hbm>>
    tpu.wait_dma2 semaphore(%arg20 : memref<!tpu.dma_semaphore, #tpu.memory_space<semaphore_mem>>) src(%arg8 : memref<128x128xf32, #tpu.memory_space<vmem>>) dst(%dma_wait3A_4099 : memref<128x128xf32, #tpu.memory_space<hbm>>)
    %add3A_4100 = arith.constant 704 : i32
    %add3A_4101 = arith.addi %add3A, %add3A_4100 : i32
    %min3A_4102 = arith.constant 781 : i32
    %min3A_4103 = arith.minsi %add3A_4101, %min3A_4102 : i32
    %mul3A_4104 = arith.constant 128 : i32
    %mul3A_4105 = arith.muli %min3A_4103, %mul3A_4104 : i32
    %min3A_4106 = arith.constant 99872 : i32
    %min3A_4107 = arith.minsi %mul3A_4105, %min3A_4106 : i32
    %multiple_of3A_4108 = tpu.assume_multiple %min3A_4107, 8 : i32
    %dma_wait3A_4109 = arith.constant 22 : i32
    %dma_wait3A_4110 = arith.constant 0 : i32
    %dma_wait3A_4111 = tpu.memref_slice %arg5[%dma_wait3A_4109, %dma_wait3A_4110] : memref<25x128xi32, #tpu.memory_space<vmem>> -> memref<1x128xi32, #tpu.memory_space<vmem>>
    %dma_wait3A_4112 = tpu.memref_squeeze %dma_wait3A_4111 : memref<1x128xi32, #tpu.memory_space<vmem>> -> memref<128xi32, #tpu.memory_space<vmem>>
    %dma_wait3A_4113 = tpu.memref_slice %arg2[%multiple_of3A_4108] : memref<100000xi32, #tpu.memory_space<hbm>> -> memref<128xi32, #tpu.memory_space<hbm>>
    %dma_wait3A_4114 = arith.constant 0 : i32
    %dma_wait3A_4115 = tpu.memref_slice %arg5[%dma_wait3A_4109, %dma_wait3A_4114] : memref<25x128xi32, #tpu.memory_space<vmem>> -> memref<1x128xi32, #tpu.memory_space<vmem>>
    %dma_wait3A_4116 = tpu.memref_squeeze %dma_wait3A_4115 : memref<1x128xi32, #tpu.memory_space<vmem>> -> memref<128xi32, #tpu.memory_space<vmem>>
    %dma_wait3A_4117 = tpu.memref_slice %arg2[%multiple_of3A_4108] : memref<100000xi32, #tpu.memory_space<hbm>> -> memref<128xi32, #tpu.memory_space<hbm>>
    tpu.wait_dma2 semaphore(%arg12 : memref<!tpu.dma_semaphore, #tpu.memory_space<semaphore_mem>>) src(%dma_wait3A_4117 : memref<128xi32, #tpu.memory_space<hbm>>) dst(%dma_wait3A_4116 : memref<128xi32, #tpu.memory_space<vmem>>)
    %get3A_4118 = arith.constant 22 : i32
    %get3A_4119 = arith.index_cast %get3A_4118 : i32 to index
    %get3A_4120 = arith.constant 0 : index
    %get3A_4121 = tpu.vector_load %arg5[%get3A_4119, %get3A_4120] {strides = array<i32>} : memref<25x128xi32, #tpu.memory_space<vmem>>, vector<1x16xi32>,
    %get3A_4122 = vector.shape_cast %get3A_4121 : vector<1x16xi32> to vector<16xi32>
    %sub3A_4123 = arith.constant 1 : i32
    %sub3A_4124 = vector.broadcast %sub3A_4123 : i32 to vector<16xi32>
    %sub3A_4125 = arith.subi %get3A_4122, %sub3A_4124 : vector<16xi32>
    %swap3A_4126 = arith.constant 22 : i32
    %swap3A_4127 = arith.index_cast %swap3A_4126 : i32 to index
    %swap3A_4128 = arith.constant 0 : index
    %swap3A_4129 = tpu.vector_load %arg5[%swap3A_4127, %swap3A_4128] {strides = array<i32>} : memref<25x128xi32, #tpu.memory_space<vmem>>, vector<1x16xi32>,
    %swap3A_4130 = vector.shape_cast %swap3A_4129 : vector<1x16xi32> to vector<16xi32>
    %swap3A_4131 = vector.shape_cast %sub3A_4125 : vector<16xi32> to vector<1x16xi32>
    tpu.vector_store %arg5[%swap3A_4127, %swap3A_4128], %swap3A_4131 {strides = array<i32>} : memref<25x128xi32, #tpu.memory_space<vmem>>, vector<1x16xi32>,
    %get3A_4132 = arith.constant 22 : i32
    %get3A_4133 = arith.index_cast %get3A_4132 : i32 to index
    %get3A_4134 = arith.constant 16 : index
    %get3A_4135 = tpu.vector_load %arg5[%get3A_4133, %get3A_4134] {strides = array<i32>} : memref<25x128xi32, #tpu.memory_space<vmem>>, vector<1x16xi32>,
    %get3A_4136 = vector.shape_cast %get3A_4135 : vector<1x16xi32> to vector<16xi32>
    %sub3A_4137 = arith.constant 1 : i32
    %sub3A_4138 = vector.broadcast %sub3A_4137 : i32 to vector<16xi32>
    %sub3A_4139 = arith.subi %get3A_4136, %sub3A_4138 : vector<16xi32>
    %swap3A_4140 = arith.constant 22 : i32
    %swap3A_4141 = arith.index_cast %swap3A_4140 : i32 to index
    %swap3A_4142 = arith.constant 16 : index
    %swap3A_4143 = tpu.vector_load %arg5[%swap3A_4141, %swap3A_4142] {strides = array<i32>} : memref<25x128xi32, #tpu.memory_space<vmem>>, vector<1x16xi32>,
    %swap3A_4144 = vector.shape_cast %swap3A_4143 : vector<1x16xi32> to vector<16xi32>
    %swap3A_4145 = vector.shape_cast %sub3A_4139 : vector<16xi32> to vector<1x16xi32>
    tpu.vector_store %arg5[%swap3A_4141, %swap3A_4142], %swap3A_4145 {strides = array<i32>} : memref<25x128xi32, #tpu.memory_space<vmem>>, vector<1x16xi32>,
    %get3A_4146 = arith.constant 22 : i32
    %get3A_4147 = arith.index_cast %get3A_4146 : i32 to index
    %get3A_4148 = arith.constant 32 : index
    %get3A_4149 = tpu.vector_load %arg5[%get3A_4147, %get3A_4148] {strides = array<i32>} : memref<25x128xi32, #tpu.memory_space<vmem>>, vector<1x16xi32>,
    %get3A_4150 = vector.shape_cast %get3A_4149 : vector<1x16xi32> to vector<16xi32>
    %sub3A_4151 = arith.constant 1 : i32
    %sub3A_4152 = vector.broadcast %sub3A_4151 : i32 to vector<16xi32>
    %sub3A_4153 = arith.subi %get3A_4150, %sub3A_4152 : vector<16xi32>
    %swap3A_4154 = arith.constant 22 : i32
    %swap3A_4155 = arith.index_cast %swap3A_4154 : i32 to index
    %swap3A_4156 = arith.constant 32 : index
    %swap3A_4157 = tpu.vector_load %arg5[%swap3A_4155, %swap3A_4156] {strides = array<i32>} : memref<25x128xi32, #tpu.memory_space<vmem>>, vector<1x16xi32>,
    %swap3A_4158 = vector.shape_cast %swap3A_4157 : vector<1x16xi32> to vector<16xi32>
    %swap3A_4159 = vector.shape_cast %sub3A_4153 : vector<16xi32> to vector<1x16xi32>
    tpu.vector_store %arg5[%swap3A_4155, %swap3A_4156], %swap3A_4159 {strides = array<i32>} : memref<25x128xi32, #tpu.memory_space<vmem>>, vector<1x16xi32>,
    %get3A_4160 = arith.constant 22 : i32
    %get3A_4161 = arith.index_cast %get3A_4160 : i32 to index
    %get3A_4162 = arith.constant 48 : index
    %get3A_4163 = tpu.vector_load %arg5[%get3A_4161, %get3A_4162] {strides = array<i32>} : memref<25x128xi32, #tpu.memory_space<vmem>>, vector<1x16xi32>,
    %get3A_4164 = vector.shape_cast %get3A_4163 : vector<1x16xi32> to vector<16xi32>
    %sub3A_4165 = arith.constant 1 : i32
    %sub3A_4166 = vector.broadcast %sub3A_4165 : i32 to vector<16xi32>
    %sub3A_4167 = arith.subi %get3A_4164, %sub3A_4166 : vector<16xi32>
    %swap3A_4168 = arith.constant 22 : i32
    %swap3A_4169 = arith.index_cast %swap3A_4168 : i32 to index
    %swap3A_4170 = arith.constant 48 : index
    %swap3A_4171 = tpu.vector_load %arg5[%swap3A_4169, %swap3A_4170] {strides = array<i32>} : memref<25x128xi32, #tpu.memory_space<vmem>>, vector<1x16xi32>,
    %swap3A_4172 = vector.shape_cast %swap3A_4171 : vector<1x16xi32> to vector<16xi32>
    %swap3A_4173 = vector.shape_cast %sub3A_4167 : vector<16xi32> to vector<1x16xi32>
    tpu.vector_store %arg5[%swap3A_4169, %swap3A_4170], %swap3A_4173 {strides = array<i32>} : memref<25x128xi32, #tpu.memory_space<vmem>>, vector<1x16xi32>,
    %get3A_4174 = arith.constant 22 : i32
    %get3A_4175 = arith.index_cast %get3A_4174 : i32 to index
    %get3A_4176 = arith.constant 64 : index
    %get3A_4177 = tpu.vector_load %arg5[%get3A_4175, %get3A_4176] {strides = array<i32>} : memref<25x128xi32, #tpu.memory_space<vmem>>, vector<1x16xi32>,
    %get3A_4178 = vector.shape_cast %get3A_4177 : vector<1x16xi32> to vector<16xi32>
    %sub3A_4179 = arith.constant 1 : i32
    %sub3A_4180 = vector.broadcast %sub3A_4179 : i32 to vector<16xi32>
    %sub3A_4181 = arith.subi %get3A_4178, %sub3A_4180 : vector<16xi32>
    %swap3A_4182 = arith.constant 22 : i32
    %swap3A_4183 = arith.index_cast %swap3A_4182 : i32 to index
    %swap3A_4184 = arith.constant 64 : index
    %swap3A_4185 = tpu.vector_load %arg5[%swap3A_4183, %swap3A_4184] {strides = array<i32>} : memref<25x128xi32, #tpu.memory_space<vmem>>, vector<1x16xi32>,
    %swap3A_4186 = vector.shape_cast %swap3A_4185 : vector<1x16xi32> to vector<16xi32>
    %swap3A_4187 = vector.shape_cast %sub3A_4181 : vector<16xi32> to vector<1x16xi32>
    tpu.vector_store %arg5[%swap3A_4183, %swap3A_4184], %swap3A_4187 {strides = array<i32>} : memref<25x128xi32, #tpu.memory_space<vmem>>, vector<1x16xi32>,
    %get3A_4188 = arith.constant 22 : i32
    %get3A_4189 = arith.index_cast %get3A_4188 : i32 to index
    %get3A_4190 = arith.constant 80 : index
    %get3A_4191 = tpu.vector_load %arg5[%get3A_4189, %get3A_4190] {strides = array<i32>} : memref<25x128xi32, #tpu.memory_space<vmem>>, vector<1x16xi32>,
    %get3A_4192 = vector.shape_cast %get3A_4191 : vector<1x16xi32> to vector<16xi32>
    %sub3A_4193 = arith.constant 1 : i32
    %sub3A_4194 = vector.broadcast %sub3A_4193 : i32 to vector<16xi32>
    %sub3A_4195 = arith.subi %get3A_4192, %sub3A_4194 : vector<16xi32>
    %swap3A_4196 = arith.constant 22 : i32
    %swap3A_4197 = arith.index_cast %swap3A_4196 : i32 to index
    %swap3A_4198 = arith.constant 80 : index
    %swap3A_4199 = tpu.vector_load %arg5[%swap3A_4197, %swap3A_4198] {strides = array<i32>} : memref<25x128xi32, #tpu.memory_space<vmem>>, vector<1x16xi32>,
    %swap3A_4200 = vector.shape_cast %swap3A_4199 : vector<1x16xi32> to vector<16xi32>
    %swap3A_4201 = vector.shape_cast %sub3A_4195 : vector<16xi32> to vector<1x16xi32>
    tpu.vector_store %arg5[%swap3A_4197, %swap3A_4198], %swap3A_4201 {strides = array<i32>} : memref<25x128xi32, #tpu.memory_space<vmem>>, vector<1x16xi32>,
    %get3A_4202 = arith.constant 22 : i32
    %get3A_4203 = arith.index_cast %get3A_4202 : i32 to index
    %get3A_4204 = arith.constant 96 : index
    %get3A_4205 = tpu.vector_load %arg5[%get3A_4203, %get3A_4204] {strides = array<i32>} : memref<25x128xi32, #tpu.memory_space<vmem>>, vector<1x16xi32>,
    %get3A_4206 = vector.shape_cast %get3A_4205 : vector<1x16xi32> to vector<16xi32>
    %sub3A_4207 = arith.constant 1 : i32
    %sub3A_4208 = vector.broadcast %sub3A_4207 : i32 to vector<16xi32>
    %sub3A_4209 = arith.subi %get3A_4206, %sub3A_4208 : vector<16xi32>
    %swap3A_4210 = arith.constant 22 : i32
    %swap3A_4211 = arith.index_cast %swap3A_4210 : i32 to index
    %swap3A_4212 = arith.constant 96 : index
    %swap3A_4213 = tpu.vector_load %arg5[%swap3A_4211, %swap3A_4212] {strides = array<i32>} : memref<25x128xi32, #tpu.memory_space<vmem>>, vector<1x16xi32>,
    %swap3A_4214 = vector.shape_cast %swap3A_4213 : vector<1x16xi32> to vector<16xi32>
    %swap3A_4215 = vector.shape_cast %sub3A_4209 : vector<16xi32> to vector<1x16xi32>
    tpu.vector_store %arg5[%swap3A_4211, %swap3A_4212], %swap3A_4215 {strides = array<i32>} : memref<25x128xi32, #tpu.memory_space<vmem>>, vector<1x16xi32>,
    %get3A_4216 = arith.constant 22 : i32
    %get3A_4217 = arith.index_cast %get3A_4216 : i32 to index
    %get3A_4218 = arith.constant 112 : index
    %get3A_4219 = tpu.vector_load %arg5[%get3A_4217, %get3A_4218] {strides = array<i32>} : memref<25x128xi32, #tpu.memory_space<vmem>>, vector<1x16xi32>,
    %get3A_4220 = vector.shape_cast %get3A_4219 : vector<1x16xi32> to vector<16xi32>
    %sub3A_4221 = arith.constant 1 : i32
    %sub3A_4222 = vector.broadcast %sub3A_4221 : i32 to vector<16xi32>
    %sub3A_4223 = arith.subi %get3A_4220, %sub3A_4222 : vector<16xi32>
    %swap3A_4224 = arith.constant 22 : i32
    %swap3A_4225 = arith.index_cast %swap3A_4224 : i32 to index
    %swap3A_4226 = arith.constant 112 : index
    %swap3A_4227 = tpu.vector_load %arg5[%swap3A_4225, %swap3A_4226] {strides = array<i32>} : memref<25x128xi32, #tpu.memory_space<vmem>>, vector<1x16xi32>,
    %swap3A_4228 = vector.shape_cast %swap3A_4227 : vector<1x16xi32> to vector<16xi32>
    %swap3A_4229 = vector.shape_cast %sub3A_4223 : vector<16xi32> to vector<1x16xi32>
    tpu.vector_store %arg5[%swap3A_4225, %swap3A_4226], %swap3A_4229 {strides = array<i32>} : memref<25x128xi32, #tpu.memory_space<vmem>>, vector<1x16xi32>,
    %dma_start3A_4230 = arith.constant 22 : i32
    %dma_start3A_4231 = arith.constant 0 : i32
    %dma_start3A_4232 = tpu.memref_slice %arg5[%dma_start3A_4230, %dma_start3A_4231] : memref<25x128xi32, #tpu.memory_space<vmem>> -> memref<1x128xi32, #tpu.memory_space<vmem>>
    %dma_start3A_4233 = tpu.memref_squeeze %dma_start3A_4232 : memref<1x128xi32, #tpu.memory_space<vmem>> -> memref<128xi32, #tpu.memory_space<vmem>>
    %dma_start3A_4234 = arith.constant 0 : i32
    %dma_start3A_4235 = arith.constant 0 : i32
    %dma_start3A_4236 = tpu.memref_slice %arg11[%dma_start3A_4234, %dma_start3A_4235] : memref<100x128xf32, #tpu.memory_space<vmem_shared>> -> memref<100x128xf32, #tpu.memory_space<vmem_shared>>
    tpu.enqueue_indirect_dma source(%dma_start3A_4236 : memref<100x128xf32, #tpu.memory_space<vmem_shared>>) target(%arg8 : memref<128x128xf32, #tpu.memory_space<vmem>>) offsets(%dma_start3A_4233 : memref<128xi32, #tpu.memory_space<vmem>>) semaphore(%arg15 : memref<!tpu.dma_semaphore, #tpu.memory_space<semaphore_mem>>)
    %dma_wait3A_4237 = arith.constant 21 : i32
    %dma_wait3A_4238 = arith.constant 0 : i32
    %dma_wait3A_4239 = tpu.memref_slice %arg5[%dma_wait3A_4237, %dma_wait3A_4238] : memref<25x128xi32, #tpu.memory_space<vmem>> -> memref<1x128xi32, #tpu.memory_space<vmem>>
    %dma_wait3A_4240 = tpu.memref_squeeze %dma_wait3A_4239 : memref<1x128xi32, #tpu.memory_space<vmem>> -> memref<128xi32, #tpu.memory_space<vmem>>
    %dma_wait3A_4241 = arith.constant 0 : i32
    %dma_wait3A_4242 = arith.constant 0 : i32
    %dma_wait3A_4243 = tpu.memref_slice %arg11[%dma_wait3A_4241, %dma_wait3A_4242] : memref<100x128xf32, #tpu.memory_space<vmem_shared>> -> memref<100x128xf32, #tpu.memory_space<vmem_shared>>
    tpu.wait_indirect_dma semaphore(%arg14 : memref<!tpu.dma_semaphore, #tpu.memory_space<semaphore_mem>>) src(%dma_wait3A_4243 : memref<100x128xf32, #tpu.memory_space<vmem_shared>>) dst(%arg7 : memref<128x128xf32, #tpu.memory_space<vmem>>)
    %add3A_4244 = arith.constant 672 : i32
    %add3A_4245 = arith.addi %add3A, %add3A_4244 : i32
    %min3A_4246 = arith.constant 781 : i32
    %min3A_4247 = arith.minsi %add3A_4245, %min3A_4246 : i32
    %mul3A_4248 = arith.constant 128 : i32
    %mul3A_4249 = arith.muli %min3A_4247, %mul3A_4248 : i32
    %min3A_4250 = arith.constant 99872 : i32
    %min3A_4251 = arith.minsi %mul3A_4249, %min3A_4250 : i32
    %multiple_of3A_4252 = tpu.assume_multiple %min3A_4251, 8 : i32
    %dma_start3A_4253 = arith.constant 0 : i32
    %dma_start3A_4254 = tpu.memref_slice %arg4[%multiple_of3A_4252, %dma_start3A_4253] : memref<100000x128xf32, #tpu.memory_space<hbm>> -> memref<128x128xf32, #tpu.memory_space<hbm>>
    %dma_start3A_4255 = arith.constant 0 : i32
    %dma_start3A_4256 = tpu.memref_slice %arg4[%multiple_of3A_4252, %dma_start3A_4255] : memref<100000x128xf32, #tpu.memory_space<hbm>> -> memref<128x128xf32, #tpu.memory_space<hbm>>
    tpu.enqueue_dma source(%arg7 : memref<128x128xf32, #tpu.memory_space<vmem>>) target(%dma_start3A_4256 : memref<128x128xf32, #tpu.memory_space<hbm>>) target_semaphore(%arg19 : memref<!tpu.dma_semaphore, #tpu.memory_space<semaphore_mem>>)
    %add3A_4257 = arith.constant 576 : i32
    %add3A_4258 = arith.addi %add3A, %add3A_4257 : i32
    %min3A_4259 = arith.constant 781 : i32
    %min3A_4260 = arith.minsi %add3A_4258, %min3A_4259 : i32
    %mul3A_4261 = arith.constant 128 : i32
    %mul3A_4262 = arith.muli %min3A_4260, %mul3A_4261 : i32
    %min3A_4263 = arith.constant 99872 : i32
    %min3A_4264 = arith.minsi %mul3A_4262, %min3A_4263 : i32
    %multiple_of3A_4265 = tpu.assume_multiple %min3A_4264, 8 : i32
    %dma_wait3A_4266 = arith.constant 0 : i32
    %dma_wait3A_4267 = tpu.memref_slice %arg4[%multiple_of3A_4265, %dma_wait3A_4266] : memref<100000x128xf32, #tpu.memory_space<hbm>> -> memref<128x128xf32, #tpu.memory_space<hbm>>
    %dma_wait3A_4268 = arith.constant 0 : i32
    %dma_wait3A_4269 = tpu.memref_slice %arg4[%multiple_of3A_4265, %dma_wait3A_4268] : memref<100000x128xf32, #tpu.memory_space<hbm>> -> memref<128x128xf32, #tpu.memory_space<hbm>>
    tpu.wait_dma2 semaphore(%arg21 : memref<!tpu.dma_semaphore, #tpu.memory_space<semaphore_mem>>) src(%arg9 : memref<128x128xf32, #tpu.memory_space<vmem>>) dst(%dma_wait3A_4269 : memref<128x128xf32, #tpu.memory_space<hbm>>)
    %add3A_4270 = arith.constant 736 : i32
    %add3A_4271 = arith.addi %add3A, %add3A_4270 : i32
    %min3A_4272 = arith.constant 781 : i32
    %min3A_4273 = arith.minsi %add3A_4271, %min3A_4272 : i32
    %mul3A_4274 = arith.constant 128 : i32
    %mul3A_4275 = arith.muli %min3A_4273, %mul3A_4274 : i32
    %min3A_4276 = arith.constant 99872 : i32
    %min3A_4277 = arith.minsi %mul3A_4275, %min3A_4276 : i32
    %multiple_of3A_4278 = tpu.assume_multiple %min3A_4277, 8 : i32
    %dma_wait3A_4279 = arith.constant 23 : i32
    %dma_wait3A_4280 = arith.constant 0 : i32
    %dma_wait3A_4281 = tpu.memref_slice %arg5[%dma_wait3A_4279, %dma_wait3A_4280] : memref<25x128xi32, #tpu.memory_space<vmem>> -> memref<1x128xi32, #tpu.memory_space<vmem>>
    %dma_wait3A_4282 = tpu.memref_squeeze %dma_wait3A_4281 : memref<1x128xi32, #tpu.memory_space<vmem>> -> memref<128xi32, #tpu.memory_space<vmem>>
    %dma_wait3A_4283 = tpu.memref_slice %arg2[%multiple_of3A_4278] : memref<100000xi32, #tpu.memory_space<hbm>> -> memref<128xi32, #tpu.memory_space<hbm>>
    %dma_wait3A_4284 = arith.constant 0 : i32
    %dma_wait3A_4285 = tpu.memref_slice %arg5[%dma_wait3A_4279, %dma_wait3A_4284] : memref<25x128xi32, #tpu.memory_space<vmem>> -> memref<1x128xi32, #tpu.memory_space<vmem>>
    %dma_wait3A_4286 = tpu.memref_squeeze %dma_wait3A_4285 : memref<1x128xi32, #tpu.memory_space<vmem>> -> memref<128xi32, #tpu.memory_space<vmem>>
    %dma_wait3A_4287 = tpu.memref_slice %arg2[%multiple_of3A_4278] : memref<100000xi32, #tpu.memory_space<hbm>> -> memref<128xi32, #tpu.memory_space<hbm>>
    tpu.wait_dma2 semaphore(%arg12 : memref<!tpu.dma_semaphore, #tpu.memory_space<semaphore_mem>>) src(%dma_wait3A_4287 : memref<128xi32, #tpu.memory_space<hbm>>) dst(%dma_wait3A_4286 : memref<128xi32, #tpu.memory_space<vmem>>)
    %get3A_4288 = arith.constant 23 : i32
    %get3A_4289 = arith.index_cast %get3A_4288 : i32 to index
    %get3A_4290 = arith.constant 0 : index
    %get3A_4291 = tpu.vector_load %arg5[%get3A_4289, %get3A_4290] {strides = array<i32>} : memref<25x128xi32, #tpu.memory_space<vmem>>, vector<1x16xi32>,
    %get3A_4292 = vector.shape_cast %get3A_4291 : vector<1x16xi32> to vector<16xi32>
    %sub3A_4293 = arith.constant 1 : i32
    %sub3A_4294 = vector.broadcast %sub3A_4293 : i32 to vector<16xi32>
    %sub3A_4295 = arith.subi %get3A_4292, %sub3A_4294 : vector<16xi32>
    %swap3A_4296 = arith.constant 23 : i32
    %swap3A_4297 = arith.index_cast %swap3A_4296 : i32 to index
    %swap3A_4298 = arith.constant 0 : index
    %swap3A_4299 = tpu.vector_load %arg5[%swap3A_4297, %swap3A_4298] {strides = array<i32>} : memref<25x128xi32, #tpu.memory_space<vmem>>, vector<1x16xi32>,
    %swap3A_4300 = vector.shape_cast %swap3A_4299 : vector<1x16xi32> to vector<16xi32>
    %swap3A_4301 = vector.shape_cast %sub3A_4295 : vector<16xi32> to vector<1x16xi32>
    tpu.vector_store %arg5[%swap3A_4297, %swap3A_4298], %swap3A_4301 {strides = array<i32>} : memref<25x128xi32, #tpu.memory_space<vmem>>, vector<1x16xi32>,
    %get3A_4302 = arith.constant 23 : i32
    %get3A_4303 = arith.index_cast %get3A_4302 : i32 to index
    %get3A_4304 = arith.constant 16 : index
    %get3A_4305 = tpu.vector_load %arg5[%get3A_4303, %get3A_4304] {strides = array<i32>} : memref<25x128xi32, #tpu.memory_space<vmem>>, vector<1x16xi32>,
    %get3A_4306 = vector.shape_cast %get3A_4305 : vector<1x16xi32> to vector<16xi32>
    %sub3A_4307 = arith.constant 1 : i32
    %sub3A_4308 = vector.broadcast %sub3A_4307 : i32 to vector<16xi32>
    %sub3A_4309 = arith.subi %get3A_4306, %sub3A_4308 : vector<16xi32>
    %swap3A_4310 = arith.constant 23 : i32
    %swap3A_4311 = arith.index_cast %swap3A_4310 : i32 to index
    %swap3A_4312 = arith.constant 16 : index
    %swap3A_4313 = tpu.vector_load %arg5[%swap3A_4311, %swap3A_4312] {strides = array<i32>} : memref<25x128xi32, #tpu.memory_space<vmem>>, vector<1x16xi32>,
    %swap3A_4314 = vector.shape_cast %swap3A_4313 : vector<1x16xi32> to vector<16xi32>
    %swap3A_4315 = vector.shape_cast %sub3A_4309 : vector<16xi32> to vector<1x16xi32>
    tpu.vector_store %arg5[%swap3A_4311, %swap3A_4312], %swap3A_4315 {strides = array<i32>} : memref<25x128xi32, #tpu.memory_space<vmem>>, vector<1x16xi32>,
    %get3A_4316 = arith.constant 23 : i32
    %get3A_4317 = arith.index_cast %get3A_4316 : i32 to index
    %get3A_4318 = arith.constant 32 : index
    %get3A_4319 = tpu.vector_load %arg5[%get3A_4317, %get3A_4318] {strides = array<i32>} : memref<25x128xi32, #tpu.memory_space<vmem>>, vector<1x16xi32>,
    %get3A_4320 = vector.shape_cast %get3A_4319 : vector<1x16xi32> to vector<16xi32>
    %sub3A_4321 = arith.constant 1 : i32
    %sub3A_4322 = vector.broadcast %sub3A_4321 : i32 to vector<16xi32>
    %sub3A_4323 = arith.subi %get3A_4320, %sub3A_4322 : vector<16xi32>
    %swap3A_4324 = arith.constant 23 : i32
    %swap3A_4325 = arith.index_cast %swap3A_4324 : i32 to index
    %swap3A_4326 = arith.constant 32 : index
    %swap3A_4327 = tpu.vector_load %arg5[%swap3A_4325, %swap3A_4326] {strides = array<i32>} : memref<25x128xi32, #tpu.memory_space<vmem>>, vector<1x16xi32>,
    %swap3A_4328 = vector.shape_cast %swap3A_4327 : vector<1x16xi32> to vector<16xi32>
    %swap3A_4329 = vector.shape_cast %sub3A_4323 : vector<16xi32> to vector<1x16xi32>
    tpu.vector_store %arg5[%swap3A_4325, %swap3A_4326], %swap3A_4329 {strides = array<i32>} : memref<25x128xi32, #tpu.memory_space<vmem>>, vector<1x16xi32>,
    %get3A_4330 = arith.constant 23 : i32
    %get3A_4331 = arith.index_cast %get3A_4330 : i32 to index
    %get3A_4332 = arith.constant 48 : index
    %get3A_4333 = tpu.vector_load %arg5[%get3A_4331, %get3A_4332] {strides = array<i32>} : memref<25x128xi32, #tpu.memory_space<vmem>>, vector<1x16xi32>,
    %get3A_4334 = vector.shape_cast %get3A_4333 : vector<1x16xi32> to vector<16xi32>
    %sub3A_4335 = arith.constant 1 : i32
    %sub3A_4336 = vector.broadcast %sub3A_4335 : i32 to vector<16xi32>
    %sub3A_4337 = arith.subi %get3A_4334, %sub3A_4336 : vector<16xi32>
    %swap3A_4338 = arith.constant 23 : i32
    %swap3A_4339 = arith.index_cast %swap3A_4338 : i32 to index
    %swap3A_4340 = arith.constant 48 : index
    %swap3A_4341 = tpu.vector_load %arg5[%swap3A_4339, %swap3A_4340] {strides = array<i32>} : memref<25x128xi32, #tpu.memory_space<vmem>>, vector<1x16xi32>,
    %swap3A_4342 = vector.shape_cast %swap3A_4341 : vector<1x16xi32> to vector<16xi32>
    %swap3A_4343 = vector.shape_cast %sub3A_4337 : vector<16xi32> to vector<1x16xi32>
    tpu.vector_store %arg5[%swap3A_4339, %swap3A_4340], %swap3A_4343 {strides = array<i32>} : memref<25x128xi32, #tpu.memory_space<vmem>>, vector<1x16xi32>,
    %get3A_4344 = arith.constant 23 : i32
    %get3A_4345 = arith.index_cast %get3A_4344 : i32 to index
    %get3A_4346 = arith.constant 64 : index
    %get3A_4347 = tpu.vector_load %arg5[%get3A_4345, %get3A_4346] {strides = array<i32>} : memref<25x128xi32, #tpu.memory_space<vmem>>, vector<1x16xi32>,
    %get3A_4348 = vector.shape_cast %get3A_4347 : vector<1x16xi32> to vector<16xi32>
    %sub3A_4349 = arith.constant 1 : i32
    %sub3A_4350 = vector.broadcast %sub3A_4349 : i32 to vector<16xi32>
    %sub3A_4351 = arith.subi %get3A_4348, %sub3A_4350 : vector<16xi32>
    %swap3A_4352 = arith.constant 23 : i32
    %swap3A_4353 = arith.index_cast %swap3A_4352 : i32 to index
    %swap3A_4354 = arith.constant 64 : index
    %swap3A_4355 = tpu.vector_load %arg5[%swap3A_4353, %swap3A_4354] {strides = array<i32>} : memref<25x128xi32, #tpu.memory_space<vmem>>, vector<1x16xi32>,
    %swap3A_4356 = vector.shape_cast %swap3A_4355 : vector<1x16xi32> to vector<16xi32>
    %swap3A_4357 = vector.shape_cast %sub3A_4351 : vector<16xi32> to vector<1x16xi32>
    tpu.vector_store %arg5[%swap3A_4353, %swap3A_4354], %swap3A_4357 {strides = array<i32>} : memref<25x128xi32, #tpu.memory_space<vmem>>, vector<1x16xi32>,
    %get3A_4358 = arith.constant 23 : i32
    %get3A_4359 = arith.index_cast %get3A_4358 : i32 to index
    %get3A_4360 = arith.constant 80 : index
    %get3A_4361 = tpu.vector_load %arg5[%get3A_4359, %get3A_4360] {strides = array<i32>} : memref<25x128xi32, #tpu.memory_space<vmem>>, vector<1x16xi32>,
    %get3A_4362 = vector.shape_cast %get3A_4361 : vector<1x16xi32> to vector<16xi32>
    %sub3A_4363 = arith.constant 1 : i32
    %sub3A_4364 = vector.broadcast %sub3A_4363 : i32 to vector<16xi32>
    %sub3A_4365 = arith.subi %get3A_4362, %sub3A_4364 : vector<16xi32>
    %swap3A_4366 = arith.constant 23 : i32
    %swap3A_4367 = arith.index_cast %swap3A_4366 : i32 to index
    %swap3A_4368 = arith.constant 80 : index
    %swap3A_4369 = tpu.vector_load %arg5[%swap3A_4367, %swap3A_4368] {strides = array<i32>} : memref<25x128xi32, #tpu.memory_space<vmem>>, vector<1x16xi32>,
    %swap3A_4370 = vector.shape_cast %swap3A_4369 : vector<1x16xi32> to vector<16xi32>
    %swap3A_4371 = vector.shape_cast %sub3A_4365 : vector<16xi32> to vector<1x16xi32>
    tpu.vector_store %arg5[%swap3A_4367, %swap3A_4368], %swap3A_4371 {strides = array<i32>} : memref<25x128xi32, #tpu.memory_space<vmem>>, vector<1x16xi32>,
    %get3A_4372 = arith.constant 23 : i32
    %get3A_4373 = arith.index_cast %get3A_4372 : i32 to index
    %get3A_4374 = arith.constant 96 : index
    %get3A_4375 = tpu.vector_load %arg5[%get3A_4373, %get3A_4374] {strides = array<i32>} : memref<25x128xi32, #tpu.memory_space<vmem>>, vector<1x16xi32>,
    %get3A_4376 = vector.shape_cast %get3A_4375 : vector<1x16xi32> to vector<16xi32>
    %sub3A_4377 = arith.constant 1 : i32
    %sub3A_4378 = vector.broadcast %sub3A_4377 : i32 to vector<16xi32>
    %sub3A_4379 = arith.subi %get3A_4376, %sub3A_4378 : vector<16xi32>
    %swap3A_4380 = arith.constant 23 : i32
    %swap3A_4381 = arith.index_cast %swap3A_4380 : i32 to index
    %swap3A_4382 = arith.constant 96 : index
    %swap3A_4383 = tpu.vector_load %arg5[%swap3A_4381, %swap3A_4382] {strides = array<i32>} : memref<25x128xi32, #tpu.memory_space<vmem>>, vector<1x16xi32>,
    %swap3A_4384 = vector.shape_cast %swap3A_4383 : vector<1x16xi32> to vector<16xi32>
    %swap3A_4385 = vector.shape_cast %sub3A_4379 : vector<16xi32> to vector<1x16xi32>
    tpu.vector_store %arg5[%swap3A_4381, %swap3A_4382], %swap3A_4385 {strides = array<i32>} : memref<25x128xi32, #tpu.memory_space<vmem>>, vector<1x16xi32>,
    %get3A_4386 = arith.constant 23 : i32
    %get3A_4387 = arith.index_cast %get3A_4386 : i32 to index
    %get3A_4388 = arith.constant 112 : index
    %get3A_4389 = tpu.vector_load %arg5[%get3A_4387, %get3A_4388] {strides = array<i32>} : memref<25x128xi32, #tpu.memory_space<vmem>>, vector<1x16xi32>,
    %get3A_4390 = vector.shape_cast %get3A_4389 : vector<1x16xi32> to vector<16xi32>
    %sub3A_4391 = arith.constant 1 : i32
    %sub3A_4392 = vector.broadcast %sub3A_4391 : i32 to vector<16xi32>
    %sub3A_4393 = arith.subi %get3A_4390, %sub3A_4392 : vector<16xi32>
    %swap3A_4394 = arith.constant 23 : i32
    %swap3A_4395 = arith.index_cast %swap3A_4394 : i32 to index
    %swap3A_4396 = arith.constant 112 : index
    %swap3A_4397 = tpu.vector_load %arg5[%swap3A_4395, %swap3A_4396] {strides = array<i32>} : memref<25x128xi32, #tpu.memory_space<vmem>>, vector<1x16xi32>,
    %swap3A_4398 = vector.shape_cast %swap3A_4397 : vector<1x16xi32> to vector<16xi32>
    %swap3A_4399 = vector.shape_cast %sub3A_4393 : vector<16xi32> to vector<1x16xi32>
    tpu.vector_store %arg5[%swap3A_4395, %swap3A_4396], %swap3A_4399 {strides = array<i32>} : memref<25x128xi32, #tpu.memory_space<vmem>>, vector<1x16xi32>,
    %dma_start3A_4400 = arith.constant 23 : i32
    %dma_start3A_4401 = arith.constant 0 : i32
    %dma_start3A_4402 = tpu.memref_slice %arg5[%dma_start3A_4400, %dma_start3A_4401] : memref<25x128xi32, #tpu.memory_space<vmem>> -> memref<1x128xi32, #tpu.memory_space<vmem>>
    %dma_start3A_4403 = tpu.memref_squeeze %dma_start3A_4402 : memref<1x128xi32, #tpu.memory_space<vmem>> -> memref<128xi32, #tpu.memory_space<vmem>>
    %dma_start3A_4404 = arith.constant 0 : i32
    %dma_start3A_4405 = arith.constant 0 : i32
    %dma_start3A_4406 = tpu.memref_slice %arg11[%dma_start3A_4404, %dma_start3A_4405] : memref<100x128xf32, #tpu.memory_space<vmem_shared>> -> memref<100x128xf32, #tpu.memory_space<vmem_shared>>
    tpu.enqueue_indirect_dma source(%dma_start3A_4406 : memref<100x128xf32, #tpu.memory_space<vmem_shared>>) target(%arg9 : memref<128x128xf32, #tpu.memory_space<vmem>>) offsets(%dma_start3A_4403 : memref<128xi32, #tpu.memory_space<vmem>>) semaphore(%arg16 : memref<!tpu.dma_semaphore, #tpu.memory_space<semaphore_mem>>)
    %dma_wait3A_4407 = arith.constant 22 : i32
    %dma_wait3A_4408 = arith.constant 0 : i32
    %dma_wait3A_4409 = tpu.memref_slice %arg5[%dma_wait3A_4407, %dma_wait3A_4408] : memref<25x128xi32, #tpu.memory_space<vmem>> -> memref<1x128xi32, #tpu.memory_space<vmem>>
    %dma_wait3A_4410 = tpu.memref_squeeze %dma_wait3A_4409 : memref<1x128xi32, #tpu.memory_space<vmem>> -> memref<128xi32, #tpu.memory_space<vmem>>
    %dma_wait3A_4411 = arith.constant 0 : i32
    %dma_wait3A_4412 = arith.constant 0 : i32
    %dma_wait3A_4413 = tpu.memref_slice %arg11[%dma_wait3A_4411, %dma_wait3A_4412] : memref<100x128xf32, #tpu.memory_space<vmem_shared>> -> memref<100x128xf32, #tpu.memory_space<vmem_shared>>
    tpu.wait_indirect_dma semaphore(%arg15 : memref<!tpu.dma_semaphore, #tpu.memory_space<semaphore_mem>>) src(%dma_wait3A_4413 : memref<100x128xf32, #tpu.memory_space<vmem_shared>>) dst(%arg8 : memref<128x128xf32, #tpu.memory_space<vmem>>)
    %add3A_4414 = arith.constant 704 : i32
    %add3A_4415 = arith.addi %add3A, %add3A_4414 : i32
    %min3A_4416 = arith.constant 781 : i32
    %min3A_4417 = arith.minsi %add3A_4415, %min3A_4416 : i32
    %mul3A_4418 = arith.constant 128 : i32
    %mul3A_4419 = arith.muli %min3A_4417, %mul3A_4418 : i32
    %min3A_4420 = arith.constant 99872 : i32
    %min3A_4421 = arith.minsi %mul3A_4419, %min3A_4420 : i32
    %multiple_of3A_4422 = tpu.assume_multiple %min3A_4421, 8 : i32
    %dma_start3A_4423 = arith.constant 0 : i32
    %dma_start3A_4424 = tpu.memref_slice %arg4[%multiple_of3A_4422, %dma_start3A_4423] : memref<100000x128xf32, #tpu.memory_space<hbm>> -> memref<128x128xf32, #tpu.memory_space<hbm>>
    %dma_start3A_4425 = arith.constant 0 : i32
    %dma_start3A_4426 = tpu.memref_slice %arg4[%multiple_of3A_4422, %dma_start3A_4425] : memref<100000x128xf32, #tpu.memory_space<hbm>> -> memref<128x128xf32, #tpu.memory_space<hbm>>
    tpu.enqueue_dma source(%arg8 : memref<128x128xf32, #tpu.memory_space<vmem>>) target(%dma_start3A_4426 : memref<128x128xf32, #tpu.memory_space<hbm>>) target_semaphore(%arg20 : memref<!tpu.dma_semaphore, #tpu.memory_space<semaphore_mem>>)
    %add3A_4427 = arith.constant 608 : i32
    %add3A_4428 = arith.addi %add3A, %add3A_4427 : i32
    %min3A_4429 = arith.constant 781 : i32
    %min3A_4430 = arith.minsi %add3A_4428, %min3A_4429 : i32
    %mul3A_4431 = arith.constant 128 : i32
    %mul3A_4432 = arith.muli %min3A_4430, %mul3A_4431 : i32
    %min3A_4433 = arith.constant 99872 : i32
    %min3A_4434 = arith.minsi %mul3A_4432, %min3A_4433 : i32
    %multiple_of3A_4435 = tpu.assume_multiple %min3A_4434, 8 : i32
    %dma_wait3A_4436 = arith.constant 0 : i32
    %dma_wait3A_4437 = tpu.memref_slice %arg4[%multiple_of3A_4435, %dma_wait3A_4436] : memref<100000x128xf32, #tpu.memory_space<hbm>> -> memref<128x128xf32, #tpu.memory_space<hbm>>
    %dma_wait3A_4438 = arith.constant 0 : i32
    %dma_wait3A_4439 = tpu.memref_slice %arg4[%multiple_of3A_4435, %dma_wait3A_4438] : memref<100000x128xf32, #tpu.memory_space<hbm>> -> memref<128x128xf32, #tpu.memory_space<hbm>>
    tpu.wait_dma2 semaphore(%arg22 : memref<!tpu.dma_semaphore, #tpu.memory_space<semaphore_mem>>) src(%arg10 : memref<128x128xf32, #tpu.memory_space<vmem>>) dst(%dma_wait3A_4439 : memref<128x128xf32, #tpu.memory_space<hbm>>)
    %lt3A_4440 = arith.constant 14 : i32
    %lt3A_4441 = arith.cmpi slt, %add3A, %lt3A_4440 : i32
    %convert_element_type3A_4442 = arith.extui %lt3A_4441 : i1 to i32
    %cond3A_4443 = arith.constant 0 : i32
    %cond3A_4444 = arith.cmpi ne, %convert_element_type3A_4442, %cond3A_4443 : i32
    scf.if %cond3A_4444 {
      %add3A_4527 = arith.constant 768 : i32
      %add3A_4528 = arith.addi %add3A, %add3A_4527 : i32
      %min3A_4529 = arith.constant 781 : i32
      %min3A_4530 = arith.minsi %add3A_4528, %min3A_4529 : i32
      %mul3A_4531 = arith.constant 128 : i32
      %mul3A_4532 = arith.muli %min3A_4530, %mul3A_4531 : i32
      %min3A_4533 = arith.constant 99872 : i32
      %min3A_4534 = arith.minsi %mul3A_4532, %min3A_4533 : i32
      %multiple_of3A_4535 = tpu.assume_multiple %min3A_4534, 8 : i32
      %dma_wait3A_4536 = arith.constant 24 : i32
      %dma_wait3A_4537 = arith.constant 0 : i32
      %dma_wait3A_4538 = tpu.memref_slice %arg5[%dma_wait3A_4536, %dma_wait3A_4537] : memref<25x128xi32, #tpu.memory_space<vmem>> -> memref<1x128xi32, #tpu.memory_space<vmem>>
      %dma_wait3A_4539 = tpu.memref_squeeze %dma_wait3A_4538 : memref<1x128xi32, #tpu.memory_space<vmem>> -> memref<128xi32, #tpu.memory_space<vmem>>
      %dma_wait3A_4540 = tpu.memref_slice %arg2[%multiple_of3A_4535] : memref<100000xi32, #tpu.memory_space<hbm>> -> memref<128xi32, #tpu.memory_space<hbm>>
      %dma_wait3A_4541 = arith.constant 0 : i32
      %dma_wait3A_4542 = tpu.memref_slice %arg5[%dma_wait3A_4536, %dma_wait3A_4541] : memref<25x128xi32, #tpu.memory_space<vmem>> -> memref<1x128xi32, #tpu.memory_space<vmem>>
      %dma_wait3A_4543 = tpu.memref_squeeze %dma_wait3A_4542 : memref<1x128xi32, #tpu.memory_space<vmem>> -> memref<128xi32, #tpu.memory_space<vmem>>
      %dma_wait3A_4544 = tpu.memref_slice %arg2[%multiple_of3A_4535] : memref<100000xi32, #tpu.memory_space<hbm>> -> memref<128xi32, #tpu.memory_space<hbm>>
      tpu.wait_dma2 semaphore(%arg12 : memref<!tpu.dma_semaphore, #tpu.memory_space<semaphore_mem>>) src(%dma_wait3A_4544 : memref<128xi32, #tpu.memory_space<hbm>>) dst(%dma_wait3A_4543 : memref<128xi32, #tpu.memory_space<vmem>>)
      %get3A_4545 = arith.constant 24 : i32
      %get3A_4546 = arith.index_cast %get3A_4545 : i32 to index
      %get3A_4547 = arith.constant 0 : index
      %get3A_4548 = tpu.vector_load %arg5[%get3A_4546, %get3A_4547] {strides = array<i32>} : memref<25x128xi32, #tpu.memory_space<vmem>>, vector<1x16xi32>,
      %get3A_4549 = vector.shape_cast %get3A_4548 : vector<1x16xi32> to vector<16xi32>
      %sub3A_4550 = arith.constant 1 : i32
      %sub3A_4551 = vector.broadcast %sub3A_4550 : i32 to vector<16xi32>
      %sub3A_4552 = arith.subi %get3A_4549, %sub3A_4551 : vector<16xi32>
      %swap3A_4553 = arith.constant 24 : i32
      %swap3A_4554 = arith.index_cast %swap3A_4553 : i32 to index
      %swap3A_4555 = arith.constant 0 : index
      %swap3A_4556 = tpu.vector_load %arg5[%swap3A_4554, %swap3A_4555] {strides = array<i32>} : memref<25x128xi32, #tpu.memory_space<vmem>>, vector<1x16xi32>,
      %swap3A_4557 = vector.shape_cast %swap3A_4556 : vector<1x16xi32> to vector<16xi32>
      %swap3A_4558 = vector.shape_cast %sub3A_4552 : vector<16xi32> to vector<1x16xi32>
      tpu.vector_store %arg5[%swap3A_4554, %swap3A_4555], %swap3A_4558 {strides = array<i32>} : memref<25x128xi32, #tpu.memory_space<vmem>>, vector<1x16xi32>,
      %get3A_4559 = arith.constant 24 : i32
      %get3A_4560 = arith.index_cast %get3A_4559 : i32 to index
      %get3A_4561 = arith.constant 16 : index
      %get3A_4562 = tpu.vector_load %arg5[%get3A_4560, %get3A_4561] {strides = array<i32>} : memref<25x128xi32, #tpu.memory_space<vmem>>, vector<1x16xi32>,
      %get3A_4563 = vector.shape_cast %get3A_4562 : vector<1x16xi32> to vector<16xi32>
      %sub3A_4564 = arith.constant 1 : i32
      %sub3A_4565 = vector.broadcast %sub3A_4564 : i32 to vector<16xi32>
      %sub3A_4566 = arith.subi %get3A_4563, %sub3A_4565 : vector<16xi32>
      %swap3A_4567 = arith.constant 24 : i32
      %swap3A_4568 = arith.index_cast %swap3A_4567 : i32 to index
      %swap3A_4569 = arith.constant 16 : index
      %swap3A_4570 = tpu.vector_load %arg5[%swap3A_4568, %swap3A_4569] {strides = array<i32>} : memref<25x128xi32, #tpu.memory_space<vmem>>, vector<1x16xi32>,
      %swap3A_4571 = vector.shape_cast %swap3A_4570 : vector<1x16xi32> to vector<16xi32>
      %swap3A_4572 = vector.shape_cast %sub3A_4566 : vector<16xi32> to vector<1x16xi32>
      tpu.vector_store %arg5[%swap3A_4568, %swap3A_4569], %swap3A_4572 {strides = array<i32>} : memref<25x128xi32, #tpu.memory_space<vmem>>, vector<1x16xi32>,
      %get3A_4573 = arith.constant 24 : i32
      %get3A_4574 = arith.index_cast %get3A_4573 : i32 to index
      %get3A_4575 = arith.constant 32 : index
      %get3A_4576 = tpu.vector_load %arg5[%get3A_4574, %get3A_4575] {strides = array<i32>} : memref<25x128xi32, #tpu.memory_space<vmem>>, vector<1x16xi32>,
      %get3A_4577 = vector.shape_cast %get3A_4576 : vector<1x16xi32> to vector<16xi32>
      %sub3A_4578 = arith.constant 1 : i32
      %sub3A_4579 = vector.broadcast %sub3A_4578 : i32 to vector<16xi32>
      %sub3A_4580 = arith.subi %get3A_4577, %sub3A_4579 : vector<16xi32>
      %swap3A_4581 = arith.constant 24 : i32
      %swap3A_4582 = arith.index_cast %swap3A_4581 : i32 to index
      %swap3A_4583 = arith.constant 32 : index
      %swap3A_4584 = tpu.vector_load %arg5[%swap3A_4582, %swap3A_4583] {strides = array<i32>} : memref<25x128xi32, #tpu.memory_space<vmem>>, vector<1x16xi32>,
      %swap3A_4585 = vector.shape_cast %swap3A_4584 : vector<1x16xi32> to vector<16xi32>
      %swap3A_4586 = vector.shape_cast %sub3A_4580 : vector<16xi32> to vector<1x16xi32>
      tpu.vector_store %arg5[%swap3A_4582, %swap3A_4583], %swap3A_4586 {strides = array<i32>} : memref<25x128xi32, #tpu.memory_space<vmem>>, vector<1x16xi32>,
      %get3A_4587 = arith.constant 24 : i32
      %get3A_4588 = arith.index_cast %get3A_4587 : i32 to index
      %get3A_4589 = arith.constant 48 : index
      %get3A_4590 = tpu.vector_load %arg5[%get3A_4588, %get3A_4589] {strides = array<i32>} : memref<25x128xi32, #tpu.memory_space<vmem>>, vector<1x16xi32>,
      %get3A_4591 = vector.shape_cast %get3A_4590 : vector<1x16xi32> to vector<16xi32>
      %sub3A_4592 = arith.constant 1 : i32
      %sub3A_4593 = vector.broadcast %sub3A_4592 : i32 to vector<16xi32>
      %sub3A_4594 = arith.subi %get3A_4591, %sub3A_4593 : vector<16xi32>
      %swap3A_4595 = arith.constant 24 : i32
      %swap3A_4596 = arith.index_cast %swap3A_4595 : i32 to index
      %swap3A_4597 = arith.constant 48 : index
      %swap3A_4598 = tpu.vector_load %arg5[%swap3A_4596, %swap3A_4597] {strides = array<i32>} : memref<25x128xi32, #tpu.memory_space<vmem>>, vector<1x16xi32>,
      %swap3A_4599 = vector.shape_cast %swap3A_4598 : vector<1x16xi32> to vector<16xi32>
      %swap3A_4600 = vector.shape_cast %sub3A_4594 : vector<16xi32> to vector<1x16xi32>
      tpu.vector_store %arg5[%swap3A_4596, %swap3A_4597], %swap3A_4600 {strides = array<i32>} : memref<25x128xi32, #tpu.memory_space<vmem>>, vector<1x16xi32>,
      %get3A_4601 = arith.constant 24 : i32
      %get3A_4602 = arith.index_cast %get3A_4601 : i32 to index
      %get3A_4603 = arith.constant 64 : index
      %get3A_4604 = tpu.vector_load %arg5[%get3A_4602, %get3A_4603] {strides = array<i32>} : memref<25x128xi32, #tpu.memory_space<vmem>>, vector<1x16xi32>,
      %get3A_4605 = vector.shape_cast %get3A_4604 : vector<1x16xi32> to vector<16xi32>
      %sub3A_4606 = arith.constant 1 : i32
      %sub3A_4607 = vector.broadcast %sub3A_4606 : i32 to vector<16xi32>
      %sub3A_4608 = arith.subi %get3A_4605, %sub3A_4607 : vector<16xi32>
      %swap3A_4609 = arith.constant 24 : i32
      %swap3A_4610 = arith.index_cast %swap3A_4609 : i32 to index
      %swap3A_4611 = arith.constant 64 : index
      %swap3A_4612 = tpu.vector_load %arg5[%swap3A_4610, %swap3A_4611] {strides = array<i32>} : memref<25x128xi32, #tpu.memory_space<vmem>>, vector<1x16xi32>,
      %swap3A_4613 = vector.shape_cast %swap3A_4612 : vector<1x16xi32> to vector<16xi32>
      %swap3A_4614 = vector.shape_cast %sub3A_4608 : vector<16xi32> to vector<1x16xi32>
      tpu.vector_store %arg5[%swap3A_4610, %swap3A_4611], %swap3A_4614 {strides = array<i32>} : memref<25x128xi32, #tpu.memory_space<vmem>>, vector<1x16xi32>,
      %get3A_4615 = arith.constant 24 : i32
      %get3A_4616 = arith.index_cast %get3A_4615 : i32 to index
      %get3A_4617 = arith.constant 80 : index
      %get3A_4618 = tpu.vector_load %arg5[%get3A_4616, %get3A_4617] {strides = array<i32>} : memref<25x128xi32, #tpu.memory_space<vmem>>, vector<1x16xi32>,
      %get3A_4619 = vector.shape_cast %get3A_4618 : vector<1x16xi32> to vector<16xi32>
      %sub3A_4620 = arith.constant 1 : i32
      %sub3A_4621 = vector.broadcast %sub3A_4620 : i32 to vector<16xi32>
      %sub3A_4622 = arith.subi %get3A_4619, %sub3A_4621 : vector<16xi32>
      %swap3A_4623 = arith.constant 24 : i32
      %swap3A_4624 = arith.index_cast %swap3A_4623 : i32 to index
      %swap3A_4625 = arith.constant 80 : index
      %swap3A_4626 = tpu.vector_load %arg5[%swap3A_4624, %swap3A_4625] {strides = array<i32>} : memref<25x128xi32, #tpu.memory_space<vmem>>, vector<1x16xi32>,
      %swap3A_4627 = vector.shape_cast %swap3A_4626 : vector<1x16xi32> to vector<16xi32>
      %swap3A_4628 = vector.shape_cast %sub3A_4622 : vector<16xi32> to vector<1x16xi32>
      tpu.vector_store %arg5[%swap3A_4624, %swap3A_4625], %swap3A_4628 {strides = array<i32>} : memref<25x128xi32, #tpu.memory_space<vmem>>, vector<1x16xi32>,
      %get3A_4629 = arith.constant 24 : i32
      %get3A_4630 = arith.index_cast %get3A_4629 : i32 to index
      %get3A_4631 = arith.constant 96 : index
      %get3A_4632 = tpu.vector_load %arg5[%get3A_4630, %get3A_4631] {strides = array<i32>} : memref<25x128xi32, #tpu.memory_space<vmem>>, vector<1x16xi32>,
      %get3A_4633 = vector.shape_cast %get3A_4632 : vector<1x16xi32> to vector<16xi32>
      %sub3A_4634 = arith.constant 1 : i32
      %sub3A_4635 = vector.broadcast %sub3A_4634 : i32 to vector<16xi32>
      %sub3A_4636 = arith.subi %get3A_4633, %sub3A_4635 : vector<16xi32>
      %swap3A_4637 = arith.constant 24 : i32
      %swap3A_4638 = arith.index_cast %swap3A_4637 : i32 to index
      %swap3A_4639 = arith.constant 96 : index
      %swap3A_4640 = tpu.vector_load %arg5[%swap3A_4638, %swap3A_4639] {strides = array<i32>} : memref<25x128xi32, #tpu.memory_space<vmem>>, vector<1x16xi32>,
      %swap3A_4641 = vector.shape_cast %swap3A_4640 : vector<1x16xi32> to vector<16xi32>
      %swap3A_4642 = vector.shape_cast %sub3A_4636 : vector<16xi32> to vector<1x16xi32>
      tpu.vector_store %arg5[%swap3A_4638, %swap3A_4639], %swap3A_4642 {strides = array<i32>} : memref<25x128xi32, #tpu.memory_space<vmem>>, vector<1x16xi32>,
      %get3A_4643 = arith.constant 24 : i32
      %get3A_4644 = arith.index_cast %get3A_4643 : i32 to index
      %get3A_4645 = arith.constant 112 : index
      %get3A_4646 = tpu.vector_load %arg5[%get3A_4644, %get3A_4645] {strides = array<i32>} : memref<25x128xi32, #tpu.memory_space<vmem>>, vector<1x16xi32>,
      %get3A_4647 = vector.shape_cast %get3A_4646 : vector<1x16xi32> to vector<16xi32>
      %sub3A_4648 = arith.constant 1 : i32
      %sub3A_4649 = vector.broadcast %sub3A_4648 : i32 to vector<16xi32>
      %sub3A_4650 = arith.subi %get3A_4647, %sub3A_4649 : vector<16xi32>
      %swap3A_4651 = arith.constant 24 : i32
      %swap3A_4652 = arith.index_cast %swap3A_4651 : i32 to index
      %swap3A_4653 = arith.constant 112 : index
      %swap3A_4654 = tpu.vector_load %arg5[%swap3A_4652, %swap3A_4653] {strides = array<i32>} : memref<25x128xi32, #tpu.memory_space<vmem>>, vector<1x16xi32>,
      %swap3A_4655 = vector.shape_cast %swap3A_4654 : vector<1x16xi32> to vector<16xi32>
      %swap3A_4656 = vector.shape_cast %sub3A_4650 : vector<16xi32> to vector<1x16xi32>
      tpu.vector_store %arg5[%swap3A_4652, %swap3A_4653], %swap3A_4656 {strides = array<i32>} : memref<25x128xi32, #tpu.memory_space<vmem>>, vector<1x16xi32>,
      %dma_start3A_4657 = arith.constant 24 : i32
      %dma_start3A_4658 = arith.constant 0 : i32
      %dma_start3A_4659 = tpu.memref_slice %arg5[%dma_start3A_4657, %dma_start3A_4658] : memref<25x128xi32, #tpu.memory_space<vmem>> -> memref<1x128xi32, #tpu.memory_space<vmem>>
      %dma_start3A_4660 = tpu.memref_squeeze %dma_start3A_4659 : memref<1x128xi32, #tpu.memory_space<vmem>> -> memref<128xi32, #tpu.memory_space<vmem>>
      %dma_start3A_4661 = arith.constant 0 : i32
      %dma_start3A_4662 = arith.constant 0 : i32
      %dma_start3A_4663 = tpu.memref_slice %arg11[%dma_start3A_4661, %dma_start3A_4662] : memref<100x128xf32, #tpu.memory_space<vmem_shared>> -> memref<100x128xf32, #tpu.memory_space<vmem_shared>>
      tpu.enqueue_indirect_dma source(%dma_start3A_4663 : memref<100x128xf32, #tpu.memory_space<vmem_shared>>) target(%arg10 : memref<128x128xf32, #tpu.memory_space<vmem>>) offsets(%dma_start3A_4660 : memref<128xi32, #tpu.memory_space<vmem>>) semaphore(%arg17 : memref<!tpu.dma_semaphore, #tpu.memory_space<semaphore_mem>>)
    } else {
    }
    %dma_wait3A_4445 = arith.constant 23 : i32
    %dma_wait3A_4446 = arith.constant 0 : i32
    %dma_wait3A_4447 = tpu.memref_slice %arg5[%dma_wait3A_4445, %dma_wait3A_4446] : memref<25x128xi32, #tpu.memory_space<vmem>> -> memref<1x128xi32, #tpu.memory_space<vmem>>
    %dma_wait3A_4448 = tpu.memref_squeeze %dma_wait3A_4447 : memref<1x128xi32, #tpu.memory_space<vmem>> -> memref<128xi32, #tpu.memory_space<vmem>>
    %dma_wait3A_4449 = arith.constant 0 : i32
    %dma_wait3A_4450 = arith.constant 0 : i32
    %dma_wait3A_4451 = tpu.memref_slice %arg11[%dma_wait3A_4449, %dma_wait3A_4450] : memref<100x128xf32, #tpu.memory_space<vmem_shared>> -> memref<100x128xf32, #tpu.memory_space<vmem_shared>>
    tpu.wait_indirect_dma semaphore(%arg16 : memref<!tpu.dma_semaphore, #tpu.memory_space<semaphore_mem>>) src(%dma_wait3A_4451 : memref<100x128xf32, #tpu.memory_space<vmem_shared>>) dst(%arg9 : memref<128x128xf32, #tpu.memory_space<vmem>>)
    %add3A_4452 = arith.constant 736 : i32
    %add3A_4453 = arith.addi %add3A, %add3A_4452 : i32
    %min3A_4454 = arith.constant 781 : i32
    %min3A_4455 = arith.minsi %add3A_4453, %min3A_4454 : i32
    %mul3A_4456 = arith.constant 128 : i32
    %mul3A_4457 = arith.muli %min3A_4455, %mul3A_4456 : i32
    %min3A_4458 = arith.constant 99872 : i32
    %min3A_4459 = arith.minsi %mul3A_4457, %min3A_4458 : i32
    %multiple_of3A_4460 = tpu.assume_multiple %min3A_4459, 8 : i32
    %dma_start3A_4461 = arith.constant 0 : i32
    %dma_start3A_4462 = tpu.memref_slice %arg4[%multiple_of3A_4460, %dma_start3A_4461] : memref<100000x128xf32, #tpu.memory_space<hbm>> -> memref<128x128xf32, #tpu.memory_space<hbm>>
    %dma_start3A_4463 = arith.constant 0 : i32
    %dma_start3A_4464 = tpu.memref_slice %arg4[%multiple_of3A_4460, %dma_start3A_4463] : memref<100000x128xf32, #tpu.memory_space<hbm>> -> memref<128x128xf32, #tpu.memory_space<hbm>>
    tpu.enqueue_dma source(%arg9 : memref<128x128xf32, #tpu.memory_space<vmem>>) target(%dma_start3A_4464 : memref<128x128xf32, #tpu.memory_space<hbm>>) target_semaphore(%arg21 : memref<!tpu.dma_semaphore, #tpu.memory_space<semaphore_mem>>)
    %lt3A_4465 = arith.constant 14 : i32
    %lt3A_4466 = arith.cmpi slt, %add3A, %lt3A_4465 : i32
    %convert_element_type3A_4467 = arith.extui %lt3A_4466 : i1 to i32
    %cond3A_4468 = arith.constant 0 : i32
    %cond3A_4469 = arith.cmpi ne, %convert_element_type3A_4467, %cond3A_4468 : i32
    scf.if %cond3A_4469 {
      %dma_wait3A_4527 = arith.constant 24 : i32
      %dma_wait3A_4528 = arith.constant 0 : i32
      %dma_wait3A_4529 = tpu.memref_slice %arg5[%dma_wait3A_4527, %dma_wait3A_4528] : memref<25x128xi32, #tpu.memory_space<vmem>> -> memref<1x128xi32, #tpu.memory_space<vmem>>
      %dma_wait3A_4530 = tpu.memref_squeeze %dma_wait3A_4529 : memref<1x128xi32, #tpu.memory_space<vmem>> -> memref<128xi32, #tpu.memory_space<vmem>>
      %dma_wait3A_4531 = arith.constant 0 : i32
      %dma_wait3A_4532 = arith.constant 0 : i32
      %dma_wait3A_4533 = tpu.memref_slice %arg11[%dma_wait3A_4531, %dma_wait3A_4532] : memref<100x128xf32, #tpu.memory_space<vmem_shared>> -> memref<100x128xf32, #tpu.memory_space<vmem_shared>>
      tpu.wait_indirect_dma semaphore(%arg17 : memref<!tpu.dma_semaphore, #tpu.memory_space<semaphore_mem>>) src(%dma_wait3A_4533 : memref<100x128xf32, #tpu.memory_space<vmem_shared>>) dst(%arg10 : memref<128x128xf32, #tpu.memory_space<vmem>>)
      %add3A_4534 = arith.constant 768 : i32
      %add3A_4535 = arith.addi %add3A, %add3A_4534 : i32
      %min3A_4536 = arith.constant 781 : i32
      %min3A_4537 = arith.minsi %add3A_4535, %min3A_4536 : i32
      %mul3A_4538 = arith.constant 128 : i32
      %mul3A_4539 = arith.muli %min3A_4537, %mul3A_4538 : i32
      %min3A_4540 = arith.constant 99872 : i32
      %min3A_4541 = arith.minsi %mul3A_4539, %min3A_4540 : i32
      %multiple_of3A_4542 = tpu.assume_multiple %min3A_4541, 8 : i32
      %dma_start3A_4543 = arith.constant 0 : i32
      %dma_start3A_4544 = tpu.memref_slice %arg4[%multiple_of3A_4542, %dma_start3A_4543] : memref<100000x128xf32, #tpu.memory_space<hbm>> -> memref<128x128xf32, #tpu.memory_space<hbm>>
      %dma_start3A_4545 = arith.constant 0 : i32
      %dma_start3A_4546 = tpu.memref_slice %arg4[%multiple_of3A_4542, %dma_start3A_4545] : memref<100000x128xf32, #tpu.memory_space<hbm>> -> memref<128x128xf32, #tpu.memory_space<hbm>>
      tpu.enqueue_dma source(%arg10 : memref<128x128xf32, #tpu.memory_space<vmem>>) target(%dma_start3A_4546 : memref<128x128xf32, #tpu.memory_space<hbm>>) target_semaphore(%arg22 : memref<!tpu.dma_semaphore, #tpu.memory_space<semaphore_mem>>)
    } else {
    }
    %add3A_4470 = arith.constant 640 : i32
    %add3A_4471 = arith.addi %add3A, %add3A_4470 : i32
    %min3A_4472 = arith.constant 781 : i32
    %min3A_4473 = arith.minsi %add3A_4471, %min3A_4472 : i32
    %mul3A_4474 = arith.constant 128 : i32
    %mul3A_4475 = arith.muli %min3A_4473, %mul3A_4474 : i32
    %min3A_4476 = arith.constant 99872 : i32
    %min3A_4477 = arith.minsi %mul3A_4475, %min3A_4476 : i32
    %multiple_of3A_4478 = tpu.assume_multiple %min3A_4477, 8 : i32
    %dma_wait3A_4479 = arith.constant 0 : i32
    %dma_wait3A_4480 = tpu.memref_slice %arg4[%multiple_of3A_4478, %dma_wait3A_4479] : memref<100000x128xf32, #tpu.memory_space<hbm>> -> memref<128x128xf32, #tpu.memory_space<hbm>>
    %dma_wait3A_4481 = arith.constant 0 : i32
    %dma_wait3A_4482 = tpu.memref_slice %arg4[%multiple_of3A_4478, %dma_wait3A_4481] : memref<100000x128xf32, #tpu.memory_space<hbm>> -> memref<128x128xf32, #tpu.memory_space<hbm>>
    tpu.wait_dma2 semaphore(%arg18 : memref<!tpu.dma_semaphore, #tpu.memory_space<semaphore_mem>>) src(%arg6 : memref<128x128xf32, #tpu.memory_space<vmem>>) dst(%dma_wait3A_4482 : memref<128x128xf32, #tpu.memory_space<hbm>>)
    %add3A_4483 = arith.constant 672 : i32
    %add3A_4484 = arith.addi %add3A, %add3A_4483 : i32
    %min3A_4485 = arith.constant 781 : i32
    %min3A_4486 = arith.minsi %add3A_4484, %min3A_4485 : i32
    %mul3A_4487 = arith.constant 128 : i32
    %mul3A_4488 = arith.muli %min3A_4486, %mul3A_4487 : i32
    %min3A_4489 = arith.constant 99872 : i32
    %min3A_4490 = arith.minsi %mul3A_4488, %min3A_4489 : i32
    %multiple_of3A_4491 = tpu.assume_multiple %min3A_4490, 8 : i32
    %dma_wait3A_4492 = arith.constant 0 : i32
    %dma_wait3A_4493 = tpu.memref_slice %arg4[%multiple_of3A_4491, %dma_wait3A_4492] : memref<100000x128xf32, #tpu.memory_space<hbm>> -> memref<128x128xf32, #tpu.memory_space<hbm>>
    %dma_wait3A_4494 = arith.constant 0 : i32
    %dma_wait3A_4495 = tpu.memref_slice %arg4[%multiple_of3A_4491, %dma_wait3A_4494] : memref<100000x128xf32, #tpu.memory_space<hbm>> -> memref<128x128xf32, #tpu.memory_space<hbm>>
    tpu.wait_dma2 semaphore(%arg19 : memref<!tpu.dma_semaphore, #tpu.memory_space<semaphore_mem>>) src(%arg7 : memref<128x128xf32, #tpu.memory_space<vmem>>) dst(%dma_wait3A_4495 : memref<128x128xf32, #tpu.memory_space<hbm>>)
    %add3A_4496 = arith.constant 704 : i32
    %add3A_4497 = arith.addi %add3A, %add3A_4496 : i32
    %min3A_4498 = arith.constant 781 : i32
    %min3A_4499 = arith.minsi %add3A_4497, %min3A_4498 : i32
    %mul3A_4500 = arith.constant 128 : i32
    %mul3A_4501 = arith.muli %min3A_4499, %mul3A_4500 : i32
    %min3A_4502 = arith.constant 99872 : i32
    %min3A_4503 = arith.minsi %mul3A_4501, %min3A_4502 : i32
    %multiple_of3A_4504 = tpu.assume_multiple %min3A_4503, 8 : i32
    %dma_wait3A_4505 = arith.constant 0 : i32
    %dma_wait3A_4506 = tpu.memref_slice %arg4[%multiple_of3A_4504, %dma_wait3A_4505] : memref<100000x128xf32, #tpu.memory_space<hbm>> -> memref<128x128xf32, #tpu.memory_space<hbm>>
    %dma_wait3A_4507 = arith.constant 0 : i32
    %dma_wait3A_4508 = tpu.memref_slice %arg4[%multiple_of3A_4504, %dma_wait3A_4507] : memref<100000x128xf32, #tpu.memory_space<hbm>> -> memref<128x128xf32, #tpu.memory_space<hbm>>
    tpu.wait_dma2 semaphore(%arg20 : memref<!tpu.dma_semaphore, #tpu.memory_space<semaphore_mem>>) src(%arg8 : memref<128x128xf32, #tpu.memory_space<vmem>>) dst(%dma_wait3A_4508 : memref<128x128xf32, #tpu.memory_space<hbm>>)
    %add3A_4509 = arith.constant 736 : i32
    %add3A_4510 = arith.addi %add3A, %add3A_4509 : i32
    %min3A_4511 = arith.constant 781 : i32
    %min3A_4512 = arith.minsi %add3A_4510, %min3A_4511 : i32
    %mul3A_4513 = arith.constant 128 : i32
    %mul3A_4514 = arith.muli %min3A_4512, %mul3A_4513 : i32
    %min3A_4515 = arith.constant 99872 : i32
    %min3A_4516 = arith.minsi %mul3A_4514, %min3A_4515 : i32
    %multiple_of3A_4517 = tpu.assume_multiple %min3A_4516, 8 : i32
    %dma_wait3A_4518 = arith.constant 0 : i32
    %dma_wait3A_4519 = tpu.memref_slice %arg4[%multiple_of3A_4517, %dma_wait3A_4518] : memref<100000x128xf32, #tpu.memory_space<hbm>> -> memref<128x128xf32, #tpu.memory_space<hbm>>
    %dma_wait3A_4520 = arith.constant 0 : i32
    %dma_wait3A_4521 = tpu.memref_slice %arg4[%multiple_of3A_4517, %dma_wait3A_4520] : memref<100000x128xf32, #tpu.memory_space<hbm>> -> memref<128x128xf32, #tpu.memory_space<hbm>>
    tpu.wait_dma2 semaphore(%arg21 : memref<!tpu.dma_semaphore, #tpu.memory_space<semaphore_mem>>) src(%arg9 : memref<128x128xf32, #tpu.memory_space<vmem>>) dst(%dma_wait3A_4521 : memref<128x128xf32, #tpu.memory_space<hbm>>)
    %lt3A_4522 = arith.constant 14 : i32
    %lt3A_4523 = arith.cmpi slt, %add3A, %lt3A_4522 : i32
    %convert_element_type3A_4524 = arith.extui %lt3A_4523 : i1 to i32
    %cond3A_4525 = arith.constant 0 : i32
    %cond3A_4526 = arith.cmpi ne, %convert_element_type3A_4524, %cond3A_4525 : i32
    scf.if %cond3A_4526 {
      %add3A_4527 = arith.constant 768 : i32
      %add3A_4528 = arith.addi %add3A, %add3A_4527 : i32
      %min3A_4529 = arith.constant 781 : i32
      %min3A_4530 = arith.minsi %add3A_4528, %min3A_4529 : i32
      %mul3A_4531 = arith.constant 128 : i32
      %mul3A_4532 = arith.muli %min3A_4530, %mul3A_4531 : i32
      %min3A_4533 = arith.constant 99872 : i32
      %min3A_4534 = arith.minsi %mul3A_4532, %min3A_4533 : i32
      %multiple_of3A_4535 = tpu.assume_multiple %min3A_4534, 8 : i32
      %dma_wait3A_4536 = arith.constant 0 : i32
      %dma_wait3A_4537 = tpu.memref_slice %arg4[%multiple_of3A_4535, %dma_wait3A_4536] : memref<100000x128xf32, #tpu.memory_space<hbm>> -> memref<128x128xf32, #tpu.memory_space<hbm>>
      %dma_wait3A_4538 = arith.constant 0 : i32
      %dma_wait3A_4539 = tpu.memref_slice %arg4[%multiple_of3A_4535, %dma_wait3A_4538] : memref<100000x128xf32, #tpu.memory_space<hbm>> -> memref<128x128xf32, #tpu.memory_space<hbm>>
      tpu.wait_dma2 semaphore(%arg22 : memref<!tpu.dma_semaphore, #tpu.memory_space<semaphore_mem>>) src(%arg10 : memref<128x128xf32, #tpu.memory_space<vmem>>) dst(%dma_wait3A_4539 : memref<128x128xf32, #tpu.memory_space<hbm>>)
    } else {
    }
    return
  }
}

</mosaic_0001>

<sc_bundles>
// kernel: kernel.3.cloned.1.call-start
scs
__scs_entry_jumppad:
0x0: {  	(pc) =	sbr.rel $0x88, $3  }
0x1: {  	(tag) =	ssettag $0x0;
	lr =	simm.s32 $0x1  }
0x2: {  	[smem:$0x3F9F] =	sst lr;
	_ =	strace $0xD0000000  }
0x3: {  	_ = 	snop  }
0x4: {  	_ = 	snop  }
0x5: {  	_ = 	snop  }
0x6: {  	_ = 	snop  }
0x7: {  	_ = 	snop  }
__scs_overlays_trampoline_lowered:
0x8: {  	[smem:$0x3FAE] =	sst s0  }
0x9: {  	[smem:$0x3FAF] =	sst s1  }
0xa: {  	[smem:$0x3FB0] =	sst s2  }
0xb: {  	[smem:$0x3FB1] =	sst s3  }
0xc: {  	[smem:$0x3FB2] =	sst s4  }
0xd: {  	[smem:$0x3FB3] =	sst s5  }
0xe: {  	[smem:$0x3FB4] =	sst s6  }
0xf: {  	[smem:$0x3FB5] =	sst s7  }
0x10: {  	[smem:$0x3FB6] =	sst s8  }
0x11: {  	[smem:$0x3FB7] =	sst s9;
	s0 =	simm.s32 @!p0 $0x0  }
0x12: {  	s1 =	sld [smem:$0x3F9D];
	s0 =	simm.s32 @p0 $0x1  }
0x13: {  	[smem:$0x3FB8] =	sst s0;
	s0 =	simm.s32 @!p1 $0x0  }
0x14: {  	s2 =	sld [smem:$0x3F9C];
	s0 =	simm.s32 @p1 $0x1  }
0x15: {  	[smem:$0x3FB9] =	sst s0;
	s0 =	simm.s32 @!p2 $0x0  }
0x16: {  	s3 =	sld [smem:$0x3FDB];
	s0 =	simm.s32 @p2 $0x1  }
0x17: {  	s4 =	simm.s32 $0x1BF5;
	[smem:$0x3FBB] =	sst s0  }
0x18: {  	s0 =	sld [smem:$0x3F9E];
	_ =	swait.ge [sflag:s4], $0x0  }
0x19: {  	s7 =	sld [smem:$0x3F9F]  }
0x1a: {  	s8 =	sadd.s32 $0xFFFFE003, lr  }
0x1b: {  	s9 =	sadd.s32 $0xFFFFFEF7, lr;
	s5 =	simm.s32 $0xFFFFFFFF;
	p2 =	slt.u32 s8, $0xFFFFF086  }
0x1c: {  	p1 =	slt.u32 s9, $0xF7A;
	s5 =	simm.s32 @!p2 $0x0  }
0x1d: {  	s5 =	simm.s32 @p1 $0x1;
	p0 =	seq.s32 s7, s2  }
0x1e: {  	s7 =	smul.u32 @!p0 $0xF7A, s2;
	p2 =	seq.s32 @!p0 s5, $0x0  }
0x1f: {  	s9 =	smul.u32 $0xF7A, s1;
	s8 =	simm.s32 @!p0 $0x1BF5;
	p2 =	por !p2, p0  }
0x20: {  	[sflag:s8] =	ssyncset.s32 @!p0 $0xFFFFF086;
	s6 =	sadd.s32 @!p0 s3, s7;
	s7 =	simm.s32 @!p0 $0x108  }
0x21: {  	s3 =	sadd.s32 s3, s9;
	s6 =	sadd.s32 @!p0 $0x88, s6;
	s7 =	simm.s32 @p2 $0x1082  }
0x22: {  	[simem:s7], [sflag:s8] =	dma.local @!p0 [hbm:s6], $0xF7A  }
0x23: {  	s9 =	sor.u32 $0xD0000000, s2;
	s6 =	simm.s32 $0x108;
	_ =	swait.ge @!p0 [sflag:s8], $0x0  }
0x24: {  	s3 =	sadd.s32 $0x88, s3;
	s6 =	simm.s32 @!p1 $0x1082;
	[sflag:s4] =	ssyncset.s32 $0xFFFFF086  }
0x25: {  	[simem:s6], [sflag:s4] =	dma.local [hbm:s3], $0xF7A  }
0x26: {  	[smem:$0x3F9F] =	sst s1;
	(tag) =	ssettag s2;
	_ =	strace s9  }
0x27: {  	s1 =	sld [smem:$0x3FAF]  }
0x28: {  	s2 =	sld [smem:$0x3FB0]  }
0x29: {  	s4 =	sld [smem:$0x3FB2]  }
0x2a: {  	p0 =	seq.s32 s5, $0x0;
	s5 =	sld [smem:$0x3FB3]  }
0x2b: {  	s6 =	sld [smem:$0x3FB4]  }
0x2c: {  	s7 =	sld [smem:$0x3FB5]  }
0x2d: {  	s3 =	simm.s32 $0x108;
	s8 =	sld [smem:$0x3FB6]  }
0x2e: {  	s3 =	simm.s32 @!p0 $0x1082;
	s9 =	sld [smem:$0x3FB7]  }
0x2f: {  	lr =	sadd.s32 s0, s3;
	s0 =	sld [smem:$0x3FAE]  }
0x30: {  	s3 =	sld [smem:$0x3FB1]  }
0x31: {  	[smem:$0x3FBA] =	sst s10  }
0x32: {  	s10 =	sld [smem:$0x3FB8];
	_ =	sdelay $0x3  }
0x33: {  	p0 =	seq.s32 s10, $0x1;
	s10 =	sld [smem:$0x3FBA];
	_ =	sdelay $0x3  }
0x34: {  	[smem:$0x3FBA] =	sst s10  }
0x35: {  	s10 =	sld [smem:$0x3FB9];
	_ =	sdelay $0x3  }
0x36: {  	p1 =	seq.s32 s10, $0x1;
	s10 =	sld [smem:$0x3FBA];
	_ =	sdelay $0x3  }
0x37: {  	[smem:$0x3FBA] =	sst s10  }
0x38: {  	s10 =	sld [smem:$0x3FBB]  }
0x39: {  	_ = 	snop;
	(pc) =	sbr.ind lr, $3  }
0x3a: {  	_ = 	snop  }
0x3b: {  	_ = 	snop  }
0x3c: {  	p2 =	seq.s32 s10, $0x1;
	s10 =	sld [smem:$0x3FBA]  }
0x3d: {  	_ =	shalt  }
0x3e: {  	_ =	shalt  }
0x3f: {  	_ =	shalt  }
0x40: {  	_ =	shalt  }
0x41: {  	_ =	shalt  }
0x42: {  	_ =	shalt  }
0x43: {  	_ =	shalt  }
0x44: {  	_ =	shalt  }
0x45: {  	_ =	shalt  }
0x46: {  	_ =	shalt  }
0x47: {  	_ =	shalt  }
0x48: {  	_ =	shalt  }
0x49: {  	_ =	shalt  }
0x4a: {  	_ =	shalt  }
0x4b: {  	_ =	shalt  }
0x4c: {  	_ =	shalt  }
0x4d: {  	_ =	shalt  }
0x4e: {  	_ =	shalt  }
0x4f: {  	_ =	shalt  }
0x50: {  	_ =	shalt  }
0x51: {  	_ =	shalt  }
0x52: {  	_ =	shalt  }
0x53: {  	_ =	shalt  }
0x54: {  	_ =	shalt  }
0x55: {  	_ =	shalt  }
0x56: {  	_ =	shalt  }
0x57: {  	_ =	shalt  }
0x58: {  	_ =	shalt  }
0x59: {  	_ =	shalt  }
0x5a: {  	_ =	shalt  }
0x5b: {  	_ =	shalt  }
0x5c: {  	_ =	shalt  }
0x5d: {  	_ =	shalt  }
0x5e: {  	_ =	shalt  }
0x5f: {  	_ =	shalt  }
0x60: {  	_ =	shalt  }
0x61: {  	_ =	shalt  }
0x62: {  	_ =	shalt  }
0x63: {  	_ =	shalt  }
0x64: {  	_ =	shalt  }
0x65: {  	_ =	shalt  }
0x66: {  	_ =	shalt  }
0x67: {  	_ =	shalt  }
0x68: {  	_ =	shalt  }
0x69: {  	_ =	shalt  }
0x6a: {  	_ =	shalt  }
0x6b: {  	_ =	shalt  }
0x6c: {  	_ =	shalt  }
0x6d: {  	_ =	shalt  }
0x6e: {  	_ =	shalt  }
0x6f: {  	_ =	shalt  }
0x70: {  	_ =	shalt  }
0x71: {  	_ =	shalt  }
0x72: {  	_ =	shalt  }
0x73: {  	_ =	shalt  }
0x74: {  	_ =	shalt  }
0x75: {  	_ =	shalt  }
0x76: {  	_ =	shalt  }
0x77: {  	_ =	shalt  }
0x78: {  	_ =	shalt  }
0x79: {  	_ =	shalt  }
0x7a: {  	_ =	shalt  }
0x7b: {  	_ =	shalt  }
0x7c: {  	_ =	shalt  }
0x7d: {  	_ =	shalt  }
0x7e: {  	_ =	shalt  }
0x7f: {  	_ =	shalt  }
0x80: {  	_ =	shalt  }
0x81: {  	_ =	shalt  }
0x82: {  	_ =	shalt  }
0x83: {  	_ =	shalt  }
0x84: {  	_ =	shalt  }
0x85: {  	_ =	shalt  }
0x86: {  	_ =	shalt  }
0x87: {  	_ =	shalt  }
.Lfunc_end0:
.L_simem_size_0:
called_computation_lowered:
.L_overlay_start_0:
0x88: {  	s2 =	sld [smem:$0x3FD9]  }
0x89: {  	s3 =	sld [smem:$0x3FFE];
	_ =	sdelay $0x1  }
0x8a: {  	s1 =	srdreg.scid  }
0x8b: {  	s0 =	sand.u32 $0x1, s1  }
0x8c: {  	s18 =	sshll.u32 s0, $0xA;
	s2 =	sadd.s32 s3, s2  }
0x8d: {  	s2 =	sadd.s32 s2, s18  }
0x8e: {  	[smem:$0x3FC6] =	sst s2  }
0x8f: {  	_ = 	snop  }
0x90: {  	s2 =	sld [smem:$0x3FC9]  }
0x91: {  	s19 =	sld [smem:$0x3FC8]  }
0x92: {  	s4 =	sld [smem:$0x3FD0];
	(tm) =	ssettm $0x1  }
0x93: {  	s5 =	sld [smem:$0x3FFB];
	_ =	sdelay $0x3  }
0x94: {  	_ =	strace s5  }
0x95: {  	s5 =	sld [smem:$0x3FFC];
	_ =	sdelay $0x3  }
0x96: {  	_ =	strace s5  }
0x97: {  	s5 =	sld [smem:$0x3FFD];
	_ =	sdelay $0x3  }
0x98: {  	_ =	strace s5  }
0x99: {  	_ =	strace $0x8FFFFFFF  }
0x9a: {  	s20 =	sld [smem:$0x3FDB];
	_ =	sdelay $0x1  }
0x9b: {  	s6 =	simm.s32 $_scs_section_size  }
0x9c: {  	s7 =	simm.s32 $_size__tile_overlayer_lowered;
	s8 =	simm.s32 $_tile_overlayer_lowered  }
0x9d: {  	s23 =	simm.s32 $0x1BFF;
	s22 =	sshll.u32 s8, $0x1;
	s5 =	sadd.s32 s6, s20  }
0x9e: {  	s9 =	simm.s32 $0x0;
	s21 =	sshll.u32 s7, $0x1;
	s7 =	sadd.s32 s22, s5  }
0x9f: {  	[timem:s9], [sflag:s23] =	dma.local [hbm:s7], s21  }
0xa0: {  	_ =	swait.ge [sflag:s23], s21  }
0xa1: {  	s6 =	ssub.s32 $0x0, s21;
	[sflag:s23] =	ssyncset.done $0x0  }
0xa2: {  	[sflag:s23] =	ssyncadd.s32 s6;
	_ =	sdelay $0x1  }
0xa3: {  	s24 =	simm.s32 $0x1B8B  }
0xa4: {  	_ =	swait.ge [sflag:s24], $0x1  }
0xa5: {  	[sflag:s24] =	ssyncset.done $0x0  }
0xa6: {  	s25 =	simm.s32 $0x1B8E;
	[sflag:s24] =	ssyncadd.s32 $0xFFFFFFFF  }
0xa7: {  	s26 =	simm.s32 $execute0_lowered;
	[smem:$0x3FD2] =	sst s25  }
0xa8: {  	s6 =	sshll.u32 s26, $0x1;
	_ =	strace $0x80000046;
	[dreg:$0x1] =	wrdreg $0xFFFFFFFF  }
0xa9: {  	s28 =	simm.s32 $_size_execute0_lowered;
	s5 =	sadd.s32 s5, s6;
	[dreg:$0x0] =	wrdreg $0x0  }
0xaa: {  	s6 =	sshll.u32 s28, $0x1;
	[dreg:$0x2] =	wrdreg s5  }
0xab: {  	[dreg:$0x3] =	wrdreg s6  }
0xac: {  	[dreg:$0x4] =	wrdreg $0xC0  }
0xad: {  	_ =	task [dreg:s9], $0x5FFFF  }
0xae: {  	[dreg:$0x1] =	wrdreg $0xFFFFFFFF  }
0xaf: {  	[dreg:$0x0] =	wrdreg $0x60  }
0xb0: {  	[dreg:$0x2] =	wrdreg s2  }
0xb1: {  	[dreg:$0x3] =	wrdreg s19  }
0xb2: {  	[dreg:$0x4] =	wrdreg s4  }
0xb3: {  	[dreg:$0x5] =	wrdreg $0x150000  }
0xb4: {  	[dreg:$0x6] =	wrdreg $0x9  }
0xb5: {  	_ =	task.clear_ibuf [dreg:s9], $0x7FFFF;
	_ =	strace $0x90000046  }
0xb6: {  	s29 =	simm.s32 $0x9;
	_ =	strace $0x80000048  }
0xb7: {  	_ =	swait.ge [sflag:s29], $0x1  }
0xb8: {  	[sflag:s29] =	ssyncadd.s32 $0xFFFFFFFF  }
0xb9: {  	_ =	strace $0x90000048  }
0xba: {  	_ =	sfence  }
0xbb: {  	s30 =	sld [smem:$0x0];
	_ =	sdelay $0x2  }
0xbc: {  	s31 =	sshll.u32 s1, $0xD;
	s1 =	sshrl.u32 s1, $0x2  }
0xbd: {  	s3 =	sand.u32 $0x4000, s31;
	s1 =	sadd.s32 s1, s30  }
0xbe: {  	s0 =	sor.u32 s3, s0;
	s1 =	sshll.u32 s1, $0x11  }
0xbf: {  	s0 =	sor.u32 s1, s0  }
0xc0: {  	s0 =	sadd.s32 $0x8F2B, s0  }
0xc1: {  	[sflag:s0] =	ssyncadd.remote.s32 $0x1  }
0xc2: {  	_ =	sfence.sel $0xFFFF  }
0xc3: {  	[dreg:$0x0] =	wrdreg $0xFFFFFFFF;
	(pc) =	sbr.abs _section_cstart, $3  }
0xc4: {  	[dreg:$0x1] =	wrdreg $0xFFFFFFFF  }
0xc5: {  	_ =	task.clear_ibuf [dreg:s9], $0x2FFFF;
	_ =	strace $0x9FFFFFFF  }
0xc6: {  	(tm) =	ssettm $0x7FFFFFFF  }
0xc7: {  	_ =	shalt  }
tec
execute0_lowered:
.L_overlay_start_1:
0x0: {  	(tag) =	ssettag $0x1  }
0x1: {  	s5 =	rddreg [dreg:$0x0]  }
0x2: {  	s0 =	rddreg [dreg:$0x1]  }
0x3: {  	s1 =	srdreg.scid;
	s3 =	rddreg [dreg:$0x2]  }
0x4: {  	s13 =	stileid.u32;
	[dreg:$0x5] =	wrdreg s0  }
0x5: {  	s2 =	sand.u32 $0x1, s1;
	s1 =	rddreg [dreg:$0x3];
	s6 =	sshll.u32 s13, $0x8  }
0x6: {  	[smem:$0x7E9] =	sst s2;
	s7 =	sshll.u32 s2, $0x7;
	s2 =	simm.s32 $0x0  }
0x7: {  	s6 =	sor.u32 s7, s6;
	[smem:$0x7FF] =	sst s2  }
0x8: {  	s7 =	sshrl.u32 s6, $0x3;
	_ =	strace $0x80000047;
	s12 =	sor.u32 $0x5000, s6  }
0x9: {  	s4 =	sor.u32 $0x18000, s6;
	s8 =	sadd.s32 s5, s7;
	s7 =	sor.u32 $0x1000, s6  }
0xa: {  	[dreg:$0x6] =	wrdreg s8;
	s9 =	sshrl.u32 s7, $0x3;
	s8 =	sor.u32 $0x2000, s6  }
0xb: {  	s4 =	smin.u32 s4, $0x18620;
	s10 =	sadd.s32 s5, s9;
	s11 =	sshrl.u32 s8, $0x3  }
0xc: {  	s9 =	sor.u32 $0x3000, s6;
	[dreg:$0x7] =	wrdreg s10;
	s14 =	sadd.s32 s5, s11  }
0xd: {  	s15 =	sshrl.u32 s9, $0x3;
	s11 =	sor.u32 $0x4000, s6;
	s10 =	sor.u32 $0x6000, s6  }
0xe: {  	[dreg:$0x8] =	wrdreg s14;
	s16 =	sadd.s32 s5, s15;
	s17 =	sshrl.u32 s11, $0x3  }
0xf: {  	s14 =	sshrl.u32 s12, $0x3;
	[dreg:$0x9] =	wrdreg s16;
	s13 =	sadd.s32 s5, s17  }
0x10: {  	s19 =	sshrl.u32 s10, $0x3;
	s18 =	sadd.s32 s5, s14;
	[dreg:$0xa] =	wrdreg s13  }
0x11: {  	s14 =	sadd.s32 s5, s19;
	[dreg:$0xb] =	wrdreg s18;
	s13 =	sor.u32 $0x7000, s6  }
0x12: {  	[dreg:$0xc] =	wrdreg s14;
	s14 =	sor.u32 $0x8000, s6;
	s15 =	sshrl.u32 s13, $0x3  }
0x13: {  	s17 =	sshrl.u32 s14, $0x3;
	s16 =	sadd.s32 s5, s15;
	s15 =	sor.u32 $0x9000, s6  }
0x14: {  	s20 =	sadd.s32 s5, s17;
	[dreg:$0xd] =	wrdreg s16;
	s21 =	sshrl.u32 s15, $0x3  }
0x15: {  	[dreg:$0xe] =	wrdreg s20;
	s16 =	sor.u32 $0xA000, s6;
	s17 =	sadd.s32 s5, s21  }
0x16: {  	s18 =	sshrl.u32 s16, $0x3;
	[dreg:$0xf] =	wrdreg s17;
	s17 =	sor.u32 $0xB000, s6  }
0x17: {  	s19 =	sadd.s32 s5, s18;
	s18 =	sor.u32 $0xC000, s6;
	s20 =	sshrl.u32 s17, $0x3  }
0x18: {  	[dreg:$0x10] =	wrdreg s19;
	s23 =	sshrl.u32 s18, $0x3;
	s22 =	sadd.s32 s5, s20  }
0x19: {  	s19 =	sor.u32 $0xD000, s6;
	s20 =	sadd.s32 s5, s23;
	[dreg:$0x11] =	wrdreg s22  }
0x1a: {  	s21 =	sshrl.u32 s19, $0x3;
	[dreg:$0x12] =	wrdreg s20;
	s20 =	sor.u32 $0xE000, s6  }
0x1b: {  	s22 =	sadd.s32 s5, s21;
	s21 =	sor.u32 $0xF000, s6;
	s23 =	sshrl.u32 s20, $0x3  }
0x1c: {  	[dreg:$0x13] =	wrdreg s22;
	s25 =	sshrl.u32 s21, $0x3;
	s24 =	sadd.s32 s5, s23  }
0x1d: {  	s22 =	sor.u32 $0x10000, s6;
	s23 =	sadd.s32 s5, s25;
	[dreg:$0x14] =	wrdreg s24  }
0x1e: {  	[dreg:$0x15] =	wrdreg s23;
	s24 =	sshrl.u32 s22, $0x3;
	s23 =	sor.u32 $0x11000, s6  }
0x1f: {  	s25 =	sadd.s32 s5, s24;
	s26 =	sshrl.u32 s23, $0x3;
	s24 =	sor.u32 $0x12000, s6  }
0x20: {  	[dreg:$0x16] =	wrdreg s25;
	s26 =	sadd.s32 s5, s26;
	s0 =	sshrl.u32 s24, $0x3  }
0x21: {  	s25 =	sor.u32 $0x13000, s6;
	[dreg:$0x17] =	wrdreg s26;
	s26 =	sadd.s32 s5, s0  }
0x22: {  	s28 =	sshrl.u32 s25, $0x3;
	[dreg:$0x18] =	wrdreg s26;
	s26 =	sor.u32 $0x14000, s6  }
0x23: {  	s29 =	sadd.s32 s5, s28;
	s28 =	sor.u32 $0x15000, s6;
	s30 =	sshrl.u32 s26, $0x3  }
0x24: {  	[dreg:$0x19] =	wrdreg s29;
	s29 =	sadd.s32 s5, s30;
	s30 =	sshrl.u32 s28, $0x3  }
0x25: {  	[dreg:$0x1a] =	wrdreg s29;
	s29 =	sadd.s32 s5, s30;
	s30 =	sor.u32 $0x16000, s6  }
0x26: {  	s7 =	sshll.u32 s7, $0x4;
	[dreg:$0x1b] =	wrdreg s29;
	s31 =	sshrl.u32 s30, $0x3  }
0x27: {  	s29 =	sor.u32 $0x17000, s6;
	s6 =	sshll.u32 s6, $0x4;
	s31 =	sadd.s32 s5, s31  }
0x28: {  	s0 =	sshrl.u32 s29, $0x3;
	s6 =	sadd.s32 s3, s6;
	[dreg:$0x1c] =	wrdreg s31  }
0x29: {  	s9 =	sshll.u32 s9, $0x4;
	s0 =	sadd.s32 s5, s0;
	[dreg:$0x1f] =	wrdreg s6  }
0x2a: {  	s13 =	sshll.u32 s13, $0x4;
	s6 =	sadd.s32 s3, s7;
	[dreg:$0x1d] =	wrdreg s0  }
0x2b: {  	s31 =	sshrl.u32 s4, $0x3;
	s7 =	sshll.u32 s8, $0x4;
	[smem:$0x7E5] =	sst s6  }
0x2c: {  	s5 =	sadd.s32 s5, s31;
	s6 =	sshll.u32 s11, $0x4;
	s11 =	sld [smem:$0x7E9]  }
0x2d: {  	s4 =	sshll.u32 s4, $0x4;
	s8 =	sadd.s32 s3, s7;
	[dreg:$0x1e] =	wrdreg s5  }
0x2e: {  	s20 =	sshll.u32 s20, $0x4;
	s4 =	sadd.s32 s3, s4;
	[smem:$0x7E6] =	sst s8  }
0x2f: {  	s31 =	simm.s32 $0x5000;
	s5 =	sadd.s32 s3, s9;
	[smem:$0x7FD] =	sst s4  }
0x30: {  	s7 =	sadd.s32 s3, s6;
	s8 =	sshll.u32 s12, $0x4;
	[smem:$0x7E7] =	sst s5  }
0x31: {  	s12 =	sshll.u32 s10, $0x4;
	[smem:$0x7E8] =	sst s7;
	s9 =	sadd.s32 s3, s8  }
0x32: {  	s10 =	sshll.u32 s15, $0x4;
	s0 =	sadd.s32 s3, s12;
	[smem:$0x7EA] =	sst s9  }
0x33: {  	s7 =	sadd.s32 s3, s13;
	s8 =	sshll.u32 s14, $0x4;
	[smem:$0x7EB] =	sst s0  }
0x34: {  	s12 =	sshll.u32 s16, $0x4;
	[smem:$0x7EC] =	sst s7;
	s9 =	sadd.s32 s3, s8  }
0x35: {  	s5 =	ssub.s32 $0x2, s11;
	s11 =	sadd.s32 s3, s10;
	[smem:$0x7ED] =	sst s9  }
0x36: {  	s14 =	sshll.u32 s17, $0x4;
	s13 =	sadd.s32 s3, s12;
	[smem:$0x7EE] =	sst s11  }
0x37: {  	s16 =	sshll.u32 s18, $0x4;
	s15 =	sadd.s32 s3, s14;
	[smem:$0x7EF] =	sst s13  }
0x38: {  	s18 =	sshll.u32 s19, $0x4;
	s17 =	sadd.s32 s3, s16;
	[smem:$0x7F0] =	sst s15  }
0x39: {  	s19 =	sadd.s32 s3, s18;
	s8 =	sadd.s32 s3, s20;
	[smem:$0x7F1] =	sst s17  }
0x3a: {  	s7 =	simm.s32 $0x3;
	s6 =	sshrl.u32 s5, $0x1;
	[smem:$0x7F2] =	sst s19  }
0x3b: {  	s9 =	sshll.u32 s21, $0x4;
	[smem:$0x7F3] =	sst s8;
	s11 =	sshll.u32 s22, $0x4  }
0x3c: {  	s13 =	sshll.u32 s23, $0x4;
	s15 =	sshll.u32 s24, $0x4;
	s17 =	sshll.u32 s25, $0x4  }
0x3d: {  	s19 =	sshll.u32 s26, $0x4;
	s21 =	sshll.u32 s28, $0x4;
	s23 =	sshll.u32 s30, $0x4  }
0x3e: {  	s25 =	sshll.u32 s29, $0x4;
	s26 =	stileid.u32;
	s29 =	simm.s32 $0x1  }
0x3f: {  	s30 =	simm.s32 $0x1000;
	s8 =	simm.s32 $0xD000;
	s28 =	simm.s32 $0x400  }
0x40: {  	s10 =	sadd.s32 s3, s9;
	s12 =	sadd.s32 s3, s11;
	s14 =	sadd.s32 s3, s13  }
0x41: {  	s16 =	sadd.s32 s3, s15;
	s18 =	sadd.s32 s3, s17;
	[smem:$0x7F4] =	sst s10  }
0x42: {  	s20 =	sadd.s32 s3, s19;
	s22 =	sadd.s32 s3, s21;
	[smem:$0x7F5] =	sst s12  }
0x43: {  	s24 =	sadd.s32 s3, s23;
	s5 =	ssub.s32 s5, s6;
	[smem:$0x7F6] =	sst s14  }
0x44: {  	s0 =	sadd.s32 s3, s25;
	p0 =	sne.s32 s26, $0x0;
	[smem:$0x7F7] =	sst s16  }
0x45: {  	p1 =	sgt.u32 s26, $0x6;
	s6 =	simm.s32 $0x9000;
	[smem:$0x7F8] =	sst s18  }
0x46: {  	s9 =	simm.s32 $0x4;
	s11 =	simm.s32 $0x5;
	[smem:$0x7F9] =	sst s20  }
0x47: {  	s13 =	simm.s32 $0x6;
	s15 =	simm.s32 $0x9;
	[smem:$0x7FA] =	sst s22  }
0x48: {  	s17 =	simm.s32 $0xB;
	s23 =	simm.s32 $0x200;
	[smem:$0x7FB] =	sst s24  }
0x49: {  	s25 =	simm.s32 $0x300;
	s26 =	simm.s32 $0x380;
	[smem:$0x7FC] =	sst s0  }
0x4a: {  	s4 =	smax.u32 s5, $0x1;
	s5 =	simm.s32 $0x80;
	s0 =	simm.s32 $0x2  }
0x4b: {  	s10 =	simm.s32 $0x11000;
	s12 =	simm.s32 $0x7;
	s14 =	simm.s32 $0x8  }
0x4c: {  	s16 =	simm.s32 $0xA;
	s22 =	simm.s32 $0x180;
	s24 =	simm.s32 $0x280  }
.LBB2_1:
0x4d: {  	s18 =	rddreg [dreg:$0x5];
	s19 =	sshrl.u32 @!p0 s1, $0x3;
	s20 =	simm.s32 @!p0 $0x1C0C  }
0x4e: {  	[spmem:s19], [sflag:s20] =	dma.local @!p0 [hbm:s18], $0x640  }
0x4f: {  	s18 =	simm.s32 @!p0 $0xC  }
0x50: {  	_ =	swait.ge @!p0 [sflag:s18], $0x640  }
0x51: {  	[sflag:s18] =	ssyncset.done @!p0 $0x0  }
0x52: {  	[sflag:s18] =	ssyncadd.s32 @!p0 $0xFFFFF9C0  }
0x53: {  	[bflag:$0x0] =	sbarrier.arrive $0xFFFF  }
0x54: {  	s20 =	rddreg [dreg:$0x6]  }
0x55: {  	[tilespmem:s2], [sflag:$0x1] =	stream.linear.gather [hbm4b:s20+s2], $0x80, $0x38;
	[tilespmem:$0x15320] =	vst v63  }
0x56: {  	s21 =	rddreg [dreg:$0x7]  }
0x57: {  	[tilespmem:s5], [sflag:$0x1] =	stream.linear.gather [hbm4b:s21+s2], $0x80, $0x38;
	[tilespmem:$0x15320] =	vst v63  }
0x58: {  	s3 =	rddreg [dreg:$0x8];
	s21 =	simm.s32 $0x100  }
0x59: {  	[tilespmem:s21], [sflag:$0x1] =	stream.linear.gather [hbm4b:s3+s2], $0x80, $0x38;
	[tilespmem:$0x15320] =	vst v63  }
0x5a: {  	s20 =	rddreg [dreg:$0x9]  }
0x5b: {  	[tilespmem:s22], [sflag:$0x1] =	stream.linear.gather [hbm4b:s20+s2], $0x80, $0x38;
	[tilespmem:$0x15320] =	vst v63  }
0x5c: {  	s3 =	rddreg [dreg:$0xa]  }
0x5d: {  	[tilespmem:s23], [sflag:$0x1] =	stream.linear.gather [hbm4b:s3+s2], $0x80, $0x38;
	[tilespmem:$0x15320] =	vst v63  }
0x5e: {  	s20 =	rddreg [dreg:$0xb]  }
0x5f: {  	[tilespmem:s24], [sflag:$0x1] =	stream.linear.gather [hbm4b:s20+s2], $0x80, $0x38;
	[tilespmem:$0x15320] =	vst v63  }
0x60: {  	s3 =	rddreg [dreg:$0xc]  }
0x61: {  	[tilespmem:s25], [sflag:$0x1] =	stream.linear.gather [hbm4b:s3+s2], $0x80, $0x38;
	[tilespmem:$0x15320] =	vst v63  }
0x62: {  	s20 =	rddreg [dreg:$0xd]  }
0x63: {  	[tilespmem:s26], [sflag:$0x1] =	stream.linear.gather [hbm4b:s20+s2], $0x80, $0x38;
	[tilespmem:$0x15320] =	vst v63  }
0x64: {  	s3 =	rddreg [dreg:$0xe]  }
0x65: {  	[tilespmem:s28], [sflag:$0x1] =	stream.linear.gather [hbm4b:s3+s2], $0x80, $0x38;
	[tilespmem:$0x15320] =	vst v63  }
0x66: {  	s20 =	rddreg [dreg:$0xf];
	s3 =	simm.s32 $0x480  }
0x67: {  	[tilespmem:s3], [sflag:$0x1] =	stream.linear.gather [hbm4b:s20+s2], $0x80, $0x38;
	[tilespmem:$0x15320] =	vst v63  }
0x68: {  	s18 =	rddreg [dreg:$0x10];
	s20 =	simm.s32 $0x500  }
0x69: {  	[tilespmem:s20], [sflag:$0x1] =	stream.linear.gather [hbm4b:s18+s2], $0x80, $0x38;
	[tilespmem:$0x15320] =	vst v63  }
0x6a: {  	s19 =	rddreg [dreg:$0x11];
	s20 =	simm.s32 $0x580  }
0x6b: {  	[tilespmem:s20], [sflag:$0x1] =	stream.linear.gather [hbm4b:s19+s2], $0x80, $0x38;
	[tilespmem:$0x15320] =	vst v63  }
0x6c: {  	s18 =	rddreg [dreg:$0x12];
	s20 =	simm.s32 $0x600  }
0x6d: {  	[tilespmem:s20], [sflag:$0x1] =	stream.linear.gather [hbm4b:s18+s2], $0x80, $0x38;
	[tilespmem:$0x15320] =	vst v63  }
0x6e: {  	s19 =	rddreg [dreg:$0x13];
	s20 =	simm.s32 $0x680  }
0x6f: {  	[tilespmem:s20], [sflag:$0x1] =	stream.linear.gather [hbm4b:s19+s2], $0x80, $0x38;
	[tilespmem:$0x15320] =	vst v63  }
0x70: {  	s18 =	rddreg [dreg:$0x14];
	s20 =	simm.s32 $0x700  }
0x71: {  	[tilespmem:s20], [sflag:$0x1] =	stream.linear.gather [hbm4b:s18+s2], $0x80, $0x38;
	[tilespmem:$0x15320] =	vst v63  }
0x72: {  	s19 =	rddreg [dreg:$0x15];
	s20 =	simm.s32 $0x780  }
0x73: {  	[tilespmem:s20], [sflag:$0x1] =	stream.linear.gather [hbm4b:s19+s2], $0x80, $0x38;
	[tilespmem:$0x15320] =	vst v63  }
0x74: {  	s18 =	rddreg [dreg:$0x16];
	s20 =	simm.s32 $0x800  }
0x75: {  	[tilespmem:s20], [sflag:$0x1] =	stream.linear.gather [hbm4b:s18+s2], $0x80, $0x38;
	[tilespmem:$0x15320] =	vst v63  }
0x76: {  	s19 =	rddreg [dreg:$0x17];
	s20 =	simm.s32 $0x880  }
0x77: {  	[tilespmem:s20], [sflag:$0x1] =	stream.linear.gather [hbm4b:s19+s2], $0x80, $0x38;
	[tilespmem:$0x15320] =	vst v63  }
0x78: {  	s18 =	rddreg [dreg:$0x18];
	s20 =	simm.s32 $0x900  }
0x79: {  	[tilespmem:s20], [sflag:$0x1] =	stream.linear.gather [hbm4b:s18+s2], $0x80, $0x38;
	[tilespmem:$0x15320] =	vst v63  }
0x7a: {  	s19 =	rddreg [dreg:$0x19];
	s20 =	simm.s32 $0x980  }
0x7b: {  	[tilespmem:s20], [sflag:$0x1] =	stream.linear.gather [hbm4b:s19+s2], $0x80, $0x38;
	[tilespmem:$0x15320] =	vst v63  }
0x7c: {  	s18 =	rddreg [dreg:$0x1a];
	s20 =	simm.s32 $0xA00  }
0x7d: {  	[tilespmem:s20], [sflag:$0x1] =	stream.linear.gather [hbm4b:s18+s2], $0x80, $0x38;
	[tilespmem:$0x15320] =	vst v63  }
0x7e: {  	s19 =	rddreg [dreg:$0x1b];
	s20 =	simm.s32 $0xA80  }
0x7f: {  	[tilespmem:s20], [sflag:$0x1] =	stream.linear.gather [hbm4b:s19+s2], $0x80, $0x38;
	[tilespmem:$0x15320] =	vst v63  }
0x80: {  	s18 =	rddreg [dreg:$0x1c];
	s20 =	simm.s32 $0xB00  }
0x81: {  	[tilespmem:s20], [sflag:$0x1] =	stream.linear.gather [hbm4b:s18+s2], $0x80, $0x38;
	[tilespmem:$0x15320] =	vst v63  }
0x82: {  	s19 =	rddreg [dreg:$0x1d];
	s18 =	simm.s32 $0xB80  }
0x83: {  	[tilespmem:s18], [sflag:$0x1] =	stream.linear.gather [hbm4b:s19+s2], $0x80, $0x38;
	[tilespmem:$0x15320] =	vst v63  }
0x84: {  	s20 =	rddreg [dreg:$0x1e];
	s18 =	simm.s32 @!p1 $0x0;
	s19 =	simm.s32 @!p1 $0xC00  }
0x85: {  	[tilespmem:s19], [sflag:$0x1] =	stream.linear.gather @!p1 [hbm4b:s20+s18], $0x80, $0x38;
	[tilespmem:$0x15320] =	vst v63  }
0x86: {  	_ =	swait.ge [sflag:s29], $0x80  }
0x87: {  	[sflag:s29] =	ssyncset.done $0x0  }
0x88: {  	[sflag:s29] =	ssyncadd.s32 $0xFFFFFF80  }
0x89: {  	v0 =	vld [tilespmem:$0x0]  }
0x8a: {  	v1 =	vld [tilespmem:$0x10]  }
0x8b: {  	v2 =	vld [tilespmem:$0x20]  }
0x8c: {  	v3 =	vld [tilespmem:$0x30]  }
0x8d: {  	v4 =	vld [tilespmem:$0x40]  }
0x8e: {  	v5 =	vld [tilespmem:$0x50];
	v0 =	vadd.s32 $0xFFFFFFFF, v0  }
0x8f: {  	v60 =	vld [tilespmem:$0x60];
	v59 =	vadd.s32 $0xFFFFFFFF, v1;
	[tilespmem:$0x0] =	vst v0  }
0x90: {  	v62 =	vld [tilespmem:$0x70];
	v61 =	vadd.s32 $0xFFFFFFFF, v2;
	[tilespmem:$0x10] =	vst v59  }
0x91: {  	v63 =	vadd.s32 $0xFFFFFFFF, v3;
	[tilespmem:$0x20] =	vst v61  }
0x92: {  	v4 =	vadd.s32 $0xFFFFFFFF, v4;
	[tilespmem:$0x30] =	vst v63  }
0x93: {  	v5 =	vadd.s32 $0xFFFFFFFF, v5;
	[tilespmem:$0x40] =	vst v4  }
0x94: {  	v6 =	vadd.s32 $0xFFFFFFFF, v60;
	[tilespmem:$0x50] =	vst v5  }
0x95: {  	v7 =	vadd.s32 $0xFFFFFFFF, v62;
	[tilespmem:$0x60] =	vst v6  }
0x96: {  	[tilespmem:$0x70] =	vst v7  }
0x97: {  	[tilespmem:s30], [sflag:$0x2] =	stream.indirect.gather [spmem:s1], $0x80, s2, s5, $0xb8;
	[tilespmem:$0x15320] =	vst v63  }
0x98: {  	_ =	swait.ge [sflag:s29], $0x80  }
0x99: {  	[sflag:s29] =	ssyncset.done $0x0  }
0x9a: {  	[sflag:s29] =	ssyncadd.s32 $0xFFFFFF80  }
0x9b: {  	v8 =	vld [tilespmem:$0x80]  }
0x9c: {  	v9 =	vld [tilespmem:$0x90]  }
0x9d: {  	v10 =	vld [tilespmem:$0xA0]  }
0x9e: {  	v11 =	vld [tilespmem:$0xB0]  }
0x9f: {  	v12 =	vld [tilespmem:$0xC0]  }
0xa0: {  	v13 =	vld [tilespmem:$0xD0];
	v0 =	vadd.s32 $0xFFFFFFFF, v8  }
0xa1: {  	v15 =	vld [tilespmem:$0xE0];
	v14 =	vadd.s32 $0xFFFFFFFF, v9;
	[tilespmem:$0x80] =	vst v0  }
0xa2: {  	v17 =	vld [tilespmem:$0xF0];
	v16 =	vadd.s32 $0xFFFFFFFF, v10;
	[tilespmem:$0x90] =	vst v14  }
0xa3: {  	v18 =	vadd.s32 $0xFFFFFFFF, v11;
	[tilespmem:$0xA0] =	vst v16  }
0xa4: {  	v19 =	vadd.s32 $0xFFFFFFFF, v12;
	[tilespmem:$0xB0] =	vst v18  }
0xa5: {  	v20 =	vadd.s32 $0xFFFFFFFF, v13;
	[tilespmem:$0xC0] =	vst v19  }
0xa6: {  	v21 =	vadd.s32 $0xFFFFFFFF, v15;
	[tilespmem:$0xD0] =	vst v20  }
0xa7: {  	v22 =	vadd.s32 $0xFFFFFFFF, v17;
	[tilespmem:$0xE0] =	vst v21  }
0xa8: {  	[tilespmem:$0xF0] =	vst v22  }
0xa9: {  	[tilespmem:s31], [sflag:$0x3] =	stream.indirect.gather [spmem:s1], $0x80, s5, s5, $0xb8;
	[tilespmem:$0x15320] =	vst v63  }
0xaa: {  	_ =	swait.ge [sflag:s0], $0x4000  }
0xab: {  	[sflag:s0] =	ssyncset.done $0x0  }
0xac: {  	s20 =	rddreg [dreg:$0x1f];
	[sflag:s0] =	ssyncadd.s32 $0xFFFFC000  }
0xad: {  	[hbm4b:s20+s2] =	stream.linear.scatter [tilespmem:s30], [sflag:$0x7], $0x4000, $0x38;
	[tilespmem:$0x15320] =	vst v63  }
0xae: {  	_ =	swait.ge [sflag:s29], $0x80  }
0xaf: {  	[sflag:s29] =	ssyncset.done $0x0  }
0xb0: {  	[sflag:s29] =	ssyncadd.s32 $0xFFFFFF80  }
0xb1: {  	v23 =	vld [tilespmem:$0x100]  }
0xb2: {  	v24 =	vld [tilespmem:$0x110]  }
0xb3: {  	v25 =	vld [tilespmem:$0x120]  }
0xb4: {  	v26 =	vld [tilespmem:$0x130]  }
0xb5: {  	v27 =	vld [tilespmem:$0x140]  }
0xb6: {  	v28 =	vld [tilespmem:$0x150];
	v0 =	vadd.s32 $0xFFFFFFFF, v23  }
0xb7: {  	v30 =	vld [tilespmem:$0x160];
	v29 =	vadd.s32 $0xFFFFFFFF, v24;
	[tilespmem:$0x100] =	vst v0  }
0xb8: {  	v32 =	vld [tilespmem:$0x170];
	v31 =	vadd.s32 $0xFFFFFFFF, v25;
	[tilespmem:$0x110] =	vst v29  }
0xb9: {  	v33 =	vadd.s32 $0xFFFFFFFF, v26;
	[tilespmem:$0x120] =	vst v31  }
0xba: {  	v34 =	vadd.s32 $0xFFFFFFFF, v27;
	[tilespmem:$0x130] =	vst v33  }
0xbb: {  	v35 =	vadd.s32 $0xFFFFFFFF, v28;
	[tilespmem:$0x140] =	vst v34  }
0xbc: {  	v36 =	vadd.s32 $0xFFFFFFFF, v30;
	[tilespmem:$0x150] =	vst v35  }
0xbd: {  	v37 =	vadd.s32 $0xFFFFFFFF, v32;
	[tilespmem:$0x160] =	vst v36  }
0xbe: {  	[tilespmem:$0x170] =	vst v37  }
0xbf: {  	[tilespmem:s6], [sflag:$0x4] =	stream.indirect.gather [spmem:s1], $0x80, s21, s5, $0xb8;
	[tilespmem:$0x15320] =	vst v63  }
0xc0: {  	_ =	swait.ge [sflag:s7], $0x4000  }
0xc1: {  	s21 =	sld [smem:$0x7E5]  }
0xc2: {  	[sflag:s7] =	ssyncset.done $0x0  }
0xc3: {  	[sflag:s7] =	ssyncadd.s32 $0xFFFFC000  }
0xc4: {  	[hbm4b:s21+s2] =	stream.linear.scatter [tilespmem:s31], [sflag:$0x8], $0x4000, $0x38;
	[tilespmem:$0x15320] =	vst v63  }
0xc5: {  	_ =	swait.ge [sflag:s29], $0x80  }
0xc6: {  	[sflag:s29] =	ssyncset.done $0x0  }
0xc7: {  	[sflag:s29] =	ssyncadd.s32 $0xFFFFFF80  }
0xc8: {  	v38 =	vld [tilespmem:$0x180]  }
0xc9: {  	v39 =	vld [tilespmem:$0x190]  }
0xca: {  	v40 =	vld [tilespmem:$0x1A0]  }
0xcb: {  	v41 =	vld [tilespmem:$0x1B0]  }
0xcc: {  	v42 =	vld [tilespmem:$0x1C0]  }
0xcd: {  	v43 =	vld [tilespmem:$0x1D0];
	v0 =	vadd.s32 $0xFFFFFFFF, v38  }
0xce: {  	v45 =	vld [tilespmem:$0x1E0];
	v44 =	vadd.s32 $0xFFFFFFFF, v39;
	[tilespmem:$0x180] =	vst v0  }
0xcf: {  	v47 =	vld [tilespmem:$0x1F0];
	v46 =	vadd.s32 $0xFFFFFFFF, v40;
	[tilespmem:$0x190] =	vst v44  }
0xd0: {  	v48 =	vadd.s32 $0xFFFFFFFF, v41;
	[tilespmem:$0x1A0] =	vst v46  }
0xd1: {  	v49 =	vadd.s32 $0xFFFFFFFF, v42;
	[tilespmem:$0x1B0] =	vst v48  }
0xd2: {  	v50 =	vadd.s32 $0xFFFFFFFF, v43;
	[tilespmem:$0x1C0] =	vst v49  }
0xd3: {  	v51 =	vadd.s32 $0xFFFFFFFF, v45;
	[tilespmem:$0x1D0] =	vst v50  }
0xd4: {  	v52 =	vadd.s32 $0xFFFFFFFF, v47;
	[tilespmem:$0x1E0] =	vst v51  }
0xd5: {  	[tilespmem:$0x1F0] =	vst v52  }
0xd6: {  	[tilespmem:s8], [sflag:$0x5] =	stream.indirect.gather [spmem:s1], $0x80, s22, s5, $0xb8;
	[tilespmem:$0x15320] =	vst v63  }
0xd7: {  	_ =	swait.ge [sflag:s9], $0x4000  }
0xd8: {  	s21 =	sld [smem:$0x7E6]  }
0xd9: {  	[sflag:s9] =	ssyncset.done $0x0  }
0xda: {  	[sflag:s9] =	ssyncadd.s32 $0xFFFFC000  }
0xdb: {  	[hbm4b:s21+s2] =	stream.linear.scatter [tilespmem:s6], [sflag:$0x9], $0x4000, $0x38;
	[tilespmem:$0x15320] =	vst v63  }
0xdc: {  	_ =	swait.ge [sflag:s29], $0x80  }
0xdd: {  	[sflag:s29] =	ssyncset.done $0x0  }
0xde: {  	[sflag:s29] =	ssyncadd.s32 $0xFFFFFF80  }
0xdf: {  	v53 =	vld [tilespmem:$0x200]  }
0xe0: {  	v54 =	vld [tilespmem:$0x210]  }
0xe1: {  	v55 =	vld [tilespmem:$0x220]  }
0xe2: {  	v56 =	vld [tilespmem:$0x230]  }
0xe3: {  	v57 =	vld [tilespmem:$0x240]  }
0xe4: {  	v58 =	vld [tilespmem:$0x250];
	v0 =	vadd.s32 $0xFFFFFFFF, v53  }
0xe5: {  	v60 =	vld [tilespmem:$0x260];
	v59 =	vadd.s32 $0xFFFFFFFF, v54;
	[tilespmem:$0x200] =	vst v0  }
0xe6: {  	v62 =	vld [tilespmem:$0x270];
	v61 =	vadd.s32 $0xFFFFFFFF, v55;
	[tilespmem:$0x210] =	vst v59  }
0xe7: {  	v63 =	vadd.s32 $0xFFFFFFFF, v56;
	[tilespmem:$0x220] =	vst v61  }
0xe8: {  	v6 =	vadd.s32 $0xFFFFFFFF, v57;
	[tilespmem:$0x230] =	vst v63  }
0xe9: {  	v7 =	vadd.s32 $0xFFFFFFFF, v58;
	[tilespmem:$0x240] =	vst v6  }
0xea: {  	v8 =	vadd.s32 $0xFFFFFFFF, v60;
	[tilespmem:$0x250] =	vst v7  }
0xeb: {  	v9 =	vadd.s32 $0xFFFFFFFF, v62;
	[tilespmem:$0x260] =	vst v8  }
0xec: {  	[tilespmem:$0x270] =	vst v9  }
0xed: {  	[tilespmem:s10], [sflag:$0x6] =	stream.indirect.gather [spmem:s1], $0x80, s23, s5, $0xb8;
	[tilespmem:$0x15320] =	vst v63  }
0xee: {  	_ =	swait.ge [sflag:s11], $0x4000  }
0xef: {  	s21 =	sld [smem:$0x7E7]  }
0xf0: {  	[sflag:s11] =	ssyncset.done $0x0  }
0xf1: {  	[sflag:s11] =	ssyncadd.s32 $0xFFFFC000  }
0xf2: {  	[hbm4b:s21+s2] =	stream.linear.scatter [tilespmem:s8], [sflag:$0xA], $0x4000, $0x38;
	[tilespmem:$0x15320] =	vst v63  }
0xf3: {  	_ =	swait.ge [sflag:s12], $0x4000  }
0xf4: {  	[sflag:s12] =	ssyncset.done $0x0  }
0xf5: {  	[sflag:s12] =	ssyncadd.s32 $0xFFFFC000  }
0xf6: {  	_ =	swait.ge [sflag:s29], $0x80  }
0xf7: {  	[sflag:s29] =	ssyncset.done $0x0  }
0xf8: {  	[sflag:s29] =	ssyncadd.s32 $0xFFFFFF80  }
0xf9: {  	v10 =	vld [tilespmem:$0x280]  }
0xfa: {  	v11 =	vld [tilespmem:$0x290]  }
0xfb: {  	v12 =	vld [tilespmem:$0x2A0]  }
0xfc: {  	v13 =	vld [tilespmem:$0x2B0]  }
0xfd: {  	v14 =	vld [tilespmem:$0x2C0]  }
0xfe: {  	v15 =	vld [tilespmem:$0x2D0];
	v0 =	vadd.s32 $0xFFFFFFFF, v10  }
0xff: {  	v16 =	vadd.s32 $0xFFFFFFFF, v11;
	[tilespmem:$0x280] =	vst v0  }
0x100: {  	v17 =	vadd.s32 $0xFFFFFFFF, v12;
	[tilespmem:$0x290] =	vst v16  }
0x101: {  	v18 =	vadd.s32 $0xFFFFFFFF, v13;
	[tilespmem:$0x2A0] =	vst v17  }
0x102: {  	v19 =	vadd.s32 $0xFFFFFFFF, v14;
	[tilespmem:$0x2B0] =	vst v18  }
0x103: {  	v20 =	vadd.s32 $0xFFFFFFFF, v15;
	[tilespmem:$0x2C0] =	vst v19  }
0x104: {  	v21 =	vld [tilespmem:$0x2E0];
	[tilespmem:$0x2D0] =	vst v20  }
0x105: {  	v22 =	vld [tilespmem:$0x2F0];
	_ =	sdelay $0x3  }
0x106: {  	v0 =	vadd.s32 $0xFFFFFFFF, v21  }
0x107: {  	[tilespmem:$0x2E0] =	vst v0;
	v23 =	vadd.s32 $0xFFFFFFFF, v22  }
0x108: {  	[tilespmem:$0x2F0] =	vst v23  }
0x109: {  	[tilespmem:s30], [sflag:$0x2] =	stream.indirect.gather [spmem:s1], $0x80, s24, s5, $0xb8;
	[tilespmem:$0x15320] =	vst v63  }
0x10a: {  	_ =	swait.ge [sflag:s13], $0x4000  }
0x10b: {  	s21 =	sld [smem:$0x7E8]  }
0x10c: {  	[sflag:s13] =	ssyncset.done $0x0  }
0x10d: {  	[sflag:s13] =	ssyncadd.s32 $0xFFFFC000  }
0x10e: {  	[hbm4b:s21+s2] =	stream.linear.scatter [tilespmem:s10], [sflag:$0xB], $0x4000, $0x38;
	[tilespmem:$0x15320] =	vst v63  }
0x10f: {  	_ =	swait.ge [sflag:s14], $0x4000  }
0x110: {  	[sflag:s14] =	ssyncset.done $0x0  }
0x111: {  	[sflag:s14] =	ssyncadd.s32 $0xFFFFC000  }
0x112: {  	_ =	swait.ge [sflag:s29], $0x80  }
0x113: {  	[sflag:s29] =	ssyncset.done $0x0  }
0x114: {  	[sflag:s29] =	ssyncadd.s32 $0xFFFFFF80  }
0x115: {  	v24 =	vld [tilespmem:$0x300]  }
0x116: {  	v25 =	vld [tilespmem:$0x310]  }
0x117: {  	v26 =	vld [tilespmem:$0x320]  }
0x118: {  	v27 =	vld [tilespmem:$0x330]  }
0x119: {  	v28 =	vld [tilespmem:$0x340]  }
0x11a: {  	v29 =	vld [tilespmem:$0x350];
	v0 =	vadd.s32 $0xFFFFFFFF, v24  }
0x11b: {  	v31 =	vld [tilespmem:$0x360];
	v30 =	vadd.s32 $0xFFFFFFFF, v25;
	[tilespmem:$0x300] =	vst v0  }
0x11c: {  	v33 =	vld [tilespmem:$0x370];
	v32 =	vadd.s32 $0xFFFFFFFF, v26;
	[tilespmem:$0x310] =	vst v30  }
0x11d: {  	v34 =	vadd.s32 $0xFFFFFFFF, v27;
	[tilespmem:$0x320] =	vst v32  }
0x11e: {  	v35 =	vadd.s32 $0xFFFFFFFF, v28;
	[tilespmem:$0x330] =	vst v34  }
0x11f: {  	v36 =	vadd.s32 $0xFFFFFFFF, v29;
	[tilespmem:$0x340] =	vst v35  }
0x120: {  	v37 =	vadd.s32 $0xFFFFFFFF, v31;
	[tilespmem:$0x350] =	vst v36  }
0x121: {  	v38 =	vadd.s32 $0xFFFFFFFF, v33;
	[tilespmem:$0x360] =	vst v37  }
0x122: {  	[tilespmem:$0x370] =	vst v38  }
0x123: {  	[tilespmem:s31], [sflag:$0x3] =	stream.indirect.gather [spmem:s1], $0x80, s25, s5, $0xb8;
	[tilespmem:$0x15320] =	vst v63  }
0x124: {  	_ =	swait.ge [sflag:s0], $0x4000  }
0x125: {  	s21 =	sld [smem:$0x7EA]  }
0x126: {  	[sflag:s0] =	ssyncset.done $0x0  }
0x127: {  	[sflag:s0] =	ssyncadd.s32 $0xFFFFC000  }
0x128: {  	[hbm4b:s21+s2] =	stream.linear.scatter [tilespmem:s30], [sflag:$0x7], $0x4000, $0x38;
	[tilespmem:$0x15320] =	vst v63  }
0x129: {  	_ =	swait.ge [sflag:s15], $0x4000  }
0x12a: {  	[sflag:s15] =	ssyncset.done $0x0  }
0x12b: {  	[sflag:s15] =	ssyncadd.s32 $0xFFFFC000  }
0x12c: {  	_ =	swait.ge [sflag:s29], $0x80  }
0x12d: {  	[sflag:s29] =	ssyncset.done $0x0  }
0x12e: {  	[sflag:s29] =	ssyncadd.s32 $0xFFFFFF80  }
0x12f: {  	v39 =	vld [tilespmem:$0x380]  }
0x130: {  	v40 =	vld [tilespmem:$0x390]  }
0x131: {  	v41 =	vld [tilespmem:$0x3A0]  }
0x132: {  	v42 =	vld [tilespmem:$0x3B0]  }
0x133: {  	v43 =	vld [tilespmem:$0x3C0]  }
0x134: {  	v44 =	vld [tilespmem:$0x3D0];
	v0 =	vadd.s32 $0xFFFFFFFF, v39  }
0x135: {  	v46 =	vld [tilespmem:$0x3E0];
	v45 =	vadd.s32 $0xFFFFFFFF, v40;
	[tilespmem:$0x380] =	vst v0  }
0x136: {  	v48 =	vld [tilespmem:$0x3F0];
	v47 =	vadd.s32 $0xFFFFFFFF, v41;
	[tilespmem:$0x390] =	vst v45  }
0x137: {  	v49 =	vadd.s32 $0xFFFFFFFF, v42;
	[tilespmem:$0x3A0] =	vst v47  }
0x138: {  	v50 =	vadd.s32 $0xFFFFFFFF, v43;
	[tilespmem:$0x3B0] =	vst v49  }
0x139: {  	v51 =	vadd.s32 $0xFFFFFFFF, v44;
	[tilespmem:$0x3C0] =	vst v50  }
0x13a: {  	v52 =	vadd.s32 $0xFFFFFFFF, v46;
	[tilespmem:$0x3D0] =	vst v51  }
0x13b: {  	v53 =	vadd.s32 $0xFFFFFFFF, v48;
	[tilespmem:$0x3E0] =	vst v52  }
0x13c: {  	[tilespmem:$0x3F0] =	vst v53  }
0x13d: {  	[tilespmem:s6], [sflag:$0x4] =	stream.indirect.gather [spmem:s1], $0x80, s26, s5, $0xb8;
	[tilespmem:$0x15320] =	vst v63  }
0x13e: {  	_ =	swait.ge [sflag:s7], $0x4000  }
0x13f: {  	s21 =	sld [smem:$0x7EB]  }
0x140: {  	[sflag:s7] =	ssyncset.done $0x0  }
0x141: {  	[sflag:s7] =	ssyncadd.s32 $0xFFFFC000  }
0x142: {  	[hbm4b:s21+s2] =	stream.linear.scatter [tilespmem:s31], [sflag:$0x8], $0x4000, $0x38;
	[tilespmem:$0x15320] =	vst v63  }
0x143: {  	_ =	swait.ge [sflag:s16], $0x4000  }
0x144: {  	[sflag:s16] =	ssyncset.done $0x0  }
0x145: {  	[sflag:s16] =	ssyncadd.s32 $0xFFFFC000  }
0x146: {  	_ =	swait.ge [sflag:s29], $0x80  }
0x147: {  	[sflag:s29] =	ssyncset.done $0x0  }
0x148: {  	[sflag:s29] =	ssyncadd.s32 $0xFFFFFF80  }
0x149: {  	v54 =	vld [tilespmem:$0x400]  }
0x14a: {  	v55 =	vld [tilespmem:$0x410]  }
0x14b: {  	v56 =	vld [tilespmem:$0x420]  }
0x14c: {  	v57 =	vld [tilespmem:$0x430]  }
0x14d: {  	v58 =	vld [tilespmem:$0x440]  }
0x14e: {  	v59 =	vld [tilespmem:$0x450];
	v0 =	vadd.s32 $0xFFFFFFFF, v54  }
0x14f: {  	v61 =	vld [tilespmem:$0x460];
	v60 =	vadd.s32 $0xFFFFFFFF, v55;
	[tilespmem:$0x400] =	vst v0  }
0x150: {  	v63 =	vld [tilespmem:$0x470];
	v62 =	vadd.s32 $0xFFFFFFFF, v56;
	[tilespmem:$0x410] =	vst v60  }
0x151: {  	v6 =	vadd.s32 $0xFFFFFFFF, v57;
	[tilespmem:$0x420] =	vst v62  }
0x152: {  	v7 =	vadd.s32 $0xFFFFFFFF, v58;
	[tilespmem:$0x430] =	vst v6  }
0x153: {  	v8 =	vadd.s32 $0xFFFFFFFF, v59;
	[tilespmem:$0x440] =	vst v7  }
0x154: {  	v9 =	vadd.s32 $0xFFFFFFFF, v61;
	[tilespmem:$0x450] =	vst v8  }
0x155: {  	v10 =	vadd.s32 $0xFFFFFFFF, v63;
	[tilespmem:$0x460] =	vst v9  }
0x156: {  	[tilespmem:$0x470] =	vst v10  }
0x157: {  	[tilespmem:s8], [sflag:$0x5] =	stream.indirect.gather [spmem:s1], $0x80, s28, s5, $0xb8;
	[tilespmem:$0x15320] =	vst v63  }
0x158: {  	_ =	swait.ge [sflag:s9], $0x4000  }
0x159: {  	s21 =	sld [smem:$0x7EC]  }
0x15a: {  	[sflag:s9] =	ssyncset.done $0x0  }
0x15b: {  	[sflag:s9] =	ssyncadd.s32 $0xFFFFC000  }
0x15c: {  	[hbm4b:s21+s2] =	stream.linear.scatter [tilespmem:s6], [sflag:$0x9], $0x4000, $0x38;
	[tilespmem:$0x15320] =	vst v63  }
0x15d: {  	_ =	swait.ge [sflag:s17], $0x4000  }
0x15e: {  	[sflag:s17] =	ssyncset.done $0x0  }
0x15f: {  	[sflag:s17] =	ssyncadd.s32 $0xFFFFC000  }
0x160: {  	_ =	swait.ge [sflag:s29], $0x80  }
0x161: {  	[sflag:s29] =	ssyncset.done $0x0  }
0x162: {  	[sflag:s29] =	ssyncadd.s32 $0xFFFFFF80  }
0x163: {  	v11 =	vld [tilespmem:$0x480]  }
0x164: {  	v12 =	vld [tilespmem:$0x490]  }
0x165: {  	v13 =	vld [tilespmem:$0x4A0]  }
0x166: {  	v14 =	vld [tilespmem:$0x4B0]  }
0x167: {  	v15 =	vld [tilespmem:$0x4C0]  }
0x168: {  	v16 =	vld [tilespmem:$0x4D0];
	v0 =	vadd.s32 $0xFFFFFFFF, v11  }
0x169: {  	v18 =	vld [tilespmem:$0x4E0];
	v17 =	vadd.s32 $0xFFFFFFFF, v12;
	[tilespmem:$0x480] =	vst v0  }
0x16a: {  	v20 =	vld [tilespmem:$0x4F0];
	v19 =	vadd.s32 $0xFFFFFFFF, v13;
	[tilespmem:$0x490] =	vst v17  }
0x16b: {  	v21 =	vadd.s32 $0xFFFFFFFF, v14;
	[tilespmem:$0x4A0] =	vst v19  }
0x16c: {  	v22 =	vadd.s32 $0xFFFFFFFF, v15;
	[tilespmem:$0x4B0] =	vst v21  }
0x16d: {  	v23 =	vadd.s32 $0xFFFFFFFF, v16;
	[tilespmem:$0x4C0] =	vst v22  }
0x16e: {  	v24 =	vadd.s32 $0xFFFFFFFF, v18;
	[tilespmem:$0x4D0] =	vst v23  }
0x16f: {  	v25 =	vadd.s32 $0xFFFFFFFF, v20;
	[tilespmem:$0x4E0] =	vst v24  }
0x170: {  	[tilespmem:$0x4F0] =	vst v25  }
0x171: {  	[tilespmem:s10], [sflag:$0x6] =	stream.indirect.gather [spmem:s1], $0x80, s3, s5, $0xb8;
	[tilespmem:$0x15320] =	vst v63  }
0x172: {  	_ =	swait.ge [sflag:s11], $0x4000  }
0x173: {  	s3 =	sld [smem:$0x7ED]  }
0x174: {  	[sflag:s11] =	ssyncset.done $0x0  }
0x175: {  	[sflag:s11] =	ssyncadd.s32 $0xFFFFC000  }
0x176: {  	[hbm4b:s3+s2] =	stream.linear.scatter [tilespmem:s8], [sflag:$0xA], $0x4000, $0x38;
	[tilespmem:$0x15320] =	vst v63  }
0x177: {  	_ =	swait.ge [sflag:s12], $0x4000  }
0x178: {  	[sflag:s12] =	ssyncset.done $0x0  }
0x179: {  	[sflag:s12] =	ssyncadd.s32 $0xFFFFC000  }
0x17a: {  	_ =	swait.ge [sflag:s29], $0x80  }
0x17b: {  	[sflag:s29] =	ssyncset.done $0x0  }
0x17c: {  	[sflag:s29] =	ssyncadd.s32 $0xFFFFFF80  }
0x17d: {  	v26 =	vld [tilespmem:$0x500]  }
0x17e: {  	v27 =	vld [tilespmem:$0x510]  }
0x17f: {  	v28 =	vld [tilespmem:$0x520]  }
0x180: {  	v29 =	vld [tilespmem:$0x530]  }
0x181: {  	v30 =	vld [tilespmem:$0x540]  }
0x182: {  	v31 =	vld [tilespmem:$0x550];
	v0 =	vadd.s32 $0xFFFFFFFF, v26  }
0x183: {  	v33 =	vld [tilespmem:$0x560];
	v32 =	vadd.s32 $0xFFFFFFFF, v27;
	[tilespmem:$0x500] =	vst v0  }
0x184: {  	v35 =	vld [tilespmem:$0x570];
	v34 =	vadd.s32 $0xFFFFFFFF, v28;
	[tilespmem:$0x510] =	vst v32  }
0x185: {  	v36 =	vadd.s32 $0xFFFFFFFF, v29;
	[tilespmem:$0x520] =	vst v34  }
0x186: {  	v37 =	vadd.s32 $0xFFFFFFFF, v30;
	[tilespmem:$0x530] =	vst v36  }
0x187: {  	v38 =	vadd.s32 $0xFFFFFFFF, v31;
	[tilespmem:$0x540] =	vst v37  }
0x188: {  	v39 =	vadd.s32 $0xFFFFFFFF, v33;
	[tilespmem:$0x550] =	vst v38  }
0x189: {  	v40 =	vadd.s32 $0xFFFFFFFF, v35;
	[tilespmem:$0x560] =	vst v39  }
0x18a: {  	s21 =	simm.s32 $0x500;
	[tilespmem:$0x570] =	vst v40  }
0x18b: {  	[tilespmem:s30], [sflag:$0x2] =	stream.indirect.gather [spmem:s1], $0x80, s21, s5, $0xb8;
	[tilespmem:$0x15320] =	vst v63  }
0x18c: {  	_ =	swait.ge [sflag:s13], $0x4000  }
0x18d: {  	s3 =	sld [smem:$0x7EE]  }
0x18e: {  	[sflag:s13] =	ssyncset.done $0x0  }
0x18f: {  	[sflag:s13] =	ssyncadd.s32 $0xFFFFC000  }
0x190: {  	[hbm4b:s3+s2] =	stream.linear.scatter [tilespmem:s10], [sflag:$0xB], $0x4000, $0x38;
	[tilespmem:$0x15320] =	vst v63  }
0x191: {  	_ =	swait.ge [sflag:s14], $0x4000  }
0x192: {  	[sflag:s14] =	ssyncset.done $0x0  }
0x193: {  	[sflag:s14] =	ssyncadd.s32 $0xFFFFC000  }
0x194: {  	_ =	swait.ge [sflag:s29], $0x80  }
0x195: {  	[sflag:s29] =	ssyncset.done $0x0  }
0x196: {  	[sflag:s29] =	ssyncadd.s32 $0xFFFFFF80  }
0x197: {  	v41 =	vld [tilespmem:$0x580]  }
0x198: {  	v42 =	vld [tilespmem:$0x590]  }
0x199: {  	v43 =	vld [tilespmem:$0x5A0]  }
0x19a: {  	v44 =	vld [tilespmem:$0x5B0]  }
0x19b: {  	v45 =	vld [tilespmem:$0x5C0]  }
0x19c: {  	v46 =	vld [tilespmem:$0x5D0];
	v0 =	vadd.s32 $0xFFFFFFFF, v41  }
0x19d: {  	v48 =	vld [tilespmem:$0x5E0];
	v47 =	vadd.s32 $0xFFFFFFFF, v42;
	[tilespmem:$0x580] =	vst v0  }
0x19e: {  	v50 =	vld [tilespmem:$0x5F0];
	v49 =	vadd.s32 $0xFFFFFFFF, v43;
	[tilespmem:$0x590] =	vst v47  }
0x19f: {  	v51 =	vadd.s32 $0xFFFFFFFF, v44;
	[tilespmem:$0x5A0] =	vst v49  }
0x1a0: {  	v52 =	vadd.s32 $0xFFFFFFFF, v45;
	[tilespmem:$0x5B0] =	vst v51  }
0x1a1: {  	v53 =	vadd.s32 $0xFFFFFFFF, v46;
	[tilespmem:$0x5C0] =	vst v52  }
0x1a2: {  	v54 =	vadd.s32 $0xFFFFFFFF, v48;
	[tilespmem:$0x5D0] =	vst v53  }
0x1a3: {  	v55 =	vadd.s32 $0xFFFFFFFF, v50;
	[tilespmem:$0x5E0] =	vst v54  }
0x1a4: {  	s21 =	simm.s32 $0x580;
	[tilespmem:$0x5F0] =	vst v55  }
0x1a5: {  	[tilespmem:s31], [sflag:$0x3] =	stream.indirect.gather [spmem:s1], $0x80, s21, s5, $0xb8;
	[tilespmem:$0x15320] =	vst v63  }
0x1a6: {  	_ =	swait.ge [sflag:s0], $0x4000  }
0x1a7: {  	s3 =	sld [smem:$0x7EF]  }
0x1a8: {  	[sflag:s0] =	ssyncset.done $0x0  }
0x1a9: {  	[sflag:s0] =	ssyncadd.s32 $0xFFFFC000  }
0x1aa: {  	[hbm4b:s3+s2] =	stream.linear.scatter [tilespmem:s30], [sflag:$0x7], $0x4000, $0x38;
	[tilespmem:$0x15320] =	vst v63  }
0x1ab: {  	_ =	swait.ge [sflag:s15], $0x4000  }
0x1ac: {  	[sflag:s15] =	ssyncset.done $0x0  }
0x1ad: {  	[sflag:s15] =	ssyncadd.s32 $0xFFFFC000  }
0x1ae: {  	_ =	swait.ge [sflag:s29], $0x80  }
0x1af: {  	[sflag:s29] =	ssyncset.done $0x0  }
0x1b0: {  	[sflag:s29] =	ssyncadd.s32 $0xFFFFFF80  }
0x1b1: {  	v56 =	vld [tilespmem:$0x600]  }
0x1b2: {  	v57 =	vld [tilespmem:$0x610]  }
0x1b3: {  	v58 =	vld [tilespmem:$0x620]  }
0x1b4: {  	v59 =	vld [tilespmem:$0x630]  }
0x1b5: {  	v60 =	vld [tilespmem:$0x640]  }
0x1b6: {  	v61 =	vld [tilespmem:$0x650];
	v0 =	vadd.s32 $0xFFFFFFFF, v56  }
0x1b7: {  	v63 =	vld [tilespmem:$0x660];
	v62 =	vadd.s32 $0xFFFFFFFF, v57;
	[tilespmem:$0x600] =	vst v0  }
0x1b8: {  	v7 =	vld [tilespmem:$0x670];
	v6 =	vadd.s32 $0xFFFFFFFF, v58;
	[tilespmem:$0x610] =	vst v62  }
0x1b9: {  	v8 =	vadd.s32 $0xFFFFFFFF, v59;
	[tilespmem:$0x620] =	vst v6  }
0x1ba: {  	v9 =	vadd.s32 $0xFFFFFFFF, v60;
	[tilespmem:$0x630] =	vst v8  }
0x1bb: {  	v10 =	vadd.s32 $0xFFFFFFFF, v61;
	[tilespmem:$0x640] =	vst v9  }
0x1bc: {  	v11 =	vadd.s32 $0xFFFFFFFF, v63;
	[tilespmem:$0x650] =	vst v10  }
0x1bd: {  	v12 =	vadd.s32 $0xFFFFFFFF, v7;
	[tilespmem:$0x660] =	vst v11  }
0x1be: {  	s21 =	simm.s32 $0x600;
	[tilespmem:$0x670] =	vst v12  }
0x1bf: {  	[tilespmem:s6], [sflag:$0x4] =	stream.indirect.gather [spmem:s1], $0x80, s21, s5, $0xb8;
	[tilespmem:$0x15320] =	vst v63  }
0x1c0: {  	_ =	swait.ge [sflag:s7], $0x4000  }
0x1c1: {  	s3 =	sld [smem:$0x7F0]  }
0x1c2: {  	[sflag:s7] =	ssyncset.done $0x0  }
0x1c3: {  	[sflag:s7] =	ssyncadd.s32 $0xFFFFC000  }
0x1c4: {  	[hbm4b:s3+s2] =	stream.linear.scatter [tilespmem:s31], [sflag:$0x8], $0x4000, $0x38;
	[tilespmem:$0x15320] =	vst v63  }
0x1c5: {  	_ =	swait.ge [sflag:s16], $0x4000  }
0x1c6: {  	[sflag:s16] =	ssyncset.done $0x0  }
0x1c7: {  	[sflag:s16] =	ssyncadd.s32 $0xFFFFC000  }
0x1c8: {  	_ =	swait.ge [sflag:s29], $0x80  }
0x1c9: {  	[sflag:s29] =	ssyncset.done $0x0  }
0x1ca: {  	[sflag:s29] =	ssyncadd.s32 $0xFFFFFF80  }
0x1cb: {  	v13 =	vld [tilespmem:$0x680]  }
0x1cc: {  	v14 =	vld [tilespmem:$0x690]  }
0x1cd: {  	v15 =	vld [tilespmem:$0x6A0]  }
0x1ce: {  	v16 =	vld [tilespmem:$0x6B0]  }
0x1cf: {  	v17 =	vld [tilespmem:$0x6C0]  }
0x1d0: {  	v18 =	vld [tilespmem:$0x6D0];
	v0 =	vadd.s32 $0xFFFFFFFF, v13  }
0x1d1: {  	v20 =	vld [tilespmem:$0x6E0];
	v19 =	vadd.s32 $0xFFFFFFFF, v14;
	[tilespmem:$0x680] =	vst v0  }
0x1d2: {  	v22 =	vld [tilespmem:$0x6F0];
	v21 =	vadd.s32 $0xFFFFFFFF, v15;
	[tilespmem:$0x690] =	vst v19  }
0x1d3: {  	v23 =	vadd.s32 $0xFFFFFFFF, v16;
	[tilespmem:$0x6A0] =	vst v21  }
0x1d4: {  	v24 =	vadd.s32 $0xFFFFFFFF, v17;
	[tilespmem:$0x6B0] =	vst v23  }
0x1d5: {  	v25 =	vadd.s32 $0xFFFFFFFF, v18;
	[tilespmem:$0x6C0] =	vst v24  }
0x1d6: {  	v26 =	vadd.s32 $0xFFFFFFFF, v20;
	[tilespmem:$0x6D0] =	vst v25  }
0x1d7: {  	v27 =	vadd.s32 $0xFFFFFFFF, v22;
	[tilespmem:$0x6E0] =	vst v26  }
0x1d8: {  	s21 =	simm.s32 $0x680;
	[tilespmem:$0x6F0] =	vst v27  }
0x1d9: {  	[tilespmem:s8], [sflag:$0x5] =	stream.indirect.gather [spmem:s1], $0x80, s21, s5, $0xb8;
	[tilespmem:$0x15320] =	vst v63  }
0x1da: {  	_ =	swait.ge [sflag:s9], $0x4000  }
0x1db: {  	s3 =	sld [smem:$0x7F1]  }
0x1dc: {  	[sflag:s9] =	ssyncset.done $0x0  }
0x1dd: {  	[sflag:s9] =	ssyncadd.s32 $0xFFFFC000  }
0x1de: {  	[hbm4b:s3+s2] =	stream.linear.scatter [tilespmem:s6], [sflag:$0x9], $0x4000, $0x38;
	[tilespmem:$0x15320] =	vst v63  }
0x1df: {  	_ =	swait.ge [sflag:s17], $0x4000  }
0x1e0: {  	[sflag:s17] =	ssyncset.done $0x0  }
0x1e1: {  	[sflag:s17] =	ssyncadd.s32 $0xFFFFC000  }
0x1e2: {  	_ =	swait.ge [sflag:s29], $0x80  }
0x1e3: {  	[sflag:s29] =	ssyncset.done $0x0  }
0x1e4: {  	[sflag:s29] =	ssyncadd.s32 $0xFFFFFF80  }
0x1e5: {  	v28 =	vld [tilespmem:$0x700]  }
0x1e6: {  	v29 =	vld [tilespmem:$0x710]  }
0x1e7: {  	v30 =	vld [tilespmem:$0x720]  }
0x1e8: {  	v31 =	vld [tilespmem:$0x730]  }
0x1e9: {  	v32 =	vld [tilespmem:$0x740]  }
0x1ea: {  	v33 =	vld [tilespmem:$0x750];
	v0 =	vadd.s32 $0xFFFFFFFF, v28  }
0x1eb: {  	v35 =	vld [tilespmem:$0x760];
	v34 =	vadd.s32 $0xFFFFFFFF, v29;
	[tilespmem:$0x700] =	vst v0  }
0x1ec: {  	v37 =	vld [tilespmem:$0x770];
	v36 =	vadd.s32 $0xFFFFFFFF, v30;
	[tilespmem:$0x710] =	vst v34  }
0x1ed: {  	v38 =	vadd.s32 $0xFFFFFFFF, v31;
	[tilespmem:$0x720] =	vst v36  }
0x1ee: {  	v39 =	vadd.s32 $0xFFFFFFFF, v32;
	[tilespmem:$0x730] =	vst v38  }
0x1ef: {  	v40 =	vadd.s32 $0xFFFFFFFF, v33;
	[tilespmem:$0x740] =	vst v39  }
0x1f0: {  	v41 =	vadd.s32 $0xFFFFFFFF, v35;
	[tilespmem:$0x750] =	vst v40  }
0x1f1: {  	v42 =	vadd.s32 $0xFFFFFFFF, v37;
	[tilespmem:$0x760] =	vst v41  }
0x1f2: {  	s21 =	simm.s32 $0x700;
	[tilespmem:$0x770] =	vst v42  }
0x1f3: {  	[tilespmem:s10], [sflag:$0x6] =	stream.indirect.gather [spmem:s1], $0x80, s21, s5, $0xb8;
	[tilespmem:$0x15320] =	vst v63  }
0x1f4: {  	_ =	swait.ge [sflag:s11], $0x4000  }
0x1f5: {  	s3 =	sld [smem:$0x7F2]  }
0x1f6: {  	[sflag:s11] =	ssyncset.done $0x0  }
0x1f7: {  	[sflag:s11] =	ssyncadd.s32 $0xFFFFC000  }
0x1f8: {  	[hbm4b:s3+s2] =	stream.linear.scatter [tilespmem:s8], [sflag:$0xA], $0x4000, $0x38;
	[tilespmem:$0x15320] =	vst v63  }
0x1f9: {  	_ =	swait.ge [sflag:s12], $0x4000  }
0x1fa: {  	[sflag:s12] =	ssyncset.done $0x0  }
0x1fb: {  	[sflag:s12] =	ssyncadd.s32 $0xFFFFC000  }
0x1fc: {  	_ =	swait.ge [sflag:s29], $0x80  }
0x1fd: {  	[sflag:s29] =	ssyncset.done $0x0  }
0x1fe: {  	[sflag:s29] =	ssyncadd.s32 $0xFFFFFF80  }
0x1ff: {  	v43 =	vld [tilespmem:$0x780]  }
0x200: {  	v44 =	vld [tilespmem:$0x790]  }
0x201: {  	v45 =	vld [tilespmem:$0x7A0]  }
0x202: {  	v46 =	vld [tilespmem:$0x7B0]  }
0x203: {  	v47 =	vld [tilespmem:$0x7C0]  }
0x204: {  	v48 =	vld [tilespmem:$0x7D0];
	v0 =	vadd.s32 $0xFFFFFFFF, v43  }
0x205: {  	v50 =	vld [tilespmem:$0x7E0];
	v49 =	vadd.s32 $0xFFFFFFFF, v44;
	[tilespmem:$0x780] =	vst v0  }
0x206: {  	v52 =	vld [tilespmem:$0x7F0];
	v51 =	vadd.s32 $0xFFFFFFFF, v45;
	[tilespmem:$0x790] =	vst v49  }
0x207: {  	v53 =	vadd.s32 $0xFFFFFFFF, v46;
	[tilespmem:$0x7A0] =	vst v51  }
0x208: {  	v54 =	vadd.s32 $0xFFFFFFFF, v47;
	[tilespmem:$0x7B0] =	vst v53  }
0x209: {  	v55 =	vadd.s32 $0xFFFFFFFF, v48;
	[tilespmem:$0x7C0] =	vst v54  }
0x20a: {  	v56 =	vadd.s32 $0xFFFFFFFF, v50;
	[tilespmem:$0x7D0] =	vst v55  }
0x20b: {  	v57 =	vadd.s32 $0xFFFFFFFF, v52;
	[tilespmem:$0x7E0] =	vst v56  }
0x20c: {  	s21 =	simm.s32 $0x780;
	[tilespmem:$0x7F0] =	vst v57  }
0x20d: {  	[tilespmem:s30], [sflag:$0x2] =	stream.indirect.gather [spmem:s1], $0x80, s21, s5, $0xb8;
	[tilespmem:$0x15320] =	vst v63  }
0x20e: {  	_ =	swait.ge [sflag:s13], $0x4000  }
0x20f: {  	s3 =	sld [smem:$0x7F3]  }
0x210: {  	[sflag:s13] =	ssyncset.done $0x0  }
0x211: {  	[sflag:s13] =	ssyncadd.s32 $0xFFFFC000  }
0x212: {  	[hbm4b:s3+s2] =	stream.linear.scatter [tilespmem:s10], [sflag:$0xB], $0x4000, $0x38;
	[tilespmem:$0x15320] =	vst v63  }
0x213: {  	_ =	swait.ge [sflag:s14], $0x4000  }
0x214: {  	[sflag:s14] =	ssyncset.done $0x0  }
0x215: {  	[sflag:s14] =	ssyncadd.s32 $0xFFFFC000  }
0x216: {  	_ =	swait.ge [sflag:s29], $0x80  }
0x217: {  	[sflag:s29] =	ssyncset.done $0x0  }
0x218: {  	[sflag:s29] =	ssyncadd.s32 $0xFFFFFF80  }
0x219: {  	v58 =	vld [tilespmem:$0x800]  }
0x21a: {  	v59 =	vld [tilespmem:$0x810]  }
0x21b: {  	v60 =	vld [tilespmem:$0x820]  }
0x21c: {  	v61 =	vld [tilespmem:$0x830]  }
0x21d: {  	v62 =	vld [tilespmem:$0x840]  }
0x21e: {  	v63 =	vld [tilespmem:$0x850];
	v0 =	vadd.s32 $0xFFFFFFFF, v58  }
0x21f: {  	v7 =	vld [tilespmem:$0x860];
	v6 =	vadd.s32 $0xFFFFFFFF, v59;
	[tilespmem:$0x800] =	vst v0  }
0x220: {  	v9 =	vld [tilespmem:$0x870];
	v8 =	vadd.s32 $0xFFFFFFFF, v60;
	[tilespmem:$0x810] =	vst v6  }
0x221: {  	v10 =	vadd.s32 $0xFFFFFFFF, v61;
	[tilespmem:$0x820] =	vst v8  }
0x222: {  	v11 =	vadd.s32 $0xFFFFFFFF, v62;
	[tilespmem:$0x830] =	vst v10  }
0x223: {  	v12 =	vadd.s32 $0xFFFFFFFF, v63;
	[tilespmem:$0x840] =	vst v11  }
0x224: {  	v13 =	vadd.s32 $0xFFFFFFFF, v7;
	[tilespmem:$0x850] =	vst v12  }
0x225: {  	v14 =	vadd.s32 $0xFFFFFFFF, v9;
	[tilespmem:$0x860] =	vst v13  }
0x226: {  	s21 =	simm.s32 $0x800;
	[tilespmem:$0x870] =	vst v14  }
0x227: {  	[tilespmem:s31], [sflag:$0x3] =	stream.indirect.gather [spmem:s1], $0x80, s21, s5, $0xb8;
	[tilespmem:$0x15320] =	vst v63  }
0x228: {  	_ =	swait.ge [sflag:s0], $0x4000  }
0x229: {  	s3 =	sld [smem:$0x7F4]  }
0x22a: {  	[sflag:s0] =	ssyncset.done $0x0  }
0x22b: {  	[sflag:s0] =	ssyncadd.s32 $0xFFFFC000  }
0x22c: {  	[hbm4b:s3+s2] =	stream.linear.scatter [tilespmem:s30], [sflag:$0x7], $0x4000, $0x38;
	[tilespmem:$0x15320] =	vst v63  }
0x22d: {  	_ =	swait.ge [sflag:s15], $0x4000  }
0x22e: {  	[sflag:s15] =	ssyncset.done $0x0  }
0x22f: {  	[sflag:s15] =	ssyncadd.s32 $0xFFFFC000  }
0x230: {  	_ =	swait.ge [sflag:s29], $0x80  }
0x231: {  	[sflag:s29] =	ssyncset.done $0x0  }
0x232: {  	[sflag:s29] =	ssyncadd.s32 $0xFFFFFF80  }
0x233: {  	v15 =	vld [tilespmem:$0x880]  }
0x234: {  	v16 =	vld [tilespmem:$0x890]  }
0x235: {  	v17 =	vld [tilespmem:$0x8A0]  }
0x236: {  	v18 =	vld [tilespmem:$0x8B0]  }
0x237: {  	v19 =	vld [tilespmem:$0x8C0]  }
0x238: {  	v20 =	vld [tilespmem:$0x8D0];
	v0 =	vadd.s32 $0xFFFFFFFF, v15  }
0x239: {  	v22 =	vld [tilespmem:$0x8E0];
	v21 =	vadd.s32 $0xFFFFFFFF, v16;
	[tilespmem:$0x880] =	vst v0  }
0x23a: {  	v24 =	vld [tilespmem:$0x8F0];
	v23 =	vadd.s32 $0xFFFFFFFF, v17;
	[tilespmem:$0x890] =	vst v21  }
0x23b: {  	v25 =	vadd.s32 $0xFFFFFFFF, v18;
	[tilespmem:$0x8A0] =	vst v23  }
0x23c: {  	v26 =	vadd.s32 $0xFFFFFFFF, v19;
	[tilespmem:$0x8B0] =	vst v25  }
0x23d: {  	v27 =	vadd.s32 $0xFFFFFFFF, v20;
	[tilespmem:$0x8C0] =	vst v26  }
0x23e: {  	v28 =	vadd.s32 $0xFFFFFFFF, v22;
	[tilespmem:$0x8D0] =	vst v27  }
0x23f: {  	v29 =	vadd.s32 $0xFFFFFFFF, v24;
	[tilespmem:$0x8E0] =	vst v28  }
0x240: {  	s21 =	simm.s32 $0x880;
	[tilespmem:$0x8F0] =	vst v29  }
0x241: {  	[tilespmem:s6], [sflag:$0x4] =	stream.indirect.gather [spmem:s1], $0x80, s21, s5, $0xb8;
	[tilespmem:$0x15320] =	vst v63  }
0x242: {  	_ =	swait.ge [sflag:s7], $0x4000  }
0x243: {  	s3 =	sld [smem:$0x7F5]  }
0x244: {  	[sflag:s7] =	ssyncset.done $0x0  }
0x245: {  	[sflag:s7] =	ssyncadd.s32 $0xFFFFC000  }
0x246: {  	[hbm4b:s3+s2] =	stream.linear.scatter [tilespmem:s31], [sflag:$0x8], $0x4000, $0x38;
	[tilespmem:$0x15320] =	vst v63  }
0x247: {  	_ =	swait.ge [sflag:s16], $0x4000  }
0x248: {  	[sflag:s16] =	ssyncset.done $0x0  }
0x249: {  	[sflag:s16] =	ssyncadd.s32 $0xFFFFC000  }
0x24a: {  	_ =	swait.ge [sflag:s29], $0x80  }
0x24b: {  	[sflag:s29] =	ssyncset.done $0x0  }
0x24c: {  	[sflag:s29] =	ssyncadd.s32 $0xFFFFFF80  }
0x24d: {  	v30 =	vld [tilespmem:$0x900]  }
0x24e: {  	v31 =	vld [tilespmem:$0x910]  }
0x24f: {  	v32 =	vld [tilespmem:$0x920]  }
0x250: {  	v33 =	vld [tilespmem:$0x930]  }
0x251: {  	v34 =	vld [tilespmem:$0x940]  }
0x252: {  	v35 =	vld [tilespmem:$0x950];
	v0 =	vadd.s32 $0xFFFFFFFF, v30  }
0x253: {  	v37 =	vld [tilespmem:$0x960];
	v36 =	vadd.s32 $0xFFFFFFFF, v31;
	[tilespmem:$0x900] =	vst v0  }
0x254: {  	v39 =	vld [tilespmem:$0x970];
	v38 =	vadd.s32 $0xFFFFFFFF, v32;
	[tilespmem:$0x910] =	vst v36  }
0x255: {  	v40 =	vadd.s32 $0xFFFFFFFF, v33;
	[tilespmem:$0x920] =	vst v38  }
0x256: {  	v41 =	vadd.s32 $0xFFFFFFFF, v34;
	[tilespmem:$0x930] =	vst v40  }
0x257: {  	v42 =	vadd.s32 $0xFFFFFFFF, v35;
	[tilespmem:$0x940] =	vst v41  }
0x258: {  	v43 =	vadd.s32 $0xFFFFFFFF, v37;
	[tilespmem:$0x950] =	vst v42  }
0x259: {  	v44 =	vadd.s32 $0xFFFFFFFF, v39;
	[tilespmem:$0x960] =	vst v43  }
0x25a: {  	s21 =	simm.s32 $0x900;
	[tilespmem:$0x970] =	vst v44  }
0x25b: {  	[tilespmem:s8], [sflag:$0x5] =	stream.indirect.gather [spmem:s1], $0x80, s21, s5, $0xb8;
	[tilespmem:$0x15320] =	vst v63  }
0x25c: {  	_ =	swait.ge [sflag:s9], $0x4000  }
0x25d: {  	s3 =	sld [smem:$0x7F6]  }
0x25e: {  	[sflag:s9] =	ssyncset.done $0x0  }
0x25f: {  	[sflag:s9] =	ssyncadd.s32 $0xFFFFC000  }
0x260: {  	[hbm4b:s3+s2] =	stream.linear.scatter [tilespmem:s6], [sflag:$0x9], $0x4000, $0x38;
	[tilespmem:$0x15320] =	vst v63  }
0x261: {  	_ =	swait.ge [sflag:s17], $0x4000  }
0x262: {  	[sflag:s17] =	ssyncset.done $0x0  }
0x263: {  	[sflag:s17] =	ssyncadd.s32 $0xFFFFC000  }
0x264: {  	_ =	swait.ge [sflag:s29], $0x80  }
0x265: {  	[sflag:s29] =	ssyncset.done $0x0  }
0x266: {  	[sflag:s29] =	ssyncadd.s32 $0xFFFFFF80  }
0x267: {  	v45 =	vld [tilespmem:$0x980]  }
0x268: {  	v46 =	vld [tilespmem:$0x990]  }
0x269: {  	v47 =	vld [tilespmem:$0x9A0]  }
0x26a: {  	v48 =	vld [tilespmem:$0x9B0]  }
0x26b: {  	v49 =	vld [tilespmem:$0x9C0]  }
0x26c: {  	v50 =	vld [tilespmem:$0x9D0];
	v0 =	vadd.s32 $0xFFFFFFFF, v45  }
0x26d: {  	v52 =	vld [tilespmem:$0x9E0];
	v51 =	vadd.s32 $0xFFFFFFFF, v46;
	[tilespmem:$0x980] =	vst v0  }
0x26e: {  	v54 =	vld [tilespmem:$0x9F0];
	v53 =	vadd.s32 $0xFFFFFFFF, v47;
	[tilespmem:$0x990] =	vst v51  }
0x26f: {  	v55 =	vadd.s32 $0xFFFFFFFF, v48;
	[tilespmem:$0x9A0] =	vst v53  }
0x270: {  	v56 =	vadd.s32 $0xFFFFFFFF, v49;
	[tilespmem:$0x9B0] =	vst v55  }
0x271: {  	v57 =	vadd.s32 $0xFFFFFFFF, v50;
	[tilespmem:$0x9C0] =	vst v56  }
0x272: {  	v58 =	vadd.s32 $0xFFFFFFFF, v52;
	[tilespmem:$0x9D0] =	vst v57  }
0x273: {  	v59 =	vadd.s32 $0xFFFFFFFF, v54;
	[tilespmem:$0x9E0] =	vst v58  }
0x274: {  	s21 =	simm.s32 $0x980;
	[tilespmem:$0x9F0] =	vst v59  }
0x275: {  	[tilespmem:s10], [sflag:$0x6] =	stream.indirect.gather [spmem:s1], $0x80, s21, s5, $0xb8;
	[tilespmem:$0x15320] =	vst v63  }
0x276: {  	_ =	swait.ge [sflag:s11], $0x4000  }
0x277: {  	s3 =	sld [smem:$0x7F7]  }
0x278: {  	[sflag:s11] =	ssyncset.done $0x0  }
0x279: {  	[sflag:s11] =	ssyncadd.s32 $0xFFFFC000  }
0x27a: {  	[hbm4b:s3+s2] =	stream.linear.scatter [tilespmem:s8], [sflag:$0xA], $0x4000, $0x38;
	[tilespmem:$0x15320] =	vst v63  }
0x27b: {  	_ =	swait.ge [sflag:s12], $0x4000  }
0x27c: {  	[sflag:s12] =	ssyncset.done $0x0  }
0x27d: {  	[sflag:s12] =	ssyncadd.s32 $0xFFFFC000  }
0x27e: {  	_ =	swait.ge [sflag:s29], $0x80  }
0x27f: {  	[sflag:s29] =	ssyncset.done $0x0  }
0x280: {  	[sflag:s29] =	ssyncadd.s32 $0xFFFFFF80  }
0x281: {  	v60 =	vld [tilespmem:$0xA00]  }
0x282: {  	v61 =	vld [tilespmem:$0xA10]  }
0x283: {  	v62 =	vld [tilespmem:$0xA20]  }
0x284: {  	v63 =	vld [tilespmem:$0xA30]  }
0x285: {  	v8 =	vld [tilespmem:$0xA40]  }
0x286: {  	v9 =	vld [tilespmem:$0xA50];
	v0 =	vadd.s32 $0xFFFFFFFF, v60  }
0x287: {  	v11 =	vld [tilespmem:$0xA60];
	v10 =	vadd.s32 $0xFFFFFFFF, v61;
	[tilespmem:$0xA00] =	vst v0  }
0x288: {  	v13 =	vld [tilespmem:$0xA70];
	v12 =	vadd.s32 $0xFFFFFFFF, v62;
	[tilespmem:$0xA10] =	vst v10  }
0x289: {  	v14 =	vadd.s32 $0xFFFFFFFF, v63;
	[tilespmem:$0xA20] =	vst v12  }
0x28a: {  	v15 =	vadd.s32 $0xFFFFFFFF, v8;
	[tilespmem:$0xA30] =	vst v14  }
0x28b: {  	v16 =	vadd.s32 $0xFFFFFFFF, v9;
	[tilespmem:$0xA40] =	vst v15  }
0x28c: {  	v17 =	vadd.s32 $0xFFFFFFFF, v11;
	[tilespmem:$0xA50] =	vst v16  }
0x28d: {  	v18 =	vadd.s32 $0xFFFFFFFF, v13;
	[tilespmem:$0xA60] =	vst v17  }
0x28e: {  	s21 =	simm.s32 $0xA00;
	[tilespmem:$0xA70] =	vst v18  }
0x28f: {  	[tilespmem:s30], [sflag:$0x2] =	stream.indirect.gather [spmem:s1], $0x80, s21, s5, $0xb8;
	[tilespmem:$0x15320] =	vst v63  }
0x290: {  	_ =	swait.ge [sflag:s13], $0x4000  }
0x291: {  	s3 =	sld [smem:$0x7F8]  }
0x292: {  	[sflag:s13] =	ssyncset.done $0x0  }
0x293: {  	[sflag:s13] =	ssyncadd.s32 $0xFFFFC000  }
0x294: {  	[hbm4b:s3+s2] =	stream.linear.scatter [tilespmem:s10], [sflag:$0xB], $0x4000, $0x38;
	[tilespmem:$0x15320] =	vst v63  }
0x295: {  	_ =	swait.ge [sflag:s14], $0x4000  }
0x296: {  	[sflag:s14] =	ssyncset.done $0x0  }
0x297: {  	[sflag:s14] =	ssyncadd.s32 $0xFFFFC000  }
0x298: {  	_ =	swait.ge [sflag:s29], $0x80  }
0x299: {  	[sflag:s29] =	ssyncset.done $0x0  }
0x29a: {  	[sflag:s29] =	ssyncadd.s32 $0xFFFFFF80  }
0x29b: {  	v19 =	vld [tilespmem:$0xA80]  }
0x29c: {  	v20 =	vld [tilespmem:$0xA90]  }
0x29d: {  	v21 =	vld [tilespmem:$0xAA0]  }
0x29e: {  	v22 =	vld [tilespmem:$0xAB0]  }
0x29f: {  	v23 =	vld [tilespmem:$0xAC0]  }
0x2a0: {  	v24 =	vld [tilespmem:$0xAD0];
	v0 =	vadd.s32 $0xFFFFFFFF, v19  }
0x2a1: {  	v26 =	vld [tilespmem:$0xAE0];
	v25 =	vadd.s32 $0xFFFFFFFF, v20;
	[tilespmem:$0xA80] =	vst v0  }
0x2a2: {  	v28 =	vld [tilespmem:$0xAF0];
	v27 =	vadd.s32 $0xFFFFFFFF, v21;
	[tilespmem:$0xA90] =	vst v25  }
0x2a3: {  	v29 =	vadd.s32 $0xFFFFFFFF, v22;
	[tilespmem:$0xAA0] =	vst v27  }
0x2a4: {  	v30 =	vadd.s32 $0xFFFFFFFF, v23;
	[tilespmem:$0xAB0] =	vst v29  }
0x2a5: {  	v31 =	vadd.s32 $0xFFFFFFFF, v24;
	[tilespmem:$0xAC0] =	vst v30  }
0x2a6: {  	v32 =	vadd.s32 $0xFFFFFFFF, v26;
	[tilespmem:$0xAD0] =	vst v31  }
0x2a7: {  	v33 =	vadd.s32 $0xFFFFFFFF, v28;
	[tilespmem:$0xAE0] =	vst v32  }
0x2a8: {  	s21 =	simm.s32 $0xA80;
	[tilespmem:$0xAF0] =	vst v33  }
0x2a9: {  	[tilespmem:s31], [sflag:$0x3] =	stream.indirect.gather [spmem:s1], $0x80, s21, s5, $0xb8;
	[tilespmem:$0x15320] =	vst v63  }
0x2aa: {  	_ =	swait.ge [sflag:s0], $0x4000  }
0x2ab: {  	s3 =	sld [smem:$0x7F9]  }
0x2ac: {  	[sflag:s0] =	ssyncset.done $0x0  }
0x2ad: {  	[sflag:s0] =	ssyncadd.s32 $0xFFFFC000  }
0x2ae: {  	[hbm4b:s3+s2] =	stream.linear.scatter [tilespmem:s30], [sflag:$0x7], $0x4000, $0x38;
	[tilespmem:$0x15320] =	vst v63  }
0x2af: {  	_ =	swait.ge [sflag:s15], $0x4000  }
0x2b0: {  	[sflag:s15] =	ssyncset.done $0x0  }
0x2b1: {  	[sflag:s15] =	ssyncadd.s32 $0xFFFFC000  }
0x2b2: {  	_ =	swait.ge [sflag:s29], $0x80  }
0x2b3: {  	[sflag:s29] =	ssyncset.done $0x0  }
0x2b4: {  	[sflag:s29] =	ssyncadd.s32 $0xFFFFFF80  }
0x2b5: {  	v34 =	vld [tilespmem:$0xB00]  }
0x2b6: {  	v35 =	vld [tilespmem:$0xB10]  }
0x2b7: {  	v36 =	vld [tilespmem:$0xB20]  }
0x2b8: {  	v37 =	vld [tilespmem:$0xB30]  }
0x2b9: {  	v38 =	vld [tilespmem:$0xB40]  }
0x2ba: {  	v39 =	vld [tilespmem:$0xB50];
	v0 =	vadd.s32 $0xFFFFFFFF, v34  }
0x2bb: {  	v41 =	vld [tilespmem:$0xB60];
	v40 =	vadd.s32 $0xFFFFFFFF, v35;
	[tilespmem:$0xB00] =	vst v0  }
0x2bc: {  	v43 =	vld [tilespmem:$0xB70];
	v42 =	vadd.s32 $0xFFFFFFFF, v36;
	[tilespmem:$0xB10] =	vst v40  }
0x2bd: {  	v44 =	vadd.s32 $0xFFFFFFFF, v37;
	[tilespmem:$0xB20] =	vst v42  }
0x2be: {  	v45 =	vadd.s32 $0xFFFFFFFF, v38;
	[tilespmem:$0xB30] =	vst v44  }
0x2bf: {  	v46 =	vadd.s32 $0xFFFFFFFF, v39;
	[tilespmem:$0xB40] =	vst v45  }
0x2c0: {  	v47 =	vadd.s32 $0xFFFFFFFF, v41;
	[tilespmem:$0xB50] =	vst v46  }
0x2c1: {  	v48 =	vadd.s32 $0xFFFFFFFF, v43;
	[tilespmem:$0xB60] =	vst v47  }
0x2c2: {  	s21 =	simm.s32 $0xB00;
	[tilespmem:$0xB70] =	vst v48  }
0x2c3: {  	[tilespmem:s6], [sflag:$0x4] =	stream.indirect.gather [spmem:s1], $0x80, s21, s5, $0xb8;
	[tilespmem:$0x15320] =	vst v63  }
0x2c4: {  	_ =	swait.ge [sflag:s7], $0x4000  }
0x2c5: {  	s3 =	sld [smem:$0x7FA]  }
0x2c6: {  	[sflag:s7] =	ssyncset.done $0x0  }
0x2c7: {  	[sflag:s7] =	ssyncadd.s32 $0xFFFFC000  }
0x2c8: {  	[hbm4b:s3+s2] =	stream.linear.scatter [tilespmem:s31], [sflag:$0x8], $0x4000, $0x38;
	[tilespmem:$0x15320] =	vst v63  }
0x2c9: {  	_ =	swait.ge [sflag:s16], $0x4000  }
0x2ca: {  	[sflag:s16] =	ssyncset.done $0x0  }
0x2cb: {  	[sflag:s16] =	ssyncadd.s32 $0xFFFFC000  }
0x2cc: {  	_ =	swait.ge [sflag:s29], $0x80  }
0x2cd: {  	[sflag:s29] =	ssyncset.done $0x0  }
0x2ce: {  	[sflag:s29] =	ssyncadd.s32 $0xFFFFFF80  }
0x2cf: {  	v49 =	vld [tilespmem:$0xB80]  }
0x2d0: {  	v50 =	vld [tilespmem:$0xB90]  }
0x2d1: {  	v51 =	vld [tilespmem:$0xBA0]  }
0x2d2: {  	v52 =	vld [tilespmem:$0xBB0]  }
0x2d3: {  	v53 =	vld [tilespmem:$0xBC0]  }
0x2d4: {  	v54 =	vld [tilespmem:$0xBD0];
	v0 =	vadd.s32 $0xFFFFFFFF, v49  }
0x2d5: {  	v56 =	vld [tilespmem:$0xBE0];
	v55 =	vadd.s32 $0xFFFFFFFF, v50;
	[tilespmem:$0xB80] =	vst v0  }
0x2d6: {  	v58 =	vld [tilespmem:$0xBF0];
	v57 =	vadd.s32 $0xFFFFFFFF, v51;
	[tilespmem:$0xB90] =	vst v55  }
0x2d7: {  	v59 =	vadd.s32 $0xFFFFFFFF, v52;
	[tilespmem:$0xBA0] =	vst v57  }
0x2d8: {  	v60 =	vadd.s32 $0xFFFFFFFF, v53;
	[tilespmem:$0xBB0] =	vst v59  }
0x2d9: {  	v61 =	vadd.s32 $0xFFFFFFFF, v54;
	[tilespmem:$0xBC0] =	vst v60  }
0x2da: {  	v62 =	vadd.s32 $0xFFFFFFFF, v56;
	[tilespmem:$0xBD0] =	vst v61  }
0x2db: {  	v63 =	vadd.s32 $0xFFFFFFFF, v58;
	[tilespmem:$0xBE0] =	vst v62  }
0x2dc: {  	s20 =	simm.s32 $0xB80;
	[tilespmem:$0xBF0] =	vst v63  }
0x2dd: {  	[tilespmem:s8], [sflag:$0x5] =	stream.indirect.gather [spmem:s1], $0x80, s20, s5, $0xb8;
	[tilespmem:$0x15320] =	vst v63  }
0x2de: {  	_ =	swait.ge [sflag:s9], $0x4000  }
0x2df: {  	s21 =	sld [smem:$0x7FB]  }
0x2e0: {  	[sflag:s9] =	ssyncset.done $0x0  }
0x2e1: {  	[sflag:s9] =	ssyncadd.s32 $0xFFFFC000  }
0x2e2: {  	[hbm4b:s21+s2] =	stream.linear.scatter [tilespmem:s6], [sflag:$0x9], $0x4000, $0x38;
	[tilespmem:$0x15320] =	vst v63  }
0x2e3: {  	_ =	swait.ge [sflag:s17], $0x4000  }
0x2e4: {  	[sflag:s17] =	ssyncset.done $0x0  }
0x2e5: {  	s20 =	simm.s32 @p1 $0x5;
	[sflag:s17] =	ssyncadd.s32 $0xFFFFC000  }
0x2e6: {  	_ =	swait.ge @p1 [sflag:s20], $0x4000  }
0x2e7: {  	s3 =	sld [smem:$0x7FC]  }
0x2e8: {  	[sflag:s20] =	ssyncset.done @p1 $0x0  }
0x2e9: {  	s21 =	simm.s32 @p1 $0xD000;
	[sflag:s20] =	ssyncadd.s32 @p1 $0xFFFFC000;
	s20 =	simm.s32 @p1 $0x0  }
0x2ea: {  	[hbm4b:s3+s20] =	stream.linear.scatter @p1 [tilespmem:s21], [sflag:$0xA], $0x4000, $0x38;
	[tilespmem:$0x15320] =	vst v63  }
0x2eb: {  	s20 =	simm.s32 @!p1 $0x1  }
0x2ec: {  	_ =	swait.ge @!p1 [sflag:s20], $0x80  }
0x2ed: {  	[sflag:s20] =	ssyncset.done @!p1 $0x0  }
0x2ee: {  	[sflag:s20] =	ssyncadd.s32 @!p1 $0xFFFFFF80  }
0x2ef: {  	v0 =	vld @!p1 [tilespmem:$0xC00]  }
0x2f0: {  	v1 =	vld @!p1 [tilespmem:$0xC10]  }
0x2f1: {  	v2 =	vld @!p1 [tilespmem:$0xC20]  }
0x2f2: {  	v3 =	vld @!p1 [tilespmem:$0xC30]  }
0x2f3: {  	v4 =	vld @!p1 [tilespmem:$0xC40]  }
0x2f4: {  	v5 =	vld @!p1 [tilespmem:$0xC50];
	v0 =	vadd.s32 @!p1 $0xFFFFFFFF, v0  }
0x2f5: {  	[tilespmem:$0xC00] =	vst @!p1 v0;
	v0 =	vadd.s32 @!p1 $0xFFFFFFFF, v1;
	v1 =	vld @!p1 [tilespmem:$0xC60]  }
0x2f6: {  	[tilespmem:$0xC10] =	vst @!p1 v0;
	v0 =	vadd.s32 @!p1 $0xFFFFFFFF, v2;
	v2 =	vld @!p1 [tilespmem:$0xC70]  }
0x2f7: {  	[tilespmem:$0xC20] =	vst @!p1 v0;
	v0 =	vadd.s32 @!p1 $0xFFFFFFFF, v3  }
0x2f8: {  	[tilespmem:$0xC30] =	vst @!p1 v0;
	v0 =	vadd.s32 @!p1 $0xFFFFFFFF, v4  }
0x2f9: {  	[tilespmem:$0xC40] =	vst @!p1 v0;
	v0 =	vadd.s32 @!p1 $0xFFFFFFFF, v5  }
0x2fa: {  	[tilespmem:$0xC50] =	vst @!p1 v0;
	v0 =	vadd.s32 @!p1 $0xFFFFFFFF, v1  }
0x2fb: {  	[tilespmem:$0xC60] =	vst @!p1 v0;
	v0 =	vadd.s32 @!p1 $0xFFFFFFFF, v2  }
0x2fc: {  	s21 =	simm.s32 @!p1 $0x11000;
	s20 =	simm.s32 @!p1 $0x80;
	[tilespmem:$0xC70] =	vst @!p1 v0  }
0x2fd: {  	[tilespmem:s21], [sflag:$0x6] =	stream.indirect.gather @!p1 [spmem:s1], $0x80, s19, s20, $0xb8;
	[tilespmem:$0x15320] =	vst v63  }
0x2fe: {  	s19 =	simm.s32 @!p1 $0x5  }
0x2ff: {  	_ =	swait.ge @!p1 [sflag:s19], $0x4000  }
0x300: {  	[sflag:s19] =	ssyncset.done @!p1 $0x0  }
0x301: {  	[sflag:s19] =	ssyncadd.s32 @!p1 $0xFFFFC000;
	s19 =	simm.s32 @!p1 $0xD000  }
0x302: {  	[hbm4b:s3+s18] =	stream.linear.scatter @!p1 [tilespmem:s19], [sflag:$0xA], $0x4000, $0x38;
	[tilespmem:$0x15320] =	vst v63  }
0x303: {  	s19 =	simm.s32 @!p1 $0x6  }
0x304: {  	_ =	swait.ge @!p1 [sflag:s19], $0x4000  }
0x305: {  	s20 =	sld [smem:$0x7FD]  }
0x306: {  	[sflag:s19] =	ssyncset.done @!p1 $0x0  }
0x307: {  	[sflag:s19] =	ssyncadd.s32 @!p1 $0xFFFFC000  }
0x308: {  	[hbm4b:s20+s18] =	stream.linear.scatter @!p1 [tilespmem:s21], [sflag:$0xB], $0x4000, $0x38;
	[tilespmem:$0x15320] =	vst v63  }
0x309: {  	_ =	swait.ge [sflag:s12], $0x4000  }
0x30a: {  	[sflag:s12] =	ssyncset.done $0x0  }
0x30b: {  	[sflag:s12] =	ssyncadd.s32 $0xFFFFC000  }
0x30c: {  	_ =	swait.ge [sflag:s14], $0x4000  }
0x30d: {  	[sflag:s14] =	ssyncset.done $0x0  }
0x30e: {  	[sflag:s14] =	ssyncadd.s32 $0xFFFFC000  }
0x30f: {  	_ =	swait.ge [sflag:s15], $0x4000  }
0x310: {  	[sflag:s15] =	ssyncset.done $0x0  }
0x311: {  	s4 =	sadd.s32 $0xFFFFFFFF, s4;
	[sflag:s15] =	ssyncadd.s32 $0xFFFFC000  }
0x312: {  	p2 =	sne.s32 s4, $0x0;
	_ =	swait.ge [sflag:s16], $0x4000  }
.Ltmp0:
0x313: {  	[sflag:s16] =	ssyncset.done $0x0;
	(pc) =	sbr.rel @p2 .LBB2_1-.Ltmp0, $4  }
0x314: {  	s18 =	simm.s32 @!p1 $0xB;
	[sflag:s16] =	ssyncadd.s32 $0xFFFFC000  }
0x315: {  	_ =	swait.ge @!p1 [sflag:s18], $0x4000  }
0x316: {  	[sflag:s18] =	ssyncset.done @!p1 $0x0  }
0x317: {  	[sflag:s18] =	ssyncadd.s32 @!p1 $0xFFFFC000  }
0x318: {  	_ =	sfence.sel $0x180000  }
0x319: {  	[bflag:$0x0] =	sbarrier.arrive $0xFFFF  }
0x31a: {  	_ =	strace $0x90000047  }
0x31b: {  	[bflag:$0x2] =	sbarrier.arrive $0xFFFF  }
0x31c: {  	s0 =	rddreg [dreg:$0x4]  }
0x31d: {  	s0 =	sadd.s32 @!p0 $0x100000, s0  }
0x31e: {  	[sflag:s0] =	ssyncadd.tile.s32 @!p0 $0x1;
	_ =	shalt  }
.Lfunc_end2:
_tile_overlayer_lowered:
.L_overlay_start_2:
0x31f: {  	(tag) =	ssettag $0x2  }
0x320: {  	s0 =	rddreg [dreg:$0x0];
	s2 =	stileid.u32  }
0x321: {  	s1 =	rddreg [dreg:$0x1];
	p0 =	sne.s32 s2, $0x0  }
0x322: {  	s3 =	rddreg [dreg:$0x2];
	[bflag:$0x3] =	sbarrier.arrive $0xFFFF;
	s2 =	simm.s32 @!p0 $0x1C0C  }
0x323: {  	[timem:s3], [sflag:s2] =	dma.local @!p0 [hbm:s0], s1  }
0x324: {  	s0 =	simm.s32 @!p0 $0xC  }
0x325: {  	_ =	swait.ge @!p0 [sflag:s0], s1  }
0x326: {  	s1 =	ssub.s32 @!p0 $0x0, s1;
	[sflag:s0] =	ssyncset.done @!p0 $0x0  }
0x327: {  	[sflag:s0] =	ssyncadd.s32 @!p0 s1  }
0x328: {  	[bflag:$0x3] =	sbarrier.arrive $0xFFFF  }
0x329: {  	_ =	shalt  }

</sc_bundles>
